<compile_context>
chip_gen: v7x
topology: tpu7x:2x2x1
jax: 0.10.2.dev20260603
libtpu: 0.0.44.dev20260713+nightly
codegen_flags: <defaults>
</compile_context>

<pallas_src>
import functools

import jax
import jax.numpy as jnp
from jax import lax
from jax.experimental import pallas as pl
from jax.experimental.pallas import tpu as pltpu
from jax.experimental.pallas import tpu_sc as plsc

_N = 10000
_E = 40000
_NSUB = 16
_CHUNK = 128
_CPS = 20
_EPAD = _NSUB * _CPS * _CHUNK
_HALF = 4992
_ACCR = 5120
_RPS = 320
_C0R = 312
_OUTR = _HALF + _ACCR
_DUMMY = _ACCR - 1


def _seg_scatter(ntab):
    mesh = plsc.VectorSubcoreMesh(core_axis_name="c", subcore_axis_name="s")

    @functools.partial(
        pl.kernel,
        out_type=[jax.ShapeDtypeStruct((_OUTR, 128), jnp.float32)] * ntab,
        mesh=mesh,
        scratch_types=[
            pltpu.VMEM((_CPS, _CHUNK), jnp.int32),
            pltpu.VMEM((_CPS, _CHUNK), jnp.int32),
            pltpu.VMEM((3, _CHUNK, 128), jnp.float32),
            pltpu.VMEM_SHARED((_ACCR, 128), jnp.float32),
            pltpu.SemaphoreType.DMA,
            pltpu.SemaphoreType.DMA,
        ],
        compiler_params=pltpu.CompilerParams(needs_layout_passes=False),
    )
    def scatter_kernel(*refs):
        ytabs = refs[:ntab]
        srcr, dstn, zeros = refs[ntab:ntab + 3]
        outs = refs[ntab + 3:2 * ntab + 3]
        src_v, dst_v, rows_v, acc, sem, sem2 = refs[2 * ntab + 3:]
        c = lax.axis_index("c")
        s = lax.axis_index("s")
        pltpu.sync_copy(srcr.at[s], src_v)
        pltpu.sync_copy(dstn.at[c, s], dst_v)

        for t in range(ntab):
            ytab = ytabs[t]
            out = outs[t]
            pltpu.sync_copy(zeros, rows_v.at[0])
            base = s * _RPS
            pltpu.sync_copy(rows_v.at[0], acc.at[pl.ds(base, _CHUNK)])
            pltpu.sync_copy(rows_v.at[0], acc.at[pl.ds(base + _CHUNK, _CHUNK)])
            pltpu.sync_copy(rows_v.at[0].at[pl.ds(0, _RPS - 2 * _CHUNK)],
                            acc.at[pl.ds(base + 2 * _CHUNK, _RPS - 2 * _CHUNK)])
            plsc.subcore_barrier()

            def chunk(j, carry, ytab=ytab):
                pltpu.make_async_copy(ytab.at[src_v.at[j]], rows_v.at[j % 3],
                                      sem).wait()
                pltpu.async_copy(rows_v.at[j % 3], acc.at[dst_v.at[j]], sem2,
                                 add=True)

                @pl.when(j >= 1)
                def _():
                    pltpu.make_async_copy(ytab.at[src_v.at[0]], rows_v.at[0],
                                          sem2).wait()

                @pl.when(j + 2 < _CPS)
                def _():
                    pltpu.async_copy(ytab.at[src_v.at[j + 2]],
                                     rows_v.at[(j + 2) % 3], sem)

                return carry

            for b in range(2):
                pltpu.async_copy(ytab.at[src_v.at[b]], rows_v.at[b], sem)
            lax.fori_loop(0, _CPS, chunk, 0)
            pltpu.make_async_copy(ytab.at[src_v.at[0]], rows_v.at[0],
                                  sem2).wait()
            plsc.subcore_barrier()

            @pl.when(c == 0)
            def _():
                for p, (off, ln) in enumerate(((0, _CHUNK), (_CHUNK, _CHUNK),
                                               (2 * _CHUNK, _C0R - 2 * _CHUNK))):
                    piece = rows_v.at[p].at[pl.ds(0, ln)]
                    pltpu.sync_copy(acc.at[pl.ds(s * _C0R + off, ln)], piece)
                    pltpu.sync_copy(piece, out.at[pl.ds(s * _C0R + off, ln)])

            @pl.when(c == 1)
            def _():
                for p, (off, ln) in enumerate(((0, _CHUNK), (_CHUNK, _CHUNK),
                                               (2 * _CHUNK, _RPS - 2 * _CHUNK))):
                    piece = rows_v.at[p].at[pl.ds(0, ln)]
                    pltpu.sync_copy(acc.at[pl.ds(s * _RPS + off, ln)], piece)
                    pltpu.sync_copy(piece,
                                    out.at[pl.ds(_HALF + s * _RPS + off, ln)])

            if t + 1 < ntab:
                plsc.subcore_barrier()

    return scatter_kernel


def _proj_first(x, wt, b, bn):
    n, din = x.shape

    def body(x_ref, wt_ref, b_ref, ya_ref, yb_ref, s_ref):
        z = jnp.dot(x_ref[...], wt_ref[...], preferred_element_type=jnp.float32)
        ya_ref[...] = z[:, :128]
        yb_ref[...] = z[:, 128:256]
        s_ref[...] = z[:, 256:] + b_ref[...]

    return pl.pallas_call(
        body,
        grid=(n // bn,),
        in_specs=[
            pl.BlockSpec((bn, din), lambda i: (i, 0)),
            pl.BlockSpec(wt.shape, lambda i: (0, 0)),
            pl.BlockSpec((1, 256), lambda i: (0, 0)),
        ],
        out_specs=[
            pl.BlockSpec((bn, 128), lambda i: (i, 0)),
            pl.BlockSpec((bn, 128), lambda i: (i, 0)),
            pl.BlockSpec((bn, 256), lambda i: (i, 0)),
        ],
        out_shape=[
            jax.ShapeDtypeStruct((n, 128), jnp.float32),
            jax.ShapeDtypeStruct((n, 128), jnp.float32),
            jax.ShapeDtypeStruct((n, 256), jnp.float32),
        ],
    )(x, wt, b)


def _proj_l2(a0, a1, s, wt, b, bn):
    n = s.shape[0]

    def body(a0_ref, a1_ref, s_ref, wt_ref, b_ref, y_ref, s2_ref):
        h0 = jnp.maximum(a0_ref[...] + s_ref[:, :128], 0.0)
        h1 = jnp.maximum(a1_ref[...] + s_ref[:, 128:], 0.0)
        z = (jnp.dot(h0, wt_ref[:128], preferred_element_type=jnp.float32)
             + jnp.dot(h1, wt_ref[128:], preferred_element_type=jnp.float32))
        y_ref[...] = z[:, :128]
        s2_ref[...] = z[:, 128:] + b_ref[...]

    return pl.pallas_call(
        body,
        grid=(n // bn,),
        in_specs=[
            pl.BlockSpec((bn, 128), lambda i: (i, 0)),
            pl.BlockSpec((bn, 128), lambda i: (i, 0)),
            pl.BlockSpec((bn, 256), lambda i: (i, 0)),
            pl.BlockSpec(wt.shape, lambda i: (0, 0)),
            pl.BlockSpec((1, 128), lambda i: (0, 0)),
        ],
        out_specs=[
            pl.BlockSpec((bn, 128), lambda i: (i, 0)),
            pl.BlockSpec((bn, 128), lambda i: (i, 0)),
        ],
        out_shape=[
            jax.ShapeDtypeStruct((n, 128), jnp.float32),
            jax.ShapeDtypeStruct((n, 128), jnp.float32),
        ],
    )(a0, a1, s, wt, b)


def _proj_l3(a2, s, wt, b, bn):
    n = s.shape[0]

    def body(a_ref, s_ref, wt_ref, b_ref, y_ref, s3_ref):
        h = jnp.maximum(a_ref[...] + s_ref[...], 0.0)
        z = jnp.dot(h, wt_ref[...], preferred_element_type=jnp.float32)
        y_ref[...] = jnp.concatenate([z[:, :64], jnp.zeros_like(z[:, :64])], axis=1)
        s3_ref[...] = z[:, 64:] + b_ref[...]

    return pl.pallas_call(
        body,
        grid=(n // bn,),
        in_specs=[
            pl.BlockSpec((bn, 128), lambda i: (i, 0)),
            pl.BlockSpec((bn, 128), lambda i: (i, 0)),
            pl.BlockSpec(wt.shape, lambda i: (0, 0)),
            pl.BlockSpec((1, 64), lambda i: (0, 0)),
        ],
        out_specs=[
            pl.BlockSpec((bn, 128), lambda i: (i, 0)),
            pl.BlockSpec((bn, 64), lambda i: (i, 0)),
        ],
        out_shape=[
            jax.ShapeDtypeStruct((n, 128), jnp.float32),
            jax.ShapeDtypeStruct((n, 64), jnp.float32),
        ],
    )(a2, s, wt, b)


def _proj_head(a3, s, wt, b, bn):
    n = s.shape[0]

    def body(a_ref, s_ref, wt_ref, b_ref, o_ref):
        h = jnp.maximum(a_ref[:, :64] + s_ref[...], 0.0)
        z = jnp.dot(h, wt_ref[...], preferred_element_type=jnp.float32) + b_ref[...]
        col = lax.broadcasted_iota(jnp.int32, z.shape, 1)
        m = (col >= 3) & (col < 7)
        nrm2 = jnp.sum(jnp.where(m, z * z, 0.0), axis=1, keepdims=True)
        denom = jnp.maximum(jnp.sqrt(nrm2), 1e-12)
        o_ref[...] = jnp.where(m, z / denom, z)

    return pl.pallas_call(
        body,
        grid=(n // bn,),
        in_specs=[
            pl.BlockSpec((bn, 128), lambda i: (i, 0)),
            pl.BlockSpec((bn, 64), lambda i: (i, 0)),
            pl.BlockSpec(wt.shape, lambda i: (0, 0)),
            pl.BlockSpec((1, 8), lambda i: (0, 0)),
        ],
        out_specs=pl.BlockSpec((bn, 8), lambda i: (i, 0)),
        out_shape=jax.ShapeDtypeStruct((n, 8), jnp.float32),
    )(a3, s, wt, b)


def kernel(x, edge_index, W1r, W1s, b1, W2r, W2s, b2, W3r, W3s, b3, Wp, bp, Wo, bo):
    src = edge_index[0]
    dst = edge_index[1]
    pad = _EPAD - _E
    srcr = jnp.concatenate(
        [src, jnp.zeros((pad,), jnp.int32)]).reshape(_NSUB, _CPS, _CHUNK)
    dstp = jnp.concatenate([dst, jnp.full((pad,), _N, jnp.int32)])
    pos = jnp.arange(_EPAD, dtype=jnp.int32)
    dum0 = _HALF + (pos % (_ACCR - _HALF))
    dum1 = (_N - _HALF + 1) + (pos % (_DUMMY - (_N - _HALF)))
    loc0 = jnp.where(dstp < _HALF, dstp, dum0).reshape(_NSUB, _CPS, _CHUNK)
    loc1 = jnp.where(dstp >= _HALF, jnp.minimum(dstp - _HALF, _DUMMY),
                     dum1).reshape(_NSUB, _CPS, _CHUNK)
    dstn = jnp.stack([loc0, loc1])


    wt1 = jnp.concatenate([W1r, W1s], axis=0).T
    wt2 = jnp.concatenate([W2r, W2s], axis=0).T
    wt3 = jnp.concatenate([W3r, W3s], axis=0).T
    wth = jnp.concatenate(
        [Wp, Wo, jnp.zeros((1, 64), jnp.float32)], axis=0).T
    bh = jnp.concatenate([bp, bo, jnp.zeros((1,), jnp.float32)]).reshape(1, 8)
    zer = jnp.zeros((_CHUNK, 128), jnp.float32)
    sc1 = _seg_scatter(1)
    sc2 = _seg_scatter(2)

    y1a, y1b, s1 = _proj_first(x, wt1, b1.reshape(1, -1), 1000)
    a0, a1 = sc2(y1a, y1b, srcr, dstn, zer)
    y2, s2 = _proj_l2(a0, a1, s1, wt2, b2.reshape(1, -1), 1000)
    a2, = sc1(y2, srcr, dstn, zer)
    y3, s3 = _proj_l3(a2, s2, wt3, b3.reshape(1, -1), 1000)
    a3, = sc1(y3, srcr, dstn, zer)
    out8 = _proj_head(a3, s3, wth, bh, 1000)
    return (out8[:, 0:3], out8[:, 3:7])

# --- scband reference (transcript-rebuilt; emitter-appended) ---
"""Pipeline reference for scband-pose-gnn-62483184222219 (READ-ONLY COPY).

The authoritative reference and input builder live on the scoring server;
editing this copy changes nothing except your own understanding.
"""

import jax, jax.numpy as jnp
import numpy as np

N = 10000
E = 40000
D_IN = 2048


def _glorot(key, shape):
    fan_in = shape[1]
    return jax.random.normal(key, shape, dtype=jnp.float32) * (1.0 / np.sqrt(fan_in))


def setup_inputs(seed: int = 0) -> dict:
    key = jax.random.key(seed)
    ks = jax.random.split(key, 20)
    x = jax.random.normal(ks[0], (N, D_IN), dtype=jnp.float32)
    edge_index = jax.random.randint(ks[1], (2, E), 0, N, dtype=jnp.int32)
    # GraphConv params: out = W_rel @ aggr_add(x_j) + b + W_root @ x_i
    W1r = _glorot(ks[2], (256, 2048)); W1s = _glorot(ks[3], (256, 2048)); b1 = jnp.zeros((256,), jnp.float32)
    W2r = _glorot(ks[4], (128, 256));  W2s = _glorot(ks[5], (128, 256));  b2 = jnp.zeros((128,), jnp.float32)
    W3r = _glorot(ks[6], (64, 128));   W3s = _glorot(ks[7], (64, 128));   b3 = jnp.zeros((64,), jnp.float32)
    Wp = _glorot(ks[8], (3, 64)); bp = jnp.zeros((3,), jnp.float32)
    Wo = _glorot(ks[9], (4, 64)); bo = jnp.zeros((4,), jnp.float32)
    return {"x": x, "edge_index": edge_index,
            "W1r": W1r, "W1s": W1s, "b1": b1,
            "W2r": W2r, "W2s": W2s, "b2": b2,
            "W3r": W3r, "W3s": W3s, "b3": b3,
            "Wp": Wp, "bp": bp, "Wo": Wo, "bo": bo}


def _graph_conv(x, src, dst, Wr, Ws, b, num_nodes):
    # message x_j gathered from source nodes, sum-aggregated at destination nodes
    msgs = jnp.take(x, src, axis=0)
    agg = jax.ops.segment_sum(msgs, dst, num_segments=num_nodes)
    return agg @ Wr.T + b + x @ Ws.T


def reference(x, edge_index, W1r, W1s, b1, W2r, W2s, b2, W3r, W3s, b3, Wp, bp, Wo, bo):
    src = edge_index[0]
    dst = edge_index[1]
    h = jax.nn.relu(_graph_conv(x, src, dst, W1r, W1s, b1, N))
    h = jax.nn.relu(_graph_conv(h, src, dst, W2r, W2s, b2, N))
    h = jax.nn.relu(_graph_conv(h, src, dst, W3r, W3s, b3, N))
    position = h @ Wp.T + bp
    orientation = h @ Wo.T + bo
    nrm = jnp.linalg.norm(orientation, ord=2, axis=-1, keepdims=True)
    orientation = orientation / jnp.maximum(nrm, 1e-12)
    return (position, orientation)

if __name__ == "__main__":
    import jax
    _d = setup_inputs()
    print(jax.jit(kernel)(*tuple(_d.values())))

</pallas_src>

<mosaic_0001>
#map = affine_map<(d0, d1) -> (0, 0)>
#map1 = affine_map<(d0, d1) -> (0, 0, 0)>
#map2 = affine_map<(d0, d1) -> (0, 0, 0, 0)>
module attributes {stable_mosaic.version = 14 : i64} {
  func.func @scatter_kernel(%arg0: i32, %arg1: i32, %arg2: memref<10000x128xf32, #tpu.memory_space<hbm>>, %arg3: memref<10000x128xf32, #tpu.memory_space<hbm>>, %arg4: memref<16x20x128xi32, #tpu.memory_space<hbm>>, %arg5: memref<2x16x20x128xi32, #tpu.memory_space<hbm>>, %arg6: memref<128x128xf32, #tpu.memory_space<hbm>>, %arg7: memref<10112x128xf32, #tpu.memory_space<hbm>>, %arg8: memref<10112x128xf32, #tpu.memory_space<hbm>>, %arg9: memref<20x128xi32, #tpu.memory_space<vmem>>, %arg10: memref<20x128xi32, #tpu.memory_space<vmem>>, %arg11: memref<3x128x128xf32, #tpu.memory_space<vmem>>, %arg12: memref<5120x128xf32, #tpu.memory_space<vmem_shared>>, %arg13: memref<!tpu.dma_semaphore, #tpu.memory_space<semaphore_mem>>, %arg14: memref<!tpu.dma_semaphore, #tpu.memory_space<semaphore_mem>>) attributes {dimension_semantics = [#tpu.dimension_semantics<core_parallel>, #tpu.dimension_semantics<subcore_parallel>], iteration_bounds = array<i64: 2, 16>, scalar_prefetch = 0 : i64, scratch_operands = 6 : i64, tpu.core_type = #tpu.core_type<sc_vector_subcore>, window_params = [{transform_indices = #map}, {transform_indices = #map}, {transform_indices = #map1}, {transform_indices = #map2}, {transform_indices = #map}, {transform_indices = #map}, {transform_indices = #map}]} {
    "tpu.region"() ({
      %run_scoped3A_119 = tpu.sem_alloc : memref<!tpu.dma_semaphore, #tpu.memory_space<semaphore_mem>>
      %dma_start3A_120 = arith.constant 0 : i32
      %dma_start3A_121 = arith.constant 0 : i32
      %dma_start3A_122 = tpu.memref_slice %arg4[%arg1, %dma_start3A_120, %dma_start3A_121] : memref<16x20x128xi32, #tpu.memory_space<hbm>> -> memref<1x20x128xi32, #tpu.memory_space<hbm>>
      %dma_start3A_123 = tpu.memref_squeeze %dma_start3A_122 : memref<1x20x128xi32, #tpu.memory_space<hbm>> -> memref<20x128xi32, #tpu.memory_space<hbm>>
      %dma_start3A_124 = arith.constant 0 : i32
      %dma_start3A_125 = arith.constant 0 : i32
      %dma_start3A_126 = tpu.memref_slice %arg4[%arg1, %dma_start3A_124, %dma_start3A_125] : memref<16x20x128xi32, #tpu.memory_space<hbm>> -> memref<1x20x128xi32, #tpu.memory_space<hbm>>
      %dma_start3A_127 = tpu.memref_squeeze %dma_start3A_126 : memref<1x20x128xi32, #tpu.memory_space<hbm>> -> memref<20x128xi32, #tpu.memory_space<hbm>>
      tpu.enqueue_dma source(%dma_start3A_127 : memref<20x128xi32, #tpu.memory_space<hbm>>) target(%arg9 : memref<20x128xi32, #tpu.memory_space<vmem>>) target_semaphore(%run_scoped3A_119 : memref<!tpu.dma_semaphore, #tpu.memory_space<semaphore_mem>>)
      %dma_wait3A_128 = arith.constant 0 : i32
      %dma_wait3A_129 = arith.constant 0 : i32
      %dma_wait3A_130 = tpu.memref_slice %arg4[%arg1, %dma_wait3A_128, %dma_wait3A_129] : memref<16x20x128xi32, #tpu.memory_space<hbm>> -> memref<1x20x128xi32, #tpu.memory_space<hbm>>
      %dma_wait3A_131 = tpu.memref_squeeze %dma_wait3A_130 : memref<1x20x128xi32, #tpu.memory_space<hbm>> -> memref<20x128xi32, #tpu.memory_space<hbm>>
      %dma_wait3A_132 = arith.constant 0 : i32
      %dma_wait3A_133 = arith.constant 0 : i32
      %dma_wait3A_134 = tpu.memref_slice %arg4[%arg1, %dma_wait3A_132, %dma_wait3A_133] : memref<16x20x128xi32, #tpu.memory_space<hbm>> -> memref<1x20x128xi32, #tpu.memory_space<hbm>>
      %dma_wait3A_135 = tpu.memref_squeeze %dma_wait3A_134 : memref<1x20x128xi32, #tpu.memory_space<hbm>> -> memref<20x128xi32, #tpu.memory_space<hbm>>
      tpu.wait_dma2 semaphore(%run_scoped3A_119 : memref<!tpu.dma_semaphore, #tpu.memory_space<semaphore_mem>>) src(%dma_wait3A_135 : memref<20x128xi32, #tpu.memory_space<hbm>>) dst(%arg9 : memref<20x128xi32, #tpu.memory_space<vmem>>)
      tpu.yield
    }) : () -> ()
    "tpu.region"() ({
      %run_scoped3A_119 = tpu.sem_alloc : memref<!tpu.dma_semaphore, #tpu.memory_space<semaphore_mem>>
      %dma_start3A_120 = arith.constant 0 : i32
      %dma_start3A_121 = arith.constant 0 : i32
      %dma_start3A_122 = tpu.memref_slice %arg5[%arg0, %arg1, %dma_start3A_120, %dma_start3A_121] : memref<2x16x20x128xi32, #tpu.memory_space<hbm>> -> memref<1x1x20x128xi32, #tpu.memory_space<hbm>>
      %dma_start3A_123 = tpu.memref_squeeze %dma_start3A_122 : memref<1x1x20x128xi32, #tpu.memory_space<hbm>> -> memref<20x128xi32, #tpu.memory_space<hbm>>
      %dma_start3A_124 = arith.constant 0 : i32
      %dma_start3A_125 = arith.constant 0 : i32
      %dma_start3A_126 = tpu.memref_slice %arg5[%arg0, %arg1, %dma_start3A_124, %dma_start3A_125] : memref<2x16x20x128xi32, #tpu.memory_space<hbm>> -> memref<1x1x20x128xi32, #tpu.memory_space<hbm>>
      %dma_start3A_127 = tpu.memref_squeeze %dma_start3A_126 : memref<1x1x20x128xi32, #tpu.memory_space<hbm>> -> memref<20x128xi32, #tpu.memory_space<hbm>>
      tpu.enqueue_dma source(%dma_start3A_127 : memref<20x128xi32, #tpu.memory_space<hbm>>) target(%arg10 : memref<20x128xi32, #tpu.memory_space<vmem>>) target_semaphore(%run_scoped3A_119 : memref<!tpu.dma_semaphore, #tpu.memory_space<semaphore_mem>>)
      %dma_wait3A_128 = arith.constant 0 : i32
      %dma_wait3A_129 = arith.constant 0 : i32
      %dma_wait3A_130 = tpu.memref_slice %arg5[%arg0, %arg1, %dma_wait3A_128, %dma_wait3A_129] : memref<2x16x20x128xi32, #tpu.memory_space<hbm>> -> memref<1x1x20x128xi32, #tpu.memory_space<hbm>>
      %dma_wait3A_131 = tpu.memref_squeeze %dma_wait3A_130 : memref<1x1x20x128xi32, #tpu.memory_space<hbm>> -> memref<20x128xi32, #tpu.memory_space<hbm>>
      %dma_wait3A_132 = arith.constant 0 : i32
      %dma_wait3A_133 = arith.constant 0 : i32
      %dma_wait3A_134 = tpu.memref_slice %arg5[%arg0, %arg1, %dma_wait3A_132, %dma_wait3A_133] : memref<2x16x20x128xi32, #tpu.memory_space<hbm>> -> memref<1x1x20x128xi32, #tpu.memory_space<hbm>>
      %dma_wait3A_135 = tpu.memref_squeeze %dma_wait3A_134 : memref<1x1x20x128xi32, #tpu.memory_space<hbm>> -> memref<20x128xi32, #tpu.memory_space<hbm>>
      tpu.wait_dma2 semaphore(%run_scoped3A_119 : memref<!tpu.dma_semaphore, #tpu.memory_space<semaphore_mem>>) src(%dma_wait3A_135 : memref<20x128xi32, #tpu.memory_space<hbm>>) dst(%arg10 : memref<20x128xi32, #tpu.memory_space<vmem>>)
      tpu.yield
    }) : () -> ()
    %run_scoped3A = arith.constant 0 : i32
    "tpu.region"() ({
      %run_scoped3A_119 = tpu.sem_alloc : memref<!tpu.dma_semaphore, #tpu.memory_space<semaphore_mem>>
      %dma_start3A_120 = arith.constant 0 : i32
      %dma_start3A_121 = arith.constant 0 : i32
      %dma_start3A_122 = tpu.memref_slice %arg11[%run_scoped3A, %dma_start3A_120, %dma_start3A_121] : memref<3x128x128xf32, #tpu.memory_space<vmem>> -> memref<1x128x128xf32, #tpu.memory_space<vmem>>
      %dma_start3A_123 = tpu.memref_squeeze %dma_start3A_122 : memref<1x128x128xf32, #tpu.memory_space<vmem>> -> memref<128x128xf32, #tpu.memory_space<vmem>>
      %dma_start3A_124 = arith.constant 0 : i32
      %dma_start3A_125 = arith.constant 0 : i32
      %dma_start3A_126 = tpu.memref_slice %arg11[%run_scoped3A, %dma_start3A_124, %dma_start3A_125] : memref<3x128x128xf32, #tpu.memory_space<vmem>> -> memref<1x128x128xf32, #tpu.memory_space<vmem>>
      %dma_start3A_127 = tpu.memref_squeeze %dma_start3A_126 : memref<1x128x128xf32, #tpu.memory_space<vmem>> -> memref<128x128xf32, #tpu.memory_space<vmem>>
      tpu.enqueue_dma source(%arg6 : memref<128x128xf32, #tpu.memory_space<hbm>>) target(%dma_start3A_127 : memref<128x128xf32, #tpu.memory_space<vmem>>) target_semaphore(%run_scoped3A_119 : memref<!tpu.dma_semaphore, #tpu.memory_space<semaphore_mem>>)
      %dma_wait3A_128 = arith.constant 0 : i32
      %dma_wait3A_129 = arith.constant 0 : i32
      %dma_wait3A_130 = tpu.memref_slice %arg11[%run_scoped3A, %dma_wait3A_128, %dma_wait3A_129] : memref<3x128x128xf32, #tpu.memory_space<vmem>> -> memref<1x128x128xf32, #tpu.memory_space<vmem>>
      %dma_wait3A_131 = tpu.memref_squeeze %dma_wait3A_130 : memref<1x128x128xf32, #tpu.memory_space<vmem>> -> memref<128x128xf32, #tpu.memory_space<vmem>>
      %dma_wait3A_132 = arith.constant 0 : i32
      %dma_wait3A_133 = arith.constant 0 : i32
      %dma_wait3A_134 = tpu.memref_slice %arg11[%run_scoped3A, %dma_wait3A_132, %dma_wait3A_133] : memref<3x128x128xf32, #tpu.memory_space<vmem>> -> memref<1x128x128xf32, #tpu.memory_space<vmem>>
      %dma_wait3A_135 = tpu.memref_squeeze %dma_wait3A_134 : memref<1x128x128xf32, #tpu.memory_space<vmem>> -> memref<128x128xf32, #tpu.memory_space<vmem>>
      tpu.wait_dma2 semaphore(%run_scoped3A_119 : memref<!tpu.dma_semaphore, #tpu.memory_space<semaphore_mem>>) src(%arg6 : memref<128x128xf32, #tpu.memory_space<hbm>>) dst(%dma_wait3A_135 : memref<128x128xf32, #tpu.memory_space<vmem>>)
      tpu.yield
    }) : () -> ()
    %mul3A = arith.constant 320 : i32
    %mul3A_0 = arith.muli %arg1, %mul3A : i32
    %run_scoped3A_1 = arith.constant 0 : i32
    "tpu.region"() ({
      %run_scoped3A_119 = tpu.sem_alloc : memref<!tpu.dma_semaphore, #tpu.memory_space<semaphore_mem>>
      %dma_start3A_120 = arith.constant 0 : i32
      %dma_start3A_121 = arith.constant 0 : i32
      %dma_start3A_122 = tpu.memref_slice %arg11[%run_scoped3A_1, %dma_start3A_120, %dma_start3A_121] : memref<3x128x128xf32, #tpu.memory_space<vmem>> -> memref<1x128x128xf32, #tpu.memory_space<vmem>>
      %dma_start3A_123 = tpu.memref_squeeze %dma_start3A_122 : memref<1x128x128xf32, #tpu.memory_space<vmem>> -> memref<128x128xf32, #tpu.memory_space<vmem>>
      %dma_start3A_124 = arith.constant 0 : i32
      %dma_start3A_125 = tpu.memref_slice %arg12[%mul3A_0, %dma_start3A_124] : memref<5120x128xf32, #tpu.memory_space<vmem_shared>> -> memref<128x128xf32, #tpu.memory_space<vmem_shared>>
      %dma_start3A_126 = arith.constant 0 : i32
      %dma_start3A_127 = tpu.memref_slice %arg12[%mul3A_0, %dma_start3A_126] : memref<5120x128xf32, #tpu.memory_space<vmem_shared>> -> memref<128x128xf32, #tpu.memory_space<vmem_shared>>
      %dma_start3A_128 = arith.constant 0 : i32
      %dma_start3A_129 = arith.constant 0 : i32
      %dma_start3A_130 = tpu.memref_slice %arg11[%run_scoped3A_1, %dma_start3A_128, %dma_start3A_129] : memref<3x128x128xf32, #tpu.memory_space<vmem>> -> memref<1x128x128xf32, #tpu.memory_space<vmem>>
      %dma_start3A_131 = tpu.memref_squeeze %dma_start3A_130 : memref<1x128x128xf32, #tpu.memory_space<vmem>> -> memref<128x128xf32, #tpu.memory_space<vmem>>
      tpu.enqueue_dma source(%dma_start3A_131 : memref<128x128xf32, #tpu.memory_space<vmem>>) target(%dma_start3A_127 : memref<128x128xf32, #tpu.memory_space<vmem_shared>>) target_semaphore(%run_scoped3A_119 : memref<!tpu.dma_semaphore, #tpu.memory_space<semaphore_mem>>)
      %dma_wait3A_132 = arith.constant 0 : i32
      %dma_wait3A_133 = arith.constant 0 : i32
      %dma_wait3A_134 = tpu.memref_slice %arg11[%run_scoped3A_1, %dma_wait3A_132, %dma_wait3A_133] : memref<3x128x128xf32, #tpu.memory_space<vmem>> -> memref<1x128x128xf32, #tpu.memory_space<vmem>>
      %dma_wait3A_135 = tpu.memref_squeeze %dma_wait3A_134 : memref<1x128x128xf32, #tpu.memory_space<vmem>> -> memref<128x128xf32, #tpu.memory_space<vmem>>
      %dma_wait3A_136 = arith.constant 0 : i32
      %dma_wait3A_137 = tpu.memref_slice %arg12[%mul3A_0, %dma_wait3A_136] : memref<5120x128xf32, #tpu.memory_space<vmem_shared>> -> memref<128x128xf32, #tpu.memory_space<vmem_shared>>
      %dma_wait3A_138 = arith.constant 0 : i32
      %dma_wait3A_139 = tpu.memref_slice %arg12[%mul3A_0, %dma_wait3A_138] : memref<5120x128xf32, #tpu.memory_space<vmem_shared>> -> memref<128x128xf32, #tpu.memory_space<vmem_shared>>
      %dma_wait3A_140 = arith.constant 0 : i32
      %dma_wait3A_141 = arith.constant 0 : i32
      %dma_wait3A_142 = tpu.memref_slice %arg11[%run_scoped3A_1, %dma_wait3A_140, %dma_wait3A_141] : memref<3x128x128xf32, #tpu.memory_space<vmem>> -> memref<1x128x128xf32, #tpu.memory_space<vmem>>
      %dma_wait3A_143 = tpu.memref_squeeze %dma_wait3A_142 : memref<1x128x128xf32, #tpu.memory_space<vmem>> -> memref<128x128xf32, #tpu.memory_space<vmem>>
      tpu.wait_dma2 semaphore(%run_scoped3A_119 : memref<!tpu.dma_semaphore, #tpu.memory_space<semaphore_mem>>) src(%dma_wait3A_143 : memref<128x128xf32, #tpu.memory_space<vmem>>) dst(%dma_wait3A_139 : memref<128x128xf32, #tpu.memory_space<vmem_shared>>)
      tpu.yield
    }) : () -> ()
    %add3A = arith.constant 128 : i32
    %add3A_2 = arith.addi %mul3A_0, %add3A : i32
    %run_scoped3A_3 = arith.constant 0 : i32
    "tpu.region"() ({
      %run_scoped3A_119 = tpu.sem_alloc : memref<!tpu.dma_semaphore, #tpu.memory_space<semaphore_mem>>
      %dma_start3A_120 = arith.constant 0 : i32
      %dma_start3A_121 = arith.constant 0 : i32
      %dma_start3A_122 = tpu.memref_slice %arg11[%run_scoped3A_3, %dma_start3A_120, %dma_start3A_121] : memref<3x128x128xf32, #tpu.memory_space<vmem>> -> memref<1x128x128xf32, #tpu.memory_space<vmem>>
      %dma_start3A_123 = tpu.memref_squeeze %dma_start3A_122 : memref<1x128x128xf32, #tpu.memory_space<vmem>> -> memref<128x128xf32, #tpu.memory_space<vmem>>
      %dma_start3A_124 = arith.constant 0 : i32
      %dma_start3A_125 = tpu.memref_slice %arg12[%add3A_2, %dma_start3A_124] : memref<5120x128xf32, #tpu.memory_space<vmem_shared>> -> memref<128x128xf32, #tpu.memory_space<vmem_shared>>
      %dma_start3A_126 = arith.constant 0 : i32
      %dma_start3A_127 = tpu.memref_slice %arg12[%add3A_2, %dma_start3A_126] : memref<5120x128xf32, #tpu.memory_space<vmem_shared>> -> memref<128x128xf32, #tpu.memory_space<vmem_shared>>
      %dma_start3A_128 = arith.constant 0 : i32
      %dma_start3A_129 = arith.constant 0 : i32
      %dma_start3A_130 = tpu.memref_slice %arg11[%run_scoped3A_3, %dma_start3A_128, %dma_start3A_129] : memref<3x128x128xf32, #tpu.memory_space<vmem>> -> memref<1x128x128xf32, #tpu.memory_space<vmem>>
      %dma_start3A_131 = tpu.memref_squeeze %dma_start3A_130 : memref<1x128x128xf32, #tpu.memory_space<vmem>> -> memref<128x128xf32, #tpu.memory_space<vmem>>
      tpu.enqueue_dma source(%dma_start3A_131 : memref<128x128xf32, #tpu.memory_space<vmem>>) target(%dma_start3A_127 : memref<128x128xf32, #tpu.memory_space<vmem_shared>>) target_semaphore(%run_scoped3A_119 : memref<!tpu.dma_semaphore, #tpu.memory_space<semaphore_mem>>)
      %dma_wait3A_132 = arith.constant 0 : i32
      %dma_wait3A_133 = arith.constant 0 : i32
      %dma_wait3A_134 = tpu.memref_slice %arg11[%run_scoped3A_3, %dma_wait3A_132, %dma_wait3A_133] : memref<3x128x128xf32, #tpu.memory_space<vmem>> -> memref<1x128x128xf32, #tpu.memory_space<vmem>>
      %dma_wait3A_135 = tpu.memref_squeeze %dma_wait3A_134 : memref<1x128x128xf32, #tpu.memory_space<vmem>> -> memref<128x128xf32, #tpu.memory_space<vmem>>
      %dma_wait3A_136 = arith.constant 0 : i32
      %dma_wait3A_137 = tpu.memref_slice %arg12[%add3A_2, %dma_wait3A_136] : memref<5120x128xf32, #tpu.memory_space<vmem_shared>> -> memref<128x128xf32, #tpu.memory_space<vmem_shared>>
      %dma_wait3A_138 = arith.constant 0 : i32
      %dma_wait3A_139 = tpu.memref_slice %arg12[%add3A_2, %dma_wait3A_138] : memref<5120x128xf32, #tpu.memory_space<vmem_shared>> -> memref<128x128xf32, #tpu.memory_space<vmem_shared>>
      %dma_wait3A_140 = arith.constant 0 : i32
      %dma_wait3A_141 = arith.constant 0 : i32
      %dma_wait3A_142 = tpu.memref_slice %arg11[%run_scoped3A_3, %dma_wait3A_140, %dma_wait3A_141] : memref<3x128x128xf32, #tpu.memory_space<vmem>> -> memref<1x128x128xf32, #tpu.memory_space<vmem>>
      %dma_wait3A_143 = tpu.memref_squeeze %dma_wait3A_142 : memref<1x128x128xf32, #tpu.memory_space<vmem>> -> memref<128x128xf32, #tpu.memory_space<vmem>>
      tpu.wait_dma2 semaphore(%run_scoped3A_119 : memref<!tpu.dma_semaphore, #tpu.memory_space<semaphore_mem>>) src(%dma_wait3A_143 : memref<128x128xf32, #tpu.memory_space<vmem>>) dst(%dma_wait3A_139 : memref<128x128xf32, #tpu.memory_space<vmem_shared>>)
      tpu.yield
    }) : () -> ()
    %add3A_4 = arith.constant 256 : i32
    %add3A_5 = arith.addi %mul3A_0, %add3A_4 : i32
    %run_scoped3A_6 = arith.constant 0 : i32
    "tpu.region"() ({
      %run_scoped3A_119 = tpu.sem_alloc : memref<!tpu.dma_semaphore, #tpu.memory_space<semaphore_mem>>
      %dma_start3A_120 = arith.constant 0 : i32
      %dma_start3A_121 = arith.constant 0 : i32
      %dma_start3A_122 = tpu.memref_slice %arg11[%run_scoped3A_6, %dma_start3A_120, %dma_start3A_121] : memref<3x128x128xf32, #tpu.memory_space<vmem>> -> memref<1x128x128xf32, #tpu.memory_space<vmem>>
      %dma_start3A_123 = tpu.memref_squeeze %dma_start3A_122 : memref<1x128x128xf32, #tpu.memory_space<vmem>> -> memref<128x128xf32, #tpu.memory_space<vmem>>
      %dma_start3A_124 = arith.constant 0 : i32
      %dma_start3A_125 = arith.constant 0 : i32
      %dma_start3A_126 = tpu.memref_slice %dma_start3A_123[%dma_start3A_124, %dma_start3A_125] : memref<128x128xf32, #tpu.memory_space<vmem>> -> memref<64x128xf32, #tpu.memory_space<vmem>>
      %dma_start3A_127 = arith.constant 0 : i32
      %dma_start3A_128 = tpu.memref_slice %arg12[%add3A_5, %dma_start3A_127] : memref<5120x128xf32, #tpu.memory_space<vmem_shared>> -> memref<64x128xf32, #tpu.memory_space<vmem_shared>>
      %dma_start3A_129 = arith.constant 0 : i32
      %dma_start3A_130 = tpu.memref_slice %arg12[%add3A_5, %dma_start3A_129] : memref<5120x128xf32, #tpu.memory_space<vmem_shared>> -> memref<64x128xf32, #tpu.memory_space<vmem_shared>>
      %dma_start3A_131 = arith.constant 0 : i32
      %dma_start3A_132 = arith.constant 0 : i32
      %dma_start3A_133 = tpu.memref_slice %arg11[%run_scoped3A_6, %dma_start3A_131, %dma_start3A_132] : memref<3x128x128xf32, #tpu.memory_space<vmem>> -> memref<1x128x128xf32, #tpu.memory_space<vmem>>
      %dma_start3A_134 = tpu.memref_squeeze %dma_start3A_133 : memref<1x128x128xf32, #tpu.memory_space<vmem>> -> memref<128x128xf32, #tpu.memory_space<vmem>>
      %dma_start3A_135 = arith.constant 0 : i32
      %dma_start3A_136 = arith.constant 0 : i32
      %dma_start3A_137 = tpu.memref_slice %dma_start3A_134[%dma_start3A_135, %dma_start3A_136] : memref<128x128xf32, #tpu.memory_space<vmem>> -> memref<64x128xf32, #tpu.memory_space<vmem>>
      tpu.enqueue_dma source(%dma_start3A_137 : memref<64x128xf32, #tpu.memory_space<vmem>>) target(%dma_start3A_130 : memref<64x128xf32, #tpu.memory_space<vmem_shared>>) target_semaphore(%run_scoped3A_119 : memref<!tpu.dma_semaphore, #tpu.memory_space<semaphore_mem>>)
      %dma_wait3A_138 = arith.constant 0 : i32
      %dma_wait3A_139 = arith.constant 0 : i32
      %dma_wait3A_140 = tpu.memref_slice %arg11[%run_scoped3A_6, %dma_wait3A_138, %dma_wait3A_139] : memref<3x128x128xf32, #tpu.memory_space<vmem>> -> memref<1x128x128xf32, #tpu.memory_space<vmem>>
      %dma_wait3A_141 = tpu.memref_squeeze %dma_wait3A_140 : memref<1x128x128xf32, #tpu.memory_space<vmem>> -> memref<128x128xf32, #tpu.memory_space<vmem>>
      %dma_wait3A_142 = arith.constant 0 : i32
      %dma_wait3A_143 = arith.constant 0 : i32
      %dma_wait3A_144 = tpu.memref_slice %dma_wait3A_141[%dma_wait3A_142, %dma_wait3A_143] : memref<128x128xf32, #tpu.memory_space<vmem>> -> memref<64x128xf32, #tpu.memory_space<vmem>>
      %dma_wait3A_145 = arith.constant 0 : i32
      %dma_wait3A_146 = tpu.memref_slice %arg12[%add3A_5, %dma_wait3A_145] : memref<5120x128xf32, #tpu.memory_space<vmem_shared>> -> memref<64x128xf32, #tpu.memory_space<vmem_shared>>
      %dma_wait3A_147 = arith.constant 0 : i32
      %dma_wait3A_148 = tpu.memref_slice %arg12[%add3A_5, %dma_wait3A_147] : memref<5120x128xf32, #tpu.memory_space<vmem_shared>> -> memref<64x128xf32, #tpu.memory_space<vmem_shared>>
      %dma_wait3A_149 = arith.constant 0 : i32
      %dma_wait3A_150 = arith.constant 0 : i32
      %dma_wait3A_151 = tpu.memref_slice %arg11[%run_scoped3A_6, %dma_wait3A_149, %dma_wait3A_150] : memref<3x128x128xf32, #tpu.memory_space<vmem>> -> memref<1x128x128xf32, #tpu.memory_space<vmem>>
      %dma_wait3A_152 = tpu.memref_squeeze %dma_wait3A_151 : memref<1x128x128xf32, #tpu.memory_space<vmem>> -> memref<128x128xf32, #tpu.memory_space<vmem>>
      %dma_wait3A_153 = arith.constant 0 : i32
      %dma_wait3A_154 = arith.constant 0 : i32
      %dma_wait3A_155 = tpu.memref_slice %dma_wait3A_152[%dma_wait3A_153, %dma_wait3A_154] : memref<128x128xf32, #tpu.memory_space<vmem>> -> memref<64x128xf32, #tpu.memory_space<vmem>>
      tpu.wait_dma2 semaphore(%run_scoped3A_119 : memref<!tpu.dma_semaphore, #tpu.memory_space<semaphore_mem>>) src(%dma_wait3A_155 : memref<64x128xf32, #tpu.memory_space<vmem>>) dst(%dma_wait3A_148 : memref<64x128xf32, #tpu.memory_space<vmem_shared>>)
      tpu.yield
    }) : () -> ()
    %barrier3A = arith.constant 0 : index
    tpu.barrier barrier_id(%barrier3A)
    %dma_start3A = arith.constant 0 : i32
    %dma_start3A_7 = arith.constant 0 : i32
    %dma_start3A_8 = arith.constant 0 : i32
    %dma_start3A_9 = arith.constant 0 : i32
    %dma_start3A_10 = tpu.memref_slice %arg11[%dma_start3A_7, %dma_start3A_8, %dma_start3A_9] : memref<3x128x128xf32, #tpu.memory_space<vmem>> -> memref<1x128x128xf32, #tpu.memory_space<vmem>>
    %dma_start3A_11 = tpu.memref_squeeze %dma_start3A_10 : memref<1x128x128xf32, #tpu.memory_space<vmem>> -> memref<128x128xf32, #tpu.memory_space<vmem>>
    %dma_start3A_12 = arith.constant 0 : i32
    %dma_start3A_13 = tpu.memref_slice %arg9[%dma_start3A, %dma_start3A_12] : memref<20x128xi32, #tpu.memory_space<vmem>> -> memref<1x128xi32, #tpu.memory_space<vmem>>
    %dma_start3A_14 = tpu.memref_squeeze %dma_start3A_13 : memref<1x128xi32, #tpu.memory_space<vmem>> -> memref<128xi32, #tpu.memory_space<vmem>>
    %dma_start3A_15 = arith.constant 0 : i32
    %dma_start3A_16 = arith.constant 0 : i32
    %dma_start3A_17 = tpu.memref_slice %arg2[%dma_start3A_15, %dma_start3A_16] : memref<10000x128xf32, #tpu.memory_space<hbm>> -> memref<10000x128xf32, #tpu.memory_space<hbm>>
    tpu.enqueue_indirect_dma source(%dma_start3A_17 : memref<10000x128xf32, #tpu.memory_space<hbm>>) target(%dma_start3A_11 : memref<128x128xf32, #tpu.memory_space<vmem>>) offsets(%dma_start3A_14 : memref<128xi32, #tpu.memory_space<vmem>>) semaphore(%arg13 : memref<!tpu.dma_semaphore, #tpu.memory_space<semaphore_mem>>)
    %dma_start3A_18 = arith.constant 1 : i32
    %dma_start3A_19 = arith.constant 1 : i32
    %dma_start3A_20 = arith.constant 0 : i32
    %dma_start3A_21 = arith.constant 0 : i32
    %dma_start3A_22 = tpu.memref_slice %arg11[%dma_start3A_19, %dma_start3A_20, %dma_start3A_21] : memref<3x128x128xf32, #tpu.memory_space<vmem>> -> memref<1x128x128xf32, #tpu.memory_space<vmem>>
    %dma_start3A_23 = tpu.memref_squeeze %dma_start3A_22 : memref<1x128x128xf32, #tpu.memory_space<vmem>> -> memref<128x128xf32, #tpu.memory_space<vmem>>
    %dma_start3A_24 = arith.constant 0 : i32
    %dma_start3A_25 = tpu.memref_slice %arg9[%dma_start3A_18, %dma_start3A_24] : memref<20x128xi32, #tpu.memory_space<vmem>> -> memref<1x128xi32, #tpu.memory_space<vmem>>
    %dma_start3A_26 = tpu.memref_squeeze %dma_start3A_25 : memref<1x128xi32, #tpu.memory_space<vmem>> -> memref<128xi32, #tpu.memory_space<vmem>>
    %dma_start3A_27 = arith.constant 0 : i32
    %dma_start3A_28 = arith.constant 0 : i32
    %dma_start3A_29 = tpu.memref_slice %arg2[%dma_start3A_27, %dma_start3A_28] : memref<10000x128xf32, #tpu.memory_space<hbm>> -> memref<10000x128xf32, #tpu.memory_space<hbm>>
    tpu.enqueue_indirect_dma source(%dma_start3A_29 : memref<10000x128xf32, #tpu.memory_space<hbm>>) target(%dma_start3A_23 : memref<128x128xf32, #tpu.memory_space<vmem>>) offsets(%dma_start3A_26 : memref<128xi32, #tpu.memory_space<vmem>>) semaphore(%arg13 : memref<!tpu.dma_semaphore, #tpu.memory_space<semaphore_mem>>)
    %scan3A = arith.constant 0 : i32
    %scan3A_30 = arith.constant 0 : i32
    %scan3A_31 = arith.constant 20 : i32
    %scan3A_32 = arith.addi %scan3A_30, %scan3A_31 : i32
    %scan3A_33 = arith.constant 1 : i32
    scf.for %scan3A_119 = %scan3A_30 to %scan3A_32 step %scan3A_33  : i32 {
      %jit3A = arith.constant 3 : i32
      %eq3A_120 = arith.constant 0 : i32
      %eq3A_121 = arith.cmpi eq, %jit3A, %eq3A_120 : i32
      %jit3A_122 = arith.constant 1 : i32
      %select_n3A = arith.select %eq3A_121, %jit3A_122, %jit3A : i32
      %rem3A = arith.remsi %scan3A_119, %select_n3A : i32
      %ne3A = arith.constant 0 : i32
      %ne3A_123 = arith.cmpi ne, %rem3A, %ne3A : i32
      %lt3A = arith.constant 0 : i32
      %lt3A_124 = arith.cmpi slt, %rem3A, %lt3A : i32
      %lt3A_125 = arith.constant 0 : i32
      %lt3A_126 = arith.cmpi slt, %select_n3A, %lt3A_125 : i32
      %ne3A_127 = arith.xori %lt3A_124, %lt3A_126 : i1
      %and3A = arith.andi %ne3A_127, %ne3A_123 : i1
      %add3A_128 = arith.addi %rem3A, %select_n3A : i32
      %select_n3A_129 = arith.select %and3A, %add3A_128, %rem3A : i32
      %dma_wait3A_130 = arith.constant 0 : i32
      %dma_wait3A_131 = arith.constant 0 : i32
      %dma_wait3A_132 = tpu.memref_slice %arg11[%select_n3A_129, %dma_wait3A_130, %dma_wait3A_131] : memref<3x128x128xf32, #tpu.memory_space<vmem>> -> memref<1x128x128xf32, #tpu.memory_space<vmem>>
      %dma_wait3A_133 = tpu.memref_squeeze %dma_wait3A_132 : memref<1x128x128xf32, #tpu.memory_space<vmem>> -> memref<128x128xf32, #tpu.memory_space<vmem>>
      %dma_wait3A_134 = arith.constant 0 : i32
      %dma_wait3A_135 = tpu.memref_slice %arg9[%scan3A_119, %dma_wait3A_134] : memref<20x128xi32, #tpu.memory_space<vmem>> -> memref<1x128xi32, #tpu.memory_space<vmem>>
      %dma_wait3A_136 = tpu.memref_squeeze %dma_wait3A_135 : memref<1x128xi32, #tpu.memory_space<vmem>> -> memref<128xi32, #tpu.memory_space<vmem>>
      %dma_wait3A_137 = arith.constant 0 : i32
      %dma_wait3A_138 = arith.constant 0 : i32
      %dma_wait3A_139 = tpu.memref_slice %arg2[%dma_wait3A_137, %dma_wait3A_138] : memref<10000x128xf32, #tpu.memory_space<hbm>> -> memref<10000x128xf32, #tpu.memory_space<hbm>>
      tpu.wait_indirect_dma semaphore(%arg13 : memref<!tpu.dma_semaphore, #tpu.memory_space<semaphore_mem>>) src(%dma_wait3A_139 : memref<10000x128xf32, #tpu.memory_space<hbm>>) dst(%dma_wait3A_133 : memref<128x128xf32, #tpu.memory_space<vmem>>)
      %jit3A_140 = arith.constant 3 : i32
      %eq3A_141 = arith.constant 0 : i32
      %eq3A_142 = arith.cmpi eq, %jit3A_140, %eq3A_141 : i32
      %jit3A_143 = arith.constant 1 : i32
      %select_n3A_144 = arith.select %eq3A_142, %jit3A_143, %jit3A_140 : i32
      %rem3A_145 = arith.remsi %scan3A_119, %select_n3A_144 : i32
      %ne3A_146 = arith.constant 0 : i32
      %ne3A_147 = arith.cmpi ne, %rem3A_145, %ne3A_146 : i32
      %lt3A_148 = arith.constant 0 : i32
      %lt3A_149 = arith.cmpi slt, %rem3A_145, %lt3A_148 : i32
      %lt3A_150 = arith.constant 0 : i32
      %lt3A_151 = arith.cmpi slt, %select_n3A_144, %lt3A_150 : i32
      %ne3A_152 = arith.xori %lt3A_149, %lt3A_151 : i1
      %and3A_153 = arith.andi %ne3A_152, %ne3A_147 : i1
      %add3A_154 = arith.addi %rem3A_145, %select_n3A_144 : i32
      %select_n3A_155 = arith.select %and3A_153, %add3A_154, %rem3A_145 : i32
      %dma_start3A_156 = arith.constant 0 : i32
      %dma_start3A_157 = arith.constant 0 : i32
      %dma_start3A_158 = tpu.memref_slice %arg11[%select_n3A_155, %dma_start3A_156, %dma_start3A_157] : memref<3x128x128xf32, #tpu.memory_space<vmem>> -> memref<1x128x128xf32, #tpu.memory_space<vmem>>
      %dma_start3A_159 = tpu.memref_squeeze %dma_start3A_158 : memref<1x128x128xf32, #tpu.memory_space<vmem>> -> memref<128x128xf32, #tpu.memory_space<vmem>>
      %dma_start3A_160 = arith.constant 0 : i32
      %dma_start3A_161 = tpu.memref_slice %arg10[%scan3A_119, %dma_start3A_160] : memref<20x128xi32, #tpu.memory_space<vmem>> -> memref<1x128xi32, #tpu.memory_space<vmem>>
      %dma_start3A_162 = tpu.memref_squeeze %dma_start3A_161 : memref<1x128xi32, #tpu.memory_space<vmem>> -> memref<128xi32, #tpu.memory_space<vmem>>
      %dma_start3A_163 = arith.constant 0 : i32
      %dma_start3A_164 = arith.constant 0 : i32
      %dma_start3A_165 = tpu.memref_slice %arg12[%dma_start3A_163, %dma_start3A_164] : memref<5120x128xf32, #tpu.memory_space<vmem_shared>> -> memref<5120x128xf32, #tpu.memory_space<vmem_shared>>
      tpu.enqueue_indirect_dma source(%dma_start3A_159 : memref<128x128xf32, #tpu.memory_space<vmem>>) target(%dma_start3A_165 : memref<5120x128xf32, #tpu.memory_space<vmem_shared>>) offsets(%dma_start3A_162 : memref<128xi32, #tpu.memory_space<vmem>>) semaphore(%arg14 : memref<!tpu.dma_semaphore, #tpu.memory_space<semaphore_mem>>) {add = true}
      %ge3A = arith.constant 1 : i32
      %ge3A_166 = arith.cmpi sge, %scan3A_119, %ge3A : i32
      %convert_element_type3A_167 = arith.extui %ge3A_166 : i1 to i32
      %cond3A_168 = arith.constant 0 : i32
      %cond3A_169 = arith.cmpi ne, %convert_element_type3A_167, %cond3A_168 : i32
      scf.if %cond3A_169 {
        %dma_wait3A_177 = arith.constant 0 : i32
        %dma_wait3A_178 = arith.constant 0 : i32
        %dma_wait3A_179 = arith.constant 0 : i32
        %dma_wait3A_180 = arith.constant 0 : i32
        %dma_wait3A_181 = tpu.memref_slice %arg11[%dma_wait3A_178, %dma_wait3A_179, %dma_wait3A_180] : memref<3x128x128xf32, #tpu.memory_space<vmem>> -> memref<1x128x128xf32, #tpu.memory_space<vmem>>
        %dma_wait3A_182 = tpu.memref_squeeze %dma_wait3A_181 : memref<1x128x128xf32, #tpu.memory_space<vmem>> -> memref<128x128xf32, #tpu.memory_space<vmem>>
        %dma_wait3A_183 = arith.constant 0 : i32
        %dma_wait3A_184 = tpu.memref_slice %arg9[%dma_wait3A_177, %dma_wait3A_183] : memref<20x128xi32, #tpu.memory_space<vmem>> -> memref<1x128xi32, #tpu.memory_space<vmem>>
        %dma_wait3A_185 = tpu.memref_squeeze %dma_wait3A_184 : memref<1x128xi32, #tpu.memory_space<vmem>> -> memref<128xi32, #tpu.memory_space<vmem>>
        %dma_wait3A_186 = arith.constant 0 : i32
        %dma_wait3A_187 = arith.constant 0 : i32
        %dma_wait3A_188 = tpu.memref_slice %arg2[%dma_wait3A_186, %dma_wait3A_187] : memref<10000x128xf32, #tpu.memory_space<hbm>> -> memref<10000x128xf32, #tpu.memory_space<hbm>>
        tpu.wait_indirect_dma semaphore(%arg14 : memref<!tpu.dma_semaphore, #tpu.memory_space<semaphore_mem>>) src(%dma_wait3A_188 : memref<10000x128xf32, #tpu.memory_space<hbm>>) dst(%dma_wait3A_182 : memref<128x128xf32, #tpu.memory_space<vmem>>)
      } else {
      }
      %add3A_170 = arith.constant 2 : i32
      %add3A_171 = arith.addi %scan3A_119, %add3A_170 : i32
      %lt3A_172 = arith.constant 20 : i32
      %lt3A_173 = arith.cmpi slt, %add3A_171, %lt3A_172 : i32
      %convert_element_type3A_174 = arith.extui %lt3A_173 : i1 to i32
      %cond3A_175 = arith.constant 0 : i32
      %cond3A_176 = arith.cmpi ne, %convert_element_type3A_174, %cond3A_175 : i32
      scf.if %cond3A_176 {
        %add3A_177 = arith.constant 2 : i32
        %add3A_178 = arith.addi %scan3A_119, %add3A_177 : i32
        %add3A_179 = arith.constant 2 : i32
        %add3A_180 = arith.addi %scan3A_119, %add3A_179 : i32
        %jit3A_181 = arith.constant 3 : i32
        %eq3A_182 = arith.constant 0 : i32
        %eq3A_183 = arith.cmpi eq, %jit3A_181, %eq3A_182 : i32
        %jit3A_184 = arith.constant 1 : i32
        %select_n3A_185 = arith.select %eq3A_183, %jit3A_184, %jit3A_181 : i32
        %rem3A_186 = arith.remsi %add3A_180, %select_n3A_185 : i32
        %ne3A_187 = arith.constant 0 : i32
        %ne3A_188 = arith.cmpi ne, %rem3A_186, %ne3A_187 : i32
        %lt3A_189 = arith.constant 0 : i32
        %lt3A_190 = arith.cmpi slt, %rem3A_186, %lt3A_189 : i32
        %lt3A_191 = arith.constant 0 : i32
        %lt3A_192 = arith.cmpi slt, %select_n3A_185, %lt3A_191 : i32
        %ne3A_193 = arith.xori %lt3A_190, %lt3A_192 : i1
        %and3A_194 = arith.andi %ne3A_193, %ne3A_188 : i1
        %add3A_195 = arith.addi %rem3A_186, %select_n3A_185 : i32
        %select_n3A_196 = arith.select %and3A_194, %add3A_195, %rem3A_186 : i32
        %dma_start3A_197 = arith.constant 0 : i32
        %dma_start3A_198 = arith.constant 0 : i32
        %dma_start3A_199 = tpu.memref_slice %arg11[%select_n3A_196, %dma_start3A_197, %dma_start3A_198] : memref<3x128x128xf32, #tpu.memory_space<vmem>> -> memref<1x128x128xf32, #tpu.memory_space<vmem>>
        %dma_start3A_200 = tpu.memref_squeeze %dma_start3A_199 : memref<1x128x128xf32, #tpu.memory_space<vmem>> -> memref<128x128xf32, #tpu.memory_space<vmem>>
        %dma_start3A_201 = arith.constant 0 : i32
        %dma_start3A_202 = tpu.memref_slice %arg9[%add3A_178, %dma_start3A_201] : memref<20x128xi32, #tpu.memory_space<vmem>> -> memref<1x128xi32, #tpu.memory_space<vmem>>
        %dma_start3A_203 = tpu.memref_squeeze %dma_start3A_202 : memref<1x128xi32, #tpu.memory_space<vmem>> -> memref<128xi32, #tpu.memory_space<vmem>>
        %dma_start3A_204 = arith.constant 0 : i32
        %dma_start3A_205 = arith.constant 0 : i32
        %dma_start3A_206 = tpu.memref_slice %arg2[%dma_start3A_204, %dma_start3A_205] : memref<10000x128xf32, #tpu.memory_space<hbm>> -> memref<10000x128xf32, #tpu.memory_space<hbm>>
        tpu.enqueue_indirect_dma source(%dma_start3A_206 : memref<10000x128xf32, #tpu.memory_space<hbm>>) target(%dma_start3A_200 : memref<128x128xf32, #tpu.memory_space<vmem>>) offsets(%dma_start3A_203 : memref<128xi32, #tpu.memory_space<vmem>>) semaphore(%arg13 : memref<!tpu.dma_semaphore, #tpu.memory_space<semaphore_mem>>)
      } else {
      }
    }
    %scan3A_34 = arith.constant 20 : i32
    %dma_wait3A = arith.constant 0 : i32
    %dma_wait3A_35 = arith.constant 0 : i32
    %dma_wait3A_36 = arith.constant 0 : i32
    %dma_wait3A_37 = arith.constant 0 : i32
    %dma_wait3A_38 = tpu.memref_slice %arg11[%dma_wait3A_35, %dma_wait3A_36, %dma_wait3A_37] : memref<3x128x128xf32, #tpu.memory_space<vmem>> -> memref<1x128x128xf32, #tpu.memory_space<vmem>>
    %dma_wait3A_39 = tpu.memref_squeeze %dma_wait3A_38 : memref<1x128x128xf32, #tpu.memory_space<vmem>> -> memref<128x128xf32, #tpu.memory_space<vmem>>
    %dma_wait3A_40 = arith.constant 0 : i32
    %dma_wait3A_41 = tpu.memref_slice %arg9[%dma_wait3A, %dma_wait3A_40] : memref<20x128xi32, #tpu.memory_space<vmem>> -> memref<1x128xi32, #tpu.memory_space<vmem>>
    %dma_wait3A_42 = tpu.memref_squeeze %dma_wait3A_41 : memref<1x128xi32, #tpu.memory_space<vmem>> -> memref<128xi32, #tpu.memory_space<vmem>>
    %dma_wait3A_43 = arith.constant 0 : i32
    %dma_wait3A_44 = arith.constant 0 : i32
    %dma_wait3A_45 = tpu.memref_slice %arg2[%dma_wait3A_43, %dma_wait3A_44] : memref<10000x128xf32, #tpu.memory_space<hbm>> -> memref<10000x128xf32, #tpu.memory_space<hbm>>
    tpu.wait_indirect_dma semaphore(%arg14 : memref<!tpu.dma_semaphore, #tpu.memory_space<semaphore_mem>>) src(%dma_wait3A_45 : memref<10000x128xf32, #tpu.memory_space<hbm>>) dst(%dma_wait3A_39 : memref<128x128xf32, #tpu.memory_space<vmem>>)
    %barrier3A_46 = arith.constant 0 : index
    tpu.barrier barrier_id(%barrier3A_46)
    %eq3A = arith.constant 0 : i32
    %eq3A_47 = arith.cmpi eq, %arg0, %eq3A : i32
    %convert_element_type3A = arith.extui %eq3A_47 : i1 to i32
    %cond3A = arith.constant 0 : i32
    %cond3A_48 = arith.cmpi ne, %convert_element_type3A, %cond3A : i32
    scf.if %cond3A_48 {
      %mul3A_119 = arith.constant 312 : i32
      %mul3A_120 = arith.muli %arg1, %mul3A_119 : i32
      %add3A_121 = arith.constant 0 : i32
      %add3A_122 = arith.addi %mul3A_120, %add3A_121 : i32
      %run_scoped3A_123 = arith.constant 0 : i32
      "tpu.region"() ({
        %run_scoped3A_149 = tpu.sem_alloc : memref<!tpu.dma_semaphore, #tpu.memory_space<semaphore_mem>>
        %dma_start3A_150 = arith.constant 0 : i32
        %dma_start3A_151 = arith.constant 0 : i32
        %dma_start3A_152 = tpu.memref_slice %arg11[%run_scoped3A_123, %dma_start3A_150, %dma_start3A_151] : memref<3x128x128xf32, #tpu.memory_space<vmem>> -> memref<1x128x128xf32, #tpu.memory_space<vmem>>
        %dma_start3A_153 = tpu.memref_squeeze %dma_start3A_152 : memref<1x128x128xf32, #tpu.memory_space<vmem>> -> memref<128x128xf32, #tpu.memory_space<vmem>>
        %dma_start3A_154 = arith.constant 0 : i32
        %dma_start3A_155 = arith.constant 0 : i32
        %dma_start3A_156 = tpu.memref_slice %dma_start3A_153[%dma_start3A_154, %dma_start3A_155] : memref<128x128xf32, #tpu.memory_space<vmem>> -> memref<128x128xf32, #tpu.memory_space<vmem>>
        %dma_start3A_157 = arith.constant 0 : i32
        %dma_start3A_158 = tpu.memref_slice %arg12[%add3A_122, %dma_start3A_157] : memref<5120x128xf32, #tpu.memory_space<vmem_shared>> -> memref<128x128xf32, #tpu.memory_space<vmem_shared>>
        %dma_start3A_159 = arith.constant 0 : i32
        %dma_start3A_160 = arith.constant 0 : i32
        %dma_start3A_161 = tpu.memref_slice %arg11[%run_scoped3A_123, %dma_start3A_159, %dma_start3A_160] : memref<3x128x128xf32, #tpu.memory_space<vmem>> -> memref<1x128x128xf32, #tpu.memory_space<vmem>>
        %dma_start3A_162 = tpu.memref_squeeze %dma_start3A_161 : memref<1x128x128xf32, #tpu.memory_space<vmem>> -> memref<128x128xf32, #tpu.memory_space<vmem>>
        %dma_start3A_163 = arith.constant 0 : i32
        %dma_start3A_164 = arith.constant 0 : i32
        %dma_start3A_165 = tpu.memref_slice %dma_start3A_162[%dma_start3A_163, %dma_start3A_164] : memref<128x128xf32, #tpu.memory_space<vmem>> -> memref<128x128xf32, #tpu.memory_space<vmem>>
        %dma_start3A_166 = arith.constant 0 : i32
        %dma_start3A_167 = tpu.memref_slice %arg12[%add3A_122, %dma_start3A_166] : memref<5120x128xf32, #tpu.memory_space<vmem_shared>> -> memref<128x128xf32, #tpu.memory_space<vmem_shared>>
        tpu.enqueue_dma source(%dma_start3A_167 : memref<128x128xf32, #tpu.memory_space<vmem_shared>>) target(%dma_start3A_165 : memref<128x128xf32, #tpu.memory_space<vmem>>) target_semaphore(%run_scoped3A_149 : memref<!tpu.dma_semaphore, #tpu.memory_space<semaphore_mem>>)
        %dma_wait3A_168 = arith.constant 0 : i32
        %dma_wait3A_169 = arith.constant 0 : i32
        %dma_wait3A_170 = tpu.memref_slice %arg11[%run_scoped3A_123, %dma_wait3A_168, %dma_wait3A_169] : memref<3x128x128xf32, #tpu.memory_space<vmem>> -> memref<1x128x128xf32, #tpu.memory_space<vmem>>
        %dma_wait3A_171 = tpu.memref_squeeze %dma_wait3A_170 : memref<1x128x128xf32, #tpu.memory_space<vmem>> -> memref<128x128xf32, #tpu.memory_space<vmem>>
        %dma_wait3A_172 = arith.constant 0 : i32
        %dma_wait3A_173 = arith.constant 0 : i32
        %dma_wait3A_174 = tpu.memref_slice %dma_wait3A_171[%dma_wait3A_172, %dma_wait3A_173] : memref<128x128xf32, #tpu.memory_space<vmem>> -> memref<128x128xf32, #tpu.memory_space<vmem>>
        %dma_wait3A_175 = arith.constant 0 : i32
        %dma_wait3A_176 = tpu.memref_slice %arg12[%add3A_122, %dma_wait3A_175] : memref<5120x128xf32, #tpu.memory_space<vmem_shared>> -> memref<128x128xf32, #tpu.memory_space<vmem_shared>>
        %dma_wait3A_177 = arith.constant 0 : i32
        %dma_wait3A_178 = arith.constant 0 : i32
        %dma_wait3A_179 = tpu.memref_slice %arg11[%run_scoped3A_123, %dma_wait3A_177, %dma_wait3A_178] : memref<3x128x128xf32, #tpu.memory_space<vmem>> -> memref<1x128x128xf32, #tpu.memory_space<vmem>>
        %dma_wait3A_180 = tpu.memref_squeeze %dma_wait3A_179 : memref<1x128x128xf32, #tpu.memory_space<vmem>> -> memref<128x128xf32, #tpu.memory_space<vmem>>
        %dma_wait3A_181 = arith.constant 0 : i32
        %dma_wait3A_182 = arith.constant 0 : i32
        %dma_wait3A_183 = tpu.memref_slice %dma_wait3A_180[%dma_wait3A_181, %dma_wait3A_182] : memref<128x128xf32, #tpu.memory_space<vmem>> -> memref<128x128xf32, #tpu.memory_space<vmem>>
        %dma_wait3A_184 = arith.constant 0 : i32
        %dma_wait3A_185 = tpu.memref_slice %arg12[%add3A_122, %dma_wait3A_184] : memref<5120x128xf32, #tpu.memory_space<vmem_shared>> -> memref<128x128xf32, #tpu.memory_space<vmem_shared>>
        tpu.wait_dma2 semaphore(%run_scoped3A_149 : memref<!tpu.dma_semaphore, #tpu.memory_space<semaphore_mem>>) src(%dma_wait3A_185 : memref<128x128xf32, #tpu.memory_space<vmem_shared>>) dst(%dma_wait3A_183 : memref<128x128xf32, #tpu.memory_space<vmem>>)
        tpu.yield
      }) : () -> ()
      %mul3A_124 = arith.constant 312 : i32
      %mul3A_125 = arith.muli %arg1, %mul3A_124 : i32
      %add3A_126 = arith.constant 0 : i32
      %add3A_127 = arith.addi %mul3A_125, %add3A_126 : i32
      %run_scoped3A_128 = arith.constant 0 : i32
      "tpu.region"() ({
        %run_scoped3A_149 = tpu.sem_alloc : memref<!tpu.dma_semaphore, #tpu.memory_space<semaphore_mem>>
        %dma_start3A_150 = arith.constant 0 : i32
        %dma_start3A_151 = arith.constant 0 : i32
        %dma_start3A_152 = tpu.memref_slice %arg11[%run_scoped3A_128, %dma_start3A_150, %dma_start3A_151] : memref<3x128x128xf32, #tpu.memory_space<vmem>> -> memref<1x128x128xf32, #tpu.memory_space<vmem>>
        %dma_start3A_153 = tpu.memref_squeeze %dma_start3A_152 : memref<1x128x128xf32, #tpu.memory_space<vmem>> -> memref<128x128xf32, #tpu.memory_space<vmem>>
        %dma_start3A_154 = arith.constant 0 : i32
        %dma_start3A_155 = arith.constant 0 : i32
        %dma_start3A_156 = tpu.memref_slice %dma_start3A_153[%dma_start3A_154, %dma_start3A_155] : memref<128x128xf32, #tpu.memory_space<vmem>> -> memref<128x128xf32, #tpu.memory_space<vmem>>
        %dma_start3A_157 = arith.constant 0 : i32
        %dma_start3A_158 = tpu.memref_slice %arg7[%add3A_127, %dma_start3A_157] : memref<10112x128xf32, #tpu.memory_space<hbm>> -> memref<128x128xf32, #tpu.memory_space<hbm>>
        %dma_start3A_159 = arith.constant 0 : i32
        %dma_start3A_160 = tpu.memref_slice %arg7[%add3A_127, %dma_start3A_159] : memref<10112x128xf32, #tpu.memory_space<hbm>> -> memref<128x128xf32, #tpu.memory_space<hbm>>
        %dma_start3A_161 = arith.constant 0 : i32
        %dma_start3A_162 = arith.constant 0 : i32
        %dma_start3A_163 = tpu.memref_slice %arg11[%run_scoped3A_128, %dma_start3A_161, %dma_start3A_162] : memref<3x128x128xf32, #tpu.memory_space<vmem>> -> memref<1x128x128xf32, #tpu.memory_space<vmem>>
        %dma_start3A_164 = tpu.memref_squeeze %dma_start3A_163 : memref<1x128x128xf32, #tpu.memory_space<vmem>> -> memref<128x128xf32, #tpu.memory_space<vmem>>
        %dma_start3A_165 = arith.constant 0 : i32
        %dma_start3A_166 = arith.constant 0 : i32
        %dma_start3A_167 = tpu.memref_slice %dma_start3A_164[%dma_start3A_165, %dma_start3A_166] : memref<128x128xf32, #tpu.memory_space<vmem>> -> memref<128x128xf32, #tpu.memory_space<vmem>>
        tpu.enqueue_dma source(%dma_start3A_167 : memref<128x128xf32, #tpu.memory_space<vmem>>) target(%dma_start3A_160 : memref<128x128xf32, #tpu.memory_space<hbm>>) target_semaphore(%run_scoped3A_149 : memref<!tpu.dma_semaphore, #tpu.memory_space<semaphore_mem>>)
        %dma_wait3A_168 = arith.constant 0 : i32
        %dma_wait3A_169 = arith.constant 0 : i32
        %dma_wait3A_170 = tpu.memref_slice %arg11[%run_scoped3A_128, %dma_wait3A_168, %dma_wait3A_169] : memref<3x128x128xf32, #tpu.memory_space<vmem>> -> memref<1x128x128xf32, #tpu.memory_space<vmem>>
        %dma_wait3A_171 = tpu.memref_squeeze %dma_wait3A_170 : memref<1x128x128xf32, #tpu.memory_space<vmem>> -> memref<128x128xf32, #tpu.memory_space<vmem>>
        %dma_wait3A_172 = arith.constant 0 : i32
        %dma_wait3A_173 = arith.constant 0 : i32
        %dma_wait3A_174 = tpu.memref_slice %dma_wait3A_171[%dma_wait3A_172, %dma_wait3A_173] : memref<128x128xf32, #tpu.memory_space<vmem>> -> memref<128x128xf32, #tpu.memory_space<vmem>>
        %dma_wait3A_175 = arith.constant 0 : i32
        %dma_wait3A_176 = tpu.memref_slice %arg7[%add3A_127, %dma_wait3A_175] : memref<10112x128xf32, #tpu.memory_space<hbm>> -> memref<128x128xf32, #tpu.memory_space<hbm>>
        %dma_wait3A_177 = arith.constant 0 : i32
        %dma_wait3A_178 = tpu.memref_slice %arg7[%add3A_127, %dma_wait3A_177] : memref<10112x128xf32, #tpu.memory_space<hbm>> -> memref<128x128xf32, #tpu.memory_space<hbm>>
        %dma_wait3A_179 = arith.constant 0 : i32
        %dma_wait3A_180 = arith.constant 0 : i32
        %dma_wait3A_181 = tpu.memref_slice %arg11[%run_scoped3A_128, %dma_wait3A_179, %dma_wait3A_180] : memref<3x128x128xf32, #tpu.memory_space<vmem>> -> memref<1x128x128xf32, #tpu.memory_space<vmem>>
        %dma_wait3A_182 = tpu.memref_squeeze %dma_wait3A_181 : memref<1x128x128xf32, #tpu.memory_space<vmem>> -> memref<128x128xf32, #tpu.memory_space<vmem>>
        %dma_wait3A_183 = arith.constant 0 : i32
        %dma_wait3A_184 = arith.constant 0 : i32
        %dma_wait3A_185 = tpu.memref_slice %dma_wait3A_182[%dma_wait3A_183, %dma_wait3A_184] : memref<128x128xf32, #tpu.memory_space<vmem>> -> memref<128x128xf32, #tpu.memory_space<vmem>>
        tpu.wait_dma2 semaphore(%run_scoped3A_149 : memref<!tpu.dma_semaphore, #tpu.memory_space<semaphore_mem>>) src(%dma_wait3A_185 : memref<128x128xf32, #tpu.memory_space<vmem>>) dst(%dma_wait3A_178 : memref<128x128xf32, #tpu.memory_space<hbm>>)
        tpu.yield
      }) : () -> ()
      %mul3A_129 = arith.constant 312 : i32
      %mul3A_130 = arith.muli %arg1, %mul3A_129 : i32
      %add3A_131 = arith.constant 128 : i32
      %add3A_132 = arith.addi %mul3A_130, %add3A_131 : i32
      %run_scoped3A_133 = arith.constant 1 : i32
      "tpu.region"() ({
        %run_scoped3A_149 = tpu.sem_alloc : memref<!tpu.dma_semaphore, #tpu.memory_space<semaphore_mem>>
        %dma_start3A_150 = arith.constant 0 : i32
        %dma_start3A_151 = arith.constant 0 : i32
        %dma_start3A_152 = tpu.memref_slice %arg11[%run_scoped3A_133, %dma_start3A_150, %dma_start3A_151] : memref<3x128x128xf32, #tpu.memory_space<vmem>> -> memref<1x128x128xf32, #tpu.memory_space<vmem>>
        %dma_start3A_153 = tpu.memref_squeeze %dma_start3A_152 : memref<1x128x128xf32, #tpu.memory_space<vmem>> -> memref<128x128xf32, #tpu.memory_space<vmem>>
        %dma_start3A_154 = arith.constant 0 : i32
        %dma_start3A_155 = arith.constant 0 : i32
        %dma_start3A_156 = tpu.memref_slice %dma_start3A_153[%dma_start3A_154, %dma_start3A_155] : memref<128x128xf32, #tpu.memory_space<vmem>> -> memref<128x128xf32, #tpu.memory_space<vmem>>
        %dma_start3A_157 = arith.constant 0 : i32
        %dma_start3A_158 = tpu.memref_slice %arg12[%add3A_132, %dma_start3A_157] : memref<5120x128xf32, #tpu.memory_space<vmem_shared>> -> memref<128x128xf32, #tpu.memory_space<vmem_shared>>
        %dma_start3A_159 = arith.constant 0 : i32
        %dma_start3A_160 = arith.constant 0 : i32
        %dma_start3A_161 = tpu.memref_slice %arg11[%run_scoped3A_133, %dma_start3A_159, %dma_start3A_160] : memref<3x128x128xf32, #tpu.memory_space<vmem>> -> memref<1x128x128xf32, #tpu.memory_space<vmem>>
        %dma_start3A_162 = tpu.memref_squeeze %dma_start3A_161 : memref<1x128x128xf32, #tpu.memory_space<vmem>> -> memref<128x128xf32, #tpu.memory_space<vmem>>
        %dma_start3A_163 = arith.constant 0 : i32
        %dma_start3A_164 = arith.constant 0 : i32
        %dma_start3A_165 = tpu.memref_slice %dma_start3A_162[%dma_start3A_163, %dma_start3A_164] : memref<128x128xf32, #tpu.memory_space<vmem>> -> memref<128x128xf32, #tpu.memory_space<vmem>>
        %dma_start3A_166 = arith.constant 0 : i32
        %dma_start3A_167 = tpu.memref_slice %arg12[%add3A_132, %dma_start3A_166] : memref<5120x128xf32, #tpu.memory_space<vmem_shared>> -> memref<128x128xf32, #tpu.memory_space<vmem_shared>>
        tpu.enqueue_dma source(%dma_start3A_167 : memref<128x128xf32, #tpu.memory_space<vmem_shared>>) target(%dma_start3A_165 : memref<128x128xf32, #tpu.memory_space<vmem>>) target_semaphore(%run_scoped3A_149 : memref<!tpu.dma_semaphore, #tpu.memory_space<semaphore_mem>>)
        %dma_wait3A_168 = arith.constant 0 : i32
        %dma_wait3A_169 = arith.constant 0 : i32
        %dma_wait3A_170 = tpu.memref_slice %arg11[%run_scoped3A_133, %dma_wait3A_168, %dma_wait3A_169] : memref<3x128x128xf32, #tpu.memory_space<vmem>> -> memref<1x128x128xf32, #tpu.memory_space<vmem>>
        %dma_wait3A_171 = tpu.memref_squeeze %dma_wait3A_170 : memref<1x128x128xf32, #tpu.memory_space<vmem>> -> memref<128x128xf32, #tpu.memory_space<vmem>>
        %dma_wait3A_172 = arith.constant 0 : i32
        %dma_wait3A_173 = arith.constant 0 : i32
        %dma_wait3A_174 = tpu.memref_slice %dma_wait3A_171[%dma_wait3A_172, %dma_wait3A_173] : memref<128x128xf32, #tpu.memory_space<vmem>> -> memref<128x128xf32, #tpu.memory_space<vmem>>
        %dma_wait3A_175 = arith.constant 0 : i32
        %dma_wait3A_176 = tpu.memref_slice %arg12[%add3A_132, %dma_wait3A_175] : memref<5120x128xf32, #tpu.memory_space<vmem_shared>> -> memref<128x128xf32, #tpu.memory_space<vmem_shared>>
        %dma_wait3A_177 = arith.constant 0 : i32
        %dma_wait3A_178 = arith.constant 0 : i32
        %dma_wait3A_179 = tpu.memref_slice %arg11[%run_scoped3A_133, %dma_wait3A_177, %dma_wait3A_178] : memref<3x128x128xf32, #tpu.memory_space<vmem>> -> memref<1x128x128xf32, #tpu.memory_space<vmem>>
        %dma_wait3A_180 = tpu.memref_squeeze %dma_wait3A_179 : memref<1x128x128xf32, #tpu.memory_space<vmem>> -> memref<128x128xf32, #tpu.memory_space<vmem>>
        %dma_wait3A_181 = arith.constant 0 : i32
        %dma_wait3A_182 = arith.constant 0 : i32
        %dma_wait3A_183 = tpu.memref_slice %dma_wait3A_180[%dma_wait3A_181, %dma_wait3A_182] : memref<128x128xf32, #tpu.memory_space<vmem>> -> memref<128x128xf32, #tpu.memory_space<vmem>>
        %dma_wait3A_184 = arith.constant 0 : i32
        %dma_wait3A_185 = tpu.memref_slice %arg12[%add3A_132, %dma_wait3A_184] : memref<5120x128xf32, #tpu.memory_space<vmem_shared>> -> memref<128x128xf32, #tpu.memory_space<vmem_shared>>
        tpu.wait_dma2 semaphore(%run_scoped3A_149 : memref<!tpu.dma_semaphore, #tpu.memory_space<semaphore_mem>>) src(%dma_wait3A_185 : memref<128x128xf32, #tpu.memory_space<vmem_shared>>) dst(%dma_wait3A_183 : memref<128x128xf32, #tpu.memory_space<vmem>>)
        tpu.yield
      }) : () -> ()
      %mul3A_134 = arith.constant 312 : i32
      %mul3A_135 = arith.muli %arg1, %mul3A_134 : i32
      %add3A_136 = arith.constant 128 : i32
      %add3A_137 = arith.addi %mul3A_135, %add3A_136 : i32
      %run_scoped3A_138 = arith.constant 1 : i32
      "tpu.region"() ({
        %run_scoped3A_149 = tpu.sem_alloc : memref<!tpu.dma_semaphore, #tpu.memory_space<semaphore_mem>>
        %dma_start3A_150 = arith.constant 0 : i32
        %dma_start3A_151 = arith.constant 0 : i32
        %dma_start3A_152 = tpu.memref_slice %arg11[%run_scoped3A_138, %dma_start3A_150, %dma_start3A_151] : memref<3x128x128xf32, #tpu.memory_space<vmem>> -> memref<1x128x128xf32, #tpu.memory_space<vmem>>
        %dma_start3A_153 = tpu.memref_squeeze %dma_start3A_152 : memref<1x128x128xf32, #tpu.memory_space<vmem>> -> memref<128x128xf32, #tpu.memory_space<vmem>>
        %dma_start3A_154 = arith.constant 0 : i32
        %dma_start3A_155 = arith.constant 0 : i32
        %dma_start3A_156 = tpu.memref_slice %dma_start3A_153[%dma_start3A_154, %dma_start3A_155] : memref<128x128xf32, #tpu.memory_space<vmem>> -> memref<128x128xf32, #tpu.memory_space<vmem>>
        %dma_start3A_157 = arith.constant 0 : i32
        %dma_start3A_158 = tpu.memref_slice %arg7[%add3A_137, %dma_start3A_157] : memref<10112x128xf32, #tpu.memory_space<hbm>> -> memref<128x128xf32, #tpu.memory_space<hbm>>
        %dma_start3A_159 = arith.constant 0 : i32
        %dma_start3A_160 = tpu.memref_slice %arg7[%add3A_137, %dma_start3A_159] : memref<10112x128xf32, #tpu.memory_space<hbm>> -> memref<128x128xf32, #tpu.memory_space<hbm>>
        %dma_start3A_161 = arith.constant 0 : i32
        %dma_start3A_162 = arith.constant 0 : i32
        %dma_start3A_163 = tpu.memref_slice %arg11[%run_scoped3A_138, %dma_start3A_161, %dma_start3A_162] : memref<3x128x128xf32, #tpu.memory_space<vmem>> -> memref<1x128x128xf32, #tpu.memory_space<vmem>>
        %dma_start3A_164 = tpu.memref_squeeze %dma_start3A_163 : memref<1x128x128xf32, #tpu.memory_space<vmem>> -> memref<128x128xf32, #tpu.memory_space<vmem>>
        %dma_start3A_165 = arith.constant 0 : i32
        %dma_start3A_166 = arith.constant 0 : i32
        %dma_start3A_167 = tpu.memref_slice %dma_start3A_164[%dma_start3A_165, %dma_start3A_166] : memref<128x128xf32, #tpu.memory_space<vmem>> -> memref<128x128xf32, #tpu.memory_space<vmem>>
        tpu.enqueue_dma source(%dma_start3A_167 : memref<128x128xf32, #tpu.memory_space<vmem>>) target(%dma_start3A_160 : memref<128x128xf32, #tpu.memory_space<hbm>>) target_semaphore(%run_scoped3A_149 : memref<!tpu.dma_semaphore, #tpu.memory_space<semaphore_mem>>)
        %dma_wait3A_168 = arith.constant 0 : i32
        %dma_wait3A_169 = arith.constant 0 : i32
        %dma_wait3A_170 = tpu.memref_slice %arg11[%run_scoped3A_138, %dma_wait3A_168, %dma_wait3A_169] : memref<3x128x128xf32, #tpu.memory_space<vmem>> -> memref<1x128x128xf32, #tpu.memory_space<vmem>>
        %dma_wait3A_171 = tpu.memref_squeeze %dma_wait3A_170 : memref<1x128x128xf32, #tpu.memory_space<vmem>> -> memref<128x128xf32, #tpu.memory_space<vmem>>
        %dma_wait3A_172 = arith.constant 0 : i32
        %dma_wait3A_173 = arith.constant 0 : i32
        %dma_wait3A_174 = tpu.memref_slice %dma_wait3A_171[%dma_wait3A_172, %dma_wait3A_173] : memref<128x128xf32, #tpu.memory_space<vmem>> -> memref<128x128xf32, #tpu.memory_space<vmem>>
        %dma_wait3A_175 = arith.constant 0 : i32
        %dma_wait3A_176 = tpu.memref_slice %arg7[%add3A_137, %dma_wait3A_175] : memref<10112x128xf32, #tpu.memory_space<hbm>> -> memref<128x128xf32, #tpu.memory_space<hbm>>
        %dma_wait3A_177 = arith.constant 0 : i32
        %dma_wait3A_178 = tpu.memref_slice %arg7[%add3A_137, %dma_wait3A_177] : memref<10112x128xf32, #tpu.memory_space<hbm>> -> memref<128x128xf32, #tpu.memory_space<hbm>>
        %dma_wait3A_179 = arith.constant 0 : i32
        %dma_wait3A_180 = arith.constant 0 : i32
        %dma_wait3A_181 = tpu.memref_slice %arg11[%run_scoped3A_138, %dma_wait3A_179, %dma_wait3A_180] : memref<3x128x128xf32, #tpu.memory_space<vmem>> -> memref<1x128x128xf32, #tpu.memory_space<vmem>>
        %dma_wait3A_182 = tpu.memref_squeeze %dma_wait3A_181 : memref<1x128x128xf32, #tpu.memory_space<vmem>> -> memref<128x128xf32, #tpu.memory_space<vmem>>
        %dma_wait3A_183 = arith.constant 0 : i32
        %dma_wait3A_184 = arith.constant 0 : i32
        %dma_wait3A_185 = tpu.memref_slice %dma_wait3A_182[%dma_wait3A_183, %dma_wait3A_184] : memref<128x128xf32, #tpu.memory_space<vmem>> -> memref<128x128xf32, #tpu.memory_space<vmem>>
        tpu.wait_dma2 semaphore(%run_scoped3A_149 : memref<!tpu.dma_semaphore, #tpu.memory_space<semaphore_mem>>) src(%dma_wait3A_185 : memref<128x128xf32, #tpu.memory_space<vmem>>) dst(%dma_wait3A_178 : memref<128x128xf32, #tpu.memory_space<hbm>>)
        tpu.yield
      }) : () -> ()
      %mul3A_139 = arith.constant 312 : i32
      %mul3A_140 = arith.muli %arg1, %mul3A_139 : i32
      %add3A_141 = arith.constant 256 : i32
      %add3A_142 = arith.addi %mul3A_140, %add3A_141 : i32
      %run_scoped3A_143 = arith.constant 2 : i32
      "tpu.region"() ({
        %run_scoped3A_149 = tpu.sem_alloc : memref<!tpu.dma_semaphore, #tpu.memory_space<semaphore_mem>>
        %dma_start3A_150 = arith.constant 0 : i32
        %dma_start3A_151 = arith.constant 0 : i32
        %dma_start3A_152 = tpu.memref_slice %arg11[%run_scoped3A_143, %dma_start3A_150, %dma_start3A_151] : memref<3x128x128xf32, #tpu.memory_space<vmem>> -> memref<1x128x128xf32, #tpu.memory_space<vmem>>
        %dma_start3A_153 = tpu.memref_squeeze %dma_start3A_152 : memref<1x128x128xf32, #tpu.memory_space<vmem>> -> memref<128x128xf32, #tpu.memory_space<vmem>>
        %dma_start3A_154 = arith.constant 0 : i32
        %dma_start3A_155 = arith.constant 0 : i32
        %dma_start3A_156 = tpu.memref_slice %dma_start3A_153[%dma_start3A_154, %dma_start3A_155] : memref<128x128xf32, #tpu.memory_space<vmem>> -> memref<56x128xf32, #tpu.memory_space<vmem>>
        %dma_start3A_157 = arith.constant 0 : i32
        %dma_start3A_158 = tpu.memref_slice %arg12[%add3A_142, %dma_start3A_157] : memref<5120x128xf32, #tpu.memory_space<vmem_shared>> -> memref<56x128xf32, #tpu.memory_space<vmem_shared>>
        %dma_start3A_159 = arith.constant 0 : i32
        %dma_start3A_160 = arith.constant 0 : i32
        %dma_start3A_161 = tpu.memref_slice %arg11[%run_scoped3A_143, %dma_start3A_159, %dma_start3A_160] : memref<3x128x128xf32, #tpu.memory_space<vmem>> -> memref<1x128x128xf32, #tpu.memory_space<vmem>>
        %dma_start3A_162 = tpu.memref_squeeze %dma_start3A_161 : memref<1x128x128xf32, #tpu.memory_space<vmem>> -> memref<128x128xf32, #tpu.memory_space<vmem>>
        %dma_start3A_163 = arith.constant 0 : i32
        %dma_start3A_164 = arith.constant 0 : i32
        %dma_start3A_165 = tpu.memref_slice %dma_start3A_162[%dma_start3A_163, %dma_start3A_164] : memref<128x128xf32, #tpu.memory_space<vmem>> -> memref<56x128xf32, #tpu.memory_space<vmem>>
        %dma_start3A_166 = arith.constant 0 : i32
        %dma_start3A_167 = tpu.memref_slice %arg12[%add3A_142, %dma_start3A_166] : memref<5120x128xf32, #tpu.memory_space<vmem_shared>> -> memref<56x128xf32, #tpu.memory_space<vmem_shared>>
        tpu.enqueue_dma source(%dma_start3A_167 : memref<56x128xf32, #tpu.memory_space<vmem_shared>>) target(%dma_start3A_165 : memref<56x128xf32, #tpu.memory_space<vmem>>) target_semaphore(%run_scoped3A_149 : memref<!tpu.dma_semaphore, #tpu.memory_space<semaphore_mem>>)
        %dma_wait3A_168 = arith.constant 0 : i32
        %dma_wait3A_169 = arith.constant 0 : i32
        %dma_wait3A_170 = tpu.memref_slice %arg11[%run_scoped3A_143, %dma_wait3A_168, %dma_wait3A_169] : memref<3x128x128xf32, #tpu.memory_space<vmem>> -> memref<1x128x128xf32, #tpu.memory_space<vmem>>
        %dma_wait3A_171 = tpu.memref_squeeze %dma_wait3A_170 : memref<1x128x128xf32, #tpu.memory_space<vmem>> -> memref<128x128xf32, #tpu.memory_space<vmem>>
        %dma_wait3A_172 = arith.constant 0 : i32
        %dma_wait3A_173 = arith.constant 0 : i32
        %dma_wait3A_174 = tpu.memref_slice %dma_wait3A_171[%dma_wait3A_172, %dma_wait3A_173] : memref<128x128xf32, #tpu.memory_space<vmem>> -> memref<56x128xf32, #tpu.memory_space<vmem>>
        %dma_wait3A_175 = arith.constant 0 : i32
        %dma_wait3A_176 = tpu.memref_slice %arg12[%add3A_142, %dma_wait3A_175] : memref<5120x128xf32, #tpu.memory_space<vmem_shared>> -> memref<56x128xf32, #tpu.memory_space<vmem_shared>>
        %dma_wait3A_177 = arith.constant 0 : i32
        %dma_wait3A_178 = arith.constant 0 : i32
        %dma_wait3A_179 = tpu.memref_slice %arg11[%run_scoped3A_143, %dma_wait3A_177, %dma_wait3A_178] : memref<3x128x128xf32, #tpu.memory_space<vmem>> -> memref<1x128x128xf32, #tpu.memory_space<vmem>>
        %dma_wait3A_180 = tpu.memref_squeeze %dma_wait3A_179 : memref<1x128x128xf32, #tpu.memory_space<vmem>> -> memref<128x128xf32, #tpu.memory_space<vmem>>
        %dma_wait3A_181 = arith.constant 0 : i32
        %dma_wait3A_182 = arith.constant 0 : i32
        %dma_wait3A_183 = tpu.memref_slice %dma_wait3A_180[%dma_wait3A_181, %dma_wait3A_182] : memref<128x128xf32, #tpu.memory_space<vmem>> -> memref<56x128xf32, #tpu.memory_space<vmem>>
        %dma_wait3A_184 = arith.constant 0 : i32
        %dma_wait3A_185 = tpu.memref_slice %arg12[%add3A_142, %dma_wait3A_184] : memref<5120x128xf32, #tpu.memory_space<vmem_shared>> -> memref<56x128xf32, #tpu.memory_space<vmem_shared>>
        tpu.wait_dma2 semaphore(%run_scoped3A_149 : memref<!tpu.dma_semaphore, #tpu.memory_space<semaphore_mem>>) src(%dma_wait3A_185 : memref<56x128xf32, #tpu.memory_space<vmem_shared>>) dst(%dma_wait3A_183 : memref<56x128xf32, #tpu.memory_space<vmem>>)
        tpu.yield
      }) : () -> ()
      %mul3A_144 = arith.constant 312 : i32
      %mul3A_145 = arith.muli %arg1, %mul3A_144 : i32
      %add3A_146 = arith.constant 256 : i32
      %add3A_147 = arith.addi %mul3A_145, %add3A_146 : i32
      %run_scoped3A_148 = arith.constant 2 : i32
      "tpu.region"() ({
        %run_scoped3A_149 = tpu.sem_alloc : memref<!tpu.dma_semaphore, #tpu.memory_space<semaphore_mem>>
        %dma_start3A_150 = arith.constant 0 : i32
        %dma_start3A_151 = arith.constant 0 : i32
        %dma_start3A_152 = tpu.memref_slice %arg11[%run_scoped3A_148, %dma_start3A_150, %dma_start3A_151] : memref<3x128x128xf32, #tpu.memory_space<vmem>> -> memref<1x128x128xf32, #tpu.memory_space<vmem>>
        %dma_start3A_153 = tpu.memref_squeeze %dma_start3A_152 : memref<1x128x128xf32, #tpu.memory_space<vmem>> -> memref<128x128xf32, #tpu.memory_space<vmem>>
        %dma_start3A_154 = arith.constant 0 : i32
        %dma_start3A_155 = arith.constant 0 : i32
        %dma_start3A_156 = tpu.memref_slice %dma_start3A_153[%dma_start3A_154, %dma_start3A_155] : memref<128x128xf32, #tpu.memory_space<vmem>> -> memref<56x128xf32, #tpu.memory_space<vmem>>
        %dma_start3A_157 = arith.constant 0 : i32
        %dma_start3A_158 = tpu.memref_slice %arg7[%add3A_147, %dma_start3A_157] : memref<10112x128xf32, #tpu.memory_space<hbm>> -> memref<56x128xf32, #tpu.memory_space<hbm>>
        %dma_start3A_159 = arith.constant 0 : i32
        %dma_start3A_160 = tpu.memref_slice %arg7[%add3A_147, %dma_start3A_159] : memref<10112x128xf32, #tpu.memory_space<hbm>> -> memref<56x128xf32, #tpu.memory_space<hbm>>
        %dma_start3A_161 = arith.constant 0 : i32
        %dma_start3A_162 = arith.constant 0 : i32
        %dma_start3A_163 = tpu.memref_slice %arg11[%run_scoped3A_148, %dma_start3A_161, %dma_start3A_162] : memref<3x128x128xf32, #tpu.memory_space<vmem>> -> memref<1x128x128xf32, #tpu.memory_space<vmem>>
        %dma_start3A_164 = tpu.memref_squeeze %dma_start3A_163 : memref<1x128x128xf32, #tpu.memory_space<vmem>> -> memref<128x128xf32, #tpu.memory_space<vmem>>
        %dma_start3A_165 = arith.constant 0 : i32
        %dma_start3A_166 = arith.constant 0 : i32
        %dma_start3A_167 = tpu.memref_slice %dma_start3A_164[%dma_start3A_165, %dma_start3A_166] : memref<128x128xf32, #tpu.memory_space<vmem>> -> memref<56x128xf32, #tpu.memory_space<vmem>>
        tpu.enqueue_dma source(%dma_start3A_167 : memref<56x128xf32, #tpu.memory_space<vmem>>) target(%dma_start3A_160 : memref<56x128xf32, #tpu.memory_space<hbm>>) target_semaphore(%run_scoped3A_149 : memref<!tpu.dma_semaphore, #tpu.memory_space<semaphore_mem>>)
        %dma_wait3A_168 = arith.constant 0 : i32
        %dma_wait3A_169 = arith.constant 0 : i32
        %dma_wait3A_170 = tpu.memref_slice %arg11[%run_scoped3A_148, %dma_wait3A_168, %dma_wait3A_169] : memref<3x128x128xf32, #tpu.memory_space<vmem>> -> memref<1x128x128xf32, #tpu.memory_space<vmem>>
        %dma_wait3A_171 = tpu.memref_squeeze %dma_wait3A_170 : memref<1x128x128xf32, #tpu.memory_space<vmem>> -> memref<128x128xf32, #tpu.memory_space<vmem>>
        %dma_wait3A_172 = arith.constant 0 : i32
        %dma_wait3A_173 = arith.constant 0 : i32
        %dma_wait3A_174 = tpu.memref_slice %dma_wait3A_171[%dma_wait3A_172, %dma_wait3A_173] : memref<128x128xf32, #tpu.memory_space<vmem>> -> memref<56x128xf32, #tpu.memory_space<vmem>>
        %dma_wait3A_175 = arith.constant 0 : i32
        %dma_wait3A_176 = tpu.memref_slice %arg7[%add3A_147, %dma_wait3A_175] : memref<10112x128xf32, #tpu.memory_space<hbm>> -> memref<56x128xf32, #tpu.memory_space<hbm>>
        %dma_wait3A_177 = arith.constant 0 : i32
        %dma_wait3A_178 = tpu.memref_slice %arg7[%add3A_147, %dma_wait3A_177] : memref<10112x128xf32, #tpu.memory_space<hbm>> -> memref<56x128xf32, #tpu.memory_space<hbm>>
        %dma_wait3A_179 = arith.constant 0 : i32
        %dma_wait3A_180 = arith.constant 0 : i32
        %dma_wait3A_181 = tpu.memref_slice %arg11[%run_scoped3A_148, %dma_wait3A_179, %dma_wait3A_180] : memref<3x128x128xf32, #tpu.memory_space<vmem>> -> memref<1x128x128xf32, #tpu.memory_space<vmem>>
        %dma_wait3A_182 = tpu.memref_squeeze %dma_wait3A_181 : memref<1x128x128xf32, #tpu.memory_space<vmem>> -> memref<128x128xf32, #tpu.memory_space<vmem>>
        %dma_wait3A_183 = arith.constant 0 : i32
        %dma_wait3A_184 = arith.constant 0 : i32
        %dma_wait3A_185 = tpu.memref_slice %dma_wait3A_182[%dma_wait3A_183, %dma_wait3A_184] : memref<128x128xf32, #tpu.memory_space<vmem>> -> memref<56x128xf32, #tpu.memory_space<vmem>>
        tpu.wait_dma2 semaphore(%run_scoped3A_149 : memref<!tpu.dma_semaphore, #tpu.memory_space<semaphore_mem>>) src(%dma_wait3A_185 : memref<56x128xf32, #tpu.memory_space<vmem>>) dst(%dma_wait3A_178 : memref<56x128xf32, #tpu.memory_space<hbm>>)
        tpu.yield
      }) : () -> ()
    } else {
    }
    %eq3A_49 = arith.constant 1 : i32
    %eq3A_50 = arith.cmpi eq, %arg0, %eq3A_49 : i32
    %convert_element_type3A_51 = arith.extui %eq3A_50 : i1 to i32
    %cond3A_52 = arith.constant 0 : i32
    %cond3A_53 = arith.cmpi ne, %convert_element_type3A_51, %cond3A_52 : i32
    scf.if %cond3A_53 {
      %mul3A_119 = arith.constant 320 : i32
      %mul3A_120 = arith.muli %arg1, %mul3A_119 : i32
      %add3A_121 = arith.constant 0 : i32
      %add3A_122 = arith.addi %mul3A_120, %add3A_121 : i32
      %run_scoped3A_123 = arith.constant 0 : i32
      "tpu.region"() ({
        %run_scoped3A_155 = tpu.sem_alloc : memref<!tpu.dma_semaphore, #tpu.memory_space<semaphore_mem>>
        %dma_start3A_156 = arith.constant 0 : i32
        %dma_start3A_157 = arith.constant 0 : i32
        %dma_start3A_158 = tpu.memref_slice %arg11[%run_scoped3A_123, %dma_start3A_156, %dma_start3A_157] : memref<3x128x128xf32, #tpu.memory_space<vmem>> -> memref<1x128x128xf32, #tpu.memory_space<vmem>>
        %dma_start3A_159 = tpu.memref_squeeze %dma_start3A_158 : memref<1x128x128xf32, #tpu.memory_space<vmem>> -> memref<128x128xf32, #tpu.memory_space<vmem>>
        %dma_start3A_160 = arith.constant 0 : i32
        %dma_start3A_161 = arith.constant 0 : i32
        %dma_start3A_162 = tpu.memref_slice %dma_start3A_159[%dma_start3A_160, %dma_start3A_161] : memref<128x128xf32, #tpu.memory_space<vmem>> -> memref<128x128xf32, #tpu.memory_space<vmem>>
        %dma_start3A_163 = arith.constant 0 : i32
        %dma_start3A_164 = tpu.memref_slice %arg12[%add3A_122, %dma_start3A_163] : memref<5120x128xf32, #tpu.memory_space<vmem_shared>> -> memref<128x128xf32, #tpu.memory_space<vmem_shared>>
        %dma_start3A_165 = arith.constant 0 : i32
        %dma_start3A_166 = arith.constant 0 : i32
        %dma_start3A_167 = tpu.memref_slice %arg11[%run_scoped3A_123, %dma_start3A_165, %dma_start3A_166] : memref<3x128x128xf32, #tpu.memory_space<vmem>> -> memref<1x128x128xf32, #tpu.memory_space<vmem>>
        %dma_start3A_168 = tpu.memref_squeeze %dma_start3A_167 : memref<1x128x128xf32, #tpu.memory_space<vmem>> -> memref<128x128xf32, #tpu.memory_space<vmem>>
        %dma_start3A_169 = arith.constant 0 : i32
        %dma_start3A_170 = arith.constant 0 : i32
        %dma_start3A_171 = tpu.memref_slice %dma_start3A_168[%dma_start3A_169, %dma_start3A_170] : memref<128x128xf32, #tpu.memory_space<vmem>> -> memref<128x128xf32, #tpu.memory_space<vmem>>
        %dma_start3A_172 = arith.constant 0 : i32
        %dma_start3A_173 = tpu.memref_slice %arg12[%add3A_122, %dma_start3A_172] : memref<5120x128xf32, #tpu.memory_space<vmem_shared>> -> memref<128x128xf32, #tpu.memory_space<vmem_shared>>
        tpu.enqueue_dma source(%dma_start3A_173 : memref<128x128xf32, #tpu.memory_space<vmem_shared>>) target(%dma_start3A_171 : memref<128x128xf32, #tpu.memory_space<vmem>>) target_semaphore(%run_scoped3A_155 : memref<!tpu.dma_semaphore, #tpu.memory_space<semaphore_mem>>)
        %dma_wait3A_174 = arith.constant 0 : i32
        %dma_wait3A_175 = arith.constant 0 : i32
        %dma_wait3A_176 = tpu.memref_slice %arg11[%run_scoped3A_123, %dma_wait3A_174, %dma_wait3A_175] : memref<3x128x128xf32, #tpu.memory_space<vmem>> -> memref<1x128x128xf32, #tpu.memory_space<vmem>>
        %dma_wait3A_177 = tpu.memref_squeeze %dma_wait3A_176 : memref<1x128x128xf32, #tpu.memory_space<vmem>> -> memref<128x128xf32, #tpu.memory_space<vmem>>
        %dma_wait3A_178 = arith.constant 0 : i32
        %dma_wait3A_179 = arith.constant 0 : i32
        %dma_wait3A_180 = tpu.memref_slice %dma_wait3A_177[%dma_wait3A_178, %dma_wait3A_179] : memref<128x128xf32, #tpu.memory_space<vmem>> -> memref<128x128xf32, #tpu.memory_space<vmem>>
        %dma_wait3A_181 = arith.constant 0 : i32
        %dma_wait3A_182 = tpu.memref_slice %arg12[%add3A_122, %dma_wait3A_181] : memref<5120x128xf32, #tpu.memory_space<vmem_shared>> -> memref<128x128xf32, #tpu.memory_space<vmem_shared>>
        %dma_wait3A_183 = arith.constant 0 : i32
        %dma_wait3A_184 = arith.constant 0 : i32
        %dma_wait3A_185 = tpu.memref_slice %arg11[%run_scoped3A_123, %dma_wait3A_183, %dma_wait3A_184] : memref<3x128x128xf32, #tpu.memory_space<vmem>> -> memref<1x128x128xf32, #tpu.memory_space<vmem>>
        %dma_wait3A_186 = tpu.memref_squeeze %dma_wait3A_185 : memref<1x128x128xf32, #tpu.memory_space<vmem>> -> memref<128x128xf32, #tpu.memory_space<vmem>>
        %dma_wait3A_187 = arith.constant 0 : i32
        %dma_wait3A_188 = arith.constant 0 : i32
        %dma_wait3A_189 = tpu.memref_slice %dma_wait3A_186[%dma_wait3A_187, %dma_wait3A_188] : memref<128x128xf32, #tpu.memory_space<vmem>> -> memref<128x128xf32, #tpu.memory_space<vmem>>
        %dma_wait3A_190 = arith.constant 0 : i32
        %dma_wait3A_191 = tpu.memref_slice %arg12[%add3A_122, %dma_wait3A_190] : memref<5120x128xf32, #tpu.memory_space<vmem_shared>> -> memref<128x128xf32, #tpu.memory_space<vmem_shared>>
        tpu.wait_dma2 semaphore(%run_scoped3A_155 : memref<!tpu.dma_semaphore, #tpu.memory_space<semaphore_mem>>) src(%dma_wait3A_191 : memref<128x128xf32, #tpu.memory_space<vmem_shared>>) dst(%dma_wait3A_189 : memref<128x128xf32, #tpu.memory_space<vmem>>)
        tpu.yield
      }) : () -> ()
      %mul3A_124 = arith.constant 320 : i32
      %mul3A_125 = arith.muli %arg1, %mul3A_124 : i32
      %add3A_126 = arith.constant 4992 : i32
      %add3A_127 = arith.addi %add3A_126, %mul3A_125 : i32
      %add3A_128 = arith.constant 0 : i32
      %add3A_129 = arith.addi %add3A_127, %add3A_128 : i32
      %run_scoped3A_130 = arith.constant 0 : i32
      "tpu.region"() ({
        %run_scoped3A_155 = tpu.sem_alloc : memref<!tpu.dma_semaphore, #tpu.memory_space<semaphore_mem>>
        %dma_start3A_156 = arith.constant 0 : i32
        %dma_start3A_157 = arith.constant 0 : i32
        %dma_start3A_158 = tpu.memref_slice %arg11[%run_scoped3A_130, %dma_start3A_156, %dma_start3A_157] : memref<3x128x128xf32, #tpu.memory_space<vmem>> -> memref<1x128x128xf32, #tpu.memory_space<vmem>>
        %dma_start3A_159 = tpu.memref_squeeze %dma_start3A_158 : memref<1x128x128xf32, #tpu.memory_space<vmem>> -> memref<128x128xf32, #tpu.memory_space<vmem>>
        %dma_start3A_160 = arith.constant 0 : i32
        %dma_start3A_161 = arith.constant 0 : i32
        %dma_start3A_162 = tpu.memref_slice %dma_start3A_159[%dma_start3A_160, %dma_start3A_161] : memref<128x128xf32, #tpu.memory_space<vmem>> -> memref<128x128xf32, #tpu.memory_space<vmem>>
        %dma_start3A_163 = arith.constant 0 : i32
        %dma_start3A_164 = tpu.memref_slice %arg7[%add3A_129, %dma_start3A_163] : memref<10112x128xf32, #tpu.memory_space<hbm>> -> memref<128x128xf32, #tpu.memory_space<hbm>>
        %dma_start3A_165 = arith.constant 0 : i32
        %dma_start3A_166 = tpu.memref_slice %arg7[%add3A_129, %dma_start3A_165] : memref<10112x128xf32, #tpu.memory_space<hbm>> -> memref<128x128xf32, #tpu.memory_space<hbm>>
        %dma_start3A_167 = arith.constant 0 : i32
        %dma_start3A_168 = arith.constant 0 : i32
        %dma_start3A_169 = tpu.memref_slice %arg11[%run_scoped3A_130, %dma_start3A_167, %dma_start3A_168] : memref<3x128x128xf32, #tpu.memory_space<vmem>> -> memref<1x128x128xf32, #tpu.memory_space<vmem>>
        %dma_start3A_170 = tpu.memref_squeeze %dma_start3A_169 : memref<1x128x128xf32, #tpu.memory_space<vmem>> -> memref<128x128xf32, #tpu.memory_space<vmem>>
        %dma_start3A_171 = arith.constant 0 : i32
        %dma_start3A_172 = arith.constant 0 : i32
        %dma_start3A_173 = tpu.memref_slice %dma_start3A_170[%dma_start3A_171, %dma_start3A_172] : memref<128x128xf32, #tpu.memory_space<vmem>> -> memref<128x128xf32, #tpu.memory_space<vmem>>
        tpu.enqueue_dma source(%dma_start3A_173 : memref<128x128xf32, #tpu.memory_space<vmem>>) target(%dma_start3A_166 : memref<128x128xf32, #tpu.memory_space<hbm>>) target_semaphore(%run_scoped3A_155 : memref<!tpu.dma_semaphore, #tpu.memory_space<semaphore_mem>>)
        %dma_wait3A_174 = arith.constant 0 : i32
        %dma_wait3A_175 = arith.constant 0 : i32
        %dma_wait3A_176 = tpu.memref_slice %arg11[%run_scoped3A_130, %dma_wait3A_174, %dma_wait3A_175] : memref<3x128x128xf32, #tpu.memory_space<vmem>> -> memref<1x128x128xf32, #tpu.memory_space<vmem>>
        %dma_wait3A_177 = tpu.memref_squeeze %dma_wait3A_176 : memref<1x128x128xf32, #tpu.memory_space<vmem>> -> memref<128x128xf32, #tpu.memory_space<vmem>>
        %dma_wait3A_178 = arith.constant 0 : i32
        %dma_wait3A_179 = arith.constant 0 : i32
        %dma_wait3A_180 = tpu.memref_slice %dma_wait3A_177[%dma_wait3A_178, %dma_wait3A_179] : memref<128x128xf32, #tpu.memory_space<vmem>> -> memref<128x128xf32, #tpu.memory_space<vmem>>
        %dma_wait3A_181 = arith.constant 0 : i32
        %dma_wait3A_182 = tpu.memref_slice %arg7[%add3A_129, %dma_wait3A_181] : memref<10112x128xf32, #tpu.memory_space<hbm>> -> memref<128x128xf32, #tpu.memory_space<hbm>>
        %dma_wait3A_183 = arith.constant 0 : i32
        %dma_wait3A_184 = tpu.memref_slice %arg7[%add3A_129, %dma_wait3A_183] : memref<10112x128xf32, #tpu.memory_space<hbm>> -> memref<128x128xf32, #tpu.memory_space<hbm>>
        %dma_wait3A_185 = arith.constant 0 : i32
        %dma_wait3A_186 = arith.constant 0 : i32
        %dma_wait3A_187 = tpu.memref_slice %arg11[%run_scoped3A_130, %dma_wait3A_185, %dma_wait3A_186] : memref<3x128x128xf32, #tpu.memory_space<vmem>> -> memref<1x128x128xf32, #tpu.memory_space<vmem>>
        %dma_wait3A_188 = tpu.memref_squeeze %dma_wait3A_187 : memref<1x128x128xf32, #tpu.memory_space<vmem>> -> memref<128x128xf32, #tpu.memory_space<vmem>>
        %dma_wait3A_189 = arith.constant 0 : i32
        %dma_wait3A_190 = arith.constant 0 : i32
        %dma_wait3A_191 = tpu.memref_slice %dma_wait3A_188[%dma_wait3A_189, %dma_wait3A_190] : memref<128x128xf32, #tpu.memory_space<vmem>> -> memref<128x128xf32, #tpu.memory_space<vmem>>
        tpu.wait_dma2 semaphore(%run_scoped3A_155 : memref<!tpu.dma_semaphore, #tpu.memory_space<semaphore_mem>>) src(%dma_wait3A_191 : memref<128x128xf32, #tpu.memory_space<vmem>>) dst(%dma_wait3A_184 : memref<128x128xf32, #tpu.memory_space<hbm>>)
        tpu.yield
      }) : () -> ()
      %mul3A_131 = arith.constant 320 : i32
      %mul3A_132 = arith.muli %arg1, %mul3A_131 : i32
      %add3A_133 = arith.constant 128 : i32
      %add3A_134 = arith.addi %mul3A_132, %add3A_133 : i32
      %run_scoped3A_135 = arith.constant 1 : i32
      "tpu.region"() ({
        %run_scoped3A_155 = tpu.sem_alloc : memref<!tpu.dma_semaphore, #tpu.memory_space<semaphore_mem>>
        %dma_start3A_156 = arith.constant 0 : i32
        %dma_start3A_157 = arith.constant 0 : i32
        %dma_start3A_158 = tpu.memref_slice %arg11[%run_scoped3A_135, %dma_start3A_156, %dma_start3A_157] : memref<3x128x128xf32, #tpu.memory_space<vmem>> -> memref<1x128x128xf32, #tpu.memory_space<vmem>>
        %dma_start3A_159 = tpu.memref_squeeze %dma_start3A_158 : memref<1x128x128xf32, #tpu.memory_space<vmem>> -> memref<128x128xf32, #tpu.memory_space<vmem>>
        %dma_start3A_160 = arith.constant 0 : i32
        %dma_start3A_161 = arith.constant 0 : i32
        %dma_start3A_162 = tpu.memref_slice %dma_start3A_159[%dma_start3A_160, %dma_start3A_161] : memref<128x128xf32, #tpu.memory_space<vmem>> -> memref<128x128xf32, #tpu.memory_space<vmem>>
        %dma_start3A_163 = arith.constant 0 : i32
        %dma_start3A_164 = tpu.memref_slice %arg12[%add3A_134, %dma_start3A_163] : memref<5120x128xf32, #tpu.memory_space<vmem_shared>> -> memref<128x128xf32, #tpu.memory_space<vmem_shared>>
        %dma_start3A_165 = arith.constant 0 : i32
        %dma_start3A_166 = arith.constant 0 : i32
        %dma_start3A_167 = tpu.memref_slice %arg11[%run_scoped3A_135, %dma_start3A_165, %dma_start3A_166] : memref<3x128x128xf32, #tpu.memory_space<vmem>> -> memref<1x128x128xf32, #tpu.memory_space<vmem>>
        %dma_start3A_168 = tpu.memref_squeeze %dma_start3A_167 : memref<1x128x128xf32, #tpu.memory_space<vmem>> -> memref<128x128xf32, #tpu.memory_space<vmem>>
        %dma_start3A_169 = arith.constant 0 : i32
        %dma_start3A_170 = arith.constant 0 : i32
        %dma_start3A_171 = tpu.memref_slice %dma_start3A_168[%dma_start3A_169, %dma_start3A_170] : memref<128x128xf32, #tpu.memory_space<vmem>> -> memref<128x128xf32, #tpu.memory_space<vmem>>
        %dma_start3A_172 = arith.constant 0 : i32
        %dma_start3A_173 = tpu.memref_slice %arg12[%add3A_134, %dma_start3A_172] : memref<5120x128xf32, #tpu.memory_space<vmem_shared>> -> memref<128x128xf32, #tpu.memory_space<vmem_shared>>
        tpu.enqueue_dma source(%dma_start3A_173 : memref<128x128xf32, #tpu.memory_space<vmem_shared>>) target(%dma_start3A_171 : memref<128x128xf32, #tpu.memory_space<vmem>>) target_semaphore(%run_scoped3A_155 : memref<!tpu.dma_semaphore, #tpu.memory_space<semaphore_mem>>)
        %dma_wait3A_174 = arith.constant 0 : i32
        %dma_wait3A_175 = arith.constant 0 : i32
        %dma_wait3A_176 = tpu.memref_slice %arg11[%run_scoped3A_135, %dma_wait3A_174, %dma_wait3A_175] : memref<3x128x128xf32, #tpu.memory_space<vmem>> -> memref<1x128x128xf32, #tpu.memory_space<vmem>>
        %dma_wait3A_177 = tpu.memref_squeeze %dma_wait3A_176 : memref<1x128x128xf32, #tpu.memory_space<vmem>> -> memref<128x128xf32, #tpu.memory_space<vmem>>
        %dma_wait3A_178 = arith.constant 0 : i32
        %dma_wait3A_179 = arith.constant 0 : i32
        %dma_wait3A_180 = tpu.memref_slice %dma_wait3A_177[%dma_wait3A_178, %dma_wait3A_179] : memref<128x128xf32, #tpu.memory_space<vmem>> -> memref<128x128xf32, #tpu.memory_space<vmem>>
        %dma_wait3A_181 = arith.constant 0 : i32
        %dma_wait3A_182 = tpu.memref_slice %arg12[%add3A_134, %dma_wait3A_181] : memref<5120x128xf32, #tpu.memory_space<vmem_shared>> -> memref<128x128xf32, #tpu.memory_space<vmem_shared>>
        %dma_wait3A_183 = arith.constant 0 : i32
        %dma_wait3A_184 = arith.constant 0 : i32
        %dma_wait3A_185 = tpu.memref_slice %arg11[%run_scoped3A_135, %dma_wait3A_183, %dma_wait3A_184] : memref<3x128x128xf32, #tpu.memory_space<vmem>> -> memref<1x128x128xf32, #tpu.memory_space<vmem>>
        %dma_wait3A_186 = tpu.memref_squeeze %dma_wait3A_185 : memref<1x128x128xf32, #tpu.memory_space<vmem>> -> memref<128x128xf32, #tpu.memory_space<vmem>>
        %dma_wait3A_187 = arith.constant 0 : i32
        %dma_wait3A_188 = arith.constant 0 : i32
        %dma_wait3A_189 = tpu.memref_slice %dma_wait3A_186[%dma_wait3A_187, %dma_wait3A_188] : memref<128x128xf32, #tpu.memory_space<vmem>> -> memref<128x128xf32, #tpu.memory_space<vmem>>
        %dma_wait3A_190 = arith.constant 0 : i32
        %dma_wait3A_191 = tpu.memref_slice %arg12[%add3A_134, %dma_wait3A_190] : memref<5120x128xf32, #tpu.memory_space<vmem_shared>> -> memref<128x128xf32, #tpu.memory_space<vmem_shared>>
        tpu.wait_dma2 semaphore(%run_scoped3A_155 : memref<!tpu.dma_semaphore, #tpu.memory_space<semaphore_mem>>) src(%dma_wait3A_191 : memref<128x128xf32, #tpu.memory_space<vmem_shared>>) dst(%dma_wait3A_189 : memref<128x128xf32, #tpu.memory_space<vmem>>)
        tpu.yield
      }) : () -> ()
      %mul3A_136 = arith.constant 320 : i32
      %mul3A_137 = arith.muli %arg1, %mul3A_136 : i32
      %add3A_138 = arith.constant 4992 : i32
      %add3A_139 = arith.addi %add3A_138, %mul3A_137 : i32
      %add3A_140 = arith.constant 128 : i32
      %add3A_141 = arith.addi %add3A_139, %add3A_140 : i32
      %run_scoped3A_142 = arith.constant 1 : i32
      "tpu.region"() ({
        %run_scoped3A_155 = tpu.sem_alloc : memref<!tpu.dma_semaphore, #tpu.memory_space<semaphore_mem>>
        %dma_start3A_156 = arith.constant 0 : i32
        %dma_start3A_157 = arith.constant 0 : i32
        %dma_start3A_158 = tpu.memref_slice %arg11[%run_scoped3A_142, %dma_start3A_156, %dma_start3A_157] : memref<3x128x128xf32, #tpu.memory_space<vmem>> -> memref<1x128x128xf32, #tpu.memory_space<vmem>>
        %dma_start3A_159 = tpu.memref_squeeze %dma_start3A_158 : memref<1x128x128xf32, #tpu.memory_space<vmem>> -> memref<128x128xf32, #tpu.memory_space<vmem>>
        %dma_start3A_160 = arith.constant 0 : i32
        %dma_start3A_161 = arith.constant 0 : i32
        %dma_start3A_162 = tpu.memref_slice %dma_start3A_159[%dma_start3A_160, %dma_start3A_161] : memref<128x128xf32, #tpu.memory_space<vmem>> -> memref<128x128xf32, #tpu.memory_space<vmem>>
        %dma_start3A_163 = arith.constant 0 : i32
        %dma_start3A_164 = tpu.memref_slice %arg7[%add3A_141, %dma_start3A_163] : memref<10112x128xf32, #tpu.memory_space<hbm>> -> memref<128x128xf32, #tpu.memory_space<hbm>>
        %dma_start3A_165 = arith.constant 0 : i32
        %dma_start3A_166 = tpu.memref_slice %arg7[%add3A_141, %dma_start3A_165] : memref<10112x128xf32, #tpu.memory_space<hbm>> -> memref<128x128xf32, #tpu.memory_space<hbm>>
        %dma_start3A_167 = arith.constant 0 : i32
        %dma_start3A_168 = arith.constant 0 : i32
        %dma_start3A_169 = tpu.memref_slice %arg11[%run_scoped3A_142, %dma_start3A_167, %dma_start3A_168] : memref<3x128x128xf32, #tpu.memory_space<vmem>> -> memref<1x128x128xf32, #tpu.memory_space<vmem>>
        %dma_start3A_170 = tpu.memref_squeeze %dma_start3A_169 : memref<1x128x128xf32, #tpu.memory_space<vmem>> -> memref<128x128xf32, #tpu.memory_space<vmem>>
        %dma_start3A_171 = arith.constant 0 : i32
        %dma_start3A_172 = arith.constant 0 : i32
        %dma_start3A_173 = tpu.memref_slice %dma_start3A_170[%dma_start3A_171, %dma_start3A_172] : memref<128x128xf32, #tpu.memory_space<vmem>> -> memref<128x128xf32, #tpu.memory_space<vmem>>
        tpu.enqueue_dma source(%dma_start3A_173 : memref<128x128xf32, #tpu.memory_space<vmem>>) target(%dma_start3A_166 : memref<128x128xf32, #tpu.memory_space<hbm>>) target_semaphore(%run_scoped3A_155 : memref<!tpu.dma_semaphore, #tpu.memory_space<semaphore_mem>>)
        %dma_wait3A_174 = arith.constant 0 : i32
        %dma_wait3A_175 = arith.constant 0 : i32
        %dma_wait3A_176 = tpu.memref_slice %arg11[%run_scoped3A_142, %dma_wait3A_174, %dma_wait3A_175] : memref<3x128x128xf32, #tpu.memory_space<vmem>> -> memref<1x128x128xf32, #tpu.memory_space<vmem>>
        %dma_wait3A_177 = tpu.memref_squeeze %dma_wait3A_176 : memref<1x128x128xf32, #tpu.memory_space<vmem>> -> memref<128x128xf32, #tpu.memory_space<vmem>>
        %dma_wait3A_178 = arith.constant 0 : i32
        %dma_wait3A_179 = arith.constant 0 : i32
        %dma_wait3A_180 = tpu.memref_slice %dma_wait3A_177[%dma_wait3A_178, %dma_wait3A_179] : memref<128x128xf32, #tpu.memory_space<vmem>> -> memref<128x128xf32, #tpu.memory_space<vmem>>
        %dma_wait3A_181 = arith.constant 0 : i32
        %dma_wait3A_182 = tpu.memref_slice %arg7[%add3A_141, %dma_wait3A_181] : memref<10112x128xf32, #tpu.memory_space<hbm>> -> memref<128x128xf32, #tpu.memory_space<hbm>>
        %dma_wait3A_183 = arith.constant 0 : i32
        %dma_wait3A_184 = tpu.memref_slice %arg7[%add3A_141, %dma_wait3A_183] : memref<10112x128xf32, #tpu.memory_space<hbm>> -> memref<128x128xf32, #tpu.memory_space<hbm>>
        %dma_wait3A_185 = arith.constant 0 : i32
        %dma_wait3A_186 = arith.constant 0 : i32
        %dma_wait3A_187 = tpu.memref_slice %arg11[%run_scoped3A_142, %dma_wait3A_185, %dma_wait3A_186] : memref<3x128x128xf32, #tpu.memory_space<vmem>> -> memref<1x128x128xf32, #tpu.memory_space<vmem>>
        %dma_wait3A_188 = tpu.memref_squeeze %dma_wait3A_187 : memref<1x128x128xf32, #tpu.memory_space<vmem>> -> memref<128x128xf32, #tpu.memory_space<vmem>>
        %dma_wait3A_189 = arith.constant 0 : i32
        %dma_wait3A_190 = arith.constant 0 : i32
        %dma_wait3A_191 = tpu.memref_slice %dma_wait3A_188[%dma_wait3A_189, %dma_wait3A_190] : memref<128x128xf32, #tpu.memory_space<vmem>> -> memref<128x128xf32, #tpu.memory_space<vmem>>
        tpu.wait_dma2 semaphore(%run_scoped3A_155 : memref<!tpu.dma_semaphore, #tpu.memory_space<semaphore_mem>>) src(%dma_wait3A_191 : memref<128x128xf32, #tpu.memory_space<vmem>>) dst(%dma_wait3A_184 : memref<128x128xf32, #tpu.memory_space<hbm>>)
        tpu.yield
      }) : () -> ()
      %mul3A_143 = arith.constant 320 : i32
      %mul3A_144 = arith.muli %arg1, %mul3A_143 : i32
      %add3A_145 = arith.constant 256 : i32
      %add3A_146 = arith.addi %mul3A_144, %add3A_145 : i32
      %run_scoped3A_147 = arith.constant 2 : i32
      "tpu.region"() ({
        %run_scoped3A_155 = tpu.sem_alloc : memref<!tpu.dma_semaphore, #tpu.memory_space<semaphore_mem>>
        %dma_start3A_156 = arith.constant 0 : i32
        %dma_start3A_157 = arith.constant 0 : i32
        %dma_start3A_158 = tpu.memref_slice %arg11[%run_scoped3A_147, %dma_start3A_156, %dma_start3A_157] : memref<3x128x128xf32, #tpu.memory_space<vmem>> -> memref<1x128x128xf32, #tpu.memory_space<vmem>>
        %dma_start3A_159 = tpu.memref_squeeze %dma_start3A_158 : memref<1x128x128xf32, #tpu.memory_space<vmem>> -> memref<128x128xf32, #tpu.memory_space<vmem>>
        %dma_start3A_160 = arith.constant 0 : i32
        %dma_start3A_161 = arith.constant 0 : i32
        %dma_start3A_162 = tpu.memref_slice %dma_start3A_159[%dma_start3A_160, %dma_start3A_161] : memref<128x128xf32, #tpu.memory_space<vmem>> -> memref<64x128xf32, #tpu.memory_space<vmem>>
        %dma_start3A_163 = arith.constant 0 : i32
        %dma_start3A_164 = tpu.memref_slice %arg12[%add3A_146, %dma_start3A_163] : memref<5120x128xf32, #tpu.memory_space<vmem_shared>> -> memref<64x128xf32, #tpu.memory_space<vmem_shared>>
        %dma_start3A_165 = arith.constant 0 : i32
        %dma_start3A_166 = arith.constant 0 : i32
        %dma_start3A_167 = tpu.memref_slice %arg11[%run_scoped3A_147, %dma_start3A_165, %dma_start3A_166] : memref<3x128x128xf32, #tpu.memory_space<vmem>> -> memref<1x128x128xf32, #tpu.memory_space<vmem>>
        %dma_start3A_168 = tpu.memref_squeeze %dma_start3A_167 : memref<1x128x128xf32, #tpu.memory_space<vmem>> -> memref<128x128xf32, #tpu.memory_space<vmem>>
        %dma_start3A_169 = arith.constant 0 : i32
        %dma_start3A_170 = arith.constant 0 : i32
        %dma_start3A_171 = tpu.memref_slice %dma_start3A_168[%dma_start3A_169, %dma_start3A_170] : memref<128x128xf32, #tpu.memory_space<vmem>> -> memref<64x128xf32, #tpu.memory_space<vmem>>
        %dma_start3A_172 = arith.constant 0 : i32
        %dma_start3A_173 = tpu.memref_slice %arg12[%add3A_146, %dma_start3A_172] : memref<5120x128xf32, #tpu.memory_space<vmem_shared>> -> memref<64x128xf32, #tpu.memory_space<vmem_shared>>
        tpu.enqueue_dma source(%dma_start3A_173 : memref<64x128xf32, #tpu.memory_space<vmem_shared>>) target(%dma_start3A_171 : memref<64x128xf32, #tpu.memory_space<vmem>>) target_semaphore(%run_scoped3A_155 : memref<!tpu.dma_semaphore, #tpu.memory_space<semaphore_mem>>)
        %dma_wait3A_174 = arith.constant 0 : i32
        %dma_wait3A_175 = arith.constant 0 : i32
        %dma_wait3A_176 = tpu.memref_slice %arg11[%run_scoped3A_147, %dma_wait3A_174, %dma_wait3A_175] : memref<3x128x128xf32, #tpu.memory_space<vmem>> -> memref<1x128x128xf32, #tpu.memory_space<vmem>>
        %dma_wait3A_177 = tpu.memref_squeeze %dma_wait3A_176 : memref<1x128x128xf32, #tpu.memory_space<vmem>> -> memref<128x128xf32, #tpu.memory_space<vmem>>
        %dma_wait3A_178 = arith.constant 0 : i32
        %dma_wait3A_179 = arith.constant 0 : i32
        %dma_wait3A_180 = tpu.memref_slice %dma_wait3A_177[%dma_wait3A_178, %dma_wait3A_179] : memref<128x128xf32, #tpu.memory_space<vmem>> -> memref<64x128xf32, #tpu.memory_space<vmem>>
        %dma_wait3A_181 = arith.constant 0 : i32
        %dma_wait3A_182 = tpu.memref_slice %arg12[%add3A_146, %dma_wait3A_181] : memref<5120x128xf32, #tpu.memory_space<vmem_shared>> -> memref<64x128xf32, #tpu.memory_space<vmem_shared>>
        %dma_wait3A_183 = arith.constant 0 : i32
        %dma_wait3A_184 = arith.constant 0 : i32
        %dma_wait3A_185 = tpu.memref_slice %arg11[%run_scoped3A_147, %dma_wait3A_183, %dma_wait3A_184] : memref<3x128x128xf32, #tpu.memory_space<vmem>> -> memref<1x128x128xf32, #tpu.memory_space<vmem>>
        %dma_wait3A_186 = tpu.memref_squeeze %dma_wait3A_185 : memref<1x128x128xf32, #tpu.memory_space<vmem>> -> memref<128x128xf32, #tpu.memory_space<vmem>>
        %dma_wait3A_187 = arith.constant 0 : i32
        %dma_wait3A_188 = arith.constant 0 : i32
        %dma_wait3A_189 = tpu.memref_slice %dma_wait3A_186[%dma_wait3A_187, %dma_wait3A_188] : memref<128x128xf32, #tpu.memory_space<vmem>> -> memref<64x128xf32, #tpu.memory_space<vmem>>
        %dma_wait3A_190 = arith.constant 0 : i32
        %dma_wait3A_191 = tpu.memref_slice %arg12[%add3A_146, %dma_wait3A_190] : memref<5120x128xf32, #tpu.memory_space<vmem_shared>> -> memref<64x128xf32, #tpu.memory_space<vmem_shared>>
        tpu.wait_dma2 semaphore(%run_scoped3A_155 : memref<!tpu.dma_semaphore, #tpu.memory_space<semaphore_mem>>) src(%dma_wait3A_191 : memref<64x128xf32, #tpu.memory_space<vmem_shared>>) dst(%dma_wait3A_189 : memref<64x128xf32, #tpu.memory_space<vmem>>)
        tpu.yield
      }) : () -> ()
      %mul3A_148 = arith.constant 320 : i32
      %mul3A_149 = arith.muli %arg1, %mul3A_148 : i32
      %add3A_150 = arith.constant 4992 : i32
      %add3A_151 = arith.addi %add3A_150, %mul3A_149 : i32
      %add3A_152 = arith.constant 256 : i32
      %add3A_153 = arith.addi %add3A_151, %add3A_152 : i32
      %run_scoped3A_154 = arith.constant 2 : i32
      "tpu.region"() ({
        %run_scoped3A_155 = tpu.sem_alloc : memref<!tpu.dma_semaphore, #tpu.memory_space<semaphore_mem>>
        %dma_start3A_156 = arith.constant 0 : i32
        %dma_start3A_157 = arith.constant 0 : i32
        %dma_start3A_158 = tpu.memref_slice %arg11[%run_scoped3A_154, %dma_start3A_156, %dma_start3A_157] : memref<3x128x128xf32, #tpu.memory_space<vmem>> -> memref<1x128x128xf32, #tpu.memory_space<vmem>>
        %dma_start3A_159 = tpu.memref_squeeze %dma_start3A_158 : memref<1x128x128xf32, #tpu.memory_space<vmem>> -> memref<128x128xf32, #tpu.memory_space<vmem>>
        %dma_start3A_160 = arith.constant 0 : i32
        %dma_start3A_161 = arith.constant 0 : i32
        %dma_start3A_162 = tpu.memref_slice %dma_start3A_159[%dma_start3A_160, %dma_start3A_161] : memref<128x128xf32, #tpu.memory_space<vmem>> -> memref<64x128xf32, #tpu.memory_space<vmem>>
        %dma_start3A_163 = arith.constant 0 : i32
        %dma_start3A_164 = tpu.memref_slice %arg7[%add3A_153, %dma_start3A_163] : memref<10112x128xf32, #tpu.memory_space<hbm>> -> memref<64x128xf32, #tpu.memory_space<hbm>>
        %dma_start3A_165 = arith.constant 0 : i32
        %dma_start3A_166 = tpu.memref_slice %arg7[%add3A_153, %dma_start3A_165] : memref<10112x128xf32, #tpu.memory_space<hbm>> -> memref<64x128xf32, #tpu.memory_space<hbm>>
        %dma_start3A_167 = arith.constant 0 : i32
        %dma_start3A_168 = arith.constant 0 : i32
        %dma_start3A_169 = tpu.memref_slice %arg11[%run_scoped3A_154, %dma_start3A_167, %dma_start3A_168] : memref<3x128x128xf32, #tpu.memory_space<vmem>> -> memref<1x128x128xf32, #tpu.memory_space<vmem>>
        %dma_start3A_170 = tpu.memref_squeeze %dma_start3A_169 : memref<1x128x128xf32, #tpu.memory_space<vmem>> -> memref<128x128xf32, #tpu.memory_space<vmem>>
        %dma_start3A_171 = arith.constant 0 : i32
        %dma_start3A_172 = arith.constant 0 : i32
        %dma_start3A_173 = tpu.memref_slice %dma_start3A_170[%dma_start3A_171, %dma_start3A_172] : memref<128x128xf32, #tpu.memory_space<vmem>> -> memref<64x128xf32, #tpu.memory_space<vmem>>
        tpu.enqueue_dma source(%dma_start3A_173 : memref<64x128xf32, #tpu.memory_space<vmem>>) target(%dma_start3A_166 : memref<64x128xf32, #tpu.memory_space<hbm>>) target_semaphore(%run_scoped3A_155 : memref<!tpu.dma_semaphore, #tpu.memory_space<semaphore_mem>>)
        %dma_wait3A_174 = arith.constant 0 : i32
        %dma_wait3A_175 = arith.constant 0 : i32
        %dma_wait3A_176 = tpu.memref_slice %arg11[%run_scoped3A_154, %dma_wait3A_174, %dma_wait3A_175] : memref<3x128x128xf32, #tpu.memory_space<vmem>> -> memref<1x128x128xf32, #tpu.memory_space<vmem>>
        %dma_wait3A_177 = tpu.memref_squeeze %dma_wait3A_176 : memref<1x128x128xf32, #tpu.memory_space<vmem>> -> memref<128x128xf32, #tpu.memory_space<vmem>>
        %dma_wait3A_178 = arith.constant 0 : i32
        %dma_wait3A_179 = arith.constant 0 : i32
        %dma_wait3A_180 = tpu.memref_slice %dma_wait3A_177[%dma_wait3A_178, %dma_wait3A_179] : memref<128x128xf32, #tpu.memory_space<vmem>> -> memref<64x128xf32, #tpu.memory_space<vmem>>
        %dma_wait3A_181 = arith.constant 0 : i32
        %dma_wait3A_182 = tpu.memref_slice %arg7[%add3A_153, %dma_wait3A_181] : memref<10112x128xf32, #tpu.memory_space<hbm>> -> memref<64x128xf32, #tpu.memory_space<hbm>>
        %dma_wait3A_183 = arith.constant 0 : i32
        %dma_wait3A_184 = tpu.memref_slice %arg7[%add3A_153, %dma_wait3A_183] : memref<10112x128xf32, #tpu.memory_space<hbm>> -> memref<64x128xf32, #tpu.memory_space<hbm>>
        %dma_wait3A_185 = arith.constant 0 : i32
        %dma_wait3A_186 = arith.constant 0 : i32
        %dma_wait3A_187 = tpu.memref_slice %arg11[%run_scoped3A_154, %dma_wait3A_185, %dma_wait3A_186] : memref<3x128x128xf32, #tpu.memory_space<vmem>> -> memref<1x128x128xf32, #tpu.memory_space<vmem>>
        %dma_wait3A_188 = tpu.memref_squeeze %dma_wait3A_187 : memref<1x128x128xf32, #tpu.memory_space<vmem>> -> memref<128x128xf32, #tpu.memory_space<vmem>>
        %dma_wait3A_189 = arith.constant 0 : i32
        %dma_wait3A_190 = arith.constant 0 : i32
        %dma_wait3A_191 = tpu.memref_slice %dma_wait3A_188[%dma_wait3A_189, %dma_wait3A_190] : memref<128x128xf32, #tpu.memory_space<vmem>> -> memref<64x128xf32, #tpu.memory_space<vmem>>
        tpu.wait_dma2 semaphore(%run_scoped3A_155 : memref<!tpu.dma_semaphore, #tpu.memory_space<semaphore_mem>>) src(%dma_wait3A_191 : memref<64x128xf32, #tpu.memory_space<vmem>>) dst(%dma_wait3A_184 : memref<64x128xf32, #tpu.memory_space<hbm>>)
        tpu.yield
      }) : () -> ()
    } else {
    }
    %barrier3A_54 = arith.constant 0 : index
    tpu.barrier barrier_id(%barrier3A_54)
    %run_scoped3A_55 = arith.constant 0 : i32
    "tpu.region"() ({
      %run_scoped3A_119 = tpu.sem_alloc : memref<!tpu.dma_semaphore, #tpu.memory_space<semaphore_mem>>
      %dma_start3A_120 = arith.constant 0 : i32
      %dma_start3A_121 = arith.constant 0 : i32
      %dma_start3A_122 = tpu.memref_slice %arg11[%run_scoped3A_55, %dma_start3A_120, %dma_start3A_121] : memref<3x128x128xf32, #tpu.memory_space<vmem>> -> memref<1x128x128xf32, #tpu.memory_space<vmem>>
      %dma_start3A_123 = tpu.memref_squeeze %dma_start3A_122 : memref<1x128x128xf32, #tpu.memory_space<vmem>> -> memref<128x128xf32, #tpu.memory_space<vmem>>
      %dma_start3A_124 = arith.constant 0 : i32
      %dma_start3A_125 = arith.constant 0 : i32
      %dma_start3A_126 = tpu.memref_slice %arg11[%run_scoped3A_55, %dma_start3A_124, %dma_start3A_125] : memref<3x128x128xf32, #tpu.memory_space<vmem>> -> memref<1x128x128xf32, #tpu.memory_space<vmem>>
      %dma_start3A_127 = tpu.memref_squeeze %dma_start3A_126 : memref<1x128x128xf32, #tpu.memory_space<vmem>> -> memref<128x128xf32, #tpu.memory_space<vmem>>
      tpu.enqueue_dma source(%arg6 : memref<128x128xf32, #tpu.memory_space<hbm>>) target(%dma_start3A_127 : memref<128x128xf32, #tpu.memory_space<vmem>>) target_semaphore(%run_scoped3A_119 : memref<!tpu.dma_semaphore, #tpu.memory_space<semaphore_mem>>)
      %dma_wait3A_128 = arith.constant 0 : i32
      %dma_wait3A_129 = arith.constant 0 : i32
      %dma_wait3A_130 = tpu.memref_slice %arg11[%run_scoped3A_55, %dma_wait3A_128, %dma_wait3A_129] : memref<3x128x128xf32, #tpu.memory_space<vmem>> -> memref<1x128x128xf32, #tpu.memory_space<vmem>>
      %dma_wait3A_131 = tpu.memref_squeeze %dma_wait3A_130 : memref<1x128x128xf32, #tpu.memory_space<vmem>> -> memref<128x128xf32, #tpu.memory_space<vmem>>
      %dma_wait3A_132 = arith.constant 0 : i32
      %dma_wait3A_133 = arith.constant 0 : i32
      %dma_wait3A_134 = tpu.memref_slice %arg11[%run_scoped3A_55, %dma_wait3A_132, %dma_wait3A_133] : memref<3x128x128xf32, #tpu.memory_space<vmem>> -> memref<1x128x128xf32, #tpu.memory_space<vmem>>
      %dma_wait3A_135 = tpu.memref_squeeze %dma_wait3A_134 : memref<1x128x128xf32, #tpu.memory_space<vmem>> -> memref<128x128xf32, #tpu.memory_space<vmem>>
      tpu.wait_dma2 semaphore(%run_scoped3A_119 : memref<!tpu.dma_semaphore, #tpu.memory_space<semaphore_mem>>) src(%arg6 : memref<128x128xf32, #tpu.memory_space<hbm>>) dst(%dma_wait3A_135 : memref<128x128xf32, #tpu.memory_space<vmem>>)
      tpu.yield
    }) : () -> ()
    %mul3A_56 = arith.constant 320 : i32
    %mul3A_57 = arith.muli %arg1, %mul3A_56 : i32
    %run_scoped3A_58 = arith.constant 0 : i32
    "tpu.region"() ({
      %run_scoped3A_119 = tpu.sem_alloc : memref<!tpu.dma_semaphore, #tpu.memory_space<semaphore_mem>>
      %dma_start3A_120 = arith.constant 0 : i32
      %dma_start3A_121 = arith.constant 0 : i32
      %dma_start3A_122 = tpu.memref_slice %arg11[%run_scoped3A_58, %dma_start3A_120, %dma_start3A_121] : memref<3x128x128xf32, #tpu.memory_space<vmem>> -> memref<1x128x128xf32, #tpu.memory_space<vmem>>
      %dma_start3A_123 = tpu.memref_squeeze %dma_start3A_122 : memref<1x128x128xf32, #tpu.memory_space<vmem>> -> memref<128x128xf32, #tpu.memory_space<vmem>>
      %dma_start3A_124 = arith.constant 0 : i32
      %dma_start3A_125 = tpu.memref_slice %arg12[%mul3A_57, %dma_start3A_124] : memref<5120x128xf32, #tpu.memory_space<vmem_shared>> -> memref<128x128xf32, #tpu.memory_space<vmem_shared>>
      %dma_start3A_126 = arith.constant 0 : i32
      %dma_start3A_127 = tpu.memref_slice %arg12[%mul3A_57, %dma_start3A_126] : memref<5120x128xf32, #tpu.memory_space<vmem_shared>> -> memref<128x128xf32, #tpu.memory_space<vmem_shared>>
      %dma_start3A_128 = arith.constant 0 : i32
      %dma_start3A_129 = arith.constant 0 : i32
      %dma_start3A_130 = tpu.memref_slice %arg11[%run_scoped3A_58, %dma_start3A_128, %dma_start3A_129] : memref<3x128x128xf32, #tpu.memory_space<vmem>> -> memref<1x128x128xf32, #tpu.memory_space<vmem>>
      %dma_start3A_131 = tpu.memref_squeeze %dma_start3A_130 : memref<1x128x128xf32, #tpu.memory_space<vmem>> -> memref<128x128xf32, #tpu.memory_space<vmem>>
      tpu.enqueue_dma source(%dma_start3A_131 : memref<128x128xf32, #tpu.memory_space<vmem>>) target(%dma_start3A_127 : memref<128x128xf32, #tpu.memory_space<vmem_shared>>) target_semaphore(%run_scoped3A_119 : memref<!tpu.dma_semaphore, #tpu.memory_space<semaphore_mem>>)
      %dma_wait3A_132 = arith.constant 0 : i32
      %dma_wait3A_133 = arith.constant 0 : i32
      %dma_wait3A_134 = tpu.memref_slice %arg11[%run_scoped3A_58, %dma_wait3A_132, %dma_wait3A_133] : memref<3x128x128xf32, #tpu.memory_space<vmem>> -> memref<1x128x128xf32, #tpu.memory_space<vmem>>
      %dma_wait3A_135 = tpu.memref_squeeze %dma_wait3A_134 : memref<1x128x128xf32, #tpu.memory_space<vmem>> -> memref<128x128xf32, #tpu.memory_space<vmem>>
      %dma_wait3A_136 = arith.constant 0 : i32
      %dma_wait3A_137 = tpu.memref_slice %arg12[%mul3A_57, %dma_wait3A_136] : memref<5120x128xf32, #tpu.memory_space<vmem_shared>> -> memref<128x128xf32, #tpu.memory_space<vmem_shared>>
      %dma_wait3A_138 = arith.constant 0 : i32
      %dma_wait3A_139 = tpu.memref_slice %arg12[%mul3A_57, %dma_wait3A_138] : memref<5120x128xf32, #tpu.memory_space<vmem_shared>> -> memref<128x128xf32, #tpu.memory_space<vmem_shared>>
      %dma_wait3A_140 = arith.constant 0 : i32
      %dma_wait3A_141 = arith.constant 0 : i32
      %dma_wait3A_142 = tpu.memref_slice %arg11[%run_scoped3A_58, %dma_wait3A_140, %dma_wait3A_141] : memref<3x128x128xf32, #tpu.memory_space<vmem>> -> memref<1x128x128xf32, #tpu.memory_space<vmem>>
      %dma_wait3A_143 = tpu.memref_squeeze %dma_wait3A_142 : memref<1x128x128xf32, #tpu.memory_space<vmem>> -> memref<128x128xf32, #tpu.memory_space<vmem>>
      tpu.wait_dma2 semaphore(%run_scoped3A_119 : memref<!tpu.dma_semaphore, #tpu.memory_space<semaphore_mem>>) src(%dma_wait3A_143 : memref<128x128xf32, #tpu.memory_space<vmem>>) dst(%dma_wait3A_139 : memref<128x128xf32, #tpu.memory_space<vmem_shared>>)
      tpu.yield
    }) : () -> ()
    %add3A_59 = arith.constant 128 : i32
    %add3A_60 = arith.addi %mul3A_57, %add3A_59 : i32
    %run_scoped3A_61 = arith.constant 0 : i32
    "tpu.region"() ({
      %run_scoped3A_119 = tpu.sem_alloc : memref<!tpu.dma_semaphore, #tpu.memory_space<semaphore_mem>>
      %dma_start3A_120 = arith.constant 0 : i32
      %dma_start3A_121 = arith.constant 0 : i32
      %dma_start3A_122 = tpu.memref_slice %arg11[%run_scoped3A_61, %dma_start3A_120, %dma_start3A_121] : memref<3x128x128xf32, #tpu.memory_space<vmem>> -> memref<1x128x128xf32, #tpu.memory_space<vmem>>
      %dma_start3A_123 = tpu.memref_squeeze %dma_start3A_122 : memref<1x128x128xf32, #tpu.memory_space<vmem>> -> memref<128x128xf32, #tpu.memory_space<vmem>>
      %dma_start3A_124 = arith.constant 0 : i32
      %dma_start3A_125 = tpu.memref_slice %arg12[%add3A_60, %dma_start3A_124] : memref<5120x128xf32, #tpu.memory_space<vmem_shared>> -> memref<128x128xf32, #tpu.memory_space<vmem_shared>>
      %dma_start3A_126 = arith.constant 0 : i32
      %dma_start3A_127 = tpu.memref_slice %arg12[%add3A_60, %dma_start3A_126] : memref<5120x128xf32, #tpu.memory_space<vmem_shared>> -> memref<128x128xf32, #tpu.memory_space<vmem_shared>>
      %dma_start3A_128 = arith.constant 0 : i32
      %dma_start3A_129 = arith.constant 0 : i32
      %dma_start3A_130 = tpu.memref_slice %arg11[%run_scoped3A_61, %dma_start3A_128, %dma_start3A_129] : memref<3x128x128xf32, #tpu.memory_space<vmem>> -> memref<1x128x128xf32, #tpu.memory_space<vmem>>
      %dma_start3A_131 = tpu.memref_squeeze %dma_start3A_130 : memref<1x128x128xf32, #tpu.memory_space<vmem>> -> memref<128x128xf32, #tpu.memory_space<vmem>>
      tpu.enqueue_dma source(%dma_start3A_131 : memref<128x128xf32, #tpu.memory_space<vmem>>) target(%dma_start3A_127 : memref<128x128xf32, #tpu.memory_space<vmem_shared>>) target_semaphore(%run_scoped3A_119 : memref<!tpu.dma_semaphore, #tpu.memory_space<semaphore_mem>>)
      %dma_wait3A_132 = arith.constant 0 : i32
      %dma_wait3A_133 = arith.constant 0 : i32
      %dma_wait3A_134 = tpu.memref_slice %arg11[%run_scoped3A_61, %dma_wait3A_132, %dma_wait3A_133] : memref<3x128x128xf32, #tpu.memory_space<vmem>> -> memref<1x128x128xf32, #tpu.memory_space<vmem>>
      %dma_wait3A_135 = tpu.memref_squeeze %dma_wait3A_134 : memref<1x128x128xf32, #tpu.memory_space<vmem>> -> memref<128x128xf32, #tpu.memory_space<vmem>>
      %dma_wait3A_136 = arith.constant 0 : i32
      %dma_wait3A_137 = tpu.memref_slice %arg12[%add3A_60, %dma_wait3A_136] : memref<5120x128xf32, #tpu.memory_space<vmem_shared>> -> memref<128x128xf32, #tpu.memory_space<vmem_shared>>
      %dma_wait3A_138 = arith.constant 0 : i32
      %dma_wait3A_139 = tpu.memref_slice %arg12[%add3A_60, %dma_wait3A_138] : memref<5120x128xf32, #tpu.memory_space<vmem_shared>> -> memref<128x128xf32, #tpu.memory_space<vmem_shared>>
      %dma_wait3A_140 = arith.constant 0 : i32
      %dma_wait3A_141 = arith.constant 0 : i32
      %dma_wait3A_142 = tpu.memref_slice %arg11[%run_scoped3A_61, %dma_wait3A_140, %dma_wait3A_141] : memref<3x128x128xf32, #tpu.memory_space<vmem>> -> memref<1x128x128xf32, #tpu.memory_space<vmem>>
      %dma_wait3A_143 = tpu.memref_squeeze %dma_wait3A_142 : memref<1x128x128xf32, #tpu.memory_space<vmem>> -> memref<128x128xf32, #tpu.memory_space<vmem>>
      tpu.wait_dma2 semaphore(%run_scoped3A_119 : memref<!tpu.dma_semaphore, #tpu.memory_space<semaphore_mem>>) src(%dma_wait3A_143 : memref<128x128xf32, #tpu.memory_space<vmem>>) dst(%dma_wait3A_139 : memref<128x128xf32, #tpu.memory_space<vmem_shared>>)
      tpu.yield
    }) : () -> ()
    %add3A_62 = arith.constant 256 : i32
    %add3A_63 = arith.addi %mul3A_57, %add3A_62 : i32
    %run_scoped3A_64 = arith.constant 0 : i32
    "tpu.region"() ({
      %run_scoped3A_119 = tpu.sem_alloc : memref<!tpu.dma_semaphore, #tpu.memory_space<semaphore_mem>>
      %dma_start3A_120 = arith.constant 0 : i32
      %dma_start3A_121 = arith.constant 0 : i32
      %dma_start3A_122 = tpu.memref_slice %arg11[%run_scoped3A_64, %dma_start3A_120, %dma_start3A_121] : memref<3x128x128xf32, #tpu.memory_space<vmem>> -> memref<1x128x128xf32, #tpu.memory_space<vmem>>
      %dma_start3A_123 = tpu.memref_squeeze %dma_start3A_122 : memref<1x128x128xf32, #tpu.memory_space<vmem>> -> memref<128x128xf32, #tpu.memory_space<vmem>>
      %dma_start3A_124 = arith.constant 0 : i32
      %dma_start3A_125 = arith.constant 0 : i32
      %dma_start3A_126 = tpu.memref_slice %dma_start3A_123[%dma_start3A_124, %dma_start3A_125] : memref<128x128xf32, #tpu.memory_space<vmem>> -> memref<64x128xf32, #tpu.memory_space<vmem>>
      %dma_start3A_127 = arith.constant 0 : i32
      %dma_start3A_128 = tpu.memref_slice %arg12[%add3A_63, %dma_start3A_127] : memref<5120x128xf32, #tpu.memory_space<vmem_shared>> -> memref<64x128xf32, #tpu.memory_space<vmem_shared>>
      %dma_start3A_129 = arith.constant 0 : i32
      %dma_start3A_130 = tpu.memref_slice %arg12[%add3A_63, %dma_start3A_129] : memref<5120x128xf32, #tpu.memory_space<vmem_shared>> -> memref<64x128xf32, #tpu.memory_space<vmem_shared>>
      %dma_start3A_131 = arith.constant 0 : i32
      %dma_start3A_132 = arith.constant 0 : i32
      %dma_start3A_133 = tpu.memref_slice %arg11[%run_scoped3A_64, %dma_start3A_131, %dma_start3A_132] : memref<3x128x128xf32, #tpu.memory_space<vmem>> -> memref<1x128x128xf32, #tpu.memory_space<vmem>>
      %dma_start3A_134 = tpu.memref_squeeze %dma_start3A_133 : memref<1x128x128xf32, #tpu.memory_space<vmem>> -> memref<128x128xf32, #tpu.memory_space<vmem>>
      %dma_start3A_135 = arith.constant 0 : i32
      %dma_start3A_136 = arith.constant 0 : i32
      %dma_start3A_137 = tpu.memref_slice %dma_start3A_134[%dma_start3A_135, %dma_start3A_136] : memref<128x128xf32, #tpu.memory_space<vmem>> -> memref<64x128xf32, #tpu.memory_space<vmem>>
      tpu.enqueue_dma source(%dma_start3A_137 : memref<64x128xf32, #tpu.memory_space<vmem>>) target(%dma_start3A_130 : memref<64x128xf32, #tpu.memory_space<vmem_shared>>) target_semaphore(%run_scoped3A_119 : memref<!tpu.dma_semaphore, #tpu.memory_space<semaphore_mem>>)
      %dma_wait3A_138 = arith.constant 0 : i32
      %dma_wait3A_139 = arith.constant 0 : i32
      %dma_wait3A_140 = tpu.memref_slice %arg11[%run_scoped3A_64, %dma_wait3A_138, %dma_wait3A_139] : memref<3x128x128xf32, #tpu.memory_space<vmem>> -> memref<1x128x128xf32, #tpu.memory_space<vmem>>
      %dma_wait3A_141 = tpu.memref_squeeze %dma_wait3A_140 : memref<1x128x128xf32, #tpu.memory_space<vmem>> -> memref<128x128xf32, #tpu.memory_space<vmem>>
      %dma_wait3A_142 = arith.constant 0 : i32
      %dma_wait3A_143 = arith.constant 0 : i32
      %dma_wait3A_144 = tpu.memref_slice %dma_wait3A_141[%dma_wait3A_142, %dma_wait3A_143] : memref<128x128xf32, #tpu.memory_space<vmem>> -> memref<64x128xf32, #tpu.memory_space<vmem>>
      %dma_wait3A_145 = arith.constant 0 : i32
      %dma_wait3A_146 = tpu.memref_slice %arg12[%add3A_63, %dma_wait3A_145] : memref<5120x128xf32, #tpu.memory_space<vmem_shared>> -> memref<64x128xf32, #tpu.memory_space<vmem_shared>>
      %dma_wait3A_147 = arith.constant 0 : i32
      %dma_wait3A_148 = tpu.memref_slice %arg12[%add3A_63, %dma_wait3A_147] : memref<5120x128xf32, #tpu.memory_space<vmem_shared>> -> memref<64x128xf32, #tpu.memory_space<vmem_shared>>
      %dma_wait3A_149 = arith.constant 0 : i32
      %dma_wait3A_150 = arith.constant 0 : i32
      %dma_wait3A_151 = tpu.memref_slice %arg11[%run_scoped3A_64, %dma_wait3A_149, %dma_wait3A_150] : memref<3x128x128xf32, #tpu.memory_space<vmem>> -> memref<1x128x128xf32, #tpu.memory_space<vmem>>
      %dma_wait3A_152 = tpu.memref_squeeze %dma_wait3A_151 : memref<1x128x128xf32, #tpu.memory_space<vmem>> -> memref<128x128xf32, #tpu.memory_space<vmem>>
      %dma_wait3A_153 = arith.constant 0 : i32
      %dma_wait3A_154 = arith.constant 0 : i32
      %dma_wait3A_155 = tpu.memref_slice %dma_wait3A_152[%dma_wait3A_153, %dma_wait3A_154] : memref<128x128xf32, #tpu.memory_space<vmem>> -> memref<64x128xf32, #tpu.memory_space<vmem>>
      tpu.wait_dma2 semaphore(%run_scoped3A_119 : memref<!tpu.dma_semaphore, #tpu.memory_space<semaphore_mem>>) src(%dma_wait3A_155 : memref<64x128xf32, #tpu.memory_space<vmem>>) dst(%dma_wait3A_148 : memref<64x128xf32, #tpu.memory_space<vmem_shared>>)
      tpu.yield
    }) : () -> ()
    %barrier3A_65 = arith.constant 0 : index
    tpu.barrier barrier_id(%barrier3A_65)
    %dma_start3A_66 = arith.constant 0 : i32
    %dma_start3A_67 = arith.constant 0 : i32
    %dma_start3A_68 = arith.constant 0 : i32
    %dma_start3A_69 = arith.constant 0 : i32
    %dma_start3A_70 = tpu.memref_slice %arg11[%dma_start3A_67, %dma_start3A_68, %dma_start3A_69] : memref<3x128x128xf32, #tpu.memory_space<vmem>> -> memref<1x128x128xf32, #tpu.memory_space<vmem>>
    %dma_start3A_71 = tpu.memref_squeeze %dma_start3A_70 : memref<1x128x128xf32, #tpu.memory_space<vmem>> -> memref<128x128xf32, #tpu.memory_space<vmem>>
    %dma_start3A_72 = arith.constant 0 : i32
    %dma_start3A_73 = tpu.memref_slice %arg9[%dma_start3A_66, %dma_start3A_72] : memref<20x128xi32, #tpu.memory_space<vmem>> -> memref<1x128xi32, #tpu.memory_space<vmem>>
    %dma_start3A_74 = tpu.memref_squeeze %dma_start3A_73 : memref<1x128xi32, #tpu.memory_space<vmem>> -> memref<128xi32, #tpu.memory_space<vmem>>
    %dma_start3A_75 = arith.constant 0 : i32
    %dma_start3A_76 = arith.constant 0 : i32
    %dma_start3A_77 = tpu.memref_slice %arg3[%dma_start3A_75, %dma_start3A_76] : memref<10000x128xf32, #tpu.memory_space<hbm>> -> memref<10000x128xf32, #tpu.memory_space<hbm>>
    tpu.enqueue_indirect_dma source(%dma_start3A_77 : memref<10000x128xf32, #tpu.memory_space<hbm>>) target(%dma_start3A_71 : memref<128x128xf32, #tpu.memory_space<vmem>>) offsets(%dma_start3A_74 : memref<128xi32, #tpu.memory_space<vmem>>) semaphore(%arg13 : memref<!tpu.dma_semaphore, #tpu.memory_space<semaphore_mem>>)
    %dma_start3A_78 = arith.constant 1 : i32
    %dma_start3A_79 = arith.constant 1 : i32
    %dma_start3A_80 = arith.constant 0 : i32
    %dma_start3A_81 = arith.constant 0 : i32
    %dma_start3A_82 = tpu.memref_slice %arg11[%dma_start3A_79, %dma_start3A_80, %dma_start3A_81] : memref<3x128x128xf32, #tpu.memory_space<vmem>> -> memref<1x128x128xf32, #tpu.memory_space<vmem>>
    %dma_start3A_83 = tpu.memref_squeeze %dma_start3A_82 : memref<1x128x128xf32, #tpu.memory_space<vmem>> -> memref<128x128xf32, #tpu.memory_space<vmem>>
    %dma_start3A_84 = arith.constant 0 : i32
    %dma_start3A_85 = tpu.memref_slice %arg9[%dma_start3A_78, %dma_start3A_84] : memref<20x128xi32, #tpu.memory_space<vmem>> -> memref<1x128xi32, #tpu.memory_space<vmem>>
    %dma_start3A_86 = tpu.memref_squeeze %dma_start3A_85 : memref<1x128xi32, #tpu.memory_space<vmem>> -> memref<128xi32, #tpu.memory_space<vmem>>
    %dma_start3A_87 = arith.constant 0 : i32
    %dma_start3A_88 = arith.constant 0 : i32
    %dma_start3A_89 = tpu.memref_slice %arg3[%dma_start3A_87, %dma_start3A_88] : memref<10000x128xf32, #tpu.memory_space<hbm>> -> memref<10000x128xf32, #tpu.memory_space<hbm>>
    tpu.enqueue_indirect_dma source(%dma_start3A_89 : memref<10000x128xf32, #tpu.memory_space<hbm>>) target(%dma_start3A_83 : memref<128x128xf32, #tpu.memory_space<vmem>>) offsets(%dma_start3A_86 : memref<128xi32, #tpu.memory_space<vmem>>) semaphore(%arg13 : memref<!tpu.dma_semaphore, #tpu.memory_space<semaphore_mem>>)
    %scan3A_90 = arith.constant 0 : i32
    %scan3A_91 = arith.constant 0 : i32
    %scan3A_92 = arith.constant 20 : i32
    %scan3A_93 = arith.addi %scan3A_91, %scan3A_92 : i32
    %scan3A_94 = arith.constant 1 : i32
    scf.for %scan3A_119 = %scan3A_91 to %scan3A_93 step %scan3A_94  : i32 {
      %jit3A = arith.constant 3 : i32
      %eq3A_120 = arith.constant 0 : i32
      %eq3A_121 = arith.cmpi eq, %jit3A, %eq3A_120 : i32
      %jit3A_122 = arith.constant 1 : i32
      %select_n3A = arith.select %eq3A_121, %jit3A_122, %jit3A : i32
      %rem3A = arith.remsi %scan3A_119, %select_n3A : i32
      %ne3A = arith.constant 0 : i32
      %ne3A_123 = arith.cmpi ne, %rem3A, %ne3A : i32
      %lt3A = arith.constant 0 : i32
      %lt3A_124 = arith.cmpi slt, %rem3A, %lt3A : i32
      %lt3A_125 = arith.constant 0 : i32
      %lt3A_126 = arith.cmpi slt, %select_n3A, %lt3A_125 : i32
      %ne3A_127 = arith.xori %lt3A_124, %lt3A_126 : i1
      %and3A = arith.andi %ne3A_127, %ne3A_123 : i1
      %add3A_128 = arith.addi %rem3A, %select_n3A : i32
      %select_n3A_129 = arith.select %and3A, %add3A_128, %rem3A : i32
      %dma_wait3A_130 = arith.constant 0 : i32
      %dma_wait3A_131 = arith.constant 0 : i32
      %dma_wait3A_132 = tpu.memref_slice %arg11[%select_n3A_129, %dma_wait3A_130, %dma_wait3A_131] : memref<3x128x128xf32, #tpu.memory_space<vmem>> -> memref<1x128x128xf32, #tpu.memory_space<vmem>>
      %dma_wait3A_133 = tpu.memref_squeeze %dma_wait3A_132 : memref<1x128x128xf32, #tpu.memory_space<vmem>> -> memref<128x128xf32, #tpu.memory_space<vmem>>
      %dma_wait3A_134 = arith.constant 0 : i32
      %dma_wait3A_135 = tpu.memref_slice %arg9[%scan3A_119, %dma_wait3A_134] : memref<20x128xi32, #tpu.memory_space<vmem>> -> memref<1x128xi32, #tpu.memory_space<vmem>>
      %dma_wait3A_136 = tpu.memref_squeeze %dma_wait3A_135 : memref<1x128xi32, #tpu.memory_space<vmem>> -> memref<128xi32, #tpu.memory_space<vmem>>
      %dma_wait3A_137 = arith.constant 0 : i32
      %dma_wait3A_138 = arith.constant 0 : i32
      %dma_wait3A_139 = tpu.memref_slice %arg3[%dma_wait3A_137, %dma_wait3A_138] : memref<10000x128xf32, #tpu.memory_space<hbm>> -> memref<10000x128xf32, #tpu.memory_space<hbm>>
      tpu.wait_indirect_dma semaphore(%arg13 : memref<!tpu.dma_semaphore, #tpu.memory_space<semaphore_mem>>) src(%dma_wait3A_139 : memref<10000x128xf32, #tpu.memory_space<hbm>>) dst(%dma_wait3A_133 : memref<128x128xf32, #tpu.memory_space<vmem>>)
      %jit3A_140 = arith.constant 3 : i32
      %eq3A_141 = arith.constant 0 : i32
      %eq3A_142 = arith.cmpi eq, %jit3A_140, %eq3A_141 : i32
      %jit3A_143 = arith.constant 1 : i32
      %select_n3A_144 = arith.select %eq3A_142, %jit3A_143, %jit3A_140 : i32
      %rem3A_145 = arith.remsi %scan3A_119, %select_n3A_144 : i32
      %ne3A_146 = arith.constant 0 : i32
      %ne3A_147 = arith.cmpi ne, %rem3A_145, %ne3A_146 : i32
      %lt3A_148 = arith.constant 0 : i32
      %lt3A_149 = arith.cmpi slt, %rem3A_145, %lt3A_148 : i32
      %lt3A_150 = arith.constant 0 : i32
      %lt3A_151 = arith.cmpi slt, %select_n3A_144, %lt3A_150 : i32
      %ne3A_152 = arith.xori %lt3A_149, %lt3A_151 : i1
      %and3A_153 = arith.andi %ne3A_152, %ne3A_147 : i1
      %add3A_154 = arith.addi %rem3A_145, %select_n3A_144 : i32
      %select_n3A_155 = arith.select %and3A_153, %add3A_154, %rem3A_145 : i32
      %dma_start3A_156 = arith.constant 0 : i32
      %dma_start3A_157 = arith.constant 0 : i32
      %dma_start3A_158 = tpu.memref_slice %arg11[%select_n3A_155, %dma_start3A_156, %dma_start3A_157] : memref<3x128x128xf32, #tpu.memory_space<vmem>> -> memref<1x128x128xf32, #tpu.memory_space<vmem>>
      %dma_start3A_159 = tpu.memref_squeeze %dma_start3A_158 : memref<1x128x128xf32, #tpu.memory_space<vmem>> -> memref<128x128xf32, #tpu.memory_space<vmem>>
      %dma_start3A_160 = arith.constant 0 : i32
      %dma_start3A_161 = tpu.memref_slice %arg10[%scan3A_119, %dma_start3A_160] : memref<20x128xi32, #tpu.memory_space<vmem>> -> memref<1x128xi32, #tpu.memory_space<vmem>>
      %dma_start3A_162 = tpu.memref_squeeze %dma_start3A_161 : memref<1x128xi32, #tpu.memory_space<vmem>> -> memref<128xi32, #tpu.memory_space<vmem>>
      %dma_start3A_163 = arith.constant 0 : i32
      %dma_start3A_164 = arith.constant 0 : i32
      %dma_start3A_165 = tpu.memref_slice %arg12[%dma_start3A_163, %dma_start3A_164] : memref<5120x128xf32, #tpu.memory_space<vmem_shared>> -> memref<5120x128xf32, #tpu.memory_space<vmem_shared>>
      tpu.enqueue_indirect_dma source(%dma_start3A_159 : memref<128x128xf32, #tpu.memory_space<vmem>>) target(%dma_start3A_165 : memref<5120x128xf32, #tpu.memory_space<vmem_shared>>) offsets(%dma_start3A_162 : memref<128xi32, #tpu.memory_space<vmem>>) semaphore(%arg14 : memref<!tpu.dma_semaphore, #tpu.memory_space<semaphore_mem>>) {add = true}
      %ge3A = arith.constant 1 : i32
      %ge3A_166 = arith.cmpi sge, %scan3A_119, %ge3A : i32
      %convert_element_type3A_167 = arith.extui %ge3A_166 : i1 to i32
      %cond3A_168 = arith.constant 0 : i32
      %cond3A_169 = arith.cmpi ne, %convert_element_type3A_167, %cond3A_168 : i32
      scf.if %cond3A_169 {
        %dma_wait3A_177 = arith.constant 0 : i32
        %dma_wait3A_178 = arith.constant 0 : i32
        %dma_wait3A_179 = arith.constant 0 : i32
        %dma_wait3A_180 = arith.constant 0 : i32
        %dma_wait3A_181 = tpu.memref_slice %arg11[%dma_wait3A_178, %dma_wait3A_179, %dma_wait3A_180] : memref<3x128x128xf32, #tpu.memory_space<vmem>> -> memref<1x128x128xf32, #tpu.memory_space<vmem>>
        %dma_wait3A_182 = tpu.memref_squeeze %dma_wait3A_181 : memref<1x128x128xf32, #tpu.memory_space<vmem>> -> memref<128x128xf32, #tpu.memory_space<vmem>>
        %dma_wait3A_183 = arith.constant 0 : i32
        %dma_wait3A_184 = tpu.memref_slice %arg9[%dma_wait3A_177, %dma_wait3A_183] : memref<20x128xi32, #tpu.memory_space<vmem>> -> memref<1x128xi32, #tpu.memory_space<vmem>>
        %dma_wait3A_185 = tpu.memref_squeeze %dma_wait3A_184 : memref<1x128xi32, #tpu.memory_space<vmem>> -> memref<128xi32, #tpu.memory_space<vmem>>
        %dma_wait3A_186 = arith.constant 0 : i32
        %dma_wait3A_187 = arith.constant 0 : i32
        %dma_wait3A_188 = tpu.memref_slice %arg3[%dma_wait3A_186, %dma_wait3A_187] : memref<10000x128xf32, #tpu.memory_space<hbm>> -> memref<10000x128xf32, #tpu.memory_space<hbm>>
        tpu.wait_indirect_dma semaphore(%arg14 : memref<!tpu.dma_semaphore, #tpu.memory_space<semaphore_mem>>) src(%dma_wait3A_188 : memref<10000x128xf32, #tpu.memory_space<hbm>>) dst(%dma_wait3A_182 : memref<128x128xf32, #tpu.memory_space<vmem>>)
      } else {
      }
      %add3A_170 = arith.constant 2 : i32
      %add3A_171 = arith.addi %scan3A_119, %add3A_170 : i32
      %lt3A_172 = arith.constant 20 : i32
      %lt3A_173 = arith.cmpi slt, %add3A_171, %lt3A_172 : i32
      %convert_element_type3A_174 = arith.extui %lt3A_173 : i1 to i32
      %cond3A_175 = arith.constant 0 : i32
      %cond3A_176 = arith.cmpi ne, %convert_element_type3A_174, %cond3A_175 : i32
      scf.if %cond3A_176 {
        %add3A_177 = arith.constant 2 : i32
        %add3A_178 = arith.addi %scan3A_119, %add3A_177 : i32
        %add3A_179 = arith.constant 2 : i32
        %add3A_180 = arith.addi %scan3A_119, %add3A_179 : i32
        %jit3A_181 = arith.constant 3 : i32
        %eq3A_182 = arith.constant 0 : i32
        %eq3A_183 = arith.cmpi eq, %jit3A_181, %eq3A_182 : i32
        %jit3A_184 = arith.constant 1 : i32
        %select_n3A_185 = arith.select %eq3A_183, %jit3A_184, %jit3A_181 : i32
        %rem3A_186 = arith.remsi %add3A_180, %select_n3A_185 : i32
        %ne3A_187 = arith.constant 0 : i32
        %ne3A_188 = arith.cmpi ne, %rem3A_186, %ne3A_187 : i32
        %lt3A_189 = arith.constant 0 : i32
        %lt3A_190 = arith.cmpi slt, %rem3A_186, %lt3A_189 : i32
        %lt3A_191 = arith.constant 0 : i32
        %lt3A_192 = arith.cmpi slt, %select_n3A_185, %lt3A_191 : i32
        %ne3A_193 = arith.xori %lt3A_190, %lt3A_192 : i1
        %and3A_194 = arith.andi %ne3A_193, %ne3A_188 : i1
        %add3A_195 = arith.addi %rem3A_186, %select_n3A_185 : i32
        %select_n3A_196 = arith.select %and3A_194, %add3A_195, %rem3A_186 : i32
        %dma_start3A_197 = arith.constant 0 : i32
        %dma_start3A_198 = arith.constant 0 : i32
        %dma_start3A_199 = tpu.memref_slice %arg11[%select_n3A_196, %dma_start3A_197, %dma_start3A_198] : memref<3x128x128xf32, #tpu.memory_space<vmem>> -> memref<1x128x128xf32, #tpu.memory_space<vmem>>
        %dma_start3A_200 = tpu.memref_squeeze %dma_start3A_199 : memref<1x128x128xf32, #tpu.memory_space<vmem>> -> memref<128x128xf32, #tpu.memory_space<vmem>>
        %dma_start3A_201 = arith.constant 0 : i32
        %dma_start3A_202 = tpu.memref_slice %arg9[%add3A_178, %dma_start3A_201] : memref<20x128xi32, #tpu.memory_space<vmem>> -> memref<1x128xi32, #tpu.memory_space<vmem>>
        %dma_start3A_203 = tpu.memref_squeeze %dma_start3A_202 : memref<1x128xi32, #tpu.memory_space<vmem>> -> memref<128xi32, #tpu.memory_space<vmem>>
        %dma_start3A_204 = arith.constant 0 : i32
        %dma_start3A_205 = arith.constant 0 : i32
        %dma_start3A_206 = tpu.memref_slice %arg3[%dma_start3A_204, %dma_start3A_205] : memref<10000x128xf32, #tpu.memory_space<hbm>> -> memref<10000x128xf32, #tpu.memory_space<hbm>>
        tpu.enqueue_indirect_dma source(%dma_start3A_206 : memref<10000x128xf32, #tpu.memory_space<hbm>>) target(%dma_start3A_200 : memref<128x128xf32, #tpu.memory_space<vmem>>) offsets(%dma_start3A_203 : memref<128xi32, #tpu.memory_space<vmem>>) semaphore(%arg13 : memref<!tpu.dma_semaphore, #tpu.memory_space<semaphore_mem>>)
      } else {
      }
    }
    %scan3A_95 = arith.constant 20 : i32
    %dma_wait3A_96 = arith.constant 0 : i32
    %dma_wait3A_97 = arith.constant 0 : i32
    %dma_wait3A_98 = arith.constant 0 : i32
    %dma_wait3A_99 = arith.constant 0 : i32
    %dma_wait3A_100 = tpu.memref_slice %arg11[%dma_wait3A_97, %dma_wait3A_98, %dma_wait3A_99] : memref<3x128x128xf32, #tpu.memory_space<vmem>> -> memref<1x128x128xf32, #tpu.memory_space<vmem>>
    %dma_wait3A_101 = tpu.memref_squeeze %dma_wait3A_100 : memref<1x128x128xf32, #tpu.memory_space<vmem>> -> memref<128x128xf32, #tpu.memory_space<vmem>>
    %dma_wait3A_102 = arith.constant 0 : i32
    %dma_wait3A_103 = tpu.memref_slice %arg9[%dma_wait3A_96, %dma_wait3A_102] : memref<20x128xi32, #tpu.memory_space<vmem>> -> memref<1x128xi32, #tpu.memory_space<vmem>>
    %dma_wait3A_104 = tpu.memref_squeeze %dma_wait3A_103 : memref<1x128xi32, #tpu.memory_space<vmem>> -> memref<128xi32, #tpu.memory_space<vmem>>
    %dma_wait3A_105 = arith.constant 0 : i32
    %dma_wait3A_106 = arith.constant 0 : i32
    %dma_wait3A_107 = tpu.memref_slice %arg3[%dma_wait3A_105, %dma_wait3A_106] : memref<10000x128xf32, #tpu.memory_space<hbm>> -> memref<10000x128xf32, #tpu.memory_space<hbm>>
    tpu.wait_indirect_dma semaphore(%arg14 : memref<!tpu.dma_semaphore, #tpu.memory_space<semaphore_mem>>) src(%dma_wait3A_107 : memref<10000x128xf32, #tpu.memory_space<hbm>>) dst(%dma_wait3A_101 : memref<128x128xf32, #tpu.memory_space<vmem>>)
    %barrier3A_108 = arith.constant 0 : index
    tpu.barrier barrier_id(%barrier3A_108)
    %eq3A_109 = arith.constant 0 : i32
    %eq3A_110 = arith.cmpi eq, %arg0, %eq3A_109 : i32
    %convert_element_type3A_111 = arith.extui %eq3A_110 : i1 to i32
    %cond3A_112 = arith.constant 0 : i32
    %cond3A_113 = arith.cmpi ne, %convert_element_type3A_111, %cond3A_112 : i32
    scf.if %cond3A_113 {
      %mul3A_119 = arith.constant 312 : i32
      %mul3A_120 = arith.muli %arg1, %mul3A_119 : i32
      %add3A_121 = arith.constant 0 : i32
      %add3A_122 = arith.addi %mul3A_120, %add3A_121 : i32
      %run_scoped3A_123 = arith.constant 0 : i32
      "tpu.region"() ({
        %run_scoped3A_149 = tpu.sem_alloc : memref<!tpu.dma_semaphore, #tpu.memory_space<semaphore_mem>>
        %dma_start3A_150 = arith.constant 0 : i32
        %dma_start3A_151 = arith.constant 0 : i32
        %dma_start3A_152 = tpu.memref_slice %arg11[%run_scoped3A_123, %dma_start3A_150, %dma_start3A_151] : memref<3x128x128xf32, #tpu.memory_space<vmem>> -> memref<1x128x128xf32, #tpu.memory_space<vmem>>
        %dma_start3A_153 = tpu.memref_squeeze %dma_start3A_152 : memref<1x128x128xf32, #tpu.memory_space<vmem>> -> memref<128x128xf32, #tpu.memory_space<vmem>>
        %dma_start3A_154 = arith.constant 0 : i32
        %dma_start3A_155 = arith.constant 0 : i32
        %dma_start3A_156 = tpu.memref_slice %dma_start3A_153[%dma_start3A_154, %dma_start3A_155] : memref<128x128xf32, #tpu.memory_space<vmem>> -> memref<128x128xf32, #tpu.memory_space<vmem>>
        %dma_start3A_157 = arith.constant 0 : i32
        %dma_start3A_158 = tpu.memref_slice %arg12[%add3A_122, %dma_start3A_157] : memref<5120x128xf32, #tpu.memory_space<vmem_shared>> -> memref<128x128xf32, #tpu.memory_space<vmem_shared>>
        %dma_start3A_159 = arith.constant 0 : i32
        %dma_start3A_160 = arith.constant 0 : i32
        %dma_start3A_161 = tpu.memref_slice %arg11[%run_scoped3A_123, %dma_start3A_159, %dma_start3A_160] : memref<3x128x128xf32, #tpu.memory_space<vmem>> -> memref<1x128x128xf32, #tpu.memory_space<vmem>>
        %dma_start3A_162 = tpu.memref_squeeze %dma_start3A_161 : memref<1x128x128xf32, #tpu.memory_space<vmem>> -> memref<128x128xf32, #tpu.memory_space<vmem>>
        %dma_start3A_163 = arith.constant 0 : i32
        %dma_start3A_164 = arith.constant 0 : i32
        %dma_start3A_165 = tpu.memref_slice %dma_start3A_162[%dma_start3A_163, %dma_start3A_164] : memref<128x128xf32, #tpu.memory_space<vmem>> -> memref<128x128xf32, #tpu.memory_space<vmem>>
        %dma_start3A_166 = arith.constant 0 : i32
        %dma_start3A_167 = tpu.memref_slice %arg12[%add3A_122, %dma_start3A_166] : memref<5120x128xf32, #tpu.memory_space<vmem_shared>> -> memref<128x128xf32, #tpu.memory_space<vmem_shared>>
        tpu.enqueue_dma source(%dma_start3A_167 : memref<128x128xf32, #tpu.memory_space<vmem_shared>>) target(%dma_start3A_165 : memref<128x128xf32, #tpu.memory_space<vmem>>) target_semaphore(%run_scoped3A_149 : memref<!tpu.dma_semaphore, #tpu.memory_space<semaphore_mem>>)
        %dma_wait3A_168 = arith.constant 0 : i32
        %dma_wait3A_169 = arith.constant 0 : i32
        %dma_wait3A_170 = tpu.memref_slice %arg11[%run_scoped3A_123, %dma_wait3A_168, %dma_wait3A_169] : memref<3x128x128xf32, #tpu.memory_space<vmem>> -> memref<1x128x128xf32, #tpu.memory_space<vmem>>
        %dma_wait3A_171 = tpu.memref_squeeze %dma_wait3A_170 : memref<1x128x128xf32, #tpu.memory_space<vmem>> -> memref<128x128xf32, #tpu.memory_space<vmem>>
        %dma_wait3A_172 = arith.constant 0 : i32
        %dma_wait3A_173 = arith.constant 0 : i32
        %dma_wait3A_174 = tpu.memref_slice %dma_wait3A_171[%dma_wait3A_172, %dma_wait3A_173] : memref<128x128xf32, #tpu.memory_space<vmem>> -> memref<128x128xf32, #tpu.memory_space<vmem>>
        %dma_wait3A_175 = arith.constant 0 : i32
        %dma_wait3A_176 = tpu.memref_slice %arg12[%add3A_122, %dma_wait3A_175] : memref<5120x128xf32, #tpu.memory_space<vmem_shared>> -> memref<128x128xf32, #tpu.memory_space<vmem_shared>>
        %dma_wait3A_177 = arith.constant 0 : i32
        %dma_wait3A_178 = arith.constant 0 : i32
        %dma_wait3A_179 = tpu.memref_slice %arg11[%run_scoped3A_123, %dma_wait3A_177, %dma_wait3A_178] : memref<3x128x128xf32, #tpu.memory_space<vmem>> -> memref<1x128x128xf32, #tpu.memory_space<vmem>>
        %dma_wait3A_180 = tpu.memref_squeeze %dma_wait3A_179 : memref<1x128x128xf32, #tpu.memory_space<vmem>> -> memref<128x128xf32, #tpu.memory_space<vmem>>
        %dma_wait3A_181 = arith.constant 0 : i32
        %dma_wait3A_182 = arith.constant 0 : i32
        %dma_wait3A_183 = tpu.memref_slice %dma_wait3A_180[%dma_wait3A_181, %dma_wait3A_182] : memref<128x128xf32, #tpu.memory_space<vmem>> -> memref<128x128xf32, #tpu.memory_space<vmem>>
        %dma_wait3A_184 = arith.constant 0 : i32
        %dma_wait3A_185 = tpu.memref_slice %arg12[%add3A_122, %dma_wait3A_184] : memref<5120x128xf32, #tpu.memory_space<vmem_shared>> -> memref<128x128xf32, #tpu.memory_space<vmem_shared>>
        tpu.wait_dma2 semaphore(%run_scoped3A_149 : memref<!tpu.dma_semaphore, #tpu.memory_space<semaphore_mem>>) src(%dma_wait3A_185 : memref<128x128xf32, #tpu.memory_space<vmem_shared>>) dst(%dma_wait3A_183 : memref<128x128xf32, #tpu.memory_space<vmem>>)
        tpu.yield
      }) : () -> ()
      %mul3A_124 = arith.constant 312 : i32
      %mul3A_125 = arith.muli %arg1, %mul3A_124 : i32
      %add3A_126 = arith.constant 0 : i32
      %add3A_127 = arith.addi %mul3A_125, %add3A_126 : i32
      %run_scoped3A_128 = arith.constant 0 : i32
      "tpu.region"() ({
        %run_scoped3A_149 = tpu.sem_alloc : memref<!tpu.dma_semaphore, #tpu.memory_space<semaphore_mem>>
        %dma_start3A_150 = arith.constant 0 : i32
        %dma_start3A_151 = arith.constant 0 : i32
        %dma_start3A_152 = tpu.memref_slice %arg11[%run_scoped3A_128, %dma_start3A_150, %dma_start3A_151] : memref<3x128x128xf32, #tpu.memory_space<vmem>> -> memref<1x128x128xf32, #tpu.memory_space<vmem>>
        %dma_start3A_153 = tpu.memref_squeeze %dma_start3A_152 : memref<1x128x128xf32, #tpu.memory_space<vmem>> -> memref<128x128xf32, #tpu.memory_space<vmem>>
        %dma_start3A_154 = arith.constant 0 : i32
        %dma_start3A_155 = arith.constant 0 : i32
        %dma_start3A_156 = tpu.memref_slice %dma_start3A_153[%dma_start3A_154, %dma_start3A_155] : memref<128x128xf32, #tpu.memory_space<vmem>> -> memref<128x128xf32, #tpu.memory_space<vmem>>
        %dma_start3A_157 = arith.constant 0 : i32
        %dma_start3A_158 = tpu.memref_slice %arg8[%add3A_127, %dma_start3A_157] : memref<10112x128xf32, #tpu.memory_space<hbm>> -> memref<128x128xf32, #tpu.memory_space<hbm>>
        %dma_start3A_159 = arith.constant 0 : i32
        %dma_start3A_160 = tpu.memref_slice %arg8[%add3A_127, %dma_start3A_159] : memref<10112x128xf32, #tpu.memory_space<hbm>> -> memref<128x128xf32, #tpu.memory_space<hbm>>
        %dma_start3A_161 = arith.constant 0 : i32
        %dma_start3A_162 = arith.constant 0 : i32
        %dma_start3A_163 = tpu.memref_slice %arg11[%run_scoped3A_128, %dma_start3A_161, %dma_start3A_162] : memref<3x128x128xf32, #tpu.memory_space<vmem>> -> memref<1x128x128xf32, #tpu.memory_space<vmem>>
        %dma_start3A_164 = tpu.memref_squeeze %dma_start3A_163 : memref<1x128x128xf32, #tpu.memory_space<vmem>> -> memref<128x128xf32, #tpu.memory_space<vmem>>
        %dma_start3A_165 = arith.constant 0 : i32
        %dma_start3A_166 = arith.constant 0 : i32
        %dma_start3A_167 = tpu.memref_slice %dma_start3A_164[%dma_start3A_165, %dma_start3A_166] : memref<128x128xf32, #tpu.memory_space<vmem>> -> memref<128x128xf32, #tpu.memory_space<vmem>>
        tpu.enqueue_dma source(%dma_start3A_167 : memref<128x128xf32, #tpu.memory_space<vmem>>) target(%dma_start3A_160 : memref<128x128xf32, #tpu.memory_space<hbm>>) target_semaphore(%run_scoped3A_149 : memref<!tpu.dma_semaphore, #tpu.memory_space<semaphore_mem>>)
        %dma_wait3A_168 = arith.constant 0 : i32
        %dma_wait3A_169 = arith.constant 0 : i32
        %dma_wait3A_170 = tpu.memref_slice %arg11[%run_scoped3A_128, %dma_wait3A_168, %dma_wait3A_169] : memref<3x128x128xf32, #tpu.memory_space<vmem>> -> memref<1x128x128xf32, #tpu.memory_space<vmem>>
        %dma_wait3A_171 = tpu.memref_squeeze %dma_wait3A_170 : memref<1x128x128xf32, #tpu.memory_space<vmem>> -> memref<128x128xf32, #tpu.memory_space<vmem>>
        %dma_wait3A_172 = arith.constant 0 : i32
        %dma_wait3A_173 = arith.constant 0 : i32
        %dma_wait3A_174 = tpu.memref_slice %dma_wait3A_171[%dma_wait3A_172, %dma_wait3A_173] : memref<128x128xf32, #tpu.memory_space<vmem>> -> memref<128x128xf32, #tpu.memory_space<vmem>>
        %dma_wait3A_175 = arith.constant 0 : i32
        %dma_wait3A_176 = tpu.memref_slice %arg8[%add3A_127, %dma_wait3A_175] : memref<10112x128xf32, #tpu.memory_space<hbm>> -> memref<128x128xf32, #tpu.memory_space<hbm>>
        %dma_wait3A_177 = arith.constant 0 : i32
        %dma_wait3A_178 = tpu.memref_slice %arg8[%add3A_127, %dma_wait3A_177] : memref<10112x128xf32, #tpu.memory_space<hbm>> -> memref<128x128xf32, #tpu.memory_space<hbm>>
        %dma_wait3A_179 = arith.constant 0 : i32
        %dma_wait3A_180 = arith.constant 0 : i32
        %dma_wait3A_181 = tpu.memref_slice %arg11[%run_scoped3A_128, %dma_wait3A_179, %dma_wait3A_180] : memref<3x128x128xf32, #tpu.memory_space<vmem>> -> memref<1x128x128xf32, #tpu.memory_space<vmem>>
        %dma_wait3A_182 = tpu.memref_squeeze %dma_wait3A_181 : memref<1x128x128xf32, #tpu.memory_space<vmem>> -> memref<128x128xf32, #tpu.memory_space<vmem>>
        %dma_wait3A_183 = arith.constant 0 : i32
        %dma_wait3A_184 = arith.constant 0 : i32
        %dma_wait3A_185 = tpu.memref_slice %dma_wait3A_182[%dma_wait3A_183, %dma_wait3A_184] : memref<128x128xf32, #tpu.memory_space<vmem>> -> memref<128x128xf32, #tpu.memory_space<vmem>>
        tpu.wait_dma2 semaphore(%run_scoped3A_149 : memref<!tpu.dma_semaphore, #tpu.memory_space<semaphore_mem>>) src(%dma_wait3A_185 : memref<128x128xf32, #tpu.memory_space<vmem>>) dst(%dma_wait3A_178 : memref<128x128xf32, #tpu.memory_space<hbm>>)
        tpu.yield
      }) : () -> ()
      %mul3A_129 = arith.constant 312 : i32
      %mul3A_130 = arith.muli %arg1, %mul3A_129 : i32
      %add3A_131 = arith.constant 128 : i32
      %add3A_132 = arith.addi %mul3A_130, %add3A_131 : i32
      %run_scoped3A_133 = arith.constant 1 : i32
      "tpu.region"() ({
        %run_scoped3A_149 = tpu.sem_alloc : memref<!tpu.dma_semaphore, #tpu.memory_space<semaphore_mem>>
        %dma_start3A_150 = arith.constant 0 : i32
        %dma_start3A_151 = arith.constant 0 : i32
        %dma_start3A_152 = tpu.memref_slice %arg11[%run_scoped3A_133, %dma_start3A_150, %dma_start3A_151] : memref<3x128x128xf32, #tpu.memory_space<vmem>> -> memref<1x128x128xf32, #tpu.memory_space<vmem>>
        %dma_start3A_153 = tpu.memref_squeeze %dma_start3A_152 : memref<1x128x128xf32, #tpu.memory_space<vmem>> -> memref<128x128xf32, #tpu.memory_space<vmem>>
        %dma_start3A_154 = arith.constant 0 : i32
        %dma_start3A_155 = arith.constant 0 : i32
        %dma_start3A_156 = tpu.memref_slice %dma_start3A_153[%dma_start3A_154, %dma_start3A_155] : memref<128x128xf32, #tpu.memory_space<vmem>> -> memref<128x128xf32, #tpu.memory_space<vmem>>
        %dma_start3A_157 = arith.constant 0 : i32
        %dma_start3A_158 = tpu.memref_slice %arg12[%add3A_132, %dma_start3A_157] : memref<5120x128xf32, #tpu.memory_space<vmem_shared>> -> memref<128x128xf32, #tpu.memory_space<vmem_shared>>
        %dma_start3A_159 = arith.constant 0 : i32
        %dma_start3A_160 = arith.constant 0 : i32
        %dma_start3A_161 = tpu.memref_slice %arg11[%run_scoped3A_133, %dma_start3A_159, %dma_start3A_160] : memref<3x128x128xf32, #tpu.memory_space<vmem>> -> memref<1x128x128xf32, #tpu.memory_space<vmem>>
        %dma_start3A_162 = tpu.memref_squeeze %dma_start3A_161 : memref<1x128x128xf32, #tpu.memory_space<vmem>> -> memref<128x128xf32, #tpu.memory_space<vmem>>
        %dma_start3A_163 = arith.constant 0 : i32
        %dma_start3A_164 = arith.constant 0 : i32
        %dma_start3A_165 = tpu.memref_slice %dma_start3A_162[%dma_start3A_163, %dma_start3A_164] : memref<128x128xf32, #tpu.memory_space<vmem>> -> memref<128x128xf32, #tpu.memory_space<vmem>>
        %dma_start3A_166 = arith.constant 0 : i32
        %dma_start3A_167 = tpu.memref_slice %arg12[%add3A_132, %dma_start3A_166] : memref<5120x128xf32, #tpu.memory_space<vmem_shared>> -> memref<128x128xf32, #tpu.memory_space<vmem_shared>>
        tpu.enqueue_dma source(%dma_start3A_167 : memref<128x128xf32, #tpu.memory_space<vmem_shared>>) target(%dma_start3A_165 : memref<128x128xf32, #tpu.memory_space<vmem>>) target_semaphore(%run_scoped3A_149 : memref<!tpu.dma_semaphore, #tpu.memory_space<semaphore_mem>>)
        %dma_wait3A_168 = arith.constant 0 : i32
        %dma_wait3A_169 = arith.constant 0 : i32
        %dma_wait3A_170 = tpu.memref_slice %arg11[%run_scoped3A_133, %dma_wait3A_168, %dma_wait3A_169] : memref<3x128x128xf32, #tpu.memory_space<vmem>> -> memref<1x128x128xf32, #tpu.memory_space<vmem>>
        %dma_wait3A_171 = tpu.memref_squeeze %dma_wait3A_170 : memref<1x128x128xf32, #tpu.memory_space<vmem>> -> memref<128x128xf32, #tpu.memory_space<vmem>>
        %dma_wait3A_172 = arith.constant 0 : i32
        %dma_wait3A_173 = arith.constant 0 : i32
        %dma_wait3A_174 = tpu.memref_slice %dma_wait3A_171[%dma_wait3A_172, %dma_wait3A_173] : memref<128x128xf32, #tpu.memory_space<vmem>> -> memref<128x128xf32, #tpu.memory_space<vmem>>
        %dma_wait3A_175 = arith.constant 0 : i32
        %dma_wait3A_176 = tpu.memref_slice %arg12[%add3A_132, %dma_wait3A_175] : memref<5120x128xf32, #tpu.memory_space<vmem_shared>> -> memref<128x128xf32, #tpu.memory_space<vmem_shared>>
        %dma_wait3A_177 = arith.constant 0 : i32
        %dma_wait3A_178 = arith.constant 0 : i32
        %dma_wait3A_179 = tpu.memref_slice %arg11[%run_scoped3A_133, %dma_wait3A_177, %dma_wait3A_178] : memref<3x128x128xf32, #tpu.memory_space<vmem>> -> memref<1x128x128xf32, #tpu.memory_space<vmem>>
        %dma_wait3A_180 = tpu.memref_squeeze %dma_wait3A_179 : memref<1x128x128xf32, #tpu.memory_space<vmem>> -> memref<128x128xf32, #tpu.memory_space<vmem>>
        %dma_wait3A_181 = arith.constant 0 : i32
        %dma_wait3A_182 = arith.constant 0 : i32
        %dma_wait3A_183 = tpu.memref_slice %dma_wait3A_180[%dma_wait3A_181, %dma_wait3A_182] : memref<128x128xf32, #tpu.memory_space<vmem>> -> memref<128x128xf32, #tpu.memory_space<vmem>>
        %dma_wait3A_184 = arith.constant 0 : i32
        %dma_wait3A_185 = tpu.memref_slice %arg12[%add3A_132, %dma_wait3A_184] : memref<5120x128xf32, #tpu.memory_space<vmem_shared>> -> memref<128x128xf32, #tpu.memory_space<vmem_shared>>
        tpu.wait_dma2 semaphore(%run_scoped3A_149 : memref<!tpu.dma_semaphore, #tpu.memory_space<semaphore_mem>>) src(%dma_wait3A_185 : memref<128x128xf32, #tpu.memory_space<vmem_shared>>) dst(%dma_wait3A_183 : memref<128x128xf32, #tpu.memory_space<vmem>>)
        tpu.yield
      }) : () -> ()
      %mul3A_134 = arith.constant 312 : i32
      %mul3A_135 = arith.muli %arg1, %mul3A_134 : i32
      %add3A_136 = arith.constant 128 : i32
      %add3A_137 = arith.addi %mul3A_135, %add3A_136 : i32
      %run_scoped3A_138 = arith.constant 1 : i32
      "tpu.region"() ({
        %run_scoped3A_149 = tpu.sem_alloc : memref<!tpu.dma_semaphore, #tpu.memory_space<semaphore_mem>>
        %dma_start3A_150 = arith.constant 0 : i32
        %dma_start3A_151 = arith.constant 0 : i32
        %dma_start3A_152 = tpu.memref_slice %arg11[%run_scoped3A_138, %dma_start3A_150, %dma_start3A_151] : memref<3x128x128xf32, #tpu.memory_space<vmem>> -> memref<1x128x128xf32, #tpu.memory_space<vmem>>
        %dma_start3A_153 = tpu.memref_squeeze %dma_start3A_152 : memref<1x128x128xf32, #tpu.memory_space<vmem>> -> memref<128x128xf32, #tpu.memory_space<vmem>>
        %dma_start3A_154 = arith.constant 0 : i32
        %dma_start3A_155 = arith.constant 0 : i32
        %dma_start3A_156 = tpu.memref_slice %dma_start3A_153[%dma_start3A_154, %dma_start3A_155] : memref<128x128xf32, #tpu.memory_space<vmem>> -> memref<128x128xf32, #tpu.memory_space<vmem>>
        %dma_start3A_157 = arith.constant 0 : i32
        %dma_start3A_158 = tpu.memref_slice %arg8[%add3A_137, %dma_start3A_157] : memref<10112x128xf32, #tpu.memory_space<hbm>> -> memref<128x128xf32, #tpu.memory_space<hbm>>
        %dma_start3A_159 = arith.constant 0 : i32
        %dma_start3A_160 = tpu.memref_slice %arg8[%add3A_137, %dma_start3A_159] : memref<10112x128xf32, #tpu.memory_space<hbm>> -> memref<128x128xf32, #tpu.memory_space<hbm>>
        %dma_start3A_161 = arith.constant 0 : i32
        %dma_start3A_162 = arith.constant 0 : i32
        %dma_start3A_163 = tpu.memref_slice %arg11[%run_scoped3A_138, %dma_start3A_161, %dma_start3A_162] : memref<3x128x128xf32, #tpu.memory_space<vmem>> -> memref<1x128x128xf32, #tpu.memory_space<vmem>>
        %dma_start3A_164 = tpu.memref_squeeze %dma_start3A_163 : memref<1x128x128xf32, #tpu.memory_space<vmem>> -> memref<128x128xf32, #tpu.memory_space<vmem>>
        %dma_start3A_165 = arith.constant 0 : i32
        %dma_start3A_166 = arith.constant 0 : i32
        %dma_start3A_167 = tpu.memref_slice %dma_start3A_164[%dma_start3A_165, %dma_start3A_166] : memref<128x128xf32, #tpu.memory_space<vmem>> -> memref<128x128xf32, #tpu.memory_space<vmem>>
        tpu.enqueue_dma source(%dma_start3A_167 : memref<128x128xf32, #tpu.memory_space<vmem>>) target(%dma_start3A_160 : memref<128x128xf32, #tpu.memory_space<hbm>>) target_semaphore(%run_scoped3A_149 : memref<!tpu.dma_semaphore, #tpu.memory_space<semaphore_mem>>)
        %dma_wait3A_168 = arith.constant 0 : i32
        %dma_wait3A_169 = arith.constant 0 : i32
        %dma_wait3A_170 = tpu.memref_slice %arg11[%run_scoped3A_138, %dma_wait3A_168, %dma_wait3A_169] : memref<3x128x128xf32, #tpu.memory_space<vmem>> -> memref<1x128x128xf32, #tpu.memory_space<vmem>>
        %dma_wait3A_171 = tpu.memref_squeeze %dma_wait3A_170 : memref<1x128x128xf32, #tpu.memory_space<vmem>> -> memref<128x128xf32, #tpu.memory_space<vmem>>
        %dma_wait3A_172 = arith.constant 0 : i32
        %dma_wait3A_173 = arith.constant 0 : i32
        %dma_wait3A_174 = tpu.memref_slice %dma_wait3A_171[%dma_wait3A_172, %dma_wait3A_173] : memref<128x128xf32, #tpu.memory_space<vmem>> -> memref<128x128xf32, #tpu.memory_space<vmem>>
        %dma_wait3A_175 = arith.constant 0 : i32
        %dma_wait3A_176 = tpu.memref_slice %arg8[%add3A_137, %dma_wait3A_175] : memref<10112x128xf32, #tpu.memory_space<hbm>> -> memref<128x128xf32, #tpu.memory_space<hbm>>
        %dma_wait3A_177 = arith.constant 0 : i32
        %dma_wait3A_178 = tpu.memref_slice %arg8[%add3A_137, %dma_wait3A_177] : memref<10112x128xf32, #tpu.memory_space<hbm>> -> memref<128x128xf32, #tpu.memory_space<hbm>>
        %dma_wait3A_179 = arith.constant 0 : i32
        %dma_wait3A_180 = arith.constant 0 : i32
        %dma_wait3A_181 = tpu.memref_slice %arg11[%run_scoped3A_138, %dma_wait3A_179, %dma_wait3A_180] : memref<3x128x128xf32, #tpu.memory_space<vmem>> -> memref<1x128x128xf32, #tpu.memory_space<vmem>>
        %dma_wait3A_182 = tpu.memref_squeeze %dma_wait3A_181 : memref<1x128x128xf32, #tpu.memory_space<vmem>> -> memref<128x128xf32, #tpu.memory_space<vmem>>
        %dma_wait3A_183 = arith.constant 0 : i32
        %dma_wait3A_184 = arith.constant 0 : i32
        %dma_wait3A_185 = tpu.memref_slice %dma_wait3A_182[%dma_wait3A_183, %dma_wait3A_184] : memref<128x128xf32, #tpu.memory_space<vmem>> -> memref<128x128xf32, #tpu.memory_space<vmem>>
        tpu.wait_dma2 semaphore(%run_scoped3A_149 : memref<!tpu.dma_semaphore, #tpu.memory_space<semaphore_mem>>) src(%dma_wait3A_185 : memref<128x128xf32, #tpu.memory_space<vmem>>) dst(%dma_wait3A_178 : memref<128x128xf32, #tpu.memory_space<hbm>>)
        tpu.yield
      }) : () -> ()
      %mul3A_139 = arith.constant 312 : i32
      %mul3A_140 = arith.muli %arg1, %mul3A_139 : i32
      %add3A_141 = arith.constant 256 : i32
      %add3A_142 = arith.addi %mul3A_140, %add3A_141 : i32
      %run_scoped3A_143 = arith.constant 2 : i32
      "tpu.region"() ({
        %run_scoped3A_149 = tpu.sem_alloc : memref<!tpu.dma_semaphore, #tpu.memory_space<semaphore_mem>>
        %dma_start3A_150 = arith.constant 0 : i32
        %dma_start3A_151 = arith.constant 0 : i32
        %dma_start3A_152 = tpu.memref_slice %arg11[%run_scoped3A_143, %dma_start3A_150, %dma_start3A_151] : memref<3x128x128xf32, #tpu.memory_space<vmem>> -> memref<1x128x128xf32, #tpu.memory_space<vmem>>
        %dma_start3A_153 = tpu.memref_squeeze %dma_start3A_152 : memref<1x128x128xf32, #tpu.memory_space<vmem>> -> memref<128x128xf32, #tpu.memory_space<vmem>>
        %dma_start3A_154 = arith.constant 0 : i32
        %dma_start3A_155 = arith.constant 0 : i32
        %dma_start3A_156 = tpu.memref_slice %dma_start3A_153[%dma_start3A_154, %dma_start3A_155] : memref<128x128xf32, #tpu.memory_space<vmem>> -> memref<56x128xf32, #tpu.memory_space<vmem>>
        %dma_start3A_157 = arith.constant 0 : i32
        %dma_start3A_158 = tpu.memref_slice %arg12[%add3A_142, %dma_start3A_157] : memref<5120x128xf32, #tpu.memory_space<vmem_shared>> -> memref<56x128xf32, #tpu.memory_space<vmem_shared>>
        %dma_start3A_159 = arith.constant 0 : i32
        %dma_start3A_160 = arith.constant 0 : i32
        %dma_start3A_161 = tpu.memref_slice %arg11[%run_scoped3A_143, %dma_start3A_159, %dma_start3A_160] : memref<3x128x128xf32, #tpu.memory_space<vmem>> -> memref<1x128x128xf32, #tpu.memory_space<vmem>>
        %dma_start3A_162 = tpu.memref_squeeze %dma_start3A_161 : memref<1x128x128xf32, #tpu.memory_space<vmem>> -> memref<128x128xf32, #tpu.memory_space<vmem>>
        %dma_start3A_163 = arith.constant 0 : i32
        %dma_start3A_164 = arith.constant 0 : i32
        %dma_start3A_165 = tpu.memref_slice %dma_start3A_162[%dma_start3A_163, %dma_start3A_164] : memref<128x128xf32, #tpu.memory_space<vmem>> -> memref<56x128xf32, #tpu.memory_space<vmem>>
        %dma_start3A_166 = arith.constant 0 : i32
        %dma_start3A_167 = tpu.memref_slice %arg12[%add3A_142, %dma_start3A_166] : memref<5120x128xf32, #tpu.memory_space<vmem_shared>> -> memref<56x128xf32, #tpu.memory_space<vmem_shared>>
        tpu.enqueue_dma source(%dma_start3A_167 : memref<56x128xf32, #tpu.memory_space<vmem_shared>>) target(%dma_start3A_165 : memref<56x128xf32, #tpu.memory_space<vmem>>) target_semaphore(%run_scoped3A_149 : memref<!tpu.dma_semaphore, #tpu.memory_space<semaphore_mem>>)
        %dma_wait3A_168 = arith.constant 0 : i32
        %dma_wait3A_169 = arith.constant 0 : i32
        %dma_wait3A_170 = tpu.memref_slice %arg11[%run_scoped3A_143, %dma_wait3A_168, %dma_wait3A_169] : memref<3x128x128xf32, #tpu.memory_space<vmem>> -> memref<1x128x128xf32, #tpu.memory_space<vmem>>
        %dma_wait3A_171 = tpu.memref_squeeze %dma_wait3A_170 : memref<1x128x128xf32, #tpu.memory_space<vmem>> -> memref<128x128xf32, #tpu.memory_space<vmem>>
        %dma_wait3A_172 = arith.constant 0 : i32
        %dma_wait3A_173 = arith.constant 0 : i32
        %dma_wait3A_174 = tpu.memref_slice %dma_wait3A_171[%dma_wait3A_172, %dma_wait3A_173] : memref<128x128xf32, #tpu.memory_space<vmem>> -> memref<56x128xf32, #tpu.memory_space<vmem>>
        %dma_wait3A_175 = arith.constant 0 : i32
        %dma_wait3A_176 = tpu.memref_slice %arg12[%add3A_142, %dma_wait3A_175] : memref<5120x128xf32, #tpu.memory_space<vmem_shared>> -> memref<56x128xf32, #tpu.memory_space<vmem_shared>>
        %dma_wait3A_177 = arith.constant 0 : i32
        %dma_wait3A_178 = arith.constant 0 : i32
        %dma_wait3A_179 = tpu.memref_slice %arg11[%run_scoped3A_143, %dma_wait3A_177, %dma_wait3A_178] : memref<3x128x128xf32, #tpu.memory_space<vmem>> -> memref<1x128x128xf32, #tpu.memory_space<vmem>>
        %dma_wait3A_180 = tpu.memref_squeeze %dma_wait3A_179 : memref<1x128x128xf32, #tpu.memory_space<vmem>> -> memref<128x128xf32, #tpu.memory_space<vmem>>
        %dma_wait3A_181 = arith.constant 0 : i32
        %dma_wait3A_182 = arith.constant 0 : i32
        %dma_wait3A_183 = tpu.memref_slice %dma_wait3A_180[%dma_wait3A_181, %dma_wait3A_182] : memref<128x128xf32, #tpu.memory_space<vmem>> -> memref<56x128xf32, #tpu.memory_space<vmem>>
        %dma_wait3A_184 = arith.constant 0 : i32
        %dma_wait3A_185 = tpu.memref_slice %arg12[%add3A_142, %dma_wait3A_184] : memref<5120x128xf32, #tpu.memory_space<vmem_shared>> -> memref<56x128xf32, #tpu.memory_space<vmem_shared>>
        tpu.wait_dma2 semaphore(%run_scoped3A_149 : memref<!tpu.dma_semaphore, #tpu.memory_space<semaphore_mem>>) src(%dma_wait3A_185 : memref<56x128xf32, #tpu.memory_space<vmem_shared>>) dst(%dma_wait3A_183 : memref<56x128xf32, #tpu.memory_space<vmem>>)
        tpu.yield
      }) : () -> ()
      %mul3A_144 = arith.constant 312 : i32
      %mul3A_145 = arith.muli %arg1, %mul3A_144 : i32
      %add3A_146 = arith.constant 256 : i32
      %add3A_147 = arith.addi %mul3A_145, %add3A_146 : i32
      %run_scoped3A_148 = arith.constant 2 : i32
      "tpu.region"() ({
        %run_scoped3A_149 = tpu.sem_alloc : memref<!tpu.dma_semaphore, #tpu.memory_space<semaphore_mem>>
        %dma_start3A_150 = arith.constant 0 : i32
        %dma_start3A_151 = arith.constant 0 : i32
        %dma_start3A_152 = tpu.memref_slice %arg11[%run_scoped3A_148, %dma_start3A_150, %dma_start3A_151] : memref<3x128x128xf32, #tpu.memory_space<vmem>> -> memref<1x128x128xf32, #tpu.memory_space<vmem>>
        %dma_start3A_153 = tpu.memref_squeeze %dma_start3A_152 : memref<1x128x128xf32, #tpu.memory_space<vmem>> -> memref<128x128xf32, #tpu.memory_space<vmem>>
        %dma_start3A_154 = arith.constant 0 : i32
        %dma_start3A_155 = arith.constant 0 : i32
        %dma_start3A_156 = tpu.memref_slice %dma_start3A_153[%dma_start3A_154, %dma_start3A_155] : memref<128x128xf32, #tpu.memory_space<vmem>> -> memref<56x128xf32, #tpu.memory_space<vmem>>
        %dma_start3A_157 = arith.constant 0 : i32
        %dma_start3A_158 = tpu.memref_slice %arg8[%add3A_147, %dma_start3A_157] : memref<10112x128xf32, #tpu.memory_space<hbm>> -> memref<56x128xf32, #tpu.memory_space<hbm>>
        %dma_start3A_159 = arith.constant 0 : i32
        %dma_start3A_160 = tpu.memref_slice %arg8[%add3A_147, %dma_start3A_159] : memref<10112x128xf32, #tpu.memory_space<hbm>> -> memref<56x128xf32, #tpu.memory_space<hbm>>
        %dma_start3A_161 = arith.constant 0 : i32
        %dma_start3A_162 = arith.constant 0 : i32
        %dma_start3A_163 = tpu.memref_slice %arg11[%run_scoped3A_148, %dma_start3A_161, %dma_start3A_162] : memref<3x128x128xf32, #tpu.memory_space<vmem>> -> memref<1x128x128xf32, #tpu.memory_space<vmem>>
        %dma_start3A_164 = tpu.memref_squeeze %dma_start3A_163 : memref<1x128x128xf32, #tpu.memory_space<vmem>> -> memref<128x128xf32, #tpu.memory_space<vmem>>
        %dma_start3A_165 = arith.constant 0 : i32
        %dma_start3A_166 = arith.constant 0 : i32
        %dma_start3A_167 = tpu.memref_slice %dma_start3A_164[%dma_start3A_165, %dma_start3A_166] : memref<128x128xf32, #tpu.memory_space<vmem>> -> memref<56x128xf32, #tpu.memory_space<vmem>>
        tpu.enqueue_dma source(%dma_start3A_167 : memref<56x128xf32, #tpu.memory_space<vmem>>) target(%dma_start3A_160 : memref<56x128xf32, #tpu.memory_space<hbm>>) target_semaphore(%run_scoped3A_149 : memref<!tpu.dma_semaphore, #tpu.memory_space<semaphore_mem>>)
        %dma_wait3A_168 = arith.constant 0 : i32
        %dma_wait3A_169 = arith.constant 0 : i32
        %dma_wait3A_170 = tpu.memref_slice %arg11[%run_scoped3A_148, %dma_wait3A_168, %dma_wait3A_169] : memref<3x128x128xf32, #tpu.memory_space<vmem>> -> memref<1x128x128xf32, #tpu.memory_space<vmem>>
        %dma_wait3A_171 = tpu.memref_squeeze %dma_wait3A_170 : memref<1x128x128xf32, #tpu.memory_space<vmem>> -> memref<128x128xf32, #tpu.memory_space<vmem>>
        %dma_wait3A_172 = arith.constant 0 : i32
        %dma_wait3A_173 = arith.constant 0 : i32
        %dma_wait3A_174 = tpu.memref_slice %dma_wait3A_171[%dma_wait3A_172, %dma_wait3A_173] : memref<128x128xf32, #tpu.memory_space<vmem>> -> memref<56x128xf32, #tpu.memory_space<vmem>>
        %dma_wait3A_175 = arith.constant 0 : i32
        %dma_wait3A_176 = tpu.memref_slice %arg8[%add3A_147, %dma_wait3A_175] : memref<10112x128xf32, #tpu.memory_space<hbm>> -> memref<56x128xf32, #tpu.memory_space<hbm>>
        %dma_wait3A_177 = arith.constant 0 : i32
        %dma_wait3A_178 = tpu.memref_slice %arg8[%add3A_147, %dma_wait3A_177] : memref<10112x128xf32, #tpu.memory_space<hbm>> -> memref<56x128xf32, #tpu.memory_space<hbm>>
        %dma_wait3A_179 = arith.constant 0 : i32
        %dma_wait3A_180 = arith.constant 0 : i32
        %dma_wait3A_181 = tpu.memref_slice %arg11[%run_scoped3A_148, %dma_wait3A_179, %dma_wait3A_180] : memref<3x128x128xf32, #tpu.memory_space<vmem>> -> memref<1x128x128xf32, #tpu.memory_space<vmem>>
        %dma_wait3A_182 = tpu.memref_squeeze %dma_wait3A_181 : memref<1x128x128xf32, #tpu.memory_space<vmem>> -> memref<128x128xf32, #tpu.memory_space<vmem>>
        %dma_wait3A_183 = arith.constant 0 : i32
        %dma_wait3A_184 = arith.constant 0 : i32
        %dma_wait3A_185 = tpu.memref_slice %dma_wait3A_182[%dma_wait3A_183, %dma_wait3A_184] : memref<128x128xf32, #tpu.memory_space<vmem>> -> memref<56x128xf32, #tpu.memory_space<vmem>>
        tpu.wait_dma2 semaphore(%run_scoped3A_149 : memref<!tpu.dma_semaphore, #tpu.memory_space<semaphore_mem>>) src(%dma_wait3A_185 : memref<56x128xf32, #tpu.memory_space<vmem>>) dst(%dma_wait3A_178 : memref<56x128xf32, #tpu.memory_space<hbm>>)
        tpu.yield
      }) : () -> ()
    } else {
    }
    %eq3A_114 = arith.constant 1 : i32
    %eq3A_115 = arith.cmpi eq, %arg0, %eq3A_114 : i32
    %convert_element_type3A_116 = arith.extui %eq3A_115 : i1 to i32
    %cond3A_117 = arith.constant 0 : i32
    %cond3A_118 = arith.cmpi ne, %convert_element_type3A_116, %cond3A_117 : i32
    scf.if %cond3A_118 {
      %mul3A_119 = arith.constant 320 : i32
      %mul3A_120 = arith.muli %arg1, %mul3A_119 : i32
      %add3A_121 = arith.constant 0 : i32
      %add3A_122 = arith.addi %mul3A_120, %add3A_121 : i32
      %run_scoped3A_123 = arith.constant 0 : i32
      "tpu.region"() ({
        %run_scoped3A_155 = tpu.sem_alloc : memref<!tpu.dma_semaphore, #tpu.memory_space<semaphore_mem>>
        %dma_start3A_156 = arith.constant 0 : i32
        %dma_start3A_157 = arith.constant 0 : i32
        %dma_start3A_158 = tpu.memref_slice %arg11[%run_scoped3A_123, %dma_start3A_156, %dma_start3A_157] : memref<3x128x128xf32, #tpu.memory_space<vmem>> -> memref<1x128x128xf32, #tpu.memory_space<vmem>>
        %dma_start3A_159 = tpu.memref_squeeze %dma_start3A_158 : memref<1x128x128xf32, #tpu.memory_space<vmem>> -> memref<128x128xf32, #tpu.memory_space<vmem>>
        %dma_start3A_160 = arith.constant 0 : i32
        %dma_start3A_161 = arith.constant 0 : i32
        %dma_start3A_162 = tpu.memref_slice %dma_start3A_159[%dma_start3A_160, %dma_start3A_161] : memref<128x128xf32, #tpu.memory_space<vmem>> -> memref<128x128xf32, #tpu.memory_space<vmem>>
        %dma_start3A_163 = arith.constant 0 : i32
        %dma_start3A_164 = tpu.memref_slice %arg12[%add3A_122, %dma_start3A_163] : memref<5120x128xf32, #tpu.memory_space<vmem_shared>> -> memref<128x128xf32, #tpu.memory_space<vmem_shared>>
        %dma_start3A_165 = arith.constant 0 : i32
        %dma_start3A_166 = arith.constant 0 : i32
        %dma_start3A_167 = tpu.memref_slice %arg11[%run_scoped3A_123, %dma_start3A_165, %dma_start3A_166] : memref<3x128x128xf32, #tpu.memory_space<vmem>> -> memref<1x128x128xf32, #tpu.memory_space<vmem>>
        %dma_start3A_168 = tpu.memref_squeeze %dma_start3A_167 : memref<1x128x128xf32, #tpu.memory_space<vmem>> -> memref<128x128xf32, #tpu.memory_space<vmem>>
        %dma_start3A_169 = arith.constant 0 : i32
        %dma_start3A_170 = arith.constant 0 : i32
        %dma_start3A_171 = tpu.memref_slice %dma_start3A_168[%dma_start3A_169, %dma_start3A_170] : memref<128x128xf32, #tpu.memory_space<vmem>> -> memref<128x128xf32, #tpu.memory_space<vmem>>
        %dma_start3A_172 = arith.constant 0 : i32
        %dma_start3A_173 = tpu.memref_slice %arg12[%add3A_122, %dma_start3A_172] : memref<5120x128xf32, #tpu.memory_space<vmem_shared>> -> memref<128x128xf32, #tpu.memory_space<vmem_shared>>
        tpu.enqueue_dma source(%dma_start3A_173 : memref<128x128xf32, #tpu.memory_space<vmem_shared>>) target(%dma_start3A_171 : memref<128x128xf32, #tpu.memory_space<vmem>>) target_semaphore(%run_scoped3A_155 : memref<!tpu.dma_semaphore, #tpu.memory_space<semaphore_mem>>)
        %dma_wait3A_174 = arith.constant 0 : i32
        %dma_wait3A_175 = arith.constant 0 : i32
        %dma_wait3A_176 = tpu.memref_slice %arg11[%run_scoped3A_123, %dma_wait3A_174, %dma_wait3A_175] : memref<3x128x128xf32, #tpu.memory_space<vmem>> -> memref<1x128x128xf32, #tpu.memory_space<vmem>>
        %dma_wait3A_177 = tpu.memref_squeeze %dma_wait3A_176 : memref<1x128x128xf32, #tpu.memory_space<vmem>> -> memref<128x128xf32, #tpu.memory_space<vmem>>
        %dma_wait3A_178 = arith.constant 0 : i32
        %dma_wait3A_179 = arith.constant 0 : i32
        %dma_wait3A_180 = tpu.memref_slice %dma_wait3A_177[%dma_wait3A_178, %dma_wait3A_179] : memref<128x128xf32, #tpu.memory_space<vmem>> -> memref<128x128xf32, #tpu.memory_space<vmem>>
        %dma_wait3A_181 = arith.constant 0 : i32
        %dma_wait3A_182 = tpu.memref_slice %arg12[%add3A_122, %dma_wait3A_181] : memref<5120x128xf32, #tpu.memory_space<vmem_shared>> -> memref<128x128xf32, #tpu.memory_space<vmem_shared>>
        %dma_wait3A_183 = arith.constant 0 : i32
        %dma_wait3A_184 = arith.constant 0 : i32
        %dma_wait3A_185 = tpu.memref_slice %arg11[%run_scoped3A_123, %dma_wait3A_183, %dma_wait3A_184] : memref<3x128x128xf32, #tpu.memory_space<vmem>> -> memref<1x128x128xf32, #tpu.memory_space<vmem>>
        %dma_wait3A_186 = tpu.memref_squeeze %dma_wait3A_185 : memref<1x128x128xf32, #tpu.memory_space<vmem>> -> memref<128x128xf32, #tpu.memory_space<vmem>>
        %dma_wait3A_187 = arith.constant 0 : i32
        %dma_wait3A_188 = arith.constant 0 : i32
        %dma_wait3A_189 = tpu.memref_slice %dma_wait3A_186[%dma_wait3A_187, %dma_wait3A_188] : memref<128x128xf32, #tpu.memory_space<vmem>> -> memref<128x128xf32, #tpu.memory_space<vmem>>
        %dma_wait3A_190 = arith.constant 0 : i32
        %dma_wait3A_191 = tpu.memref_slice %arg12[%add3A_122, %dma_wait3A_190] : memref<5120x128xf32, #tpu.memory_space<vmem_shared>> -> memref<128x128xf32, #tpu.memory_space<vmem_shared>>
        tpu.wait_dma2 semaphore(%run_scoped3A_155 : memref<!tpu.dma_semaphore, #tpu.memory_space<semaphore_mem>>) src(%dma_wait3A_191 : memref<128x128xf32, #tpu.memory_space<vmem_shared>>) dst(%dma_wait3A_189 : memref<128x128xf32, #tpu.memory_space<vmem>>)
        tpu.yield
      }) : () -> ()
      %mul3A_124 = arith.constant 320 : i32
      %mul3A_125 = arith.muli %arg1, %mul3A_124 : i32
      %add3A_126 = arith.constant 4992 : i32
      %add3A_127 = arith.addi %add3A_126, %mul3A_125 : i32
      %add3A_128 = arith.constant 0 : i32
      %add3A_129 = arith.addi %add3A_127, %add3A_128 : i32
      %run_scoped3A_130 = arith.constant 0 : i32
      "tpu.region"() ({
        %run_scoped3A_155 = tpu.sem_alloc : memref<!tpu.dma_semaphore, #tpu.memory_space<semaphore_mem>>
        %dma_start3A_156 = arith.constant 0 : i32
        %dma_start3A_157 = arith.constant 0 : i32
        %dma_start3A_158 = tpu.memref_slice %arg11[%run_scoped3A_130, %dma_start3A_156, %dma_start3A_157] : memref<3x128x128xf32, #tpu.memory_space<vmem>> -> memref<1x128x128xf32, #tpu.memory_space<vmem>>
        %dma_start3A_159 = tpu.memref_squeeze %dma_start3A_158 : memref<1x128x128xf32, #tpu.memory_space<vmem>> -> memref<128x128xf32, #tpu.memory_space<vmem>>
        %dma_start3A_160 = arith.constant 0 : i32
        %dma_start3A_161 = arith.constant 0 : i32
        %dma_start3A_162 = tpu.memref_slice %dma_start3A_159[%dma_start3A_160, %dma_start3A_161] : memref<128x128xf32, #tpu.memory_space<vmem>> -> memref<128x128xf32, #tpu.memory_space<vmem>>
        %dma_start3A_163 = arith.constant 0 : i32
        %dma_start3A_164 = tpu.memref_slice %arg8[%add3A_129, %dma_start3A_163] : memref<10112x128xf32, #tpu.memory_space<hbm>> -> memref<128x128xf32, #tpu.memory_space<hbm>>
        %dma_start3A_165 = arith.constant 0 : i32
        %dma_start3A_166 = tpu.memref_slice %arg8[%add3A_129, %dma_start3A_165] : memref<10112x128xf32, #tpu.memory_space<hbm>> -> memref<128x128xf32, #tpu.memory_space<hbm>>
        %dma_start3A_167 = arith.constant 0 : i32
        %dma_start3A_168 = arith.constant 0 : i32
        %dma_start3A_169 = tpu.memref_slice %arg11[%run_scoped3A_130, %dma_start3A_167, %dma_start3A_168] : memref<3x128x128xf32, #tpu.memory_space<vmem>> -> memref<1x128x128xf32, #tpu.memory_space<vmem>>
        %dma_start3A_170 = tpu.memref_squeeze %dma_start3A_169 : memref<1x128x128xf32, #tpu.memory_space<vmem>> -> memref<128x128xf32, #tpu.memory_space<vmem>>
        %dma_start3A_171 = arith.constant 0 : i32
        %dma_start3A_172 = arith.constant 0 : i32
        %dma_start3A_173 = tpu.memref_slice %dma_start3A_170[%dma_start3A_171, %dma_start3A_172] : memref<128x128xf32, #tpu.memory_space<vmem>> -> memref<128x128xf32, #tpu.memory_space<vmem>>
        tpu.enqueue_dma source(%dma_start3A_173 : memref<128x128xf32, #tpu.memory_space<vmem>>) target(%dma_start3A_166 : memref<128x128xf32, #tpu.memory_space<hbm>>) target_semaphore(%run_scoped3A_155 : memref<!tpu.dma_semaphore, #tpu.memory_space<semaphore_mem>>)
        %dma_wait3A_174 = arith.constant 0 : i32
        %dma_wait3A_175 = arith.constant 0 : i32
        %dma_wait3A_176 = tpu.memref_slice %arg11[%run_scoped3A_130, %dma_wait3A_174, %dma_wait3A_175] : memref<3x128x128xf32, #tpu.memory_space<vmem>> -> memref<1x128x128xf32, #tpu.memory_space<vmem>>
        %dma_wait3A_177 = tpu.memref_squeeze %dma_wait3A_176 : memref<1x128x128xf32, #tpu.memory_space<vmem>> -> memref<128x128xf32, #tpu.memory_space<vmem>>
        %dma_wait3A_178 = arith.constant 0 : i32
        %dma_wait3A_179 = arith.constant 0 : i32
        %dma_wait3A_180 = tpu.memref_slice %dma_wait3A_177[%dma_wait3A_178, %dma_wait3A_179] : memref<128x128xf32, #tpu.memory_space<vmem>> -> memref<128x128xf32, #tpu.memory_space<vmem>>
        %dma_wait3A_181 = arith.constant 0 : i32
        %dma_wait3A_182 = tpu.memref_slice %arg8[%add3A_129, %dma_wait3A_181] : memref<10112x128xf32, #tpu.memory_space<hbm>> -> memref<128x128xf32, #tpu.memory_space<hbm>>
        %dma_wait3A_183 = arith.constant 0 : i32
        %dma_wait3A_184 = tpu.memref_slice %arg8[%add3A_129, %dma_wait3A_183] : memref<10112x128xf32, #tpu.memory_space<hbm>> -> memref<128x128xf32, #tpu.memory_space<hbm>>
        %dma_wait3A_185 = arith.constant 0 : i32
        %dma_wait3A_186 = arith.constant 0 : i32
        %dma_wait3A_187 = tpu.memref_slice %arg11[%run_scoped3A_130, %dma_wait3A_185, %dma_wait3A_186] : memref<3x128x128xf32, #tpu.memory_space<vmem>> -> memref<1x128x128xf32, #tpu.memory_space<vmem>>
        %dma_wait3A_188 = tpu.memref_squeeze %dma_wait3A_187 : memref<1x128x128xf32, #tpu.memory_space<vmem>> -> memref<128x128xf32, #tpu.memory_space<vmem>>
        %dma_wait3A_189 = arith.constant 0 : i32
        %dma_wait3A_190 = arith.constant 0 : i32
        %dma_wait3A_191 = tpu.memref_slice %dma_wait3A_188[%dma_wait3A_189, %dma_wait3A_190] : memref<128x128xf32, #tpu.memory_space<vmem>> -> memref<128x128xf32, #tpu.memory_space<vmem>>
        tpu.wait_dma2 semaphore(%run_scoped3A_155 : memref<!tpu.dma_semaphore, #tpu.memory_space<semaphore_mem>>) src(%dma_wait3A_191 : memref<128x128xf32, #tpu.memory_space<vmem>>) dst(%dma_wait3A_184 : memref<128x128xf32, #tpu.memory_space<hbm>>)
        tpu.yield
      }) : () -> ()
      %mul3A_131 = arith.constant 320 : i32
      %mul3A_132 = arith.muli %arg1, %mul3A_131 : i32
      %add3A_133 = arith.constant 128 : i32
      %add3A_134 = arith.addi %mul3A_132, %add3A_133 : i32
      %run_scoped3A_135 = arith.constant 1 : i32
      "tpu.region"() ({
        %run_scoped3A_155 = tpu.sem_alloc : memref<!tpu.dma_semaphore, #tpu.memory_space<semaphore_mem>>
        %dma_start3A_156 = arith.constant 0 : i32
        %dma_start3A_157 = arith.constant 0 : i32
        %dma_start3A_158 = tpu.memref_slice %arg11[%run_scoped3A_135, %dma_start3A_156, %dma_start3A_157] : memref<3x128x128xf32, #tpu.memory_space<vmem>> -> memref<1x128x128xf32, #tpu.memory_space<vmem>>
        %dma_start3A_159 = tpu.memref_squeeze %dma_start3A_158 : memref<1x128x128xf32, #tpu.memory_space<vmem>> -> memref<128x128xf32, #tpu.memory_space<vmem>>
        %dma_start3A_160 = arith.constant 0 : i32
        %dma_start3A_161 = arith.constant 0 : i32
        %dma_start3A_162 = tpu.memref_slice %dma_start3A_159[%dma_start3A_160, %dma_start3A_161] : memref<128x128xf32, #tpu.memory_space<vmem>> -> memref<128x128xf32, #tpu.memory_space<vmem>>
        %dma_start3A_163 = arith.constant 0 : i32
        %dma_start3A_164 = tpu.memref_slice %arg12[%add3A_134, %dma_start3A_163] : memref<5120x128xf32, #tpu.memory_space<vmem_shared>> -> memref<128x128xf32, #tpu.memory_space<vmem_shared>>
        %dma_start3A_165 = arith.constant 0 : i32
        %dma_start3A_166 = arith.constant 0 : i32
        %dma_start3A_167 = tpu.memref_slice %arg11[%run_scoped3A_135, %dma_start3A_165, %dma_start3A_166] : memref<3x128x128xf32, #tpu.memory_space<vmem>> -> memref<1x128x128xf32, #tpu.memory_space<vmem>>
        %dma_start3A_168 = tpu.memref_squeeze %dma_start3A_167 : memref<1x128x128xf32, #tpu.memory_space<vmem>> -> memref<128x128xf32, #tpu.memory_space<vmem>>
        %dma_start3A_169 = arith.constant 0 : i32
        %dma_start3A_170 = arith.constant 0 : i32
        %dma_start3A_171 = tpu.memref_slice %dma_start3A_168[%dma_start3A_169, %dma_start3A_170] : memref<128x128xf32, #tpu.memory_space<vmem>> -> memref<128x128xf32, #tpu.memory_space<vmem>>
        %dma_start3A_172 = arith.constant 0 : i32
        %dma_start3A_173 = tpu.memref_slice %arg12[%add3A_134, %dma_start3A_172] : memref<5120x128xf32, #tpu.memory_space<vmem_shared>> -> memref<128x128xf32, #tpu.memory_space<vmem_shared>>
        tpu.enqueue_dma source(%dma_start3A_173 : memref<128x128xf32, #tpu.memory_space<vmem_shared>>) target(%dma_start3A_171 : memref<128x128xf32, #tpu.memory_space<vmem>>) target_semaphore(%run_scoped3A_155 : memref<!tpu.dma_semaphore, #tpu.memory_space<semaphore_mem>>)
        %dma_wait3A_174 = arith.constant 0 : i32
        %dma_wait3A_175 = arith.constant 0 : i32
        %dma_wait3A_176 = tpu.memref_slice %arg11[%run_scoped3A_135, %dma_wait3A_174, %dma_wait3A_175] : memref<3x128x128xf32, #tpu.memory_space<vmem>> -> memref<1x128x128xf32, #tpu.memory_space<vmem>>
        %dma_wait3A_177 = tpu.memref_squeeze %dma_wait3A_176 : memref<1x128x128xf32, #tpu.memory_space<vmem>> -> memref<128x128xf32, #tpu.memory_space<vmem>>
        %dma_wait3A_178 = arith.constant 0 : i32
        %dma_wait3A_179 = arith.constant 0 : i32
        %dma_wait3A_180 = tpu.memref_slice %dma_wait3A_177[%dma_wait3A_178, %dma_wait3A_179] : memref<128x128xf32, #tpu.memory_space<vmem>> -> memref<128x128xf32, #tpu.memory_space<vmem>>
        %dma_wait3A_181 = arith.constant 0 : i32
        %dma_wait3A_182 = tpu.memref_slice %arg12[%add3A_134, %dma_wait3A_181] : memref<5120x128xf32, #tpu.memory_space<vmem_shared>> -> memref<128x128xf32, #tpu.memory_space<vmem_shared>>
        %dma_wait3A_183 = arith.constant 0 : i32
        %dma_wait3A_184 = arith.constant 0 : i32
        %dma_wait3A_185 = tpu.memref_slice %arg11[%run_scoped3A_135, %dma_wait3A_183, %dma_wait3A_184] : memref<3x128x128xf32, #tpu.memory_space<vmem>> -> memref<1x128x128xf32, #tpu.memory_space<vmem>>
        %dma_wait3A_186 = tpu.memref_squeeze %dma_wait3A_185 : memref<1x128x128xf32, #tpu.memory_space<vmem>> -> memref<128x128xf32, #tpu.memory_space<vmem>>
        %dma_wait3A_187 = arith.constant 0 : i32
        %dma_wait3A_188 = arith.constant 0 : i32
        %dma_wait3A_189 = tpu.memref_slice %dma_wait3A_186[%dma_wait3A_187, %dma_wait3A_188] : memref<128x128xf32, #tpu.memory_space<vmem>> -> memref<128x128xf32, #tpu.memory_space<vmem>>
        %dma_wait3A_190 = arith.constant 0 : i32
        %dma_wait3A_191 = tpu.memref_slice %arg12[%add3A_134, %dma_wait3A_190] : memref<5120x128xf32, #tpu.memory_space<vmem_shared>> -> memref<128x128xf32, #tpu.memory_space<vmem_shared>>
        tpu.wait_dma2 semaphore(%run_scoped3A_155 : memref<!tpu.dma_semaphore, #tpu.memory_space<semaphore_mem>>) src(%dma_wait3A_191 : memref<128x128xf32, #tpu.memory_space<vmem_shared>>) dst(%dma_wait3A_189 : memref<128x128xf32, #tpu.memory_space<vmem>>)
        tpu.yield
      }) : () -> ()
      %mul3A_136 = arith.constant 320 : i32
      %mul3A_137 = arith.muli %arg1, %mul3A_136 : i32
      %add3A_138 = arith.constant 4992 : i32
      %add3A_139 = arith.addi %add3A_138, %mul3A_137 : i32
      %add3A_140 = arith.constant 128 : i32
      %add3A_141 = arith.addi %add3A_139, %add3A_140 : i32
      %run_scoped3A_142 = arith.constant 1 : i32
      "tpu.region"() ({
        %run_scoped3A_155 = tpu.sem_alloc : memref<!tpu.dma_semaphore, #tpu.memory_space<semaphore_mem>>
        %dma_start3A_156 = arith.constant 0 : i32
        %dma_start3A_157 = arith.constant 0 : i32
        %dma_start3A_158 = tpu.memref_slice %arg11[%run_scoped3A_142, %dma_start3A_156, %dma_start3A_157] : memref<3x128x128xf32, #tpu.memory_space<vmem>> -> memref<1x128x128xf32, #tpu.memory_space<vmem>>
        %dma_start3A_159 = tpu.memref_squeeze %dma_start3A_158 : memref<1x128x128xf32, #tpu.memory_space<vmem>> -> memref<128x128xf32, #tpu.memory_space<vmem>>
        %dma_start3A_160 = arith.constant 0 : i32
        %dma_start3A_161 = arith.constant 0 : i32
        %dma_start3A_162 = tpu.memref_slice %dma_start3A_159[%dma_start3A_160, %dma_start3A_161] : memref<128x128xf32, #tpu.memory_space<vmem>> -> memref<128x128xf32, #tpu.memory_space<vmem>>
        %dma_start3A_163 = arith.constant 0 : i32
        %dma_start3A_164 = tpu.memref_slice %arg8[%add3A_141, %dma_start3A_163] : memref<10112x128xf32, #tpu.memory_space<hbm>> -> memref<128x128xf32, #tpu.memory_space<hbm>>
        %dma_start3A_165 = arith.constant 0 : i32
        %dma_start3A_166 = tpu.memref_slice %arg8[%add3A_141, %dma_start3A_165] : memref<10112x128xf32, #tpu.memory_space<hbm>> -> memref<128x128xf32, #tpu.memory_space<hbm>>
        %dma_start3A_167 = arith.constant 0 : i32
        %dma_start3A_168 = arith.constant 0 : i32
        %dma_start3A_169 = tpu.memref_slice %arg11[%run_scoped3A_142, %dma_start3A_167, %dma_start3A_168] : memref<3x128x128xf32, #tpu.memory_space<vmem>> -> memref<1x128x128xf32, #tpu.memory_space<vmem>>
        %dma_start3A_170 = tpu.memref_squeeze %dma_start3A_169 : memref<1x128x128xf32, #tpu.memory_space<vmem>> -> memref<128x128xf32, #tpu.memory_space<vmem>>
        %dma_start3A_171 = arith.constant 0 : i32
        %dma_start3A_172 = arith.constant 0 : i32
        %dma_start3A_173 = tpu.memref_slice %dma_start3A_170[%dma_start3A_171, %dma_start3A_172] : memref<128x128xf32, #tpu.memory_space<vmem>> -> memref<128x128xf32, #tpu.memory_space<vmem>>
        tpu.enqueue_dma source(%dma_start3A_173 : memref<128x128xf32, #tpu.memory_space<vmem>>) target(%dma_start3A_166 : memref<128x128xf32, #tpu.memory_space<hbm>>) target_semaphore(%run_scoped3A_155 : memref<!tpu.dma_semaphore, #tpu.memory_space<semaphore_mem>>)
        %dma_wait3A_174 = arith.constant 0 : i32
        %dma_wait3A_175 = arith.constant 0 : i32
        %dma_wait3A_176 = tpu.memref_slice %arg11[%run_scoped3A_142, %dma_wait3A_174, %dma_wait3A_175] : memref<3x128x128xf32, #tpu.memory_space<vmem>> -> memref<1x128x128xf32, #tpu.memory_space<vmem>>
        %dma_wait3A_177 = tpu.memref_squeeze %dma_wait3A_176 : memref<1x128x128xf32, #tpu.memory_space<vmem>> -> memref<128x128xf32, #tpu.memory_space<vmem>>
        %dma_wait3A_178 = arith.constant 0 : i32
        %dma_wait3A_179 = arith.constant 0 : i32
        %dma_wait3A_180 = tpu.memref_slice %dma_wait3A_177[%dma_wait3A_178, %dma_wait3A_179] : memref<128x128xf32, #tpu.memory_space<vmem>> -> memref<128x128xf32, #tpu.memory_space<vmem>>
        %dma_wait3A_181 = arith.constant 0 : i32
        %dma_wait3A_182 = tpu.memref_slice %arg8[%add3A_141, %dma_wait3A_181] : memref<10112x128xf32, #tpu.memory_space<hbm>> -> memref<128x128xf32, #tpu.memory_space<hbm>>
        %dma_wait3A_183 = arith.constant 0 : i32
        %dma_wait3A_184 = tpu.memref_slice %arg8[%add3A_141, %dma_wait3A_183] : memref<10112x128xf32, #tpu.memory_space<hbm>> -> memref<128x128xf32, #tpu.memory_space<hbm>>
        %dma_wait3A_185 = arith.constant 0 : i32
        %dma_wait3A_186 = arith.constant 0 : i32
        %dma_wait3A_187 = tpu.memref_slice %arg11[%run_scoped3A_142, %dma_wait3A_185, %dma_wait3A_186] : memref<3x128x128xf32, #tpu.memory_space<vmem>> -> memref<1x128x128xf32, #tpu.memory_space<vmem>>
        %dma_wait3A_188 = tpu.memref_squeeze %dma_wait3A_187 : memref<1x128x128xf32, #tpu.memory_space<vmem>> -> memref<128x128xf32, #tpu.memory_space<vmem>>
        %dma_wait3A_189 = arith.constant 0 : i32
        %dma_wait3A_190 = arith.constant 0 : i32
        %dma_wait3A_191 = tpu.memref_slice %dma_wait3A_188[%dma_wait3A_189, %dma_wait3A_190] : memref<128x128xf32, #tpu.memory_space<vmem>> -> memref<128x128xf32, #tpu.memory_space<vmem>>
        tpu.wait_dma2 semaphore(%run_scoped3A_155 : memref<!tpu.dma_semaphore, #tpu.memory_space<semaphore_mem>>) src(%dma_wait3A_191 : memref<128x128xf32, #tpu.memory_space<vmem>>) dst(%dma_wait3A_184 : memref<128x128xf32, #tpu.memory_space<hbm>>)
        tpu.yield
      }) : () -> ()
      %mul3A_143 = arith.constant 320 : i32
      %mul3A_144 = arith.muli %arg1, %mul3A_143 : i32
      %add3A_145 = arith.constant 256 : i32
      %add3A_146 = arith.addi %mul3A_144, %add3A_145 : i32
      %run_scoped3A_147 = arith.constant 2 : i32
      "tpu.region"() ({
        %run_scoped3A_155 = tpu.sem_alloc : memref<!tpu.dma_semaphore, #tpu.memory_space<semaphore_mem>>
        %dma_start3A_156 = arith.constant 0 : i32
        %dma_start3A_157 = arith.constant 0 : i32
        %dma_start3A_158 = tpu.memref_slice %arg11[%run_scoped3A_147, %dma_start3A_156, %dma_start3A_157] : memref<3x128x128xf32, #tpu.memory_space<vmem>> -> memref<1x128x128xf32, #tpu.memory_space<vmem>>
        %dma_start3A_159 = tpu.memref_squeeze %dma_start3A_158 : memref<1x128x128xf32, #tpu.memory_space<vmem>> -> memref<128x128xf32, #tpu.memory_space<vmem>>
        %dma_start3A_160 = arith.constant 0 : i32
        %dma_start3A_161 = arith.constant 0 : i32
        %dma_start3A_162 = tpu.memref_slice %dma_start3A_159[%dma_start3A_160, %dma_start3A_161] : memref<128x128xf32, #tpu.memory_space<vmem>> -> memref<64x128xf32, #tpu.memory_space<vmem>>
        %dma_start3A_163 = arith.constant 0 : i32
        %dma_start3A_164 = tpu.memref_slice %arg12[%add3A_146, %dma_start3A_163] : memref<5120x128xf32, #tpu.memory_space<vmem_shared>> -> memref<64x128xf32, #tpu.memory_space<vmem_shared>>
        %dma_start3A_165 = arith.constant 0 : i32
        %dma_start3A_166 = arith.constant 0 : i32
        %dma_start3A_167 = tpu.memref_slice %arg11[%run_scoped3A_147, %dma_start3A_165, %dma_start3A_166] : memref<3x128x128xf32, #tpu.memory_space<vmem>> -> memref<1x128x128xf32, #tpu.memory_space<vmem>>
        %dma_start3A_168 = tpu.memref_squeeze %dma_start3A_167 : memref<1x128x128xf32, #tpu.memory_space<vmem>> -> memref<128x128xf32, #tpu.memory_space<vmem>>
        %dma_start3A_169 = arith.constant 0 : i32
        %dma_start3A_170 = arith.constant 0 : i32
        %dma_start3A_171 = tpu.memref_slice %dma_start3A_168[%dma_start3A_169, %dma_start3A_170] : memref<128x128xf32, #tpu.memory_space<vmem>> -> memref<64x128xf32, #tpu.memory_space<vmem>>
        %dma_start3A_172 = arith.constant 0 : i32
        %dma_start3A_173 = tpu.memref_slice %arg12[%add3A_146, %dma_start3A_172] : memref<5120x128xf32, #tpu.memory_space<vmem_shared>> -> memref<64x128xf32, #tpu.memory_space<vmem_shared>>
        tpu.enqueue_dma source(%dma_start3A_173 : memref<64x128xf32, #tpu.memory_space<vmem_shared>>) target(%dma_start3A_171 : memref<64x128xf32, #tpu.memory_space<vmem>>) target_semaphore(%run_scoped3A_155 : memref<!tpu.dma_semaphore, #tpu.memory_space<semaphore_mem>>)
        %dma_wait3A_174 = arith.constant 0 : i32
        %dma_wait3A_175 = arith.constant 0 : i32
        %dma_wait3A_176 = tpu.memref_slice %arg11[%run_scoped3A_147, %dma_wait3A_174, %dma_wait3A_175] : memref<3x128x128xf32, #tpu.memory_space<vmem>> -> memref<1x128x128xf32, #tpu.memory_space<vmem>>
        %dma_wait3A_177 = tpu.memref_squeeze %dma_wait3A_176 : memref<1x128x128xf32, #tpu.memory_space<vmem>> -> memref<128x128xf32, #tpu.memory_space<vmem>>
        %dma_wait3A_178 = arith.constant 0 : i32
        %dma_wait3A_179 = arith.constant 0 : i32
        %dma_wait3A_180 = tpu.memref_slice %dma_wait3A_177[%dma_wait3A_178, %dma_wait3A_179] : memref<128x128xf32, #tpu.memory_space<vmem>> -> memref<64x128xf32, #tpu.memory_space<vmem>>
        %dma_wait3A_181 = arith.constant 0 : i32
        %dma_wait3A_182 = tpu.memref_slice %arg12[%add3A_146, %dma_wait3A_181] : memref<5120x128xf32, #tpu.memory_space<vmem_shared>> -> memref<64x128xf32, #tpu.memory_space<vmem_shared>>
        %dma_wait3A_183 = arith.constant 0 : i32
        %dma_wait3A_184 = arith.constant 0 : i32
        %dma_wait3A_185 = tpu.memref_slice %arg11[%run_scoped3A_147, %dma_wait3A_183, %dma_wait3A_184] : memref<3x128x128xf32, #tpu.memory_space<vmem>> -> memref<1x128x128xf32, #tpu.memory_space<vmem>>
        %dma_wait3A_186 = tpu.memref_squeeze %dma_wait3A_185 : memref<1x128x128xf32, #tpu.memory_space<vmem>> -> memref<128x128xf32, #tpu.memory_space<vmem>>
        %dma_wait3A_187 = arith.constant 0 : i32
        %dma_wait3A_188 = arith.constant 0 : i32
        %dma_wait3A_189 = tpu.memref_slice %dma_wait3A_186[%dma_wait3A_187, %dma_wait3A_188] : memref<128x128xf32, #tpu.memory_space<vmem>> -> memref<64x128xf32, #tpu.memory_space<vmem>>
        %dma_wait3A_190 = arith.constant 0 : i32
        %dma_wait3A_191 = tpu.memref_slice %arg12[%add3A_146, %dma_wait3A_190] : memref<5120x128xf32, #tpu.memory_space<vmem_shared>> -> memref<64x128xf32, #tpu.memory_space<vmem_shared>>
        tpu.wait_dma2 semaphore(%run_scoped3A_155 : memref<!tpu.dma_semaphore, #tpu.memory_space<semaphore_mem>>) src(%dma_wait3A_191 : memref<64x128xf32, #tpu.memory_space<vmem_shared>>) dst(%dma_wait3A_189 : memref<64x128xf32, #tpu.memory_space<vmem>>)
        tpu.yield
      }) : () -> ()
      %mul3A_148 = arith.constant 320 : i32
      %mul3A_149 = arith.muli %arg1, %mul3A_148 : i32
      %add3A_150 = arith.constant 4992 : i32
      %add3A_151 = arith.addi %add3A_150, %mul3A_149 : i32
      %add3A_152 = arith.constant 256 : i32
      %add3A_153 = arith.addi %add3A_151, %add3A_152 : i32
      %run_scoped3A_154 = arith.constant 2 : i32
      "tpu.region"() ({
        %run_scoped3A_155 = tpu.sem_alloc : memref<!tpu.dma_semaphore, #tpu.memory_space<semaphore_mem>>
        %dma_start3A_156 = arith.constant 0 : i32
        %dma_start3A_157 = arith.constant 0 : i32
        %dma_start3A_158 = tpu.memref_slice %arg11[%run_scoped3A_154, %dma_start3A_156, %dma_start3A_157] : memref<3x128x128xf32, #tpu.memory_space<vmem>> -> memref<1x128x128xf32, #tpu.memory_space<vmem>>
        %dma_start3A_159 = tpu.memref_squeeze %dma_start3A_158 : memref<1x128x128xf32, #tpu.memory_space<vmem>> -> memref<128x128xf32, #tpu.memory_space<vmem>>
        %dma_start3A_160 = arith.constant 0 : i32
        %dma_start3A_161 = arith.constant 0 : i32
        %dma_start3A_162 = tpu.memref_slice %dma_start3A_159[%dma_start3A_160, %dma_start3A_161] : memref<128x128xf32, #tpu.memory_space<vmem>> -> memref<64x128xf32, #tpu.memory_space<vmem>>
        %dma_start3A_163 = arith.constant 0 : i32
        %dma_start3A_164 = tpu.memref_slice %arg8[%add3A_153, %dma_start3A_163] : memref<10112x128xf32, #tpu.memory_space<hbm>> -> memref<64x128xf32, #tpu.memory_space<hbm>>
        %dma_start3A_165 = arith.constant 0 : i32
        %dma_start3A_166 = tpu.memref_slice %arg8[%add3A_153, %dma_start3A_165] : memref<10112x128xf32, #tpu.memory_space<hbm>> -> memref<64x128xf32, #tpu.memory_space<hbm>>
        %dma_start3A_167 = arith.constant 0 : i32
        %dma_start3A_168 = arith.constant 0 : i32
        %dma_start3A_169 = tpu.memref_slice %arg11[%run_scoped3A_154, %dma_start3A_167, %dma_start3A_168] : memref<3x128x128xf32, #tpu.memory_space<vmem>> -> memref<1x128x128xf32, #tpu.memory_space<vmem>>
        %dma_start3A_170 = tpu.memref_squeeze %dma_start3A_169 : memref<1x128x128xf32, #tpu.memory_space<vmem>> -> memref<128x128xf32, #tpu.memory_space<vmem>>
        %dma_start3A_171 = arith.constant 0 : i32
        %dma_start3A_172 = arith.constant 0 : i32
        %dma_start3A_173 = tpu.memref_slice %dma_start3A_170[%dma_start3A_171, %dma_start3A_172] : memref<128x128xf32, #tpu.memory_space<vmem>> -> memref<64x128xf32, #tpu.memory_space<vmem>>
        tpu.enqueue_dma source(%dma_start3A_173 : memref<64x128xf32, #tpu.memory_space<vmem>>) target(%dma_start3A_166 : memref<64x128xf32, #tpu.memory_space<hbm>>) target_semaphore(%run_scoped3A_155 : memref<!tpu.dma_semaphore, #tpu.memory_space<semaphore_mem>>)
        %dma_wait3A_174 = arith.constant 0 : i32
        %dma_wait3A_175 = arith.constant 0 : i32
        %dma_wait3A_176 = tpu.memref_slice %arg11[%run_scoped3A_154, %dma_wait3A_174, %dma_wait3A_175] : memref<3x128x128xf32, #tpu.memory_space<vmem>> -> memref<1x128x128xf32, #tpu.memory_space<vmem>>
        %dma_wait3A_177 = tpu.memref_squeeze %dma_wait3A_176 : memref<1x128x128xf32, #tpu.memory_space<vmem>> -> memref<128x128xf32, #tpu.memory_space<vmem>>
        %dma_wait3A_178 = arith.constant 0 : i32
        %dma_wait3A_179 = arith.constant 0 : i32
        %dma_wait3A_180 = tpu.memref_slice %dma_wait3A_177[%dma_wait3A_178, %dma_wait3A_179] : memref<128x128xf32, #tpu.memory_space<vmem>> -> memref<64x128xf32, #tpu.memory_space<vmem>>
        %dma_wait3A_181 = arith.constant 0 : i32
        %dma_wait3A_182 = tpu.memref_slice %arg8[%add3A_153, %dma_wait3A_181] : memref<10112x128xf32, #tpu.memory_space<hbm>> -> memref<64x128xf32, #tpu.memory_space<hbm>>
        %dma_wait3A_183 = arith.constant 0 : i32
        %dma_wait3A_184 = tpu.memref_slice %arg8[%add3A_153, %dma_wait3A_183] : memref<10112x128xf32, #tpu.memory_space<hbm>> -> memref<64x128xf32, #tpu.memory_space<hbm>>
        %dma_wait3A_185 = arith.constant 0 : i32
        %dma_wait3A_186 = arith.constant 0 : i32
        %dma_wait3A_187 = tpu.memref_slice %arg11[%run_scoped3A_154, %dma_wait3A_185, %dma_wait3A_186] : memref<3x128x128xf32, #tpu.memory_space<vmem>> -> memref<1x128x128xf32, #tpu.memory_space<vmem>>
        %dma_wait3A_188 = tpu.memref_squeeze %dma_wait3A_187 : memref<1x128x128xf32, #tpu.memory_space<vmem>> -> memref<128x128xf32, #tpu.memory_space<vmem>>
        %dma_wait3A_189 = arith.constant 0 : i32
        %dma_wait3A_190 = arith.constant 0 : i32
        %dma_wait3A_191 = tpu.memref_slice %dma_wait3A_188[%dma_wait3A_189, %dma_wait3A_190] : memref<128x128xf32, #tpu.memory_space<vmem>> -> memref<64x128xf32, #tpu.memory_space<vmem>>
        tpu.wait_dma2 semaphore(%run_scoped3A_155 : memref<!tpu.dma_semaphore, #tpu.memory_space<semaphore_mem>>) src(%dma_wait3A_191 : memref<64x128xf32, #tpu.memory_space<vmem>>) dst(%dma_wait3A_184 : memref<64x128xf32, #tpu.memory_space<hbm>>)
        tpu.yield
      }) : () -> ()
    } else {
    }
    return
  }
}

#map = affine_map<(d0, d1) -> (0, 0)>
#map1 = affine_map<(d0, d1) -> (0, 0, 0)>
#map2 = affine_map<(d0, d1) -> (0, 0, 0, 0)>
module attributes {stable_mosaic.version = 14 : i64} {
  func.func @scatter_kernel(%arg0: i32, %arg1: i32, %arg2: memref<10000x128xf32, #tpu.memory_space<hbm>>, %arg3: memref<16x20x128xi32, #tpu.memory_space<hbm>>, %arg4: memref<2x16x20x128xi32, #tpu.memory_space<hbm>>, %arg5: memref<128x128xf32, #tpu.memory_space<hbm>>, %arg6: memref<10112x128xf32, #tpu.memory_space<hbm>>, %arg7: memref<20x128xi32, #tpu.memory_space<vmem>>, %arg8: memref<20x128xi32, #tpu.memory_space<vmem>>, %arg9: memref<3x128x128xf32, #tpu.memory_space<vmem>>, %arg10: memref<5120x128xf32, #tpu.memory_space<vmem_shared>>, %arg11: memref<!tpu.dma_semaphore, #tpu.memory_space<semaphore_mem>>, %arg12: memref<!tpu.dma_semaphore, #tpu.memory_space<semaphore_mem>>) attributes {dimension_semantics = [#tpu.dimension_semantics<core_parallel>, #tpu.dimension_semantics<subcore_parallel>], iteration_bounds = array<i64: 2, 16>, scalar_prefetch = 0 : i64, scratch_operands = 6 : i64, tpu.core_type = #tpu.core_type<sc_vector_subcore>, window_params = [{transform_indices = #map}, {transform_indices = #map1}, {transform_indices = #map2}, {transform_indices = #map}, {transform_indices = #map}]} {
    "tpu.region"() ({
      %run_scoped3A_54 = tpu.sem_alloc : memref<!tpu.dma_semaphore, #tpu.memory_space<semaphore_mem>>
      %dma_start3A_55 = arith.constant 0 : i32
      %dma_start3A_56 = arith.constant 0 : i32
      %dma_start3A_57 = tpu.memref_slice %arg3[%arg1, %dma_start3A_55, %dma_start3A_56] : memref<16x20x128xi32, #tpu.memory_space<hbm>> -> memref<1x20x128xi32, #tpu.memory_space<hbm>>
      %dma_start3A_58 = tpu.memref_squeeze %dma_start3A_57 : memref<1x20x128xi32, #tpu.memory_space<hbm>> -> memref<20x128xi32, #tpu.memory_space<hbm>>
      %dma_start3A_59 = arith.constant 0 : i32
      %dma_start3A_60 = arith.constant 0 : i32
      %dma_start3A_61 = tpu.memref_slice %arg3[%arg1, %dma_start3A_59, %dma_start3A_60] : memref<16x20x128xi32, #tpu.memory_space<hbm>> -> memref<1x20x128xi32, #tpu.memory_space<hbm>>
      %dma_start3A_62 = tpu.memref_squeeze %dma_start3A_61 : memref<1x20x128xi32, #tpu.memory_space<hbm>> -> memref<20x128xi32, #tpu.memory_space<hbm>>
      tpu.enqueue_dma source(%dma_start3A_62 : memref<20x128xi32, #tpu.memory_space<hbm>>) target(%arg7 : memref<20x128xi32, #tpu.memory_space<vmem>>) target_semaphore(%run_scoped3A_54 : memref<!tpu.dma_semaphore, #tpu.memory_space<semaphore_mem>>)
      %dma_wait3A_63 = arith.constant 0 : i32
      %dma_wait3A_64 = arith.constant 0 : i32
      %dma_wait3A_65 = tpu.memref_slice %arg3[%arg1, %dma_wait3A_63, %dma_wait3A_64] : memref<16x20x128xi32, #tpu.memory_space<hbm>> -> memref<1x20x128xi32, #tpu.memory_space<hbm>>
      %dma_wait3A_66 = tpu.memref_squeeze %dma_wait3A_65 : memref<1x20x128xi32, #tpu.memory_space<hbm>> -> memref<20x128xi32, #tpu.memory_space<hbm>>
      %dma_wait3A_67 = arith.constant 0 : i32
      %dma_wait3A_68 = arith.constant 0 : i32
      %dma_wait3A_69 = tpu.memref_slice %arg3[%arg1, %dma_wait3A_67, %dma_wait3A_68] : memref<16x20x128xi32, #tpu.memory_space<hbm>> -> memref<1x20x128xi32, #tpu.memory_space<hbm>>
      %dma_wait3A_70 = tpu.memref_squeeze %dma_wait3A_69 : memref<1x20x128xi32, #tpu.memory_space<hbm>> -> memref<20x128xi32, #tpu.memory_space<hbm>>
      tpu.wait_dma2 semaphore(%run_scoped3A_54 : memref<!tpu.dma_semaphore, #tpu.memory_space<semaphore_mem>>) src(%dma_wait3A_70 : memref<20x128xi32, #tpu.memory_space<hbm>>) dst(%arg7 : memref<20x128xi32, #tpu.memory_space<vmem>>)
      tpu.yield
    }) : () -> ()
    "tpu.region"() ({
      %run_scoped3A_54 = tpu.sem_alloc : memref<!tpu.dma_semaphore, #tpu.memory_space<semaphore_mem>>
      %dma_start3A_55 = arith.constant 0 : i32
      %dma_start3A_56 = arith.constant 0 : i32
      %dma_start3A_57 = tpu.memref_slice %arg4[%arg0, %arg1, %dma_start3A_55, %dma_start3A_56] : memref<2x16x20x128xi32, #tpu.memory_space<hbm>> -> memref<1x1x20x128xi32, #tpu.memory_space<hbm>>
      %dma_start3A_58 = tpu.memref_squeeze %dma_start3A_57 : memref<1x1x20x128xi32, #tpu.memory_space<hbm>> -> memref<20x128xi32, #tpu.memory_space<hbm>>
      %dma_start3A_59 = arith.constant 0 : i32
      %dma_start3A_60 = arith.constant 0 : i32
      %dma_start3A_61 = tpu.memref_slice %arg4[%arg0, %arg1, %dma_start3A_59, %dma_start3A_60] : memref<2x16x20x128xi32, #tpu.memory_space<hbm>> -> memref<1x1x20x128xi32, #tpu.memory_space<hbm>>
      %dma_start3A_62 = tpu.memref_squeeze %dma_start3A_61 : memref<1x1x20x128xi32, #tpu.memory_space<hbm>> -> memref<20x128xi32, #tpu.memory_space<hbm>>
      tpu.enqueue_dma source(%dma_start3A_62 : memref<20x128xi32, #tpu.memory_space<hbm>>) target(%arg8 : memref<20x128xi32, #tpu.memory_space<vmem>>) target_semaphore(%run_scoped3A_54 : memref<!tpu.dma_semaphore, #tpu.memory_space<semaphore_mem>>)
      %dma_wait3A_63 = arith.constant 0 : i32
      %dma_wait3A_64 = arith.constant 0 : i32
      %dma_wait3A_65 = tpu.memref_slice %arg4[%arg0, %arg1, %dma_wait3A_63, %dma_wait3A_64] : memref<2x16x20x128xi32, #tpu.memory_space<hbm>> -> memref<1x1x20x128xi32, #tpu.memory_space<hbm>>
      %dma_wait3A_66 = tpu.memref_squeeze %dma_wait3A_65 : memref<1x1x20x128xi32, #tpu.memory_space<hbm>> -> memref<20x128xi32, #tpu.memory_space<hbm>>
      %dma_wait3A_67 = arith.constant 0 : i32
      %dma_wait3A_68 = arith.constant 0 : i32
      %dma_wait3A_69 = tpu.memref_slice %arg4[%arg0, %arg1, %dma_wait3A_67, %dma_wait3A_68] : memref<2x16x20x128xi32, #tpu.memory_space<hbm>> -> memref<1x1x20x128xi32, #tpu.memory_space<hbm>>
      %dma_wait3A_70 = tpu.memref_squeeze %dma_wait3A_69 : memref<1x1x20x128xi32, #tpu.memory_space<hbm>> -> memref<20x128xi32, #tpu.memory_space<hbm>>
      tpu.wait_dma2 semaphore(%run_scoped3A_54 : memref<!tpu.dma_semaphore, #tpu.memory_space<semaphore_mem>>) src(%dma_wait3A_70 : memref<20x128xi32, #tpu.memory_space<hbm>>) dst(%arg8 : memref<20x128xi32, #tpu.memory_space<vmem>>)
      tpu.yield
    }) : () -> ()
    %run_scoped3A = arith.constant 0 : i32
    "tpu.region"() ({
      %run_scoped3A_54 = tpu.sem_alloc : memref<!tpu.dma_semaphore, #tpu.memory_space<semaphore_mem>>
      %dma_start3A_55 = arith.constant 0 : i32
      %dma_start3A_56 = arith.constant 0 : i32
      %dma_start3A_57 = tpu.memref_slice %arg9[%run_scoped3A, %dma_start3A_55, %dma_start3A_56] : memref<3x128x128xf32, #tpu.memory_space<vmem>> -> memref<1x128x128xf32, #tpu.memory_space<vmem>>
      %dma_start3A_58 = tpu.memref_squeeze %dma_start3A_57 : memref<1x128x128xf32, #tpu.memory_space<vmem>> -> memref<128x128xf32, #tpu.memory_space<vmem>>
      %dma_start3A_59 = arith.constant 0 : i32
      %dma_start3A_60 = arith.constant 0 : i32
      %dma_start3A_61 = tpu.memref_slice %arg9[%run_scoped3A, %dma_start3A_59, %dma_start3A_60] : memref<3x128x128xf32, #tpu.memory_space<vmem>> -> memref<1x128x128xf32, #tpu.memory_space<vmem>>
      %dma_start3A_62 = tpu.memref_squeeze %dma_start3A_61 : memref<1x128x128xf32, #tpu.memory_space<vmem>> -> memref<128x128xf32, #tpu.memory_space<vmem>>
      tpu.enqueue_dma source(%arg5 : memref<128x128xf32, #tpu.memory_space<hbm>>) target(%dma_start3A_62 : memref<128x128xf32, #tpu.memory_space<vmem>>) target_semaphore(%run_scoped3A_54 : memref<!tpu.dma_semaphore, #tpu.memory_space<semaphore_mem>>)
      %dma_wait3A_63 = arith.constant 0 : i32
      %dma_wait3A_64 = arith.constant 0 : i32
      %dma_wait3A_65 = tpu.memref_slice %arg9[%run_scoped3A, %dma_wait3A_63, %dma_wait3A_64] : memref<3x128x128xf32, #tpu.memory_space<vmem>> -> memref<1x128x128xf32, #tpu.memory_space<vmem>>
      %dma_wait3A_66 = tpu.memref_squeeze %dma_wait3A_65 : memref<1x128x128xf32, #tpu.memory_space<vmem>> -> memref<128x128xf32, #tpu.memory_space<vmem>>
      %dma_wait3A_67 = arith.constant 0 : i32
      %dma_wait3A_68 = arith.constant 0 : i32
      %dma_wait3A_69 = tpu.memref_slice %arg9[%run_scoped3A, %dma_wait3A_67, %dma_wait3A_68] : memref<3x128x128xf32, #tpu.memory_space<vmem>> -> memref<1x128x128xf32, #tpu.memory_space<vmem>>
      %dma_wait3A_70 = tpu.memref_squeeze %dma_wait3A_69 : memref<1x128x128xf32, #tpu.memory_space<vmem>> -> memref<128x128xf32, #tpu.memory_space<vmem>>
      tpu.wait_dma2 semaphore(%run_scoped3A_54 : memref<!tpu.dma_semaphore, #tpu.memory_space<semaphore_mem>>) src(%arg5 : memref<128x128xf32, #tpu.memory_space<hbm>>) dst(%dma_wait3A_70 : memref<128x128xf32, #tpu.memory_space<vmem>>)
      tpu.yield
    }) : () -> ()
    %mul3A = arith.constant 320 : i32
    %mul3A_0 = arith.muli %arg1, %mul3A : i32
    %run_scoped3A_1 = arith.constant 0 : i32
    "tpu.region"() ({
      %run_scoped3A_54 = tpu.sem_alloc : memref<!tpu.dma_semaphore, #tpu.memory_space<semaphore_mem>>
      %dma_start3A_55 = arith.constant 0 : i32
      %dma_start3A_56 = arith.constant 0 : i32
      %dma_start3A_57 = tpu.memref_slice %arg9[%run_scoped3A_1, %dma_start3A_55, %dma_start3A_56] : memref<3x128x128xf32, #tpu.memory_space<vmem>> -> memref<1x128x128xf32, #tpu.memory_space<vmem>>
      %dma_start3A_58 = tpu.memref_squeeze %dma_start3A_57 : memref<1x128x128xf32, #tpu.memory_space<vmem>> -> memref<128x128xf32, #tpu.memory_space<vmem>>
      %dma_start3A_59 = arith.constant 0 : i32
      %dma_start3A_60 = tpu.memref_slice %arg10[%mul3A_0, %dma_start3A_59] : memref<5120x128xf32, #tpu.memory_space<vmem_shared>> -> memref<128x128xf32, #tpu.memory_space<vmem_shared>>
      %dma_start3A_61 = arith.constant 0 : i32
      %dma_start3A_62 = tpu.memref_slice %arg10[%mul3A_0, %dma_start3A_61] : memref<5120x128xf32, #tpu.memory_space<vmem_shared>> -> memref<128x128xf32, #tpu.memory_space<vmem_shared>>
      %dma_start3A_63 = arith.constant 0 : i32
      %dma_start3A_64 = arith.constant 0 : i32
      %dma_start3A_65 = tpu.memref_slice %arg9[%run_scoped3A_1, %dma_start3A_63, %dma_start3A_64] : memref<3x128x128xf32, #tpu.memory_space<vmem>> -> memref<1x128x128xf32, #tpu.memory_space<vmem>>
      %dma_start3A_66 = tpu.memref_squeeze %dma_start3A_65 : memref<1x128x128xf32, #tpu.memory_space<vmem>> -> memref<128x128xf32, #tpu.memory_space<vmem>>
      tpu.enqueue_dma source(%dma_start3A_66 : memref<128x128xf32, #tpu.memory_space<vmem>>) target(%dma_start3A_62 : memref<128x128xf32, #tpu.memory_space<vmem_shared>>) target_semaphore(%run_scoped3A_54 : memref<!tpu.dma_semaphore, #tpu.memory_space<semaphore_mem>>)
      %dma_wait3A_67 = arith.constant 0 : i32
      %dma_wait3A_68 = arith.constant 0 : i32
      %dma_wait3A_69 = tpu.memref_slice %arg9[%run_scoped3A_1, %dma_wait3A_67, %dma_wait3A_68] : memref<3x128x128xf32, #tpu.memory_space<vmem>> -> memref<1x128x128xf32, #tpu.memory_space<vmem>>
      %dma_wait3A_70 = tpu.memref_squeeze %dma_wait3A_69 : memref<1x128x128xf32, #tpu.memory_space<vmem>> -> memref<128x128xf32, #tpu.memory_space<vmem>>
      %dma_wait3A_71 = arith.constant 0 : i32
      %dma_wait3A_72 = tpu.memref_slice %arg10[%mul3A_0, %dma_wait3A_71] : memref<5120x128xf32, #tpu.memory_space<vmem_shared>> -> memref<128x128xf32, #tpu.memory_space<vmem_shared>>
      %dma_wait3A_73 = arith.constant 0 : i32
      %dma_wait3A_74 = tpu.memref_slice %arg10[%mul3A_0, %dma_wait3A_73] : memref<5120x128xf32, #tpu.memory_space<vmem_shared>> -> memref<128x128xf32, #tpu.memory_space<vmem_shared>>
      %dma_wait3A_75 = arith.constant 0 : i32
      %dma_wait3A_76 = arith.constant 0 : i32
      %dma_wait3A_77 = tpu.memref_slice %arg9[%run_scoped3A_1, %dma_wait3A_75, %dma_wait3A_76] : memref<3x128x128xf32, #tpu.memory_space<vmem>> -> memref<1x128x128xf32, #tpu.memory_space<vmem>>
      %dma_wait3A_78 = tpu.memref_squeeze %dma_wait3A_77 : memref<1x128x128xf32, #tpu.memory_space<vmem>> -> memref<128x128xf32, #tpu.memory_space<vmem>>
      tpu.wait_dma2 semaphore(%run_scoped3A_54 : memref<!tpu.dma_semaphore, #tpu.memory_space<semaphore_mem>>) src(%dma_wait3A_78 : memref<128x128xf32, #tpu.memory_space<vmem>>) dst(%dma_wait3A_74 : memref<128x128xf32, #tpu.memory_space<vmem_shared>>)
      tpu.yield
    }) : () -> ()
    %add3A = arith.constant 128 : i32
    %add3A_2 = arith.addi %mul3A_0, %add3A : i32
    %run_scoped3A_3 = arith.constant 0 : i32
    "tpu.region"() ({
      %run_scoped3A_54 = tpu.sem_alloc : memref<!tpu.dma_semaphore, #tpu.memory_space<semaphore_mem>>
      %dma_start3A_55 = arith.constant 0 : i32
      %dma_start3A_56 = arith.constant 0 : i32
      %dma_start3A_57 = tpu.memref_slice %arg9[%run_scoped3A_3, %dma_start3A_55, %dma_start3A_56] : memref<3x128x128xf32, #tpu.memory_space<vmem>> -> memref<1x128x128xf32, #tpu.memory_space<vmem>>
      %dma_start3A_58 = tpu.memref_squeeze %dma_start3A_57 : memref<1x128x128xf32, #tpu.memory_space<vmem>> -> memref<128x128xf32, #tpu.memory_space<vmem>>
      %dma_start3A_59 = arith.constant 0 : i32
      %dma_start3A_60 = tpu.memref_slice %arg10[%add3A_2, %dma_start3A_59] : memref<5120x128xf32, #tpu.memory_space<vmem_shared>> -> memref<128x128xf32, #tpu.memory_space<vmem_shared>>
      %dma_start3A_61 = arith.constant 0 : i32
      %dma_start3A_62 = tpu.memref_slice %arg10[%add3A_2, %dma_start3A_61] : memref<5120x128xf32, #tpu.memory_space<vmem_shared>> -> memref<128x128xf32, #tpu.memory_space<vmem_shared>>
      %dma_start3A_63 = arith.constant 0 : i32
      %dma_start3A_64 = arith.constant 0 : i32
      %dma_start3A_65 = tpu.memref_slice %arg9[%run_scoped3A_3, %dma_start3A_63, %dma_start3A_64] : memref<3x128x128xf32, #tpu.memory_space<vmem>> -> memref<1x128x128xf32, #tpu.memory_space<vmem>>
      %dma_start3A_66 = tpu.memref_squeeze %dma_start3A_65 : memref<1x128x128xf32, #tpu.memory_space<vmem>> -> memref<128x128xf32, #tpu.memory_space<vmem>>
      tpu.enqueue_dma source(%dma_start3A_66 : memref<128x128xf32, #tpu.memory_space<vmem>>) target(%dma_start3A_62 : memref<128x128xf32, #tpu.memory_space<vmem_shared>>) target_semaphore(%run_scoped3A_54 : memref<!tpu.dma_semaphore, #tpu.memory_space<semaphore_mem>>)
      %dma_wait3A_67 = arith.constant 0 : i32
      %dma_wait3A_68 = arith.constant 0 : i32
      %dma_wait3A_69 = tpu.memref_slice %arg9[%run_scoped3A_3, %dma_wait3A_67, %dma_wait3A_68] : memref<3x128x128xf32, #tpu.memory_space<vmem>> -> memref<1x128x128xf32, #tpu.memory_space<vmem>>
      %dma_wait3A_70 = tpu.memref_squeeze %dma_wait3A_69 : memref<1x128x128xf32, #tpu.memory_space<vmem>> -> memref<128x128xf32, #tpu.memory_space<vmem>>
      %dma_wait3A_71 = arith.constant 0 : i32
      %dma_wait3A_72 = tpu.memref_slice %arg10[%add3A_2, %dma_wait3A_71] : memref<5120x128xf32, #tpu.memory_space<vmem_shared>> -> memref<128x128xf32, #tpu.memory_space<vmem_shared>>
      %dma_wait3A_73 = arith.constant 0 : i32
      %dma_wait3A_74 = tpu.memref_slice %arg10[%add3A_2, %dma_wait3A_73] : memref<5120x128xf32, #tpu.memory_space<vmem_shared>> -> memref<128x128xf32, #tpu.memory_space<vmem_shared>>
      %dma_wait3A_75 = arith.constant 0 : i32
      %dma_wait3A_76 = arith.constant 0 : i32
      %dma_wait3A_77 = tpu.memref_slice %arg9[%run_scoped3A_3, %dma_wait3A_75, %dma_wait3A_76] : memref<3x128x128xf32, #tpu.memory_space<vmem>> -> memref<1x128x128xf32, #tpu.memory_space<vmem>>
      %dma_wait3A_78 = tpu.memref_squeeze %dma_wait3A_77 : memref<1x128x128xf32, #tpu.memory_space<vmem>> -> memref<128x128xf32, #tpu.memory_space<vmem>>
      tpu.wait_dma2 semaphore(%run_scoped3A_54 : memref<!tpu.dma_semaphore, #tpu.memory_space<semaphore_mem>>) src(%dma_wait3A_78 : memref<128x128xf32, #tpu.memory_space<vmem>>) dst(%dma_wait3A_74 : memref<128x128xf32, #tpu.memory_space<vmem_shared>>)
      tpu.yield
    }) : () -> ()
    %add3A_4 = arith.constant 256 : i32
    %add3A_5 = arith.addi %mul3A_0, %add3A_4 : i32
    %run_scoped3A_6 = arith.constant 0 : i32
    "tpu.region"() ({
      %run_scoped3A_54 = tpu.sem_alloc : memref<!tpu.dma_semaphore, #tpu.memory_space<semaphore_mem>>
      %dma_start3A_55 = arith.constant 0 : i32
      %dma_start3A_56 = arith.constant 0 : i32
      %dma_start3A_57 = tpu.memref_slice %arg9[%run_scoped3A_6, %dma_start3A_55, %dma_start3A_56] : memref<3x128x128xf32, #tpu.memory_space<vmem>> -> memref<1x128x128xf32, #tpu.memory_space<vmem>>
      %dma_start3A_58 = tpu.memref_squeeze %dma_start3A_57 : memref<1x128x128xf32, #tpu.memory_space<vmem>> -> memref<128x128xf32, #tpu.memory_space<vmem>>
      %dma_start3A_59 = arith.constant 0 : i32
      %dma_start3A_60 = arith.constant 0 : i32
      %dma_start3A_61 = tpu.memref_slice %dma_start3A_58[%dma_start3A_59, %dma_start3A_60] : memref<128x128xf32, #tpu.memory_space<vmem>> -> memref<64x128xf32, #tpu.memory_space<vmem>>
      %dma_start3A_62 = arith.constant 0 : i32
      %dma_start3A_63 = tpu.memref_slice %arg10[%add3A_5, %dma_start3A_62] : memref<5120x128xf32, #tpu.memory_space<vmem_shared>> -> memref<64x128xf32, #tpu.memory_space<vmem_shared>>
      %dma_start3A_64 = arith.constant 0 : i32
      %dma_start3A_65 = tpu.memref_slice %arg10[%add3A_5, %dma_start3A_64] : memref<5120x128xf32, #tpu.memory_space<vmem_shared>> -> memref<64x128xf32, #tpu.memory_space<vmem_shared>>
      %dma_start3A_66 = arith.constant 0 : i32
      %dma_start3A_67 = arith.constant 0 : i32
      %dma_start3A_68 = tpu.memref_slice %arg9[%run_scoped3A_6, %dma_start3A_66, %dma_start3A_67] : memref<3x128x128xf32, #tpu.memory_space<vmem>> -> memref<1x128x128xf32, #tpu.memory_space<vmem>>
      %dma_start3A_69 = tpu.memref_squeeze %dma_start3A_68 : memref<1x128x128xf32, #tpu.memory_space<vmem>> -> memref<128x128xf32, #tpu.memory_space<vmem>>
      %dma_start3A_70 = arith.constant 0 : i32
      %dma_start3A_71 = arith.constant 0 : i32
      %dma_start3A_72 = tpu.memref_slice %dma_start3A_69[%dma_start3A_70, %dma_start3A_71] : memref<128x128xf32, #tpu.memory_space<vmem>> -> memref<64x128xf32, #tpu.memory_space<vmem>>
      tpu.enqueue_dma source(%dma_start3A_72 : memref<64x128xf32, #tpu.memory_space<vmem>>) target(%dma_start3A_65 : memref<64x128xf32, #tpu.memory_space<vmem_shared>>) target_semaphore(%run_scoped3A_54 : memref<!tpu.dma_semaphore, #tpu.memory_space<semaphore_mem>>)
      %dma_wait3A_73 = arith.constant 0 : i32
      %dma_wait3A_74 = arith.constant 0 : i32
      %dma_wait3A_75 = tpu.memref_slice %arg9[%run_scoped3A_6, %dma_wait3A_73, %dma_wait3A_74] : memref<3x128x128xf32, #tpu.memory_space<vmem>> -> memref<1x128x128xf32, #tpu.memory_space<vmem>>
      %dma_wait3A_76 = tpu.memref_squeeze %dma_wait3A_75 : memref<1x128x128xf32, #tpu.memory_space<vmem>> -> memref<128x128xf32, #tpu.memory_space<vmem>>
      %dma_wait3A_77 = arith.constant 0 : i32
      %dma_wait3A_78 = arith.constant 0 : i32
      %dma_wait3A_79 = tpu.memref_slice %dma_wait3A_76[%dma_wait3A_77, %dma_wait3A_78] : memref<128x128xf32, #tpu.memory_space<vmem>> -> memref<64x128xf32, #tpu.memory_space<vmem>>
      %dma_wait3A_80 = arith.constant 0 : i32
      %dma_wait3A_81 = tpu.memref_slice %arg10[%add3A_5, %dma_wait3A_80] : memref<5120x128xf32, #tpu.memory_space<vmem_shared>> -> memref<64x128xf32, #tpu.memory_space<vmem_shared>>
      %dma_wait3A_82 = arith.constant 0 : i32
      %dma_wait3A_83 = tpu.memref_slice %arg10[%add3A_5, %dma_wait3A_82] : memref<5120x128xf32, #tpu.memory_space<vmem_shared>> -> memref<64x128xf32, #tpu.memory_space<vmem_shared>>
      %dma_wait3A_84 = arith.constant 0 : i32
      %dma_wait3A_85 = arith.constant 0 : i32
      %dma_wait3A_86 = tpu.memref_slice %arg9[%run_scoped3A_6, %dma_wait3A_84, %dma_wait3A_85] : memref<3x128x128xf32, #tpu.memory_space<vmem>> -> memref<1x128x128xf32, #tpu.memory_space<vmem>>
      %dma_wait3A_87 = tpu.memref_squeeze %dma_wait3A_86 : memref<1x128x128xf32, #tpu.memory_space<vmem>> -> memref<128x128xf32, #tpu.memory_space<vmem>>
      %dma_wait3A_88 = arith.constant 0 : i32
      %dma_wait3A_89 = arith.constant 0 : i32
      %dma_wait3A_90 = tpu.memref_slice %dma_wait3A_87[%dma_wait3A_88, %dma_wait3A_89] : memref<128x128xf32, #tpu.memory_space<vmem>> -> memref<64x128xf32, #tpu.memory_space<vmem>>
      tpu.wait_dma2 semaphore(%run_scoped3A_54 : memref<!tpu.dma_semaphore, #tpu.memory_space<semaphore_mem>>) src(%dma_wait3A_90 : memref<64x128xf32, #tpu.memory_space<vmem>>) dst(%dma_wait3A_83 : memref<64x128xf32, #tpu.memory_space<vmem_shared>>)
      tpu.yield
    }) : () -> ()
    %barrier3A = arith.constant 0 : index
    tpu.barrier barrier_id(%barrier3A)
    %dma_start3A = arith.constant 0 : i32
    %dma_start3A_7 = arith.constant 0 : i32
    %dma_start3A_8 = arith.constant 0 : i32
    %dma_start3A_9 = arith.constant 0 : i32
    %dma_start3A_10 = tpu.memref_slice %arg9[%dma_start3A_7, %dma_start3A_8, %dma_start3A_9] : memref<3x128x128xf32, #tpu.memory_space<vmem>> -> memref<1x128x128xf32, #tpu.memory_space<vmem>>
    %dma_start3A_11 = tpu.memref_squeeze %dma_start3A_10 : memref<1x128x128xf32, #tpu.memory_space<vmem>> -> memref<128x128xf32, #tpu.memory_space<vmem>>
    %dma_start3A_12 = arith.constant 0 : i32
    %dma_start3A_13 = tpu.memref_slice %arg7[%dma_start3A, %dma_start3A_12] : memref<20x128xi32, #tpu.memory_space<vmem>> -> memref<1x128xi32, #tpu.memory_space<vmem>>
    %dma_start3A_14 = tpu.memref_squeeze %dma_start3A_13 : memref<1x128xi32, #tpu.memory_space<vmem>> -> memref<128xi32, #tpu.memory_space<vmem>>
    %dma_start3A_15 = arith.constant 0 : i32
    %dma_start3A_16 = arith.constant 0 : i32
    %dma_start3A_17 = tpu.memref_slice %arg2[%dma_start3A_15, %dma_start3A_16] : memref<10000x128xf32, #tpu.memory_space<hbm>> -> memref<10000x128xf32, #tpu.memory_space<hbm>>
    tpu.enqueue_indirect_dma source(%dma_start3A_17 : memref<10000x128xf32, #tpu.memory_space<hbm>>) target(%dma_start3A_11 : memref<128x128xf32, #tpu.memory_space<vmem>>) offsets(%dma_start3A_14 : memref<128xi32, #tpu.memory_space<vmem>>) semaphore(%arg11 : memref<!tpu.dma_semaphore, #tpu.memory_space<semaphore_mem>>)
    %dma_start3A_18 = arith.constant 1 : i32
    %dma_start3A_19 = arith.constant 1 : i32
    %dma_start3A_20 = arith.constant 0 : i32
    %dma_start3A_21 = arith.constant 0 : i32
    %dma_start3A_22 = tpu.memref_slice %arg9[%dma_start3A_19, %dma_start3A_20, %dma_start3A_21] : memref<3x128x128xf32, #tpu.memory_space<vmem>> -> memref<1x128x128xf32, #tpu.memory_space<vmem>>
    %dma_start3A_23 = tpu.memref_squeeze %dma_start3A_22 : memref<1x128x128xf32, #tpu.memory_space<vmem>> -> memref<128x128xf32, #tpu.memory_space<vmem>>
    %dma_start3A_24 = arith.constant 0 : i32
    %dma_start3A_25 = tpu.memref_slice %arg7[%dma_start3A_18, %dma_start3A_24] : memref<20x128xi32, #tpu.memory_space<vmem>> -> memref<1x128xi32, #tpu.memory_space<vmem>>
    %dma_start3A_26 = tpu.memref_squeeze %dma_start3A_25 : memref<1x128xi32, #tpu.memory_space<vmem>> -> memref<128xi32, #tpu.memory_space<vmem>>
    %dma_start3A_27 = arith.constant 0 : i32
    %dma_start3A_28 = arith.constant 0 : i32
    %dma_start3A_29 = tpu.memref_slice %arg2[%dma_start3A_27, %dma_start3A_28] : memref<10000x128xf32, #tpu.memory_space<hbm>> -> memref<10000x128xf32, #tpu.memory_space<hbm>>
    tpu.enqueue_indirect_dma source(%dma_start3A_29 : memref<10000x128xf32, #tpu.memory_space<hbm>>) target(%dma_start3A_23 : memref<128x128xf32, #tpu.memory_space<vmem>>) offsets(%dma_start3A_26 : memref<128xi32, #tpu.memory_space<vmem>>) semaphore(%arg11 : memref<!tpu.dma_semaphore, #tpu.memory_space<semaphore_mem>>)
    %scan3A = arith.constant 0 : i32
    %scan3A_30 = arith.constant 0 : i32
    %scan3A_31 = arith.constant 20 : i32
    %scan3A_32 = arith.addi %scan3A_30, %scan3A_31 : i32
    %scan3A_33 = arith.constant 1 : i32
    scf.for %scan3A_54 = %scan3A_30 to %scan3A_32 step %scan3A_33  : i32 {
      %jit3A = arith.constant 3 : i32
      %eq3A_55 = arith.constant 0 : i32
      %eq3A_56 = arith.cmpi eq, %jit3A, %eq3A_55 : i32
      %jit3A_57 = arith.constant 1 : i32
      %select_n3A = arith.select %eq3A_56, %jit3A_57, %jit3A : i32
      %rem3A = arith.remsi %scan3A_54, %select_n3A : i32
      %ne3A = arith.constant 0 : i32
      %ne3A_58 = arith.cmpi ne, %rem3A, %ne3A : i32
      %lt3A = arith.constant 0 : i32
      %lt3A_59 = arith.cmpi slt, %rem3A, %lt3A : i32
      %lt3A_60 = arith.constant 0 : i32
      %lt3A_61 = arith.cmpi slt, %select_n3A, %lt3A_60 : i32
      %ne3A_62 = arith.xori %lt3A_59, %lt3A_61 : i1
      %and3A = arith.andi %ne3A_62, %ne3A_58 : i1
      %add3A_63 = arith.addi %rem3A, %select_n3A : i32
      %select_n3A_64 = arith.select %and3A, %add3A_63, %rem3A : i32
      %dma_wait3A_65 = arith.constant 0 : i32
      %dma_wait3A_66 = arith.constant 0 : i32
      %dma_wait3A_67 = tpu.memref_slice %arg9[%select_n3A_64, %dma_wait3A_65, %dma_wait3A_66] : memref<3x128x128xf32, #tpu.memory_space<vmem>> -> memref<1x128x128xf32, #tpu.memory_space<vmem>>
      %dma_wait3A_68 = tpu.memref_squeeze %dma_wait3A_67 : memref<1x128x128xf32, #tpu.memory_space<vmem>> -> memref<128x128xf32, #tpu.memory_space<vmem>>
      %dma_wait3A_69 = arith.constant 0 : i32
      %dma_wait3A_70 = tpu.memref_slice %arg7[%scan3A_54, %dma_wait3A_69] : memref<20x128xi32, #tpu.memory_space<vmem>> -> memref<1x128xi32, #tpu.memory_space<vmem>>
      %dma_wait3A_71 = tpu.memref_squeeze %dma_wait3A_70 : memref<1x128xi32, #tpu.memory_space<vmem>> -> memref<128xi32, #tpu.memory_space<vmem>>
      %dma_wait3A_72 = arith.constant 0 : i32
      %dma_wait3A_73 = arith.constant 0 : i32
      %dma_wait3A_74 = tpu.memref_slice %arg2[%dma_wait3A_72, %dma_wait3A_73] : memref<10000x128xf32, #tpu.memory_space<hbm>> -> memref<10000x128xf32, #tpu.memory_space<hbm>>
      tpu.wait_indirect_dma semaphore(%arg11 : memref<!tpu.dma_semaphore, #tpu.memory_space<semaphore_mem>>) src(%dma_wait3A_74 : memref<10000x128xf32, #tpu.memory_space<hbm>>) dst(%dma_wait3A_68 : memref<128x128xf32, #tpu.memory_space<vmem>>)
      %jit3A_75 = arith.constant 3 : i32
      %eq3A_76 = arith.constant 0 : i32
      %eq3A_77 = arith.cmpi eq, %jit3A_75, %eq3A_76 : i32
      %jit3A_78 = arith.constant 1 : i32
      %select_n3A_79 = arith.select %eq3A_77, %jit3A_78, %jit3A_75 : i32
      %rem3A_80 = arith.remsi %scan3A_54, %select_n3A_79 : i32
      %ne3A_81 = arith.constant 0 : i32
      %ne3A_82 = arith.cmpi ne, %rem3A_80, %ne3A_81 : i32
      %lt3A_83 = arith.constant 0 : i32
      %lt3A_84 = arith.cmpi slt, %rem3A_80, %lt3A_83 : i32
      %lt3A_85 = arith.constant 0 : i32
      %lt3A_86 = arith.cmpi slt, %select_n3A_79, %lt3A_85 : i32
      %ne3A_87 = arith.xori %lt3A_84, %lt3A_86 : i1
      %and3A_88 = arith.andi %ne3A_87, %ne3A_82 : i1
      %add3A_89 = arith.addi %rem3A_80, %select_n3A_79 : i32
      %select_n3A_90 = arith.select %and3A_88, %add3A_89, %rem3A_80 : i32
      %dma_start3A_91 = arith.constant 0 : i32
      %dma_start3A_92 = arith.constant 0 : i32
      %dma_start3A_93 = tpu.memref_slice %arg9[%select_n3A_90, %dma_start3A_91, %dma_start3A_92] : memref<3x128x128xf32, #tpu.memory_space<vmem>> -> memref<1x128x128xf32, #tpu.memory_space<vmem>>
      %dma_start3A_94 = tpu.memref_squeeze %dma_start3A_93 : memref<1x128x128xf32, #tpu.memory_space<vmem>> -> memref<128x128xf32, #tpu.memory_space<vmem>>
      %dma_start3A_95 = arith.constant 0 : i32
      %dma_start3A_96 = tpu.memref_slice %arg8[%scan3A_54, %dma_start3A_95] : memref<20x128xi32, #tpu.memory_space<vmem>> -> memref<1x128xi32, #tpu.memory_space<vmem>>
      %dma_start3A_97 = tpu.memref_squeeze %dma_start3A_96 : memref<1x128xi32, #tpu.memory_space<vmem>> -> memref<128xi32, #tpu.memory_space<vmem>>
      %dma_start3A_98 = arith.constant 0 : i32
      %dma_start3A_99 = arith.constant 0 : i32
      %dma_start3A_100 = tpu.memref_slice %arg10[%dma_start3A_98, %dma_start3A_99] : memref<5120x128xf32, #tpu.memory_space<vmem_shared>> -> memref<5120x128xf32, #tpu.memory_space<vmem_shared>>
      tpu.enqueue_indirect_dma source(%dma_start3A_94 : memref<128x128xf32, #tpu.memory_space<vmem>>) target(%dma_start3A_100 : memref<5120x128xf32, #tpu.memory_space<vmem_shared>>) offsets(%dma_start3A_97 : memref<128xi32, #tpu.memory_space<vmem>>) semaphore(%arg12 : memref<!tpu.dma_semaphore, #tpu.memory_space<semaphore_mem>>) {add = true}
      %ge3A = arith.constant 1 : i32
      %ge3A_101 = arith.cmpi sge, %scan3A_54, %ge3A : i32
      %convert_element_type3A_102 = arith.extui %ge3A_101 : i1 to i32
      %cond3A_103 = arith.constant 0 : i32
      %cond3A_104 = arith.cmpi ne, %convert_element_type3A_102, %cond3A_103 : i32
      scf.if %cond3A_104 {
        %dma_wait3A_112 = arith.constant 0 : i32
        %dma_wait3A_113 = arith.constant 0 : i32
        %dma_wait3A_114 = arith.constant 0 : i32
        %dma_wait3A_115 = arith.constant 0 : i32
        %dma_wait3A_116 = tpu.memref_slice %arg9[%dma_wait3A_113, %dma_wait3A_114, %dma_wait3A_115] : memref<3x128x128xf32, #tpu.memory_space<vmem>> -> memref<1x128x128xf32, #tpu.memory_space<vmem>>
        %dma_wait3A_117 = tpu.memref_squeeze %dma_wait3A_116 : memref<1x128x128xf32, #tpu.memory_space<vmem>> -> memref<128x128xf32, #tpu.memory_space<vmem>>
        %dma_wait3A_118 = arith.constant 0 : i32
        %dma_wait3A_119 = tpu.memref_slice %arg7[%dma_wait3A_112, %dma_wait3A_118] : memref<20x128xi32, #tpu.memory_space<vmem>> -> memref<1x128xi32, #tpu.memory_space<vmem>>
        %dma_wait3A_120 = tpu.memref_squeeze %dma_wait3A_119 : memref<1x128xi32, #tpu.memory_space<vmem>> -> memref<128xi32, #tpu.memory_space<vmem>>
        %dma_wait3A_121 = arith.constant 0 : i32
        %dma_wait3A_122 = arith.constant 0 : i32
        %dma_wait3A_123 = tpu.memref_slice %arg2[%dma_wait3A_121, %dma_wait3A_122] : memref<10000x128xf32, #tpu.memory_space<hbm>> -> memref<10000x128xf32, #tpu.memory_space<hbm>>
        tpu.wait_indirect_dma semaphore(%arg12 : memref<!tpu.dma_semaphore, #tpu.memory_space<semaphore_mem>>) src(%dma_wait3A_123 : memref<10000x128xf32, #tpu.memory_space<hbm>>) dst(%dma_wait3A_117 : memref<128x128xf32, #tpu.memory_space<vmem>>)
      } else {
      }
      %add3A_105 = arith.constant 2 : i32
      %add3A_106 = arith.addi %scan3A_54, %add3A_105 : i32
      %lt3A_107 = arith.constant 20 : i32
      %lt3A_108 = arith.cmpi slt, %add3A_106, %lt3A_107 : i32
      %convert_element_type3A_109 = arith.extui %lt3A_108 : i1 to i32
      %cond3A_110 = arith.constant 0 : i32
      %cond3A_111 = arith.cmpi ne, %convert_element_type3A_109, %cond3A_110 : i32
      scf.if %cond3A_111 {
        %add3A_112 = arith.constant 2 : i32
        %add3A_113 = arith.addi %scan3A_54, %add3A_112 : i32
        %add3A_114 = arith.constant 2 : i32
        %add3A_115 = arith.addi %scan3A_54, %add3A_114 : i32
        %jit3A_116 = arith.constant 3 : i32
        %eq3A_117 = arith.constant 0 : i32
        %eq3A_118 = arith.cmpi eq, %jit3A_116, %eq3A_117 : i32
        %jit3A_119 = arith.constant 1 : i32
        %select_n3A_120 = arith.select %eq3A_118, %jit3A_119, %jit3A_116 : i32
        %rem3A_121 = arith.remsi %add3A_115, %select_n3A_120 : i32
        %ne3A_122 = arith.constant 0 : i32
        %ne3A_123 = arith.cmpi ne, %rem3A_121, %ne3A_122 : i32
        %lt3A_124 = arith.constant 0 : i32
        %lt3A_125 = arith.cmpi slt, %rem3A_121, %lt3A_124 : i32
        %lt3A_126 = arith.constant 0 : i32
        %lt3A_127 = arith.cmpi slt, %select_n3A_120, %lt3A_126 : i32
        %ne3A_128 = arith.xori %lt3A_125, %lt3A_127 : i1
        %and3A_129 = arith.andi %ne3A_128, %ne3A_123 : i1
        %add3A_130 = arith.addi %rem3A_121, %select_n3A_120 : i32
        %select_n3A_131 = arith.select %and3A_129, %add3A_130, %rem3A_121 : i32
        %dma_start3A_132 = arith.constant 0 : i32
        %dma_start3A_133 = arith.constant 0 : i32
        %dma_start3A_134 = tpu.memref_slice %arg9[%select_n3A_131, %dma_start3A_132, %dma_start3A_133] : memref<3x128x128xf32, #tpu.memory_space<vmem>> -> memref<1x128x128xf32, #tpu.memory_space<vmem>>
        %dma_start3A_135 = tpu.memref_squeeze %dma_start3A_134 : memref<1x128x128xf32, #tpu.memory_space<vmem>> -> memref<128x128xf32, #tpu.memory_space<vmem>>
        %dma_start3A_136 = arith.constant 0 : i32
        %dma_start3A_137 = tpu.memref_slice %arg7[%add3A_113, %dma_start3A_136] : memref<20x128xi32, #tpu.memory_space<vmem>> -> memref<1x128xi32, #tpu.memory_space<vmem>>
        %dma_start3A_138 = tpu.memref_squeeze %dma_start3A_137 : memref<1x128xi32, #tpu.memory_space<vmem>> -> memref<128xi32, #tpu.memory_space<vmem>>
        %dma_start3A_139 = arith.constant 0 : i32
        %dma_start3A_140 = arith.constant 0 : i32
        %dma_start3A_141 = tpu.memref_slice %arg2[%dma_start3A_139, %dma_start3A_140] : memref<10000x128xf32, #tpu.memory_space<hbm>> -> memref<10000x128xf32, #tpu.memory_space<hbm>>
        tpu.enqueue_indirect_dma source(%dma_start3A_141 : memref<10000x128xf32, #tpu.memory_space<hbm>>) target(%dma_start3A_135 : memref<128x128xf32, #tpu.memory_space<vmem>>) offsets(%dma_start3A_138 : memref<128xi32, #tpu.memory_space<vmem>>) semaphore(%arg11 : memref<!tpu.dma_semaphore, #tpu.memory_space<semaphore_mem>>)
      } else {
      }
    }
    %scan3A_34 = arith.constant 20 : i32
    %dma_wait3A = arith.constant 0 : i32
    %dma_wait3A_35 = arith.constant 0 : i32
    %dma_wait3A_36 = arith.constant 0 : i32
    %dma_wait3A_37 = arith.constant 0 : i32
    %dma_wait3A_38 = tpu.memref_slice %arg9[%dma_wait3A_35, %dma_wait3A_36, %dma_wait3A_37] : memref<3x128x128xf32, #tpu.memory_space<vmem>> -> memref<1x128x128xf32, #tpu.memory_space<vmem>>
    %dma_wait3A_39 = tpu.memref_squeeze %dma_wait3A_38 : memref<1x128x128xf32, #tpu.memory_space<vmem>> -> memref<128x128xf32, #tpu.memory_space<vmem>>
    %dma_wait3A_40 = arith.constant 0 : i32
    %dma_wait3A_41 = tpu.memref_slice %arg7[%dma_wait3A, %dma_wait3A_40] : memref<20x128xi32, #tpu.memory_space<vmem>> -> memref<1x128xi32, #tpu.memory_space<vmem>>
    %dma_wait3A_42 = tpu.memref_squeeze %dma_wait3A_41 : memref<1x128xi32, #tpu.memory_space<vmem>> -> memref<128xi32, #tpu.memory_space<vmem>>
    %dma_wait3A_43 = arith.constant 0 : i32
    %dma_wait3A_44 = arith.constant 0 : i32
    %dma_wait3A_45 = tpu.memref_slice %arg2[%dma_wait3A_43, %dma_wait3A_44] : memref<10000x128xf32, #tpu.memory_space<hbm>> -> memref<10000x128xf32, #tpu.memory_space<hbm>>
    tpu.wait_indirect_dma semaphore(%arg12 : memref<!tpu.dma_semaphore, #tpu.memory_space<semaphore_mem>>) src(%dma_wait3A_45 : memref<10000x128xf32, #tpu.memory_space<hbm>>) dst(%dma_wait3A_39 : memref<128x128xf32, #tpu.memory_space<vmem>>)
    %barrier3A_46 = arith.constant 0 : index
    tpu.barrier barrier_id(%barrier3A_46)
    %eq3A = arith.constant 0 : i32
    %eq3A_47 = arith.cmpi eq, %arg0, %eq3A : i32
    %convert_element_type3A = arith.extui %eq3A_47 : i1 to i32
    %cond3A = arith.constant 0 : i32
    %cond3A_48 = arith.cmpi ne, %convert_element_type3A, %cond3A : i32
    scf.if %cond3A_48 {
      %mul3A_54 = arith.constant 312 : i32
      %mul3A_55 = arith.muli %arg1, %mul3A_54 : i32
      %add3A_56 = arith.constant 0 : i32
      %add3A_57 = arith.addi %mul3A_55, %add3A_56 : i32
      %run_scoped3A_58 = arith.constant 0 : i32
      "tpu.region"() ({
        %run_scoped3A_84 = tpu.sem_alloc : memref<!tpu.dma_semaphore, #tpu.memory_space<semaphore_mem>>
        %dma_start3A_85 = arith.constant 0 : i32
        %dma_start3A_86 = arith.constant 0 : i32
        %dma_start3A_87 = tpu.memref_slice %arg9[%run_scoped3A_58, %dma_start3A_85, %dma_start3A_86] : memref<3x128x128xf32, #tpu.memory_space<vmem>> -> memref<1x128x128xf32, #tpu.memory_space<vmem>>
        %dma_start3A_88 = tpu.memref_squeeze %dma_start3A_87 : memref<1x128x128xf32, #tpu.memory_space<vmem>> -> memref<128x128xf32, #tpu.memory_space<vmem>>
        %dma_start3A_89 = arith.constant 0 : i32
        %dma_start3A_90 = arith.constant 0 : i32
        %dma_start3A_91 = tpu.memref_slice %dma_start3A_88[%dma_start3A_89, %dma_start3A_90] : memref<128x128xf32, #tpu.memory_space<vmem>> -> memref<128x128xf32, #tpu.memory_space<vmem>>
        %dma_start3A_92 = arith.constant 0 : i32
        %dma_start3A_93 = tpu.memref_slice %arg10[%add3A_57, %dma_start3A_92] : memref<5120x128xf32, #tpu.memory_space<vmem_shared>> -> memref<128x128xf32, #tpu.memory_space<vmem_shared>>
        %dma_start3A_94 = arith.constant 0 : i32
        %dma_start3A_95 = arith.constant 0 : i32
        %dma_start3A_96 = tpu.memref_slice %arg9[%run_scoped3A_58, %dma_start3A_94, %dma_start3A_95] : memref<3x128x128xf32, #tpu.memory_space<vmem>> -> memref<1x128x128xf32, #tpu.memory_space<vmem>>
        %dma_start3A_97 = tpu.memref_squeeze %dma_start3A_96 : memref<1x128x128xf32, #tpu.memory_space<vmem>> -> memref<128x128xf32, #tpu.memory_space<vmem>>
        %dma_start3A_98 = arith.constant 0 : i32
        %dma_start3A_99 = arith.constant 0 : i32
        %dma_start3A_100 = tpu.memref_slice %dma_start3A_97[%dma_start3A_98, %dma_start3A_99] : memref<128x128xf32, #tpu.memory_space<vmem>> -> memref<128x128xf32, #tpu.memory_space<vmem>>
        %dma_start3A_101 = arith.constant 0 : i32
        %dma_start3A_102 = tpu.memref_slice %arg10[%add3A_57, %dma_start3A_101] : memref<5120x128xf32, #tpu.memory_space<vmem_shared>> -> memref<128x128xf32, #tpu.memory_space<vmem_shared>>
        tpu.enqueue_dma source(%dma_start3A_102 : memref<128x128xf32, #tpu.memory_space<vmem_shared>>) target(%dma_start3A_100 : memref<128x128xf32, #tpu.memory_space<vmem>>) target_semaphore(%run_scoped3A_84 : memref<!tpu.dma_semaphore, #tpu.memory_space<semaphore_mem>>)
        %dma_wait3A_103 = arith.constant 0 : i32
        %dma_wait3A_104 = arith.constant 0 : i32
        %dma_wait3A_105 = tpu.memref_slice %arg9[%run_scoped3A_58, %dma_wait3A_103, %dma_wait3A_104] : memref<3x128x128xf32, #tpu.memory_space<vmem>> -> memref<1x128x128xf32, #tpu.memory_space<vmem>>
        %dma_wait3A_106 = tpu.memref_squeeze %dma_wait3A_105 : memref<1x128x128xf32, #tpu.memory_space<vmem>> -> memref<128x128xf32, #tpu.memory_space<vmem>>
        %dma_wait3A_107 = arith.constant 0 : i32
        %dma_wait3A_108 = arith.constant 0 : i32
        %dma_wait3A_109 = tpu.memref_slice %dma_wait3A_106[%dma_wait3A_107, %dma_wait3A_108] : memref<128x128xf32, #tpu.memory_space<vmem>> -> memref<128x128xf32, #tpu.memory_space<vmem>>
        %dma_wait3A_110 = arith.constant 0 : i32
        %dma_wait3A_111 = tpu.memref_slice %arg10[%add3A_57, %dma_wait3A_110] : memref<5120x128xf32, #tpu.memory_space<vmem_shared>> -> memref<128x128xf32, #tpu.memory_space<vmem_shared>>
        %dma_wait3A_112 = arith.constant 0 : i32
        %dma_wait3A_113 = arith.constant 0 : i32
        %dma_wait3A_114 = tpu.memref_slice %arg9[%run_scoped3A_58, %dma_wait3A_112, %dma_wait3A_113] : memref<3x128x128xf32, #tpu.memory_space<vmem>> -> memref<1x128x128xf32, #tpu.memory_space<vmem>>
        %dma_wait3A_115 = tpu.memref_squeeze %dma_wait3A_114 : memref<1x128x128xf32, #tpu.memory_space<vmem>> -> memref<128x128xf32, #tpu.memory_space<vmem>>
        %dma_wait3A_116 = arith.constant 0 : i32
        %dma_wait3A_117 = arith.constant 0 : i32
        %dma_wait3A_118 = tpu.memref_slice %dma_wait3A_115[%dma_wait3A_116, %dma_wait3A_117] : memref<128x128xf32, #tpu.memory_space<vmem>> -> memref<128x128xf32, #tpu.memory_space<vmem>>
        %dma_wait3A_119 = arith.constant 0 : i32
        %dma_wait3A_120 = tpu.memref_slice %arg10[%add3A_57, %dma_wait3A_119] : memref<5120x128xf32, #tpu.memory_space<vmem_shared>> -> memref<128x128xf32, #tpu.memory_space<vmem_shared>>
        tpu.wait_dma2 semaphore(%run_scoped3A_84 : memref<!tpu.dma_semaphore, #tpu.memory_space<semaphore_mem>>) src(%dma_wait3A_120 : memref<128x128xf32, #tpu.memory_space<vmem_shared>>) dst(%dma_wait3A_118 : memref<128x128xf32, #tpu.memory_space<vmem>>)
        tpu.yield
      }) : () -> ()
      %mul3A_59 = arith.constant 312 : i32
      %mul3A_60 = arith.muli %arg1, %mul3A_59 : i32
      %add3A_61 = arith.constant 0 : i32
      %add3A_62 = arith.addi %mul3A_60, %add3A_61 : i32
      %run_scoped3A_63 = arith.constant 0 : i32
      "tpu.region"() ({
        %run_scoped3A_84 = tpu.sem_alloc : memref<!tpu.dma_semaphore, #tpu.memory_space<semaphore_mem>>
        %dma_start3A_85 = arith.constant 0 : i32
        %dma_start3A_86 = arith.constant 0 : i32
        %dma_start3A_87 = tpu.memref_slice %arg9[%run_scoped3A_63, %dma_start3A_85, %dma_start3A_86] : memref<3x128x128xf32, #tpu.memory_space<vmem>> -> memref<1x128x128xf32, #tpu.memory_space<vmem>>
        %dma_start3A_88 = tpu.memref_squeeze %dma_start3A_87 : memref<1x128x128xf32, #tpu.memory_space<vmem>> -> memref<128x128xf32, #tpu.memory_space<vmem>>
        %dma_start3A_89 = arith.constant 0 : i32
        %dma_start3A_90 = arith.constant 0 : i32
        %dma_start3A_91 = tpu.memref_slice %dma_start3A_88[%dma_start3A_89, %dma_start3A_90] : memref<128x128xf32, #tpu.memory_space<vmem>> -> memref<128x128xf32, #tpu.memory_space<vmem>>
        %dma_start3A_92 = arith.constant 0 : i32
        %dma_start3A_93 = tpu.memref_slice %arg6[%add3A_62, %dma_start3A_92] : memref<10112x128xf32, #tpu.memory_space<hbm>> -> memref<128x128xf32, #tpu.memory_space<hbm>>
        %dma_start3A_94 = arith.constant 0 : i32
        %dma_start3A_95 = tpu.memref_slice %arg6[%add3A_62, %dma_start3A_94] : memref<10112x128xf32, #tpu.memory_space<hbm>> -> memref<128x128xf32, #tpu.memory_space<hbm>>
        %dma_start3A_96 = arith.constant 0 : i32
        %dma_start3A_97 = arith.constant 0 : i32
        %dma_start3A_98 = tpu.memref_slice %arg9[%run_scoped3A_63, %dma_start3A_96, %dma_start3A_97] : memref<3x128x128xf32, #tpu.memory_space<vmem>> -> memref<1x128x128xf32, #tpu.memory_space<vmem>>
        %dma_start3A_99 = tpu.memref_squeeze %dma_start3A_98 : memref<1x128x128xf32, #tpu.memory_space<vmem>> -> memref<128x128xf32, #tpu.memory_space<vmem>>
        %dma_start3A_100 = arith.constant 0 : i32
        %dma_start3A_101 = arith.constant 0 : i32
        %dma_start3A_102 = tpu.memref_slice %dma_start3A_99[%dma_start3A_100, %dma_start3A_101] : memref<128x128xf32, #tpu.memory_space<vmem>> -> memref<128x128xf32, #tpu.memory_space<vmem>>
        tpu.enqueue_dma source(%dma_start3A_102 : memref<128x128xf32, #tpu.memory_space<vmem>>) target(%dma_start3A_95 : memref<128x128xf32, #tpu.memory_space<hbm>>) target_semaphore(%run_scoped3A_84 : memref<!tpu.dma_semaphore, #tpu.memory_space<semaphore_mem>>)
        %dma_wait3A_103 = arith.constant 0 : i32
        %dma_wait3A_104 = arith.constant 0 : i32
        %dma_wait3A_105 = tpu.memref_slice %arg9[%run_scoped3A_63, %dma_wait3A_103, %dma_wait3A_104] : memref<3x128x128xf32, #tpu.memory_space<vmem>> -> memref<1x128x128xf32, #tpu.memory_space<vmem>>
        %dma_wait3A_106 = tpu.memref_squeeze %dma_wait3A_105 : memref<1x128x128xf32, #tpu.memory_space<vmem>> -> memref<128x128xf32, #tpu.memory_space<vmem>>
        %dma_wait3A_107 = arith.constant 0 : i32
        %dma_wait3A_108 = arith.constant 0 : i32
        %dma_wait3A_109 = tpu.memref_slice %dma_wait3A_106[%dma_wait3A_107, %dma_wait3A_108] : memref<128x128xf32, #tpu.memory_space<vmem>> -> memref<128x128xf32, #tpu.memory_space<vmem>>
        %dma_wait3A_110 = arith.constant 0 : i32
        %dma_wait3A_111 = tpu.memref_slice %arg6[%add3A_62, %dma_wait3A_110] : memref<10112x128xf32, #tpu.memory_space<hbm>> -> memref<128x128xf32, #tpu.memory_space<hbm>>
        %dma_wait3A_112 = arith.constant 0 : i32
        %dma_wait3A_113 = tpu.memref_slice %arg6[%add3A_62, %dma_wait3A_112] : memref<10112x128xf32, #tpu.memory_space<hbm>> -> memref<128x128xf32, #tpu.memory_space<hbm>>
        %dma_wait3A_114 = arith.constant 0 : i32
        %dma_wait3A_115 = arith.constant 0 : i32
        %dma_wait3A_116 = tpu.memref_slice %arg9[%run_scoped3A_63, %dma_wait3A_114, %dma_wait3A_115] : memref<3x128x128xf32, #tpu.memory_space<vmem>> -> memref<1x128x128xf32, #tpu.memory_space<vmem>>
        %dma_wait3A_117 = tpu.memref_squeeze %dma_wait3A_116 : memref<1x128x128xf32, #tpu.memory_space<vmem>> -> memref<128x128xf32, #tpu.memory_space<vmem>>
        %dma_wait3A_118 = arith.constant 0 : i32
        %dma_wait3A_119 = arith.constant 0 : i32
        %dma_wait3A_120 = tpu.memref_slice %dma_wait3A_117[%dma_wait3A_118, %dma_wait3A_119] : memref<128x128xf32, #tpu.memory_space<vmem>> -> memref<128x128xf32, #tpu.memory_space<vmem>>
        tpu.wait_dma2 semaphore(%run_scoped3A_84 : memref<!tpu.dma_semaphore, #tpu.memory_space<semaphore_mem>>) src(%dma_wait3A_120 : memref<128x128xf32, #tpu.memory_space<vmem>>) dst(%dma_wait3A_113 : memref<128x128xf32, #tpu.memory_space<hbm>>)
        tpu.yield
      }) : () -> ()
      %mul3A_64 = arith.constant 312 : i32
      %mul3A_65 = arith.muli %arg1, %mul3A_64 : i32
      %add3A_66 = arith.constant 128 : i32
      %add3A_67 = arith.addi %mul3A_65, %add3A_66 : i32
      %run_scoped3A_68 = arith.constant 1 : i32
      "tpu.region"() ({
        %run_scoped3A_84 = tpu.sem_alloc : memref<!tpu.dma_semaphore, #tpu.memory_space<semaphore_mem>>
        %dma_start3A_85 = arith.constant 0 : i32
        %dma_start3A_86 = arith.constant 0 : i32
        %dma_start3A_87 = tpu.memref_slice %arg9[%run_scoped3A_68, %dma_start3A_85, %dma_start3A_86] : memref<3x128x128xf32, #tpu.memory_space<vmem>> -> memref<1x128x128xf32, #tpu.memory_space<vmem>>
        %dma_start3A_88 = tpu.memref_squeeze %dma_start3A_87 : memref<1x128x128xf32, #tpu.memory_space<vmem>> -> memref<128x128xf32, #tpu.memory_space<vmem>>
        %dma_start3A_89 = arith.constant 0 : i32
        %dma_start3A_90 = arith.constant 0 : i32
        %dma_start3A_91 = tpu.memref_slice %dma_start3A_88[%dma_start3A_89, %dma_start3A_90] : memref<128x128xf32, #tpu.memory_space<vmem>> -> memref<128x128xf32, #tpu.memory_space<vmem>>
        %dma_start3A_92 = arith.constant 0 : i32
        %dma_start3A_93 = tpu.memref_slice %arg10[%add3A_67, %dma_start3A_92] : memref<5120x128xf32, #tpu.memory_space<vmem_shared>> -> memref<128x128xf32, #tpu.memory_space<vmem_shared>>
        %dma_start3A_94 = arith.constant 0 : i32
        %dma_start3A_95 = arith.constant 0 : i32
        %dma_start3A_96 = tpu.memref_slice %arg9[%run_scoped3A_68, %dma_start3A_94, %dma_start3A_95] : memref<3x128x128xf32, #tpu.memory_space<vmem>> -> memref<1x128x128xf32, #tpu.memory_space<vmem>>
        %dma_start3A_97 = tpu.memref_squeeze %dma_start3A_96 : memref<1x128x128xf32, #tpu.memory_space<vmem>> -> memref<128x128xf32, #tpu.memory_space<vmem>>
        %dma_start3A_98 = arith.constant 0 : i32
        %dma_start3A_99 = arith.constant 0 : i32
        %dma_start3A_100 = tpu.memref_slice %dma_start3A_97[%dma_start3A_98, %dma_start3A_99] : memref<128x128xf32, #tpu.memory_space<vmem>> -> memref<128x128xf32, #tpu.memory_space<vmem>>
        %dma_start3A_101 = arith.constant 0 : i32
        %dma_start3A_102 = tpu.memref_slice %arg10[%add3A_67, %dma_start3A_101] : memref<5120x128xf32, #tpu.memory_space<vmem_shared>> -> memref<128x128xf32, #tpu.memory_space<vmem_shared>>
        tpu.enqueue_dma source(%dma_start3A_102 : memref<128x128xf32, #tpu.memory_space<vmem_shared>>) target(%dma_start3A_100 : memref<128x128xf32, #tpu.memory_space<vmem>>) target_semaphore(%run_scoped3A_84 : memref<!tpu.dma_semaphore, #tpu.memory_space<semaphore_mem>>)
        %dma_wait3A_103 = arith.constant 0 : i32
        %dma_wait3A_104 = arith.constant 0 : i32
        %dma_wait3A_105 = tpu.memref_slice %arg9[%run_scoped3A_68, %dma_wait3A_103, %dma_wait3A_104] : memref<3x128x128xf32, #tpu.memory_space<vmem>> -> memref<1x128x128xf32, #tpu.memory_space<vmem>>
        %dma_wait3A_106 = tpu.memref_squeeze %dma_wait3A_105 : memref<1x128x128xf32, #tpu.memory_space<vmem>> -> memref<128x128xf32, #tpu.memory_space<vmem>>
        %dma_wait3A_107 = arith.constant 0 : i32
        %dma_wait3A_108 = arith.constant 0 : i32
        %dma_wait3A_109 = tpu.memref_slice %dma_wait3A_106[%dma_wait3A_107, %dma_wait3A_108] : memref<128x128xf32, #tpu.memory_space<vmem>> -> memref<128x128xf32, #tpu.memory_space<vmem>>
        %dma_wait3A_110 = arith.constant 0 : i32
        %dma_wait3A_111 = tpu.memref_slice %arg10[%add3A_67, %dma_wait3A_110] : memref<5120x128xf32, #tpu.memory_space<vmem_shared>> -> memref<128x128xf32, #tpu.memory_space<vmem_shared>>
        %dma_wait3A_112 = arith.constant 0 : i32
        %dma_wait3A_113 = arith.constant 0 : i32
        %dma_wait3A_114 = tpu.memref_slice %arg9[%run_scoped3A_68, %dma_wait3A_112, %dma_wait3A_113] : memref<3x128x128xf32, #tpu.memory_space<vmem>> -> memref<1x128x128xf32, #tpu.memory_space<vmem>>
        %dma_wait3A_115 = tpu.memref_squeeze %dma_wait3A_114 : memref<1x128x128xf32, #tpu.memory_space<vmem>> -> memref<128x128xf32, #tpu.memory_space<vmem>>
        %dma_wait3A_116 = arith.constant 0 : i32
        %dma_wait3A_117 = arith.constant 0 : i32
        %dma_wait3A_118 = tpu.memref_slice %dma_wait3A_115[%dma_wait3A_116, %dma_wait3A_117] : memref<128x128xf32, #tpu.memory_space<vmem>> -> memref<128x128xf32, #tpu.memory_space<vmem>>
        %dma_wait3A_119 = arith.constant 0 : i32
        %dma_wait3A_120 = tpu.memref_slice %arg10[%add3A_67, %dma_wait3A_119] : memref<5120x128xf32, #tpu.memory_space<vmem_shared>> -> memref<128x128xf32, #tpu.memory_space<vmem_shared>>
        tpu.wait_dma2 semaphore(%run_scoped3A_84 : memref<!tpu.dma_semaphore, #tpu.memory_space<semaphore_mem>>) src(%dma_wait3A_120 : memref<128x128xf32, #tpu.memory_space<vmem_shared>>) dst(%dma_wait3A_118 : memref<128x128xf32, #tpu.memory_space<vmem>>)
        tpu.yield
      }) : () -> ()
      %mul3A_69 = arith.constant 312 : i32
      %mul3A_70 = arith.muli %arg1, %mul3A_69 : i32
      %add3A_71 = arith.constant 128 : i32
      %add3A_72 = arith.addi %mul3A_70, %add3A_71 : i32
      %run_scoped3A_73 = arith.constant 1 : i32
      "tpu.region"() ({
        %run_scoped3A_84 = tpu.sem_alloc : memref<!tpu.dma_semaphore, #tpu.memory_space<semaphore_mem>>
        %dma_start3A_85 = arith.constant 0 : i32
        %dma_start3A_86 = arith.constant 0 : i32
        %dma_start3A_87 = tpu.memref_slice %arg9[%run_scoped3A_73, %dma_start3A_85, %dma_start3A_86] : memref<3x128x128xf32, #tpu.memory_space<vmem>> -> memref<1x128x128xf32, #tpu.memory_space<vmem>>
        %dma_start3A_88 = tpu.memref_squeeze %dma_start3A_87 : memref<1x128x128xf32, #tpu.memory_space<vmem>> -> memref<128x128xf32, #tpu.memory_space<vmem>>
        %dma_start3A_89 = arith.constant 0 : i32
        %dma_start3A_90 = arith.constant 0 : i32
        %dma_start3A_91 = tpu.memref_slice %dma_start3A_88[%dma_start3A_89, %dma_start3A_90] : memref<128x128xf32, #tpu.memory_space<vmem>> -> memref<128x128xf32, #tpu.memory_space<vmem>>
        %dma_start3A_92 = arith.constant 0 : i32
        %dma_start3A_93 = tpu.memref_slice %arg6[%add3A_72, %dma_start3A_92] : memref<10112x128xf32, #tpu.memory_space<hbm>> -> memref<128x128xf32, #tpu.memory_space<hbm>>
        %dma_start3A_94 = arith.constant 0 : i32
        %dma_start3A_95 = tpu.memref_slice %arg6[%add3A_72, %dma_start3A_94] : memref<10112x128xf32, #tpu.memory_space<hbm>> -> memref<128x128xf32, #tpu.memory_space<hbm>>
        %dma_start3A_96 = arith.constant 0 : i32
        %dma_start3A_97 = arith.constant 0 : i32
        %dma_start3A_98 = tpu.memref_slice %arg9[%run_scoped3A_73, %dma_start3A_96, %dma_start3A_97] : memref<3x128x128xf32, #tpu.memory_space<vmem>> -> memref<1x128x128xf32, #tpu.memory_space<vmem>>
        %dma_start3A_99 = tpu.memref_squeeze %dma_start3A_98 : memref<1x128x128xf32, #tpu.memory_space<vmem>> -> memref<128x128xf32, #tpu.memory_space<vmem>>
        %dma_start3A_100 = arith.constant 0 : i32
        %dma_start3A_101 = arith.constant 0 : i32
        %dma_start3A_102 = tpu.memref_slice %dma_start3A_99[%dma_start3A_100, %dma_start3A_101] : memref<128x128xf32, #tpu.memory_space<vmem>> -> memref<128x128xf32, #tpu.memory_space<vmem>>
        tpu.enqueue_dma source(%dma_start3A_102 : memref<128x128xf32, #tpu.memory_space<vmem>>) target(%dma_start3A_95 : memref<128x128xf32, #tpu.memory_space<hbm>>) target_semaphore(%run_scoped3A_84 : memref<!tpu.dma_semaphore, #tpu.memory_space<semaphore_mem>>)
        %dma_wait3A_103 = arith.constant 0 : i32
        %dma_wait3A_104 = arith.constant 0 : i32
        %dma_wait3A_105 = tpu.memref_slice %arg9[%run_scoped3A_73, %dma_wait3A_103, %dma_wait3A_104] : memref<3x128x128xf32, #tpu.memory_space<vmem>> -> memref<1x128x128xf32, #tpu.memory_space<vmem>>
        %dma_wait3A_106 = tpu.memref_squeeze %dma_wait3A_105 : memref<1x128x128xf32, #tpu.memory_space<vmem>> -> memref<128x128xf32, #tpu.memory_space<vmem>>
        %dma_wait3A_107 = arith.constant 0 : i32
        %dma_wait3A_108 = arith.constant 0 : i32
        %dma_wait3A_109 = tpu.memref_slice %dma_wait3A_106[%dma_wait3A_107, %dma_wait3A_108] : memref<128x128xf32, #tpu.memory_space<vmem>> -> memref<128x128xf32, #tpu.memory_space<vmem>>
        %dma_wait3A_110 = arith.constant 0 : i32
        %dma_wait3A_111 = tpu.memref_slice %arg6[%add3A_72, %dma_wait3A_110] : memref<10112x128xf32, #tpu.memory_space<hbm>> -> memref<128x128xf32, #tpu.memory_space<hbm>>
        %dma_wait3A_112 = arith.constant 0 : i32
        %dma_wait3A_113 = tpu.memref_slice %arg6[%add3A_72, %dma_wait3A_112] : memref<10112x128xf32, #tpu.memory_space<hbm>> -> memref<128x128xf32, #tpu.memory_space<hbm>>
        %dma_wait3A_114 = arith.constant 0 : i32
        %dma_wait3A_115 = arith.constant 0 : i32
        %dma_wait3A_116 = tpu.memref_slice %arg9[%run_scoped3A_73, %dma_wait3A_114, %dma_wait3A_115] : memref<3x128x128xf32, #tpu.memory_space<vmem>> -> memref<1x128x128xf32, #tpu.memory_space<vmem>>
        %dma_wait3A_117 = tpu.memref_squeeze %dma_wait3A_116 : memref<1x128x128xf32, #tpu.memory_space<vmem>> -> memref<128x128xf32, #tpu.memory_space<vmem>>
        %dma_wait3A_118 = arith.constant 0 : i32
        %dma_wait3A_119 = arith.constant 0 : i32
        %dma_wait3A_120 = tpu.memref_slice %dma_wait3A_117[%dma_wait3A_118, %dma_wait3A_119] : memref<128x128xf32, #tpu.memory_space<vmem>> -> memref<128x128xf32, #tpu.memory_space<vmem>>
        tpu.wait_dma2 semaphore(%run_scoped3A_84 : memref<!tpu.dma_semaphore, #tpu.memory_space<semaphore_mem>>) src(%dma_wait3A_120 : memref<128x128xf32, #tpu.memory_space<vmem>>) dst(%dma_wait3A_113 : memref<128x128xf32, #tpu.memory_space<hbm>>)
        tpu.yield
      }) : () -> ()
      %mul3A_74 = arith.constant 312 : i32
      %mul3A_75 = arith.muli %arg1, %mul3A_74 : i32
      %add3A_76 = arith.constant 256 : i32
      %add3A_77 = arith.addi %mul3A_75, %add3A_76 : i32
      %run_scoped3A_78 = arith.constant 2 : i32
      "tpu.region"() ({
        %run_scoped3A_84 = tpu.sem_alloc : memref<!tpu.dma_semaphore, #tpu.memory_space<semaphore_mem>>
        %dma_start3A_85 = arith.constant 0 : i32
        %dma_start3A_86 = arith.constant 0 : i32
        %dma_start3A_87 = tpu.memref_slice %arg9[%run_scoped3A_78, %dma_start3A_85, %dma_start3A_86] : memref<3x128x128xf32, #tpu.memory_space<vmem>> -> memref<1x128x128xf32, #tpu.memory_space<vmem>>
        %dma_start3A_88 = tpu.memref_squeeze %dma_start3A_87 : memref<1x128x128xf32, #tpu.memory_space<vmem>> -> memref<128x128xf32, #tpu.memory_space<vmem>>
        %dma_start3A_89 = arith.constant 0 : i32
        %dma_start3A_90 = arith.constant 0 : i32
        %dma_start3A_91 = tpu.memref_slice %dma_start3A_88[%dma_start3A_89, %dma_start3A_90] : memref<128x128xf32, #tpu.memory_space<vmem>> -> memref<56x128xf32, #tpu.memory_space<vmem>>
        %dma_start3A_92 = arith.constant 0 : i32
        %dma_start3A_93 = tpu.memref_slice %arg10[%add3A_77, %dma_start3A_92] : memref<5120x128xf32, #tpu.memory_space<vmem_shared>> -> memref<56x128xf32, #tpu.memory_space<vmem_shared>>
        %dma_start3A_94 = arith.constant 0 : i32
        %dma_start3A_95 = arith.constant 0 : i32
        %dma_start3A_96 = tpu.memref_slice %arg9[%run_scoped3A_78, %dma_start3A_94, %dma_start3A_95] : memref<3x128x128xf32, #tpu.memory_space<vmem>> -> memref<1x128x128xf32, #tpu.memory_space<vmem>>
        %dma_start3A_97 = tpu.memref_squeeze %dma_start3A_96 : memref<1x128x128xf32, #tpu.memory_space<vmem>> -> memref<128x128xf32, #tpu.memory_space<vmem>>
        %dma_start3A_98 = arith.constant 0 : i32
        %dma_start3A_99 = arith.constant 0 : i32
        %dma_start3A_100 = tpu.memref_slice %dma_start3A_97[%dma_start3A_98, %dma_start3A_99] : memref<128x128xf32, #tpu.memory_space<vmem>> -> memref<56x128xf32, #tpu.memory_space<vmem>>
        %dma_start3A_101 = arith.constant 0 : i32
        %dma_start3A_102 = tpu.memref_slice %arg10[%add3A_77, %dma_start3A_101] : memref<5120x128xf32, #tpu.memory_space<vmem_shared>> -> memref<56x128xf32, #tpu.memory_space<vmem_shared>>
        tpu.enqueue_dma source(%dma_start3A_102 : memref<56x128xf32, #tpu.memory_space<vmem_shared>>) target(%dma_start3A_100 : memref<56x128xf32, #tpu.memory_space<vmem>>) target_semaphore(%run_scoped3A_84 : memref<!tpu.dma_semaphore, #tpu.memory_space<semaphore_mem>>)
        %dma_wait3A_103 = arith.constant 0 : i32
        %dma_wait3A_104 = arith.constant 0 : i32
        %dma_wait3A_105 = tpu.memref_slice %arg9[%run_scoped3A_78, %dma_wait3A_103, %dma_wait3A_104] : memref<3x128x128xf32, #tpu.memory_space<vmem>> -> memref<1x128x128xf32, #tpu.memory_space<vmem>>
        %dma_wait3A_106 = tpu.memref_squeeze %dma_wait3A_105 : memref<1x128x128xf32, #tpu.memory_space<vmem>> -> memref<128x128xf32, #tpu.memory_space<vmem>>
        %dma_wait3A_107 = arith.constant 0 : i32
        %dma_wait3A_108 = arith.constant 0 : i32
        %dma_wait3A_109 = tpu.memref_slice %dma_wait3A_106[%dma_wait3A_107, %dma_wait3A_108] : memref<128x128xf32, #tpu.memory_space<vmem>> -> memref<56x128xf32, #tpu.memory_space<vmem>>
        %dma_wait3A_110 = arith.constant 0 : i32
        %dma_wait3A_111 = tpu.memref_slice %arg10[%add3A_77, %dma_wait3A_110] : memref<5120x128xf32, #tpu.memory_space<vmem_shared>> -> memref<56x128xf32, #tpu.memory_space<vmem_shared>>
        %dma_wait3A_112 = arith.constant 0 : i32
        %dma_wait3A_113 = arith.constant 0 : i32
        %dma_wait3A_114 = tpu.memref_slice %arg9[%run_scoped3A_78, %dma_wait3A_112, %dma_wait3A_113] : memref<3x128x128xf32, #tpu.memory_space<vmem>> -> memref<1x128x128xf32, #tpu.memory_space<vmem>>
        %dma_wait3A_115 = tpu.memref_squeeze %dma_wait3A_114 : memref<1x128x128xf32, #tpu.memory_space<vmem>> -> memref<128x128xf32, #tpu.memory_space<vmem>>
        %dma_wait3A_116 = arith.constant 0 : i32
        %dma_wait3A_117 = arith.constant 0 : i32
        %dma_wait3A_118 = tpu.memref_slice %dma_wait3A_115[%dma_wait3A_116, %dma_wait3A_117] : memref<128x128xf32, #tpu.memory_space<vmem>> -> memref<56x128xf32, #tpu.memory_space<vmem>>
        %dma_wait3A_119 = arith.constant 0 : i32
        %dma_wait3A_120 = tpu.memref_slice %arg10[%add3A_77, %dma_wait3A_119] : memref<5120x128xf32, #tpu.memory_space<vmem_shared>> -> memref<56x128xf32, #tpu.memory_space<vmem_shared>>
        tpu.wait_dma2 semaphore(%run_scoped3A_84 : memref<!tpu.dma_semaphore, #tpu.memory_space<semaphore_mem>>) src(%dma_wait3A_120 : memref<56x128xf32, #tpu.memory_space<vmem_shared>>) dst(%dma_wait3A_118 : memref<56x128xf32, #tpu.memory_space<vmem>>)
        tpu.yield
      }) : () -> ()
      %mul3A_79 = arith.constant 312 : i32
      %mul3A_80 = arith.muli %arg1, %mul3A_79 : i32
      %add3A_81 = arith.constant 256 : i32
      %add3A_82 = arith.addi %mul3A_80, %add3A_81 : i32
      %run_scoped3A_83 = arith.constant 2 : i32
      "tpu.region"() ({
        %run_scoped3A_84 = tpu.sem_alloc : memref<!tpu.dma_semaphore, #tpu.memory_space<semaphore_mem>>
        %dma_start3A_85 = arith.constant 0 : i32
        %dma_start3A_86 = arith.constant 0 : i32
        %dma_start3A_87 = tpu.memref_slice %arg9[%run_scoped3A_83, %dma_start3A_85, %dma_start3A_86] : memref<3x128x128xf32, #tpu.memory_space<vmem>> -> memref<1x128x128xf32, #tpu.memory_space<vmem>>
        %dma_start3A_88 = tpu.memref_squeeze %dma_start3A_87 : memref<1x128x128xf32, #tpu.memory_space<vmem>> -> memref<128x128xf32, #tpu.memory_space<vmem>>
        %dma_start3A_89 = arith.constant 0 : i32
        %dma_start3A_90 = arith.constant 0 : i32
        %dma_start3A_91 = tpu.memref_slice %dma_start3A_88[%dma_start3A_89, %dma_start3A_90] : memref<128x128xf32, #tpu.memory_space<vmem>> -> memref<56x128xf32, #tpu.memory_space<vmem>>
        %dma_start3A_92 = arith.constant 0 : i32
        %dma_start3A_93 = tpu.memref_slice %arg6[%add3A_82, %dma_start3A_92] : memref<10112x128xf32, #tpu.memory_space<hbm>> -> memref<56x128xf32, #tpu.memory_space<hbm>>
        %dma_start3A_94 = arith.constant 0 : i32
        %dma_start3A_95 = tpu.memref_slice %arg6[%add3A_82, %dma_start3A_94] : memref<10112x128xf32, #tpu.memory_space<hbm>> -> memref<56x128xf32, #tpu.memory_space<hbm>>
        %dma_start3A_96 = arith.constant 0 : i32
        %dma_start3A_97 = arith.constant 0 : i32
        %dma_start3A_98 = tpu.memref_slice %arg9[%run_scoped3A_83, %dma_start3A_96, %dma_start3A_97] : memref<3x128x128xf32, #tpu.memory_space<vmem>> -> memref<1x128x128xf32, #tpu.memory_space<vmem>>
        %dma_start3A_99 = tpu.memref_squeeze %dma_start3A_98 : memref<1x128x128xf32, #tpu.memory_space<vmem>> -> memref<128x128xf32, #tpu.memory_space<vmem>>
        %dma_start3A_100 = arith.constant 0 : i32
        %dma_start3A_101 = arith.constant 0 : i32
        %dma_start3A_102 = tpu.memref_slice %dma_start3A_99[%dma_start3A_100, %dma_start3A_101] : memref<128x128xf32, #tpu.memory_space<vmem>> -> memref<56x128xf32, #tpu.memory_space<vmem>>
        tpu.enqueue_dma source(%dma_start3A_102 : memref<56x128xf32, #tpu.memory_space<vmem>>) target(%dma_start3A_95 : memref<56x128xf32, #tpu.memory_space<hbm>>) target_semaphore(%run_scoped3A_84 : memref<!tpu.dma_semaphore, #tpu.memory_space<semaphore_mem>>)
        %dma_wait3A_103 = arith.constant 0 : i32
        %dma_wait3A_104 = arith.constant 0 : i32
        %dma_wait3A_105 = tpu.memref_slice %arg9[%run_scoped3A_83, %dma_wait3A_103, %dma_wait3A_104] : memref<3x128x128xf32, #tpu.memory_space<vmem>> -> memref<1x128x128xf32, #tpu.memory_space<vmem>>
        %dma_wait3A_106 = tpu.memref_squeeze %dma_wait3A_105 : memref<1x128x128xf32, #tpu.memory_space<vmem>> -> memref<128x128xf32, #tpu.memory_space<vmem>>
        %dma_wait3A_107 = arith.constant 0 : i32
        %dma_wait3A_108 = arith.constant 0 : i32
        %dma_wait3A_109 = tpu.memref_slice %dma_wait3A_106[%dma_wait3A_107, %dma_wait3A_108] : memref<128x128xf32, #tpu.memory_space<vmem>> -> memref<56x128xf32, #tpu.memory_space<vmem>>
        %dma_wait3A_110 = arith.constant 0 : i32
        %dma_wait3A_111 = tpu.memref_slice %arg6[%add3A_82, %dma_wait3A_110] : memref<10112x128xf32, #tpu.memory_space<hbm>> -> memref<56x128xf32, #tpu.memory_space<hbm>>
        %dma_wait3A_112 = arith.constant 0 : i32
        %dma_wait3A_113 = tpu.memref_slice %arg6[%add3A_82, %dma_wait3A_112] : memref<10112x128xf32, #tpu.memory_space<hbm>> -> memref<56x128xf32, #tpu.memory_space<hbm>>
        %dma_wait3A_114 = arith.constant 0 : i32
        %dma_wait3A_115 = arith.constant 0 : i32
        %dma_wait3A_116 = tpu.memref_slice %arg9[%run_scoped3A_83, %dma_wait3A_114, %dma_wait3A_115] : memref<3x128x128xf32, #tpu.memory_space<vmem>> -> memref<1x128x128xf32, #tpu.memory_space<vmem>>
        %dma_wait3A_117 = tpu.memref_squeeze %dma_wait3A_116 : memref<1x128x128xf32, #tpu.memory_space<vmem>> -> memref<128x128xf32, #tpu.memory_space<vmem>>
        %dma_wait3A_118 = arith.constant 0 : i32
        %dma_wait3A_119 = arith.constant 0 : i32
        %dma_wait3A_120 = tpu.memref_slice %dma_wait3A_117[%dma_wait3A_118, %dma_wait3A_119] : memref<128x128xf32, #tpu.memory_space<vmem>> -> memref<56x128xf32, #tpu.memory_space<vmem>>
        tpu.wait_dma2 semaphore(%run_scoped3A_84 : memref<!tpu.dma_semaphore, #tpu.memory_space<semaphore_mem>>) src(%dma_wait3A_120 : memref<56x128xf32, #tpu.memory_space<vmem>>) dst(%dma_wait3A_113 : memref<56x128xf32, #tpu.memory_space<hbm>>)
        tpu.yield
      }) : () -> ()
    } else {
    }
    %eq3A_49 = arith.constant 1 : i32
    %eq3A_50 = arith.cmpi eq, %arg0, %eq3A_49 : i32
    %convert_element_type3A_51 = arith.extui %eq3A_50 : i1 to i32
    %cond3A_52 = arith.constant 0 : i32
    %cond3A_53 = arith.cmpi ne, %convert_element_type3A_51, %cond3A_52 : i32
    scf.if %cond3A_53 {
      %mul3A_54 = arith.constant 320 : i32
      %mul3A_55 = arith.muli %arg1, %mul3A_54 : i32
      %add3A_56 = arith.constant 0 : i32
      %add3A_57 = arith.addi %mul3A_55, %add3A_56 : i32
      %run_scoped3A_58 = arith.constant 0 : i32
      "tpu.region"() ({
        %run_scoped3A_90 = tpu.sem_alloc : memref<!tpu.dma_semaphore, #tpu.memory_space<semaphore_mem>>
        %dma_start3A_91 = arith.constant 0 : i32
        %dma_start3A_92 = arith.constant 0 : i32
        %dma_start3A_93 = tpu.memref_slice %arg9[%run_scoped3A_58, %dma_start3A_91, %dma_start3A_92] : memref<3x128x128xf32, #tpu.memory_space<vmem>> -> memref<1x128x128xf32, #tpu.memory_space<vmem>>
        %dma_start3A_94 = tpu.memref_squeeze %dma_start3A_93 : memref<1x128x128xf32, #tpu.memory_space<vmem>> -> memref<128x128xf32, #tpu.memory_space<vmem>>
        %dma_start3A_95 = arith.constant 0 : i32
        %dma_start3A_96 = arith.constant 0 : i32
        %dma_start3A_97 = tpu.memref_slice %dma_start3A_94[%dma_start3A_95, %dma_start3A_96] : memref<128x128xf32, #tpu.memory_space<vmem>> -> memref<128x128xf32, #tpu.memory_space<vmem>>
        %dma_start3A_98 = arith.constant 0 : i32
        %dma_start3A_99 = tpu.memref_slice %arg10[%add3A_57, %dma_start3A_98] : memref<5120x128xf32, #tpu.memory_space<vmem_shared>> -> memref<128x128xf32, #tpu.memory_space<vmem_shared>>
        %dma_start3A_100 = arith.constant 0 : i32
        %dma_start3A_101 = arith.constant 0 : i32
        %dma_start3A_102 = tpu.memref_slice %arg9[%run_scoped3A_58, %dma_start3A_100, %dma_start3A_101] : memref<3x128x128xf32, #tpu.memory_space<vmem>> -> memref<1x128x128xf32, #tpu.memory_space<vmem>>
        %dma_start3A_103 = tpu.memref_squeeze %dma_start3A_102 : memref<1x128x128xf32, #tpu.memory_space<vmem>> -> memref<128x128xf32, #tpu.memory_space<vmem>>
        %dma_start3A_104 = arith.constant 0 : i32
        %dma_start3A_105 = arith.constant 0 : i32
        %dma_start3A_106 = tpu.memref_slice %dma_start3A_103[%dma_start3A_104, %dma_start3A_105] : memref<128x128xf32, #tpu.memory_space<vmem>> -> memref<128x128xf32, #tpu.memory_space<vmem>>
        %dma_start3A_107 = arith.constant 0 : i32
        %dma_start3A_108 = tpu.memref_slice %arg10[%add3A_57, %dma_start3A_107] : memref<5120x128xf32, #tpu.memory_space<vmem_shared>> -> memref<128x128xf32, #tpu.memory_space<vmem_shared>>
        tpu.enqueue_dma source(%dma_start3A_108 : memref<128x128xf32, #tpu.memory_space<vmem_shared>>) target(%dma_start3A_106 : memref<128x128xf32, #tpu.memory_space<vmem>>) target_semaphore(%run_scoped3A_90 : memref<!tpu.dma_semaphore, #tpu.memory_space<semaphore_mem>>)
        %dma_wait3A_109 = arith.constant 0 : i32
        %dma_wait3A_110 = arith.constant 0 : i32
        %dma_wait3A_111 = tpu.memref_slice %arg9[%run_scoped3A_58, %dma_wait3A_109, %dma_wait3A_110] : memref<3x128x128xf32, #tpu.memory_space<vmem>> -> memref<1x128x128xf32, #tpu.memory_space<vmem>>
        %dma_wait3A_112 = tpu.memref_squeeze %dma_wait3A_111 : memref<1x128x128xf32, #tpu.memory_space<vmem>> -> memref<128x128xf32, #tpu.memory_space<vmem>>
        %dma_wait3A_113 = arith.constant 0 : i32
        %dma_wait3A_114 = arith.constant 0 : i32
        %dma_wait3A_115 = tpu.memref_slice %dma_wait3A_112[%dma_wait3A_113, %dma_wait3A_114] : memref<128x128xf32, #tpu.memory_space<vmem>> -> memref<128x128xf32, #tpu.memory_space<vmem>>
        %dma_wait3A_116 = arith.constant 0 : i32
        %dma_wait3A_117 = tpu.memref_slice %arg10[%add3A_57, %dma_wait3A_116] : memref<5120x128xf32, #tpu.memory_space<vmem_shared>> -> memref<128x128xf32, #tpu.memory_space<vmem_shared>>
        %dma_wait3A_118 = arith.constant 0 : i32
        %dma_wait3A_119 = arith.constant 0 : i32
        %dma_wait3A_120 = tpu.memref_slice %arg9[%run_scoped3A_58, %dma_wait3A_118, %dma_wait3A_119] : memref<3x128x128xf32, #tpu.memory_space<vmem>> -> memref<1x128x128xf32, #tpu.memory_space<vmem>>
        %dma_wait3A_121 = tpu.memref_squeeze %dma_wait3A_120 : memref<1x128x128xf32, #tpu.memory_space<vmem>> -> memref<128x128xf32, #tpu.memory_space<vmem>>
        %dma_wait3A_122 = arith.constant 0 : i32
        %dma_wait3A_123 = arith.constant 0 : i32
        %dma_wait3A_124 = tpu.memref_slice %dma_wait3A_121[%dma_wait3A_122, %dma_wait3A_123] : memref<128x128xf32, #tpu.memory_space<vmem>> -> memref<128x128xf32, #tpu.memory_space<vmem>>
        %dma_wait3A_125 = arith.constant 0 : i32
        %dma_wait3A_126 = tpu.memref_slice %arg10[%add3A_57, %dma_wait3A_125] : memref<5120x128xf32, #tpu.memory_space<vmem_shared>> -> memref<128x128xf32, #tpu.memory_space<vmem_shared>>
        tpu.wait_dma2 semaphore(%run_scoped3A_90 : memref<!tpu.dma_semaphore, #tpu.memory_space<semaphore_mem>>) src(%dma_wait3A_126 : memref<128x128xf32, #tpu.memory_space<vmem_shared>>) dst(%dma_wait3A_124 : memref<128x128xf32, #tpu.memory_space<vmem>>)
        tpu.yield
      }) : () -> ()
      %mul3A_59 = arith.constant 320 : i32
      %mul3A_60 = arith.muli %arg1, %mul3A_59 : i32
      %add3A_61 = arith.constant 4992 : i32
      %add3A_62 = arith.addi %add3A_61, %mul3A_60 : i32
      %add3A_63 = arith.constant 0 : i32
      %add3A_64 = arith.addi %add3A_62, %add3A_63 : i32
      %run_scoped3A_65 = arith.constant 0 : i32
      "tpu.region"() ({
        %run_scoped3A_90 = tpu.sem_alloc : memref<!tpu.dma_semaphore, #tpu.memory_space<semaphore_mem>>
        %dma_start3A_91 = arith.constant 0 : i32
        %dma_start3A_92 = arith.constant 0 : i32
        %dma_start3A_93 = tpu.memref_slice %arg9[%run_scoped3A_65, %dma_start3A_91, %dma_start3A_92] : memref<3x128x128xf32, #tpu.memory_space<vmem>> -> memref<1x128x128xf32, #tpu.memory_space<vmem>>
        %dma_start3A_94 = tpu.memref_squeeze %dma_start3A_93 : memref<1x128x128xf32, #tpu.memory_space<vmem>> -> memref<128x128xf32, #tpu.memory_space<vmem>>
        %dma_start3A_95 = arith.constant 0 : i32
        %dma_start3A_96 = arith.constant 0 : i32
        %dma_start3A_97 = tpu.memref_slice %dma_start3A_94[%dma_start3A_95, %dma_start3A_96] : memref<128x128xf32, #tpu.memory_space<vmem>> -> memref<128x128xf32, #tpu.memory_space<vmem>>
        %dma_start3A_98 = arith.constant 0 : i32
        %dma_start3A_99 = tpu.memref_slice %arg6[%add3A_64, %dma_start3A_98] : memref<10112x128xf32, #tpu.memory_space<hbm>> -> memref<128x128xf32, #tpu.memory_space<hbm>>
        %dma_start3A_100 = arith.constant 0 : i32
        %dma_start3A_101 = tpu.memref_slice %arg6[%add3A_64, %dma_start3A_100] : memref<10112x128xf32, #tpu.memory_space<hbm>> -> memref<128x128xf32, #tpu.memory_space<hbm>>
        %dma_start3A_102 = arith.constant 0 : i32
        %dma_start3A_103 = arith.constant 0 : i32
        %dma_start3A_104 = tpu.memref_slice %arg9[%run_scoped3A_65, %dma_start3A_102, %dma_start3A_103] : memref<3x128x128xf32, #tpu.memory_space<vmem>> -> memref<1x128x128xf32, #tpu.memory_space<vmem>>
        %dma_start3A_105 = tpu.memref_squeeze %dma_start3A_104 : memref<1x128x128xf32, #tpu.memory_space<vmem>> -> memref<128x128xf32, #tpu.memory_space<vmem>>
        %dma_start3A_106 = arith.constant 0 : i32
        %dma_start3A_107 = arith.constant 0 : i32
        %dma_start3A_108 = tpu.memref_slice %dma_start3A_105[%dma_start3A_106, %dma_start3A_107] : memref<128x128xf32, #tpu.memory_space<vmem>> -> memref<128x128xf32, #tpu.memory_space<vmem>>
        tpu.enqueue_dma source(%dma_start3A_108 : memref<128x128xf32, #tpu.memory_space<vmem>>) target(%dma_start3A_101 : memref<128x128xf32, #tpu.memory_space<hbm>>) target_semaphore(%run_scoped3A_90 : memref<!tpu.dma_semaphore, #tpu.memory_space<semaphore_mem>>)
        %dma_wait3A_109 = arith.constant 0 : i32
        %dma_wait3A_110 = arith.constant 0 : i32
        %dma_wait3A_111 = tpu.memref_slice %arg9[%run_scoped3A_65, %dma_wait3A_109, %dma_wait3A_110] : memref<3x128x128xf32, #tpu.memory_space<vmem>> -> memref<1x128x128xf32, #tpu.memory_space<vmem>>
        %dma_wait3A_112 = tpu.memref_squeeze %dma_wait3A_111 : memref<1x128x128xf32, #tpu.memory_space<vmem>> -> memref<128x128xf32, #tpu.memory_space<vmem>>
        %dma_wait3A_113 = arith.constant 0 : i32
        %dma_wait3A_114 = arith.constant 0 : i32
        %dma_wait3A_115 = tpu.memref_slice %dma_wait3A_112[%dma_wait3A_113, %dma_wait3A_114] : memref<128x128xf32, #tpu.memory_space<vmem>> -> memref<128x128xf32, #tpu.memory_space<vmem>>
        %dma_wait3A_116 = arith.constant 0 : i32
        %dma_wait3A_117 = tpu.memref_slice %arg6[%add3A_64, %dma_wait3A_116] : memref<10112x128xf32, #tpu.memory_space<hbm>> -> memref<128x128xf32, #tpu.memory_space<hbm>>
        %dma_wait3A_118 = arith.constant 0 : i32
        %dma_wait3A_119 = tpu.memref_slice %arg6[%add3A_64, %dma_wait3A_118] : memref<10112x128xf32, #tpu.memory_space<hbm>> -> memref<128x128xf32, #tpu.memory_space<hbm>>
        %dma_wait3A_120 = arith.constant 0 : i32
        %dma_wait3A_121 = arith.constant 0 : i32
        %dma_wait3A_122 = tpu.memref_slice %arg9[%run_scoped3A_65, %dma_wait3A_120, %dma_wait3A_121] : memref<3x128x128xf32, #tpu.memory_space<vmem>> -> memref<1x128x128xf32, #tpu.memory_space<vmem>>
        %dma_wait3A_123 = tpu.memref_squeeze %dma_wait3A_122 : memref<1x128x128xf32, #tpu.memory_space<vmem>> -> memref<128x128xf32, #tpu.memory_space<vmem>>
        %dma_wait3A_124 = arith.constant 0 : i32
        %dma_wait3A_125 = arith.constant 0 : i32
        %dma_wait3A_126 = tpu.memref_slice %dma_wait3A_123[%dma_wait3A_124, %dma_wait3A_125] : memref<128x128xf32, #tpu.memory_space<vmem>> -> memref<128x128xf32, #tpu.memory_space<vmem>>
        tpu.wait_dma2 semaphore(%run_scoped3A_90 : memref<!tpu.dma_semaphore, #tpu.memory_space<semaphore_mem>>) src(%dma_wait3A_126 : memref<128x128xf32, #tpu.memory_space<vmem>>) dst(%dma_wait3A_119 : memref<128x128xf32, #tpu.memory_space<hbm>>)
        tpu.yield
      }) : () -> ()
      %mul3A_66 = arith.constant 320 : i32
      %mul3A_67 = arith.muli %arg1, %mul3A_66 : i32
      %add3A_68 = arith.constant 128 : i32
      %add3A_69 = arith.addi %mul3A_67, %add3A_68 : i32
      %run_scoped3A_70 = arith.constant 1 : i32
      "tpu.region"() ({
        %run_scoped3A_90 = tpu.sem_alloc : memref<!tpu.dma_semaphore, #tpu.memory_space<semaphore_mem>>
        %dma_start3A_91 = arith.constant 0 : i32
        %dma_start3A_92 = arith.constant 0 : i32
        %dma_start3A_93 = tpu.memref_slice %arg9[%run_scoped3A_70, %dma_start3A_91, %dma_start3A_92] : memref<3x128x128xf32, #tpu.memory_space<vmem>> -> memref<1x128x128xf32, #tpu.memory_space<vmem>>
        %dma_start3A_94 = tpu.memref_squeeze %dma_start3A_93 : memref<1x128x128xf32, #tpu.memory_space<vmem>> -> memref<128x128xf32, #tpu.memory_space<vmem>>
        %dma_start3A_95 = arith.constant 0 : i32
        %dma_start3A_96 = arith.constant 0 : i32
        %dma_start3A_97 = tpu.memref_slice %dma_start3A_94[%dma_start3A_95, %dma_start3A_96] : memref<128x128xf32, #tpu.memory_space<vmem>> -> memref<128x128xf32, #tpu.memory_space<vmem>>
        %dma_start3A_98 = arith.constant 0 : i32
        %dma_start3A_99 = tpu.memref_slice %arg10[%add3A_69, %dma_start3A_98] : memref<5120x128xf32, #tpu.memory_space<vmem_shared>> -> memref<128x128xf32, #tpu.memory_space<vmem_shared>>
        %dma_start3A_100 = arith.constant 0 : i32
        %dma_start3A_101 = arith.constant 0 : i32
        %dma_start3A_102 = tpu.memref_slice %arg9[%run_scoped3A_70, %dma_start3A_100, %dma_start3A_101] : memref<3x128x128xf32, #tpu.memory_space<vmem>> -> memref<1x128x128xf32, #tpu.memory_space<vmem>>
        %dma_start3A_103 = tpu.memref_squeeze %dma_start3A_102 : memref<1x128x128xf32, #tpu.memory_space<vmem>> -> memref<128x128xf32, #tpu.memory_space<vmem>>
        %dma_start3A_104 = arith.constant 0 : i32
        %dma_start3A_105 = arith.constant 0 : i32
        %dma_start3A_106 = tpu.memref_slice %dma_start3A_103[%dma_start3A_104, %dma_start3A_105] : memref<128x128xf32, #tpu.memory_space<vmem>> -> memref<128x128xf32, #tpu.memory_space<vmem>>
        %dma_start3A_107 = arith.constant 0 : i32
        %dma_start3A_108 = tpu.memref_slice %arg10[%add3A_69, %dma_start3A_107] : memref<5120x128xf32, #tpu.memory_space<vmem_shared>> -> memref<128x128xf32, #tpu.memory_space<vmem_shared>>
        tpu.enqueue_dma source(%dma_start3A_108 : memref<128x128xf32, #tpu.memory_space<vmem_shared>>) target(%dma_start3A_106 : memref<128x128xf32, #tpu.memory_space<vmem>>) target_semaphore(%run_scoped3A_90 : memref<!tpu.dma_semaphore, #tpu.memory_space<semaphore_mem>>)
        %dma_wait3A_109 = arith.constant 0 : i32
        %dma_wait3A_110 = arith.constant 0 : i32
        %dma_wait3A_111 = tpu.memref_slice %arg9[%run_scoped3A_70, %dma_wait3A_109, %dma_wait3A_110] : memref<3x128x128xf32, #tpu.memory_space<vmem>> -> memref<1x128x128xf32, #tpu.memory_space<vmem>>
        %dma_wait3A_112 = tpu.memref_squeeze %dma_wait3A_111 : memref<1x128x128xf32, #tpu.memory_space<vmem>> -> memref<128x128xf32, #tpu.memory_space<vmem>>
        %dma_wait3A_113 = arith.constant 0 : i32
        %dma_wait3A_114 = arith.constant 0 : i32
        %dma_wait3A_115 = tpu.memref_slice %dma_wait3A_112[%dma_wait3A_113, %dma_wait3A_114] : memref<128x128xf32, #tpu.memory_space<vmem>> -> memref<128x128xf32, #tpu.memory_space<vmem>>
        %dma_wait3A_116 = arith.constant 0 : i32
        %dma_wait3A_117 = tpu.memref_slice %arg10[%add3A_69, %dma_wait3A_116] : memref<5120x128xf32, #tpu.memory_space<vmem_shared>> -> memref<128x128xf32, #tpu.memory_space<vmem_shared>>
        %dma_wait3A_118 = arith.constant 0 : i32
        %dma_wait3A_119 = arith.constant 0 : i32
        %dma_wait3A_120 = tpu.memref_slice %arg9[%run_scoped3A_70, %dma_wait3A_118, %dma_wait3A_119] : memref<3x128x128xf32, #tpu.memory_space<vmem>> -> memref<1x128x128xf32, #tpu.memory_space<vmem>>
        %dma_wait3A_121 = tpu.memref_squeeze %dma_wait3A_120 : memref<1x128x128xf32, #tpu.memory_space<vmem>> -> memref<128x128xf32, #tpu.memory_space<vmem>>
        %dma_wait3A_122 = arith.constant 0 : i32
        %dma_wait3A_123 = arith.constant 0 : i32
        %dma_wait3A_124 = tpu.memref_slice %dma_wait3A_121[%dma_wait3A_122, %dma_wait3A_123] : memref<128x128xf32, #tpu.memory_space<vmem>> -> memref<128x128xf32, #tpu.memory_space<vmem>>
        %dma_wait3A_125 = arith.constant 0 : i32
        %dma_wait3A_126 = tpu.memref_slice %arg10[%add3A_69, %dma_wait3A_125] : memref<5120x128xf32, #tpu.memory_space<vmem_shared>> -> memref<128x128xf32, #tpu.memory_space<vmem_shared>>
        tpu.wait_dma2 semaphore(%run_scoped3A_90 : memref<!tpu.dma_semaphore, #tpu.memory_space<semaphore_mem>>) src(%dma_wait3A_126 : memref<128x128xf32, #tpu.memory_space<vmem_shared>>) dst(%dma_wait3A_124 : memref<128x128xf32, #tpu.memory_space<vmem>>)
        tpu.yield
      }) : () -> ()
      %mul3A_71 = arith.constant 320 : i32
      %mul3A_72 = arith.muli %arg1, %mul3A_71 : i32
      %add3A_73 = arith.constant 4992 : i32
      %add3A_74 = arith.addi %add3A_73, %mul3A_72 : i32
      %add3A_75 = arith.constant 128 : i32
      %add3A_76 = arith.addi %add3A_74, %add3A_75 : i32
      %run_scoped3A_77 = arith.constant 1 : i32
      "tpu.region"() ({
        %run_scoped3A_90 = tpu.sem_alloc : memref<!tpu.dma_semaphore, #tpu.memory_space<semaphore_mem>>
        %dma_start3A_91 = arith.constant 0 : i32
        %dma_start3A_92 = arith.constant 0 : i32
        %dma_start3A_93 = tpu.memref_slice %arg9[%run_scoped3A_77, %dma_start3A_91, %dma_start3A_92] : memref<3x128x128xf32, #tpu.memory_space<vmem>> -> memref<1x128x128xf32, #tpu.memory_space<vmem>>
        %dma_start3A_94 = tpu.memref_squeeze %dma_start3A_93 : memref<1x128x128xf32, #tpu.memory_space<vmem>> -> memref<128x128xf32, #tpu.memory_space<vmem>>
        %dma_start3A_95 = arith.constant 0 : i32
        %dma_start3A_96 = arith.constant 0 : i32
        %dma_start3A_97 = tpu.memref_slice %dma_start3A_94[%dma_start3A_95, %dma_start3A_96] : memref<128x128xf32, #tpu.memory_space<vmem>> -> memref<128x128xf32, #tpu.memory_space<vmem>>
        %dma_start3A_98 = arith.constant 0 : i32
        %dma_start3A_99 = tpu.memref_slice %arg6[%add3A_76, %dma_start3A_98] : memref<10112x128xf32, #tpu.memory_space<hbm>> -> memref<128x128xf32, #tpu.memory_space<hbm>>
        %dma_start3A_100 = arith.constant 0 : i32
        %dma_start3A_101 = tpu.memref_slice %arg6[%add3A_76, %dma_start3A_100] : memref<10112x128xf32, #tpu.memory_space<hbm>> -> memref<128x128xf32, #tpu.memory_space<hbm>>
        %dma_start3A_102 = arith.constant 0 : i32
        %dma_start3A_103 = arith.constant 0 : i32
        %dma_start3A_104 = tpu.memref_slice %arg9[%run_scoped3A_77, %dma_start3A_102, %dma_start3A_103] : memref<3x128x128xf32, #tpu.memory_space<vmem>> -> memref<1x128x128xf32, #tpu.memory_space<vmem>>
        %dma_start3A_105 = tpu.memref_squeeze %dma_start3A_104 : memref<1x128x128xf32, #tpu.memory_space<vmem>> -> memref<128x128xf32, #tpu.memory_space<vmem>>
        %dma_start3A_106 = arith.constant 0 : i32
        %dma_start3A_107 = arith.constant 0 : i32
        %dma_start3A_108 = tpu.memref_slice %dma_start3A_105[%dma_start3A_106, %dma_start3A_107] : memref<128x128xf32, #tpu.memory_space<vmem>> -> memref<128x128xf32, #tpu.memory_space<vmem>>
        tpu.enqueue_dma source(%dma_start3A_108 : memref<128x128xf32, #tpu.memory_space<vmem>>) target(%dma_start3A_101 : memref<128x128xf32, #tpu.memory_space<hbm>>) target_semaphore(%run_scoped3A_90 : memref<!tpu.dma_semaphore, #tpu.memory_space<semaphore_mem>>)
        %dma_wait3A_109 = arith.constant 0 : i32
        %dma_wait3A_110 = arith.constant 0 : i32
        %dma_wait3A_111 = tpu.memref_slice %arg9[%run_scoped3A_77, %dma_wait3A_109, %dma_wait3A_110] : memref<3x128x128xf32, #tpu.memory_space<vmem>> -> memref<1x128x128xf32, #tpu.memory_space<vmem>>
        %dma_wait3A_112 = tpu.memref_squeeze %dma_wait3A_111 : memref<1x128x128xf32, #tpu.memory_space<vmem>> -> memref<128x128xf32, #tpu.memory_space<vmem>>
        %dma_wait3A_113 = arith.constant 0 : i32
        %dma_wait3A_114 = arith.constant 0 : i32
        %dma_wait3A_115 = tpu.memref_slice %dma_wait3A_112[%dma_wait3A_113, %dma_wait3A_114] : memref<128x128xf32, #tpu.memory_space<vmem>> -> memref<128x128xf32, #tpu.memory_space<vmem>>
        %dma_wait3A_116 = arith.constant 0 : i32
        %dma_wait3A_117 = tpu.memref_slice %arg6[%add3A_76, %dma_wait3A_116] : memref<10112x128xf32, #tpu.memory_space<hbm>> -> memref<128x128xf32, #tpu.memory_space<hbm>>
        %dma_wait3A_118 = arith.constant 0 : i32
        %dma_wait3A_119 = tpu.memref_slice %arg6[%add3A_76, %dma_wait3A_118] : memref<10112x128xf32, #tpu.memory_space<hbm>> -> memref<128x128xf32, #tpu.memory_space<hbm>>
        %dma_wait3A_120 = arith.constant 0 : i32
        %dma_wait3A_121 = arith.constant 0 : i32
        %dma_wait3A_122 = tpu.memref_slice %arg9[%run_scoped3A_77, %dma_wait3A_120, %dma_wait3A_121] : memref<3x128x128xf32, #tpu.memory_space<vmem>> -> memref<1x128x128xf32, #tpu.memory_space<vmem>>
        %dma_wait3A_123 = tpu.memref_squeeze %dma_wait3A_122 : memref<1x128x128xf32, #tpu.memory_space<vmem>> -> memref<128x128xf32, #tpu.memory_space<vmem>>
        %dma_wait3A_124 = arith.constant 0 : i32
        %dma_wait3A_125 = arith.constant 0 : i32
        %dma_wait3A_126 = tpu.memref_slice %dma_wait3A_123[%dma_wait3A_124, %dma_wait3A_125] : memref<128x128xf32, #tpu.memory_space<vmem>> -> memref<128x128xf32, #tpu.memory_space<vmem>>
        tpu.wait_dma2 semaphore(%run_scoped3A_90 : memref<!tpu.dma_semaphore, #tpu.memory_space<semaphore_mem>>) src(%dma_wait3A_126 : memref<128x128xf32, #tpu.memory_space<vmem>>) dst(%dma_wait3A_119 : memref<128x128xf32, #tpu.memory_space<hbm>>)
        tpu.yield
      }) : () -> ()
      %mul3A_78 = arith.constant 320 : i32
      %mul3A_79 = arith.muli %arg1, %mul3A_78 : i32
      %add3A_80 = arith.constant 256 : i32
      %add3A_81 = arith.addi %mul3A_79, %add3A_80 : i32
      %run_scoped3A_82 = arith.constant 2 : i32
      "tpu.region"() ({
        %run_scoped3A_90 = tpu.sem_alloc : memref<!tpu.dma_semaphore, #tpu.memory_space<semaphore_mem>>
        %dma_start3A_91 = arith.constant 0 : i32
        %dma_start3A_92 = arith.constant 0 : i32
        %dma_start3A_93 = tpu.memref_slice %arg9[%run_scoped3A_82, %dma_start3A_91, %dma_start3A_92] : memref<3x128x128xf32, #tpu.memory_space<vmem>> -> memref<1x128x128xf32, #tpu.memory_space<vmem>>
        %dma_start3A_94 = tpu.memref_squeeze %dma_start3A_93 : memref<1x128x128xf32, #tpu.memory_space<vmem>> -> memref<128x128xf32, #tpu.memory_space<vmem>>
        %dma_start3A_95 = arith.constant 0 : i32
        %dma_start3A_96 = arith.constant 0 : i32
        %dma_start3A_97 = tpu.memref_slice %dma_start3A_94[%dma_start3A_95, %dma_start3A_96] : memref<128x128xf32, #tpu.memory_space<vmem>> -> memref<64x128xf32, #tpu.memory_space<vmem>>
        %dma_start3A_98 = arith.constant 0 : i32
        %dma_start3A_99 = tpu.memref_slice %arg10[%add3A_81, %dma_start3A_98] : memref<5120x128xf32, #tpu.memory_space<vmem_shared>> -> memref<64x128xf32, #tpu.memory_space<vmem_shared>>
        %dma_start3A_100 = arith.constant 0 : i32
        %dma_start3A_101 = arith.constant 0 : i32
        %dma_start3A_102 = tpu.memref_slice %arg9[%run_scoped3A_82, %dma_start3A_100, %dma_start3A_101] : memref<3x128x128xf32, #tpu.memory_space<vmem>> -> memref<1x128x128xf32, #tpu.memory_space<vmem>>
        %dma_start3A_103 = tpu.memref_squeeze %dma_start3A_102 : memref<1x128x128xf32, #tpu.memory_space<vmem>> -> memref<128x128xf32, #tpu.memory_space<vmem>>
        %dma_start3A_104 = arith.constant 0 : i32
        %dma_start3A_105 = arith.constant 0 : i32
        %dma_start3A_106 = tpu.memref_slice %dma_start3A_103[%dma_start3A_104, %dma_start3A_105] : memref<128x128xf32, #tpu.memory_space<vmem>> -> memref<64x128xf32, #tpu.memory_space<vmem>>
        %dma_start3A_107 = arith.constant 0 : i32
        %dma_start3A_108 = tpu.memref_slice %arg10[%add3A_81, %dma_start3A_107] : memref<5120x128xf32, #tpu.memory_space<vmem_shared>> -> memref<64x128xf32, #tpu.memory_space<vmem_shared>>
        tpu.enqueue_dma source(%dma_start3A_108 : memref<64x128xf32, #tpu.memory_space<vmem_shared>>) target(%dma_start3A_106 : memref<64x128xf32, #tpu.memory_space<vmem>>) target_semaphore(%run_scoped3A_90 : memref<!tpu.dma_semaphore, #tpu.memory_space<semaphore_mem>>)
        %dma_wait3A_109 = arith.constant 0 : i32
        %dma_wait3A_110 = arith.constant 0 : i32
        %dma_wait3A_111 = tpu.memref_slice %arg9[%run_scoped3A_82, %dma_wait3A_109, %dma_wait3A_110] : memref<3x128x128xf32, #tpu.memory_space<vmem>> -> memref<1x128x128xf32, #tpu.memory_space<vmem>>
        %dma_wait3A_112 = tpu.memref_squeeze %dma_wait3A_111 : memref<1x128x128xf32, #tpu.memory_space<vmem>> -> memref<128x128xf32, #tpu.memory_space<vmem>>
        %dma_wait3A_113 = arith.constant 0 : i32
        %dma_wait3A_114 = arith.constant 0 : i32
        %dma_wait3A_115 = tpu.memref_slice %dma_wait3A_112[%dma_wait3A_113, %dma_wait3A_114] : memref<128x128xf32, #tpu.memory_space<vmem>> -> memref<64x128xf32, #tpu.memory_space<vmem>>
        %dma_wait3A_116 = arith.constant 0 : i32
        %dma_wait3A_117 = tpu.memref_slice %arg10[%add3A_81, %dma_wait3A_116] : memref<5120x128xf32, #tpu.memory_space<vmem_shared>> -> memref<64x128xf32, #tpu.memory_space<vmem_shared>>
        %dma_wait3A_118 = arith.constant 0 : i32
        %dma_wait3A_119 = arith.constant 0 : i32
        %dma_wait3A_120 = tpu.memref_slice %arg9[%run_scoped3A_82, %dma_wait3A_118, %dma_wait3A_119] : memref<3x128x128xf32, #tpu.memory_space<vmem>> -> memref<1x128x128xf32, #tpu.memory_space<vmem>>
        %dma_wait3A_121 = tpu.memref_squeeze %dma_wait3A_120 : memref<1x128x128xf32, #tpu.memory_space<vmem>> -> memref<128x128xf32, #tpu.memory_space<vmem>>
        %dma_wait3A_122 = arith.constant 0 : i32
        %dma_wait3A_123 = arith.constant 0 : i32
        %dma_wait3A_124 = tpu.memref_slice %dma_wait3A_121[%dma_wait3A_122, %dma_wait3A_123] : memref<128x128xf32, #tpu.memory_space<vmem>> -> memref<64x128xf32, #tpu.memory_space<vmem>>
        %dma_wait3A_125 = arith.constant 0 : i32
        %dma_wait3A_126 = tpu.memref_slice %arg10[%add3A_81, %dma_wait3A_125] : memref<5120x128xf32, #tpu.memory_space<vmem_shared>> -> memref<64x128xf32, #tpu.memory_space<vmem_shared>>
        tpu.wait_dma2 semaphore(%run_scoped3A_90 : memref<!tpu.dma_semaphore, #tpu.memory_space<semaphore_mem>>) src(%dma_wait3A_126 : memref<64x128xf32, #tpu.memory_space<vmem_shared>>) dst(%dma_wait3A_124 : memref<64x128xf32, #tpu.memory_space<vmem>>)
        tpu.yield
      }) : () -> ()
      %mul3A_83 = arith.constant 320 : i32
      %mul3A_84 = arith.muli %arg1, %mul3A_83 : i32
      %add3A_85 = arith.constant 4992 : i32
      %add3A_86 = arith.addi %add3A_85, %mul3A_84 : i32
      %add3A_87 = arith.constant 256 : i32
      %add3A_88 = arith.addi %add3A_86, %add3A_87 : i32
      %run_scoped3A_89 = arith.constant 2 : i32
      "tpu.region"() ({
        %run_scoped3A_90 = tpu.sem_alloc : memref<!tpu.dma_semaphore, #tpu.memory_space<semaphore_mem>>
        %dma_start3A_91 = arith.constant 0 : i32
        %dma_start3A_92 = arith.constant 0 : i32
        %dma_start3A_93 = tpu.memref_slice %arg9[%run_scoped3A_89, %dma_start3A_91, %dma_start3A_92] : memref<3x128x128xf32, #tpu.memory_space<vmem>> -> memref<1x128x128xf32, #tpu.memory_space<vmem>>
        %dma_start3A_94 = tpu.memref_squeeze %dma_start3A_93 : memref<1x128x128xf32, #tpu.memory_space<vmem>> -> memref<128x128xf32, #tpu.memory_space<vmem>>
        %dma_start3A_95 = arith.constant 0 : i32
        %dma_start3A_96 = arith.constant 0 : i32
        %dma_start3A_97 = tpu.memref_slice %dma_start3A_94[%dma_start3A_95, %dma_start3A_96] : memref<128x128xf32, #tpu.memory_space<vmem>> -> memref<64x128xf32, #tpu.memory_space<vmem>>
        %dma_start3A_98 = arith.constant 0 : i32
        %dma_start3A_99 = tpu.memref_slice %arg6[%add3A_88, %dma_start3A_98] : memref<10112x128xf32, #tpu.memory_space<hbm>> -> memref<64x128xf32, #tpu.memory_space<hbm>>
        %dma_start3A_100 = arith.constant 0 : i32
        %dma_start3A_101 = tpu.memref_slice %arg6[%add3A_88, %dma_start3A_100] : memref<10112x128xf32, #tpu.memory_space<hbm>> -> memref<64x128xf32, #tpu.memory_space<hbm>>
        %dma_start3A_102 = arith.constant 0 : i32
        %dma_start3A_103 = arith.constant 0 : i32
        %dma_start3A_104 = tpu.memref_slice %arg9[%run_scoped3A_89, %dma_start3A_102, %dma_start3A_103] : memref<3x128x128xf32, #tpu.memory_space<vmem>> -> memref<1x128x128xf32, #tpu.memory_space<vmem>>
        %dma_start3A_105 = tpu.memref_squeeze %dma_start3A_104 : memref<1x128x128xf32, #tpu.memory_space<vmem>> -> memref<128x128xf32, #tpu.memory_space<vmem>>
        %dma_start3A_106 = arith.constant 0 : i32
        %dma_start3A_107 = arith.constant 0 : i32
        %dma_start3A_108 = tpu.memref_slice %dma_start3A_105[%dma_start3A_106, %dma_start3A_107] : memref<128x128xf32, #tpu.memory_space<vmem>> -> memref<64x128xf32, #tpu.memory_space<vmem>>
        tpu.enqueue_dma source(%dma_start3A_108 : memref<64x128xf32, #tpu.memory_space<vmem>>) target(%dma_start3A_101 : memref<64x128xf32, #tpu.memory_space<hbm>>) target_semaphore(%run_scoped3A_90 : memref<!tpu.dma_semaphore, #tpu.memory_space<semaphore_mem>>)
        %dma_wait3A_109 = arith.constant 0 : i32
        %dma_wait3A_110 = arith.constant 0 : i32
        %dma_wait3A_111 = tpu.memref_slice %arg9[%run_scoped3A_89, %dma_wait3A_109, %dma_wait3A_110] : memref<3x128x128xf32, #tpu.memory_space<vmem>> -> memref<1x128x128xf32, #tpu.memory_space<vmem>>
        %dma_wait3A_112 = tpu.memref_squeeze %dma_wait3A_111 : memref<1x128x128xf32, #tpu.memory_space<vmem>> -> memref<128x128xf32, #tpu.memory_space<vmem>>
        %dma_wait3A_113 = arith.constant 0 : i32
        %dma_wait3A_114 = arith.constant 0 : i32
        %dma_wait3A_115 = tpu.memref_slice %dma_wait3A_112[%dma_wait3A_113, %dma_wait3A_114] : memref<128x128xf32, #tpu.memory_space<vmem>> -> memref<64x128xf32, #tpu.memory_space<vmem>>
        %dma_wait3A_116 = arith.constant 0 : i32
        %dma_wait3A_117 = tpu.memref_slice %arg6[%add3A_88, %dma_wait3A_116] : memref<10112x128xf32, #tpu.memory_space<hbm>> -> memref<64x128xf32, #tpu.memory_space<hbm>>
        %dma_wait3A_118 = arith.constant 0 : i32
        %dma_wait3A_119 = tpu.memref_slice %arg6[%add3A_88, %dma_wait3A_118] : memref<10112x128xf32, #tpu.memory_space<hbm>> -> memref<64x128xf32, #tpu.memory_space<hbm>>
        %dma_wait3A_120 = arith.constant 0 : i32
        %dma_wait3A_121 = arith.constant 0 : i32
        %dma_wait3A_122 = tpu.memref_slice %arg9[%run_scoped3A_89, %dma_wait3A_120, %dma_wait3A_121] : memref<3x128x128xf32, #tpu.memory_space<vmem>> -> memref<1x128x128xf32, #tpu.memory_space<vmem>>
        %dma_wait3A_123 = tpu.memref_squeeze %dma_wait3A_122 : memref<1x128x128xf32, #tpu.memory_space<vmem>> -> memref<128x128xf32, #tpu.memory_space<vmem>>
        %dma_wait3A_124 = arith.constant 0 : i32
        %dma_wait3A_125 = arith.constant 0 : i32
        %dma_wait3A_126 = tpu.memref_slice %dma_wait3A_123[%dma_wait3A_124, %dma_wait3A_125] : memref<128x128xf32, #tpu.memory_space<vmem>> -> memref<64x128xf32, #tpu.memory_space<vmem>>
        tpu.wait_dma2 semaphore(%run_scoped3A_90 : memref<!tpu.dma_semaphore, #tpu.memory_space<semaphore_mem>>) src(%dma_wait3A_126 : memref<64x128xf32, #tpu.memory_space<vmem>>) dst(%dma_wait3A_119 : memref<64x128xf32, #tpu.memory_space<hbm>>)
        tpu.yield
      }) : () -> ()
    } else {
    }
    return
  }
}

#map = affine_map<(d0, d1) -> (0, 0)>
#map1 = affine_map<(d0, d1) -> (0, 0, 0)>
#map2 = affine_map<(d0, d1) -> (0, 0, 0, 0)>
module attributes {stable_mosaic.version = 14 : i64} {
  func.func @scatter_kernel(%arg0: i32, %arg1: i32, %arg2: memref<10000x128xf32, #tpu.memory_space<hbm>>, %arg3: memref<16x20x128xi32, #tpu.memory_space<hbm>>, %arg4: memref<2x16x20x128xi32, #tpu.memory_space<hbm>>, %arg5: memref<128x128xf32, #tpu.memory_space<hbm>>, %arg6: memref<10112x128xf32, #tpu.memory_space<hbm>>, %arg7: memref<20x128xi32, #tpu.memory_space<vmem>>, %arg8: memref<20x128xi32, #tpu.memory_space<vmem>>, %arg9: memref<3x128x128xf32, #tpu.memory_space<vmem>>, %arg10: memref<5120x128xf32, #tpu.memory_space<vmem_shared>>, %arg11: memref<!tpu.dma_semaphore, #tpu.memory_space<semaphore_mem>>, %arg12: memref<!tpu.dma_semaphore, #tpu.memory_space<semaphore_mem>>) attributes {dimension_semantics = [#tpu.dimension_semantics<core_parallel>, #tpu.dimension_semantics<subcore_parallel>], iteration_bounds = array<i64: 2, 16>, scalar_prefetch = 0 : i64, scratch_operands = 6 : i64, tpu.core_type = #tpu.core_type<sc_vector_subcore>, window_params = [{transform_indices = #map}, {transform_indices = #map1}, {transform_indices = #map2}, {transform_indices = #map}, {transform_indices = #map}]} {
    "tpu.region"() ({
      %run_scoped3A_54 = tpu.sem_alloc : memref<!tpu.dma_semaphore, #tpu.memory_space<semaphore_mem>>
      %dma_start3A_55 = arith.constant 0 : i32
      %dma_start3A_56 = arith.constant 0 : i32
      %dma_start3A_57 = tpu.memref_slice %arg3[%arg1, %dma_start3A_55, %dma_start3A_56] : memref<16x20x128xi32, #tpu.memory_space<hbm>> -> memref<1x20x128xi32, #tpu.memory_space<hbm>>
      %dma_start3A_58 = tpu.memref_squeeze %dma_start3A_57 : memref<1x20x128xi32, #tpu.memory_space<hbm>> -> memref<20x128xi32, #tpu.memory_space<hbm>>
      %dma_start3A_59 = arith.constant 0 : i32
      %dma_start3A_60 = arith.constant 0 : i32
      %dma_start3A_61 = tpu.memref_slice %arg3[%arg1, %dma_start3A_59, %dma_start3A_60] : memref<16x20x128xi32, #tpu.memory_space<hbm>> -> memref<1x20x128xi32, #tpu.memory_space<hbm>>
      %dma_start3A_62 = tpu.memref_squeeze %dma_start3A_61 : memref<1x20x128xi32, #tpu.memory_space<hbm>> -> memref<20x128xi32, #tpu.memory_space<hbm>>
      tpu.enqueue_dma source(%dma_start3A_62 : memref<20x128xi32, #tpu.memory_space<hbm>>) target(%arg7 : memref<20x128xi32, #tpu.memory_space<vmem>>) target_semaphore(%run_scoped3A_54 : memref<!tpu.dma_semaphore, #tpu.memory_space<semaphore_mem>>)
      %dma_wait3A_63 = arith.constant 0 : i32
      %dma_wait3A_64 = arith.constant 0 : i32
      %dma_wait3A_65 = tpu.memref_slice %arg3[%arg1, %dma_wait3A_63, %dma_wait3A_64] : memref<16x20x128xi32, #tpu.memory_space<hbm>> -> memref<1x20x128xi32, #tpu.memory_space<hbm>>
      %dma_wait3A_66 = tpu.memref_squeeze %dma_wait3A_65 : memref<1x20x128xi32, #tpu.memory_space<hbm>> -> memref<20x128xi32, #tpu.memory_space<hbm>>
      %dma_wait3A_67 = arith.constant 0 : i32
      %dma_wait3A_68 = arith.constant 0 : i32
      %dma_wait3A_69 = tpu.memref_slice %arg3[%arg1, %dma_wait3A_67, %dma_wait3A_68] : memref<16x20x128xi32, #tpu.memory_space<hbm>> -> memref<1x20x128xi32, #tpu.memory_space<hbm>>
      %dma_wait3A_70 = tpu.memref_squeeze %dma_wait3A_69 : memref<1x20x128xi32, #tpu.memory_space<hbm>> -> memref<20x128xi32, #tpu.memory_space<hbm>>
      tpu.wait_dma2 semaphore(%run_scoped3A_54 : memref<!tpu.dma_semaphore, #tpu.memory_space<semaphore_mem>>) src(%dma_wait3A_70 : memref<20x128xi32, #tpu.memory_space<hbm>>) dst(%arg7 : memref<20x128xi32, #tpu.memory_space<vmem>>)
      tpu.yield
    }) : () -> ()
    "tpu.region"() ({
      %run_scoped3A_54 = tpu.sem_alloc : memref<!tpu.dma_semaphore, #tpu.memory_space<semaphore_mem>>
      %dma_start3A_55 = arith.constant 0 : i32
      %dma_start3A_56 = arith.constant 0 : i32
      %dma_start3A_57 = tpu.memref_slice %arg4[%arg0, %arg1, %dma_start3A_55, %dma_start3A_56] : memref<2x16x20x128xi32, #tpu.memory_space<hbm>> -> memref<1x1x20x128xi32, #tpu.memory_space<hbm>>
      %dma_start3A_58 = tpu.memref_squeeze %dma_start3A_57 : memref<1x1x20x128xi32, #tpu.memory_space<hbm>> -> memref<20x128xi32, #tpu.memory_space<hbm>>
      %dma_start3A_59 = arith.constant 0 : i32
      %dma_start3A_60 = arith.constant 0 : i32
      %dma_start3A_61 = tpu.memref_slice %arg4[%arg0, %arg1, %dma_start3A_59, %dma_start3A_60] : memref<2x16x20x128xi32, #tpu.memory_space<hbm>> -> memref<1x1x20x128xi32, #tpu.memory_space<hbm>>
      %dma_start3A_62 = tpu.memref_squeeze %dma_start3A_61 : memref<1x1x20x128xi32, #tpu.memory_space<hbm>> -> memref<20x128xi32, #tpu.memory_space<hbm>>
      tpu.enqueue_dma source(%dma_start3A_62 : memref<20x128xi32, #tpu.memory_space<hbm>>) target(%arg8 : memref<20x128xi32, #tpu.memory_space<vmem>>) target_semaphore(%run_scoped3A_54 : memref<!tpu.dma_semaphore, #tpu.memory_space<semaphore_mem>>)
      %dma_wait3A_63 = arith.constant 0 : i32
      %dma_wait3A_64 = arith.constant 0 : i32
      %dma_wait3A_65 = tpu.memref_slice %arg4[%arg0, %arg1, %dma_wait3A_63, %dma_wait3A_64] : memref<2x16x20x128xi32, #tpu.memory_space<hbm>> -> memref<1x1x20x128xi32, #tpu.memory_space<hbm>>
      %dma_wait3A_66 = tpu.memref_squeeze %dma_wait3A_65 : memref<1x1x20x128xi32, #tpu.memory_space<hbm>> -> memref<20x128xi32, #tpu.memory_space<hbm>>
      %dma_wait3A_67 = arith.constant 0 : i32
      %dma_wait3A_68 = arith.constant 0 : i32
      %dma_wait3A_69 = tpu.memref_slice %arg4[%arg0, %arg1, %dma_wait3A_67, %dma_wait3A_68] : memref<2x16x20x128xi32, #tpu.memory_space<hbm>> -> memref<1x1x20x128xi32, #tpu.memory_space<hbm>>
      %dma_wait3A_70 = tpu.memref_squeeze %dma_wait3A_69 : memref<1x1x20x128xi32, #tpu.memory_space<hbm>> -> memref<20x128xi32, #tpu.memory_space<hbm>>
      tpu.wait_dma2 semaphore(%run_scoped3A_54 : memref<!tpu.dma_semaphore, #tpu.memory_space<semaphore_mem>>) src(%dma_wait3A_70 : memref<20x128xi32, #tpu.memory_space<hbm>>) dst(%arg8 : memref<20x128xi32, #tpu.memory_space<vmem>>)
      tpu.yield
    }) : () -> ()
    %run_scoped3A = arith.constant 0 : i32
    "tpu.region"() ({
      %run_scoped3A_54 = tpu.sem_alloc : memref<!tpu.dma_semaphore, #tpu.memory_space<semaphore_mem>>
      %dma_start3A_55 = arith.constant 0 : i32
      %dma_start3A_56 = arith.constant 0 : i32
      %dma_start3A_57 = tpu.memref_slice %arg9[%run_scoped3A, %dma_start3A_55, %dma_start3A_56] : memref<3x128x128xf32, #tpu.memory_space<vmem>> -> memref<1x128x128xf32, #tpu.memory_space<vmem>>
      %dma_start3A_58 = tpu.memref_squeeze %dma_start3A_57 : memref<1x128x128xf32, #tpu.memory_space<vmem>> -> memref<128x128xf32, #tpu.memory_space<vmem>>
      %dma_start3A_59 = arith.constant 0 : i32
      %dma_start3A_60 = arith.constant 0 : i32
      %dma_start3A_61 = tpu.memref_slice %arg9[%run_scoped3A, %dma_start3A_59, %dma_start3A_60] : memref<3x128x128xf32, #tpu.memory_space<vmem>> -> memref<1x128x128xf32, #tpu.memory_space<vmem>>
      %dma_start3A_62 = tpu.memref_squeeze %dma_start3A_61 : memref<1x128x128xf32, #tpu.memory_space<vmem>> -> memref<128x128xf32, #tpu.memory_space<vmem>>
      tpu.enqueue_dma source(%arg5 : memref<128x128xf32, #tpu.memory_space<hbm>>) target(%dma_start3A_62 : memref<128x128xf32, #tpu.memory_space<vmem>>) target_semaphore(%run_scoped3A_54 : memref<!tpu.dma_semaphore, #tpu.memory_space<semaphore_mem>>)
      %dma_wait3A_63 = arith.constant 0 : i32
      %dma_wait3A_64 = arith.constant 0 : i32
      %dma_wait3A_65 = tpu.memref_slice %arg9[%run_scoped3A, %dma_wait3A_63, %dma_wait3A_64] : memref<3x128x128xf32, #tpu.memory_space<vmem>> -> memref<1x128x128xf32, #tpu.memory_space<vmem>>
      %dma_wait3A_66 = tpu.memref_squeeze %dma_wait3A_65 : memref<1x128x128xf32, #tpu.memory_space<vmem>> -> memref<128x128xf32, #tpu.memory_space<vmem>>
      %dma_wait3A_67 = arith.constant 0 : i32
      %dma_wait3A_68 = arith.constant 0 : i32
      %dma_wait3A_69 = tpu.memref_slice %arg9[%run_scoped3A, %dma_wait3A_67, %dma_wait3A_68] : memref<3x128x128xf32, #tpu.memory_space<vmem>> -> memref<1x128x128xf32, #tpu.memory_space<vmem>>
      %dma_wait3A_70 = tpu.memref_squeeze %dma_wait3A_69 : memref<1x128x128xf32, #tpu.memory_space<vmem>> -> memref<128x128xf32, #tpu.memory_space<vmem>>
      tpu.wait_dma2 semaphore(%run_scoped3A_54 : memref<!tpu.dma_semaphore, #tpu.memory_space<semaphore_mem>>) src(%arg5 : memref<128x128xf32, #tpu.memory_space<hbm>>) dst(%dma_wait3A_70 : memref<128x128xf32, #tpu.memory_space<vmem>>)
      tpu.yield
    }) : () -> ()
    %mul3A = arith.constant 320 : i32
    %mul3A_0 = arith.muli %arg1, %mul3A : i32
    %run_scoped3A_1 = arith.constant 0 : i32
    "tpu.region"() ({
      %run_scoped3A_54 = tpu.sem_alloc : memref<!tpu.dma_semaphore, #tpu.memory_space<semaphore_mem>>
      %dma_start3A_55 = arith.constant 0 : i32
      %dma_start3A_56 = arith.constant 0 : i32
      %dma_start3A_57 = tpu.memref_slice %arg9[%run_scoped3A_1, %dma_start3A_55, %dma_start3A_56] : memref<3x128x128xf32, #tpu.memory_space<vmem>> -> memref<1x128x128xf32, #tpu.memory_space<vmem>>
      %dma_start3A_58 = tpu.memref_squeeze %dma_start3A_57 : memref<1x128x128xf32, #tpu.memory_space<vmem>> -> memref<128x128xf32, #tpu.memory_space<vmem>>
      %dma_start3A_59 = arith.constant 0 : i32
      %dma_start3A_60 = tpu.memref_slice %arg10[%mul3A_0, %dma_start3A_59] : memref<5120x128xf32, #tpu.memory_space<vmem_shared>> -> memref<128x128xf32, #tpu.memory_space<vmem_shared>>
      %dma_start3A_61 = arith.constant 0 : i32
      %dma_start3A_62 = tpu.memref_slice %arg10[%mul3A_0, %dma_start3A_61] : memref<5120x128xf32, #tpu.memory_space<vmem_shared>> -> memref<128x128xf32, #tpu.memory_space<vmem_shared>>
      %dma_start3A_63 = arith.constant 0 : i32
      %dma_start3A_64 = arith.constant 0 : i32
      %dma_start3A_65 = tpu.memref_slice %arg9[%run_scoped3A_1, %dma_start3A_63, %dma_start3A_64] : memref<3x128x128xf32, #tpu.memory_space<vmem>> -> memref<1x128x128xf32, #tpu.memory_space<vmem>>
      %dma_start3A_66 = tpu.memref_squeeze %dma_start3A_65 : memref<1x128x128xf32, #tpu.memory_space<vmem>> -> memref<128x128xf32, #tpu.memory_space<vmem>>
      tpu.enqueue_dma source(%dma_start3A_66 : memref<128x128xf32, #tpu.memory_space<vmem>>) target(%dma_start3A_62 : memref<128x128xf32, #tpu.memory_space<vmem_shared>>) target_semaphore(%run_scoped3A_54 : memref<!tpu.dma_semaphore, #tpu.memory_space<semaphore_mem>>)
      %dma_wait3A_67 = arith.constant 0 : i32
      %dma_wait3A_68 = arith.constant 0 : i32
      %dma_wait3A_69 = tpu.memref_slice %arg9[%run_scoped3A_1, %dma_wait3A_67, %dma_wait3A_68] : memref<3x128x128xf32, #tpu.memory_space<vmem>> -> memref<1x128x128xf32, #tpu.memory_space<vmem>>
      %dma_wait3A_70 = tpu.memref_squeeze %dma_wait3A_69 : memref<1x128x128xf32, #tpu.memory_space<vmem>> -> memref<128x128xf32, #tpu.memory_space<vmem>>
      %dma_wait3A_71 = arith.constant 0 : i32
      %dma_wait3A_72 = tpu.memref_slice %arg10[%mul3A_0, %dma_wait3A_71] : memref<5120x128xf32, #tpu.memory_space<vmem_shared>> -> memref<128x128xf32, #tpu.memory_space<vmem_shared>>
      %dma_wait3A_73 = arith.constant 0 : i32
      %dma_wait3A_74 = tpu.memref_slice %arg10[%mul3A_0, %dma_wait3A_73] : memref<5120x128xf32, #tpu.memory_space<vmem_shared>> -> memref<128x128xf32, #tpu.memory_space<vmem_shared>>
      %dma_wait3A_75 = arith.constant 0 : i32
      %dma_wait3A_76 = arith.constant 0 : i32
      %dma_wait3A_77 = tpu.memref_slice %arg9[%run_scoped3A_1, %dma_wait3A_75, %dma_wait3A_76] : memref<3x128x128xf32, #tpu.memory_space<vmem>> -> memref<1x128x128xf32, #tpu.memory_space<vmem>>
      %dma_wait3A_78 = tpu.memref_squeeze %dma_wait3A_77 : memref<1x128x128xf32, #tpu.memory_space<vmem>> -> memref<128x128xf32, #tpu.memory_space<vmem>>
      tpu.wait_dma2 semaphore(%run_scoped3A_54 : memref<!tpu.dma_semaphore, #tpu.memory_space<semaphore_mem>>) src(%dma_wait3A_78 : memref<128x128xf32, #tpu.memory_space<vmem>>) dst(%dma_wait3A_74 : memref<128x128xf32, #tpu.memory_space<vmem_shared>>)
      tpu.yield
    }) : () -> ()
    %add3A = arith.constant 128 : i32
    %add3A_2 = arith.addi %mul3A_0, %add3A : i32
    %run_scoped3A_3 = arith.constant 0 : i32
    "tpu.region"() ({
      %run_scoped3A_54 = tpu.sem_alloc : memref<!tpu.dma_semaphore, #tpu.memory_space<semaphore_mem>>
      %dma_start3A_55 = arith.constant 0 : i32
      %dma_start3A_56 = arith.constant 0 : i32
      %dma_start3A_57 = tpu.memref_slice %arg9[%run_scoped3A_3, %dma_start3A_55, %dma_start3A_56] : memref<3x128x128xf32, #tpu.memory_space<vmem>> -> memref<1x128x128xf32, #tpu.memory_space<vmem>>
      %dma_start3A_58 = tpu.memref_squeeze %dma_start3A_57 : memref<1x128x128xf32, #tpu.memory_space<vmem>> -> memref<128x128xf32, #tpu.memory_space<vmem>>
      %dma_start3A_59 = arith.constant 0 : i32
      %dma_start3A_60 = tpu.memref_slice %arg10[%add3A_2, %dma_start3A_59] : memref<5120x128xf32, #tpu.memory_space<vmem_shared>> -> memref<128x128xf32, #tpu.memory_space<vmem_shared>>
      %dma_start3A_61 = arith.constant 0 : i32
      %dma_start3A_62 = tpu.memref_slice %arg10[%add3A_2, %dma_start3A_61] : memref<5120x128xf32, #tpu.memory_space<vmem_shared>> -> memref<128x128xf32, #tpu.memory_space<vmem_shared>>
      %dma_start3A_63 = arith.constant 0 : i32
      %dma_start3A_64 = arith.constant 0 : i32
      %dma_start3A_65 = tpu.memref_slice %arg9[%run_scoped3A_3, %dma_start3A_63, %dma_start3A_64] : memref<3x128x128xf32, #tpu.memory_space<vmem>> -> memref<1x128x128xf32, #tpu.memory_space<vmem>>
      %dma_start3A_66 = tpu.memref_squeeze %dma_start3A_65 : memref<1x128x128xf32, #tpu.memory_space<vmem>> -> memref<128x128xf32, #tpu.memory_space<vmem>>
      tpu.enqueue_dma source(%dma_start3A_66 : memref<128x128xf32, #tpu.memory_space<vmem>>) target(%dma_start3A_62 : memref<128x128xf32, #tpu.memory_space<vmem_shared>>) target_semaphore(%run_scoped3A_54 : memref<!tpu.dma_semaphore, #tpu.memory_space<semaphore_mem>>)
      %dma_wait3A_67 = arith.constant 0 : i32
      %dma_wait3A_68 = arith.constant 0 : i32
      %dma_wait3A_69 = tpu.memref_slice %arg9[%run_scoped3A_3, %dma_wait3A_67, %dma_wait3A_68] : memref<3x128x128xf32, #tpu.memory_space<vmem>> -> memref<1x128x128xf32, #tpu.memory_space<vmem>>
      %dma_wait3A_70 = tpu.memref_squeeze %dma_wait3A_69 : memref<1x128x128xf32, #tpu.memory_space<vmem>> -> memref<128x128xf32, #tpu.memory_space<vmem>>
      %dma_wait3A_71 = arith.constant 0 : i32
      %dma_wait3A_72 = tpu.memref_slice %arg10[%add3A_2, %dma_wait3A_71] : memref<5120x128xf32, #tpu.memory_space<vmem_shared>> -> memref<128x128xf32, #tpu.memory_space<vmem_shared>>
      %dma_wait3A_73 = arith.constant 0 : i32
      %dma_wait3A_74 = tpu.memref_slice %arg10[%add3A_2, %dma_wait3A_73] : memref<5120x128xf32, #tpu.memory_space<vmem_shared>> -> memref<128x128xf32, #tpu.memory_space<vmem_shared>>
      %dma_wait3A_75 = arith.constant 0 : i32
      %dma_wait3A_76 = arith.constant 0 : i32
      %dma_wait3A_77 = tpu.memref_slice %arg9[%run_scoped3A_3, %dma_wait3A_75, %dma_wait3A_76] : memref<3x128x128xf32, #tpu.memory_space<vmem>> -> memref<1x128x128xf32, #tpu.memory_space<vmem>>
      %dma_wait3A_78 = tpu.memref_squeeze %dma_wait3A_77 : memref<1x128x128xf32, #tpu.memory_space<vmem>> -> memref<128x128xf32, #tpu.memory_space<vmem>>
      tpu.wait_dma2 semaphore(%run_scoped3A_54 : memref<!tpu.dma_semaphore, #tpu.memory_space<semaphore_mem>>) src(%dma_wait3A_78 : memref<128x128xf32, #tpu.memory_space<vmem>>) dst(%dma_wait3A_74 : memref<128x128xf32, #tpu.memory_space<vmem_shared>>)
      tpu.yield
    }) : () -> ()
    %add3A_4 = arith.constant 256 : i32
    %add3A_5 = arith.addi %mul3A_0, %add3A_4 : i32
    %run_scoped3A_6 = arith.constant 0 : i32
    "tpu.region"() ({
      %run_scoped3A_54 = tpu.sem_alloc : memref<!tpu.dma_semaphore, #tpu.memory_space<semaphore_mem>>
      %dma_start3A_55 = arith.constant 0 : i32
      %dma_start3A_56 = arith.constant 0 : i32
      %dma_start3A_57 = tpu.memref_slice %arg9[%run_scoped3A_6, %dma_start3A_55, %dma_start3A_56] : memref<3x128x128xf32, #tpu.memory_space<vmem>> -> memref<1x128x128xf32, #tpu.memory_space<vmem>>
      %dma_start3A_58 = tpu.memref_squeeze %dma_start3A_57 : memref<1x128x128xf32, #tpu.memory_space<vmem>> -> memref<128x128xf32, #tpu.memory_space<vmem>>
      %dma_start3A_59 = arith.constant 0 : i32
      %dma_start3A_60 = arith.constant 0 : i32
      %dma_start3A_61 = tpu.memref_slice %dma_start3A_58[%dma_start3A_59, %dma_start3A_60] : memref<128x128xf32, #tpu.memory_space<vmem>> -> memref<64x128xf32, #tpu.memory_space<vmem>>
      %dma_start3A_62 = arith.constant 0 : i32
      %dma_start3A_63 = tpu.memref_slice %arg10[%add3A_5, %dma_start3A_62] : memref<5120x128xf32, #tpu.memory_space<vmem_shared>> -> memref<64x128xf32, #tpu.memory_space<vmem_shared>>
      %dma_start3A_64 = arith.constant 0 : i32
      %dma_start3A_65 = tpu.memref_slice %arg10[%add3A_5, %dma_start3A_64] : memref<5120x128xf32, #tpu.memory_space<vmem_shared>> -> memref<64x128xf32, #tpu.memory_space<vmem_shared>>
      %dma_start3A_66 = arith.constant 0 : i32
      %dma_start3A_67 = arith.constant 0 : i32
      %dma_start3A_68 = tpu.memref_slice %arg9[%run_scoped3A_6, %dma_start3A_66, %dma_start3A_67] : memref<3x128x128xf32, #tpu.memory_space<vmem>> -> memref<1x128x128xf32, #tpu.memory_space<vmem>>
      %dma_start3A_69 = tpu.memref_squeeze %dma_start3A_68 : memref<1x128x128xf32, #tpu.memory_space<vmem>> -> memref<128x128xf32, #tpu.memory_space<vmem>>
      %dma_start3A_70 = arith.constant 0 : i32
      %dma_start3A_71 = arith.constant 0 : i32
      %dma_start3A_72 = tpu.memref_slice %dma_start3A_69[%dma_start3A_70, %dma_start3A_71] : memref<128x128xf32, #tpu.memory_space<vmem>> -> memref<64x128xf32, #tpu.memory_space<vmem>>
      tpu.enqueue_dma source(%dma_start3A_72 : memref<64x128xf32, #tpu.memory_space<vmem>>) target(%dma_start3A_65 : memref<64x128xf32, #tpu.memory_space<vmem_shared>>) target_semaphore(%run_scoped3A_54 : memref<!tpu.dma_semaphore, #tpu.memory_space<semaphore_mem>>)
      %dma_wait3A_73 = arith.constant 0 : i32
      %dma_wait3A_74 = arith.constant 0 : i32
      %dma_wait3A_75 = tpu.memref_slice %arg9[%run_scoped3A_6, %dma_wait3A_73, %dma_wait3A_74] : memref<3x128x128xf32, #tpu.memory_space<vmem>> -> memref<1x128x128xf32, #tpu.memory_space<vmem>>
      %dma_wait3A_76 = tpu.memref_squeeze %dma_wait3A_75 : memref<1x128x128xf32, #tpu.memory_space<vmem>> -> memref<128x128xf32, #tpu.memory_space<vmem>>
      %dma_wait3A_77 = arith.constant 0 : i32
      %dma_wait3A_78 = arith.constant 0 : i32
      %dma_wait3A_79 = tpu.memref_slice %dma_wait3A_76[%dma_wait3A_77, %dma_wait3A_78] : memref<128x128xf32, #tpu.memory_space<vmem>> -> memref<64x128xf32, #tpu.memory_space<vmem>>
      %dma_wait3A_80 = arith.constant 0 : i32
      %dma_wait3A_81 = tpu.memref_slice %arg10[%add3A_5, %dma_wait3A_80] : memref<5120x128xf32, #tpu.memory_space<vmem_shared>> -> memref<64x128xf32, #tpu.memory_space<vmem_shared>>
      %dma_wait3A_82 = arith.constant 0 : i32
      %dma_wait3A_83 = tpu.memref_slice %arg10[%add3A_5, %dma_wait3A_82] : memref<5120x128xf32, #tpu.memory_space<vmem_shared>> -> memref<64x128xf32, #tpu.memory_space<vmem_shared>>
      %dma_wait3A_84 = arith.constant 0 : i32
      %dma_wait3A_85 = arith.constant 0 : i32
      %dma_wait3A_86 = tpu.memref_slice %arg9[%run_scoped3A_6, %dma_wait3A_84, %dma_wait3A_85] : memref<3x128x128xf32, #tpu.memory_space<vmem>> -> memref<1x128x128xf32, #tpu.memory_space<vmem>>
      %dma_wait3A_87 = tpu.memref_squeeze %dma_wait3A_86 : memref<1x128x128xf32, #tpu.memory_space<vmem>> -> memref<128x128xf32, #tpu.memory_space<vmem>>
      %dma_wait3A_88 = arith.constant 0 : i32
      %dma_wait3A_89 = arith.constant 0 : i32
      %dma_wait3A_90 = tpu.memref_slice %dma_wait3A_87[%dma_wait3A_88, %dma_wait3A_89] : memref<128x128xf32, #tpu.memory_space<vmem>> -> memref<64x128xf32, #tpu.memory_space<vmem>>
      tpu.wait_dma2 semaphore(%run_scoped3A_54 : memref<!tpu.dma_semaphore, #tpu.memory_space<semaphore_mem>>) src(%dma_wait3A_90 : memref<64x128xf32, #tpu.memory_space<vmem>>) dst(%dma_wait3A_83 : memref<64x128xf32, #tpu.memory_space<vmem_shared>>)
      tpu.yield
    }) : () -> ()
    %barrier3A = arith.constant 0 : index
    tpu.barrier barrier_id(%barrier3A)
    %dma_start3A = arith.constant 0 : i32
    %dma_start3A_7 = arith.constant 0 : i32
    %dma_start3A_8 = arith.constant 0 : i32
    %dma_start3A_9 = arith.constant 0 : i32
    %dma_start3A_10 = tpu.memref_slice %arg9[%dma_start3A_7, %dma_start3A_8, %dma_start3A_9] : memref<3x128x128xf32, #tpu.memory_space<vmem>> -> memref<1x128x128xf32, #tpu.memory_space<vmem>>
    %dma_start3A_11 = tpu.memref_squeeze %dma_start3A_10 : memref<1x128x128xf32, #tpu.memory_space<vmem>> -> memref<128x128xf32, #tpu.memory_space<vmem>>
    %dma_start3A_12 = arith.constant 0 : i32
    %dma_start3A_13 = tpu.memref_slice %arg7[%dma_start3A, %dma_start3A_12] : memref<20x128xi32, #tpu.memory_space<vmem>> -> memref<1x128xi32, #tpu.memory_space<vmem>>
    %dma_start3A_14 = tpu.memref_squeeze %dma_start3A_13 : memref<1x128xi32, #tpu.memory_space<vmem>> -> memref<128xi32, #tpu.memory_space<vmem>>
    %dma_start3A_15 = arith.constant 0 : i32
    %dma_start3A_16 = arith.constant 0 : i32
    %dma_start3A_17 = tpu.memref_slice %arg2[%dma_start3A_15, %dma_start3A_16] : memref<10000x128xf32, #tpu.memory_space<hbm>> -> memref<10000x128xf32, #tpu.memory_space<hbm>>
    tpu.enqueue_indirect_dma source(%dma_start3A_17 : memref<10000x128xf32, #tpu.memory_space<hbm>>) target(%dma_start3A_11 : memref<128x128xf32, #tpu.memory_space<vmem>>) offsets(%dma_start3A_14 : memref<128xi32, #tpu.memory_space<vmem>>) semaphore(%arg11 : memref<!tpu.dma_semaphore, #tpu.memory_space<semaphore_mem>>)
    %dma_start3A_18 = arith.constant 1 : i32
    %dma_start3A_19 = arith.constant 1 : i32
    %dma_start3A_20 = arith.constant 0 : i32
    %dma_start3A_21 = arith.constant 0 : i32
    %dma_start3A_22 = tpu.memref_slice %arg9[%dma_start3A_19, %dma_start3A_20, %dma_start3A_21] : memref<3x128x128xf32, #tpu.memory_space<vmem>> -> memref<1x128x128xf32, #tpu.memory_space<vmem>>
    %dma_start3A_23 = tpu.memref_squeeze %dma_start3A_22 : memref<1x128x128xf32, #tpu.memory_space<vmem>> -> memref<128x128xf32, #tpu.memory_space<vmem>>
    %dma_start3A_24 = arith.constant 0 : i32
    %dma_start3A_25 = tpu.memref_slice %arg7[%dma_start3A_18, %dma_start3A_24] : memref<20x128xi32, #tpu.memory_space<vmem>> -> memref<1x128xi32, #tpu.memory_space<vmem>>
    %dma_start3A_26 = tpu.memref_squeeze %dma_start3A_25 : memref<1x128xi32, #tpu.memory_space<vmem>> -> memref<128xi32, #tpu.memory_space<vmem>>
    %dma_start3A_27 = arith.constant 0 : i32
    %dma_start3A_28 = arith.constant 0 : i32
    %dma_start3A_29 = tpu.memref_slice %arg2[%dma_start3A_27, %dma_start3A_28] : memref<10000x128xf32, #tpu.memory_space<hbm>> -> memref<10000x128xf32, #tpu.memory_space<hbm>>
    tpu.enqueue_indirect_dma source(%dma_start3A_29 : memref<10000x128xf32, #tpu.memory_space<hbm>>) target(%dma_start3A_23 : memref<128x128xf32, #tpu.memory_space<vmem>>) offsets(%dma_start3A_26 : memref<128xi32, #tpu.memory_space<vmem>>) semaphore(%arg11 : memref<!tpu.dma_semaphore, #tpu.memory_space<semaphore_mem>>)
    %scan3A = arith.constant 0 : i32
    %scan3A_30 = arith.constant 0 : i32
    %scan3A_31 = arith.constant 20 : i32
    %scan3A_32 = arith.addi %scan3A_30, %scan3A_31 : i32
    %scan3A_33 = arith.constant 1 : i32
    scf.for %scan3A_54 = %scan3A_30 to %scan3A_32 step %scan3A_33  : i32 {
      %jit3A = arith.constant 3 : i32
      %eq3A_55 = arith.constant 0 : i32
      %eq3A_56 = arith.cmpi eq, %jit3A, %eq3A_55 : i32
      %jit3A_57 = arith.constant 1 : i32
      %select_n3A = arith.select %eq3A_56, %jit3A_57, %jit3A : i32
      %rem3A = arith.remsi %scan3A_54, %select_n3A : i32
      %ne3A = arith.constant 0 : i32
      %ne3A_58 = arith.cmpi ne, %rem3A, %ne3A : i32
      %lt3A = arith.constant 0 : i32
      %lt3A_59 = arith.cmpi slt, %rem3A, %lt3A : i32
      %lt3A_60 = arith.constant 0 : i32
      %lt3A_61 = arith.cmpi slt, %select_n3A, %lt3A_60 : i32
      %ne3A_62 = arith.xori %lt3A_59, %lt3A_61 : i1
      %and3A = arith.andi %ne3A_62, %ne3A_58 : i1
      %add3A_63 = arith.addi %rem3A, %select_n3A : i32
      %select_n3A_64 = arith.select %and3A, %add3A_63, %rem3A : i32
      %dma_wait3A_65 = arith.constant 0 : i32
      %dma_wait3A_66 = arith.constant 0 : i32
      %dma_wait3A_67 = tpu.memref_slice %arg9[%select_n3A_64, %dma_wait3A_65, %dma_wait3A_66] : memref<3x128x128xf32, #tpu.memory_space<vmem>> -> memref<1x128x128xf32, #tpu.memory_space<vmem>>
      %dma_wait3A_68 = tpu.memref_squeeze %dma_wait3A_67 : memref<1x128x128xf32, #tpu.memory_space<vmem>> -> memref<128x128xf32, #tpu.memory_space<vmem>>
      %dma_wait3A_69 = arith.constant 0 : i32
      %dma_wait3A_70 = tpu.memref_slice %arg7[%scan3A_54, %dma_wait3A_69] : memref<20x128xi32, #tpu.memory_space<vmem>> -> memref<1x128xi32, #tpu.memory_space<vmem>>
      %dma_wait3A_71 = tpu.memref_squeeze %dma_wait3A_70 : memref<1x128xi32, #tpu.memory_space<vmem>> -> memref<128xi32, #tpu.memory_space<vmem>>
      %dma_wait3A_72 = arith.constant 0 : i32
      %dma_wait3A_73 = arith.constant 0 : i32
      %dma_wait3A_74 = tpu.memref_slice %arg2[%dma_wait3A_72, %dma_wait3A_73] : memref<10000x128xf32, #tpu.memory_space<hbm>> -> memref<10000x128xf32, #tpu.memory_space<hbm>>
      tpu.wait_indirect_dma semaphore(%arg11 : memref<!tpu.dma_semaphore, #tpu.memory_space<semaphore_mem>>) src(%dma_wait3A_74 : memref<10000x128xf32, #tpu.memory_space<hbm>>) dst(%dma_wait3A_68 : memref<128x128xf32, #tpu.memory_space<vmem>>)
      %jit3A_75 = arith.constant 3 : i32
      %eq3A_76 = arith.constant 0 : i32
      %eq3A_77 = arith.cmpi eq, %jit3A_75, %eq3A_76 : i32
      %jit3A_78 = arith.constant 1 : i32
      %select_n3A_79 = arith.select %eq3A_77, %jit3A_78, %jit3A_75 : i32
      %rem3A_80 = arith.remsi %scan3A_54, %select_n3A_79 : i32
      %ne3A_81 = arith.constant 0 : i32
      %ne3A_82 = arith.cmpi ne, %rem3A_80, %ne3A_81 : i32
      %lt3A_83 = arith.constant 0 : i32
      %lt3A_84 = arith.cmpi slt, %rem3A_80, %lt3A_83 : i32
      %lt3A_85 = arith.constant 0 : i32
      %lt3A_86 = arith.cmpi slt, %select_n3A_79, %lt3A_85 : i32
      %ne3A_87 = arith.xori %lt3A_84, %lt3A_86 : i1
      %and3A_88 = arith.andi %ne3A_87, %ne3A_82 : i1
      %add3A_89 = arith.addi %rem3A_80, %select_n3A_79 : i32
      %select_n3A_90 = arith.select %and3A_88, %add3A_89, %rem3A_80 : i32
      %dma_start3A_91 = arith.constant 0 : i32
      %dma_start3A_92 = arith.constant 0 : i32
      %dma_start3A_93 = tpu.memref_slice %arg9[%select_n3A_90, %dma_start3A_91, %dma_start3A_92] : memref<3x128x128xf32, #tpu.memory_space<vmem>> -> memref<1x128x128xf32, #tpu.memory_space<vmem>>
      %dma_start3A_94 = tpu.memref_squeeze %dma_start3A_93 : memref<1x128x128xf32, #tpu.memory_space<vmem>> -> memref<128x128xf32, #tpu.memory_space<vmem>>
      %dma_start3A_95 = arith.constant 0 : i32
      %dma_start3A_96 = tpu.memref_slice %arg8[%scan3A_54, %dma_start3A_95] : memref<20x128xi32, #tpu.memory_space<vmem>> -> memref<1x128xi32, #tpu.memory_space<vmem>>
      %dma_start3A_97 = tpu.memref_squeeze %dma_start3A_96 : memref<1x128xi32, #tpu.memory_space<vmem>> -> memref<128xi32, #tpu.memory_space<vmem>>
      %dma_start3A_98 = arith.constant 0 : i32
      %dma_start3A_99 = arith.constant 0 : i32
      %dma_start3A_100 = tpu.memref_slice %arg10[%dma_start3A_98, %dma_start3A_99] : memref<5120x128xf32, #tpu.memory_space<vmem_shared>> -> memref<5120x128xf32, #tpu.memory_space<vmem_shared>>
      tpu.enqueue_indirect_dma source(%dma_start3A_94 : memref<128x128xf32, #tpu.memory_space<vmem>>) target(%dma_start3A_100 : memref<5120x128xf32, #tpu.memory_space<vmem_shared>>) offsets(%dma_start3A_97 : memref<128xi32, #tpu.memory_space<vmem>>) semaphore(%arg12 : memref<!tpu.dma_semaphore, #tpu.memory_space<semaphore_mem>>) {add = true}
      %ge3A = arith.constant 1 : i32
      %ge3A_101 = arith.cmpi sge, %scan3A_54, %ge3A : i32
      %convert_element_type3A_102 = arith.extui %ge3A_101 : i1 to i32
      %cond3A_103 = arith.constant 0 : i32
      %cond3A_104 = arith.cmpi ne, %convert_element_type3A_102, %cond3A_103 : i32
      scf.if %cond3A_104 {
        %dma_wait3A_112 = arith.constant 0 : i32
        %dma_wait3A_113 = arith.constant 0 : i32
        %dma_wait3A_114 = arith.constant 0 : i32
        %dma_wait3A_115 = arith.constant 0 : i32
        %dma_wait3A_116 = tpu.memref_slice %arg9[%dma_wait3A_113, %dma_wait3A_114, %dma_wait3A_115] : memref<3x128x128xf32, #tpu.memory_space<vmem>> -> memref<1x128x128xf32, #tpu.memory_space<vmem>>
        %dma_wait3A_117 = tpu.memref_squeeze %dma_wait3A_116 : memref<1x128x128xf32, #tpu.memory_space<vmem>> -> memref<128x128xf32, #tpu.memory_space<vmem>>
        %dma_wait3A_118 = arith.constant 0 : i32
        %dma_wait3A_119 = tpu.memref_slice %arg7[%dma_wait3A_112, %dma_wait3A_118] : memref<20x128xi32, #tpu.memory_space<vmem>> -> memref<1x128xi32, #tpu.memory_space<vmem>>
        %dma_wait3A_120 = tpu.memref_squeeze %dma_wait3A_119 : memref<1x128xi32, #tpu.memory_space<vmem>> -> memref<128xi32, #tpu.memory_space<vmem>>
        %dma_wait3A_121 = arith.constant 0 : i32
        %dma_wait3A_122 = arith.constant 0 : i32
        %dma_wait3A_123 = tpu.memref_slice %arg2[%dma_wait3A_121, %dma_wait3A_122] : memref<10000x128xf32, #tpu.memory_space<hbm>> -> memref<10000x128xf32, #tpu.memory_space<hbm>>
        tpu.wait_indirect_dma semaphore(%arg12 : memref<!tpu.dma_semaphore, #tpu.memory_space<semaphore_mem>>) src(%dma_wait3A_123 : memref<10000x128xf32, #tpu.memory_space<hbm>>) dst(%dma_wait3A_117 : memref<128x128xf32, #tpu.memory_space<vmem>>)
      } else {
      }
      %add3A_105 = arith.constant 2 : i32
      %add3A_106 = arith.addi %scan3A_54, %add3A_105 : i32
      %lt3A_107 = arith.constant 20 : i32
      %lt3A_108 = arith.cmpi slt, %add3A_106, %lt3A_107 : i32
      %convert_element_type3A_109 = arith.extui %lt3A_108 : i1 to i32
      %cond3A_110 = arith.constant 0 : i32
      %cond3A_111 = arith.cmpi ne, %convert_element_type3A_109, %cond3A_110 : i32
      scf.if %cond3A_111 {
        %add3A_112 = arith.constant 2 : i32
        %add3A_113 = arith.addi %scan3A_54, %add3A_112 : i32
        %add3A_114 = arith.constant 2 : i32
        %add3A_115 = arith.addi %scan3A_54, %add3A_114 : i32
        %jit3A_116 = arith.constant 3 : i32
        %eq3A_117 = arith.constant 0 : i32
        %eq3A_118 = arith.cmpi eq, %jit3A_116, %eq3A_117 : i32
        %jit3A_119 = arith.constant 1 : i32
        %select_n3A_120 = arith.select %eq3A_118, %jit3A_119, %jit3A_116 : i32
        %rem3A_121 = arith.remsi %add3A_115, %select_n3A_120 : i32
        %ne3A_122 = arith.constant 0 : i32
        %ne3A_123 = arith.cmpi ne, %rem3A_121, %ne3A_122 : i32
        %lt3A_124 = arith.constant 0 : i32
        %lt3A_125 = arith.cmpi slt, %rem3A_121, %lt3A_124 : i32
        %lt3A_126 = arith.constant 0 : i32
        %lt3A_127 = arith.cmpi slt, %select_n3A_120, %lt3A_126 : i32
        %ne3A_128 = arith.xori %lt3A_125, %lt3A_127 : i1
        %and3A_129 = arith.andi %ne3A_128, %ne3A_123 : i1
        %add3A_130 = arith.addi %rem3A_121, %select_n3A_120 : i32
        %select_n3A_131 = arith.select %and3A_129, %add3A_130, %rem3A_121 : i32
        %dma_start3A_132 = arith.constant 0 : i32
        %dma_start3A_133 = arith.constant 0 : i32
        %dma_start3A_134 = tpu.memref_slice %arg9[%select_n3A_131, %dma_start3A_132, %dma_start3A_133] : memref<3x128x128xf32, #tpu.memory_space<vmem>> -> memref<1x128x128xf32, #tpu.memory_space<vmem>>
        %dma_start3A_135 = tpu.memref_squeeze %dma_start3A_134 : memref<1x128x128xf32, #tpu.memory_space<vmem>> -> memref<128x128xf32, #tpu.memory_space<vmem>>
        %dma_start3A_136 = arith.constant 0 : i32
        %dma_start3A_137 = tpu.memref_slice %arg7[%add3A_113, %dma_start3A_136] : memref<20x128xi32, #tpu.memory_space<vmem>> -> memref<1x128xi32, #tpu.memory_space<vmem>>
        %dma_start3A_138 = tpu.memref_squeeze %dma_start3A_137 : memref<1x128xi32, #tpu.memory_space<vmem>> -> memref<128xi32, #tpu.memory_space<vmem>>
        %dma_start3A_139 = arith.constant 0 : i32
        %dma_start3A_140 = arith.constant 0 : i32
        %dma_start3A_141 = tpu.memref_slice %arg2[%dma_start3A_139, %dma_start3A_140] : memref<10000x128xf32, #tpu.memory_space<hbm>> -> memref<10000x128xf32, #tpu.memory_space<hbm>>
        tpu.enqueue_indirect_dma source(%dma_start3A_141 : memref<10000x128xf32, #tpu.memory_space<hbm>>) target(%dma_start3A_135 : memref<128x128xf32, #tpu.memory_space<vmem>>) offsets(%dma_start3A_138 : memref<128xi32, #tpu.memory_space<vmem>>) semaphore(%arg11 : memref<!tpu.dma_semaphore, #tpu.memory_space<semaphore_mem>>)
      } else {
      }
    }
    %scan3A_34 = arith.constant 20 : i32
    %dma_wait3A = arith.constant 0 : i32
    %dma_wait3A_35 = arith.constant 0 : i32
    %dma_wait3A_36 = arith.constant 0 : i32
    %dma_wait3A_37 = arith.constant 0 : i32
    %dma_wait3A_38 = tpu.memref_slice %arg9[%dma_wait3A_35, %dma_wait3A_36, %dma_wait3A_37] : memref<3x128x128xf32, #tpu.memory_space<vmem>> -> memref<1x128x128xf32, #tpu.memory_space<vmem>>
    %dma_wait3A_39 = tpu.memref_squeeze %dma_wait3A_38 : memref<1x128x128xf32, #tpu.memory_space<vmem>> -> memref<128x128xf32, #tpu.memory_space<vmem>>
    %dma_wait3A_40 = arith.constant 0 : i32
    %dma_wait3A_41 = tpu.memref_slice %arg7[%dma_wait3A, %dma_wait3A_40] : memref<20x128xi32, #tpu.memory_space<vmem>> -> memref<1x128xi32, #tpu.memory_space<vmem>>
    %dma_wait3A_42 = tpu.memref_squeeze %dma_wait3A_41 : memref<1x128xi32, #tpu.memory_space<vmem>> -> memref<128xi32, #tpu.memory_space<vmem>>
    %dma_wait3A_43 = arith.constant 0 : i32
    %dma_wait3A_44 = arith.constant 0 : i32
    %dma_wait3A_45 = tpu.memref_slice %arg2[%dma_wait3A_43, %dma_wait3A_44] : memref<10000x128xf32, #tpu.memory_space<hbm>> -> memref<10000x128xf32, #tpu.memory_space<hbm>>
    tpu.wait_indirect_dma semaphore(%arg12 : memref<!tpu.dma_semaphore, #tpu.memory_space<semaphore_mem>>) src(%dma_wait3A_45 : memref<10000x128xf32, #tpu.memory_space<hbm>>) dst(%dma_wait3A_39 : memref<128x128xf32, #tpu.memory_space<vmem>>)
    %barrier3A_46 = arith.constant 0 : index
    tpu.barrier barrier_id(%barrier3A_46)
    %eq3A = arith.constant 0 : i32
    %eq3A_47 = arith.cmpi eq, %arg0, %eq3A : i32
    %convert_element_type3A = arith.extui %eq3A_47 : i1 to i32
    %cond3A = arith.constant 0 : i32
    %cond3A_48 = arith.cmpi ne, %convert_element_type3A, %cond3A : i32
    scf.if %cond3A_48 {
      %mul3A_54 = arith.constant 312 : i32
      %mul3A_55 = arith.muli %arg1, %mul3A_54 : i32
      %add3A_56 = arith.constant 0 : i32
      %add3A_57 = arith.addi %mul3A_55, %add3A_56 : i32
      %run_scoped3A_58 = arith.constant 0 : i32
      "tpu.region"() ({
        %run_scoped3A_84 = tpu.sem_alloc : memref<!tpu.dma_semaphore, #tpu.memory_space<semaphore_mem>>
        %dma_start3A_85 = arith.constant 0 : i32
        %dma_start3A_86 = arith.constant 0 : i32
        %dma_start3A_87 = tpu.memref_slice %arg9[%run_scoped3A_58, %dma_start3A_85, %dma_start3A_86] : memref<3x128x128xf32, #tpu.memory_space<vmem>> -> memref<1x128x128xf32, #tpu.memory_space<vmem>>
        %dma_start3A_88 = tpu.memref_squeeze %dma_start3A_87 : memref<1x128x128xf32, #tpu.memory_space<vmem>> -> memref<128x128xf32, #tpu.memory_space<vmem>>
        %dma_start3A_89 = arith.constant 0 : i32
        %dma_start3A_90 = arith.constant 0 : i32
        %dma_start3A_91 = tpu.memref_slice %dma_start3A_88[%dma_start3A_89, %dma_start3A_90] : memref<128x128xf32, #tpu.memory_space<vmem>> -> memref<128x128xf32, #tpu.memory_space<vmem>>
        %dma_start3A_92 = arith.constant 0 : i32
        %dma_start3A_93 = tpu.memref_slice %arg10[%add3A_57, %dma_start3A_92] : memref<5120x128xf32, #tpu.memory_space<vmem_shared>> -> memref<128x128xf32, #tpu.memory_space<vmem_shared>>
        %dma_start3A_94 = arith.constant 0 : i32
        %dma_start3A_95 = arith.constant 0 : i32
        %dma_start3A_96 = tpu.memref_slice %arg9[%run_scoped3A_58, %dma_start3A_94, %dma_start3A_95] : memref<3x128x128xf32, #tpu.memory_space<vmem>> -> memref<1x128x128xf32, #tpu.memory_space<vmem>>
        %dma_start3A_97 = tpu.memref_squeeze %dma_start3A_96 : memref<1x128x128xf32, #tpu.memory_space<vmem>> -> memref<128x128xf32, #tpu.memory_space<vmem>>
        %dma_start3A_98 = arith.constant 0 : i32
        %dma_start3A_99 = arith.constant 0 : i32
        %dma_start3A_100 = tpu.memref_slice %dma_start3A_97[%dma_start3A_98, %dma_start3A_99] : memref<128x128xf32, #tpu.memory_space<vmem>> -> memref<128x128xf32, #tpu.memory_space<vmem>>
        %dma_start3A_101 = arith.constant 0 : i32
        %dma_start3A_102 = tpu.memref_slice %arg10[%add3A_57, %dma_start3A_101] : memref<5120x128xf32, #tpu.memory_space<vmem_shared>> -> memref<128x128xf32, #tpu.memory_space<vmem_shared>>
        tpu.enqueue_dma source(%dma_start3A_102 : memref<128x128xf32, #tpu.memory_space<vmem_shared>>) target(%dma_start3A_100 : memref<128x128xf32, #tpu.memory_space<vmem>>) target_semaphore(%run_scoped3A_84 : memref<!tpu.dma_semaphore, #tpu.memory_space<semaphore_mem>>)
        %dma_wait3A_103 = arith.constant 0 : i32
        %dma_wait3A_104 = arith.constant 0 : i32
        %dma_wait3A_105 = tpu.memref_slice %arg9[%run_scoped3A_58, %dma_wait3A_103, %dma_wait3A_104] : memref<3x128x128xf32, #tpu.memory_space<vmem>> -> memref<1x128x128xf32, #tpu.memory_space<vmem>>
        %dma_wait3A_106 = tpu.memref_squeeze %dma_wait3A_105 : memref<1x128x128xf32, #tpu.memory_space<vmem>> -> memref<128x128xf32, #tpu.memory_space<vmem>>
        %dma_wait3A_107 = arith.constant 0 : i32
        %dma_wait3A_108 = arith.constant 0 : i32
        %dma_wait3A_109 = tpu.memref_slice %dma_wait3A_106[%dma_wait3A_107, %dma_wait3A_108] : memref<128x128xf32, #tpu.memory_space<vmem>> -> memref<128x128xf32, #tpu.memory_space<vmem>>
        %dma_wait3A_110 = arith.constant 0 : i32
        %dma_wait3A_111 = tpu.memref_slice %arg10[%add3A_57, %dma_wait3A_110] : memref<5120x128xf32, #tpu.memory_space<vmem_shared>> -> memref<128x128xf32, #tpu.memory_space<vmem_shared>>
        %dma_wait3A_112 = arith.constant 0 : i32
        %dma_wait3A_113 = arith.constant 0 : i32
        %dma_wait3A_114 = tpu.memref_slice %arg9[%run_scoped3A_58, %dma_wait3A_112, %dma_wait3A_113] : memref<3x128x128xf32, #tpu.memory_space<vmem>> -> memref<1x128x128xf32, #tpu.memory_space<vmem>>
        %dma_wait3A_115 = tpu.memref_squeeze %dma_wait3A_114 : memref<1x128x128xf32, #tpu.memory_space<vmem>> -> memref<128x128xf32, #tpu.memory_space<vmem>>
        %dma_wait3A_116 = arith.constant 0 : i32
        %dma_wait3A_117 = arith.constant 0 : i32
        %dma_wait3A_118 = tpu.memref_slice %dma_wait3A_115[%dma_wait3A_116, %dma_wait3A_117] : memref<128x128xf32, #tpu.memory_space<vmem>> -> memref<128x128xf32, #tpu.memory_space<vmem>>
        %dma_wait3A_119 = arith.constant 0 : i32
        %dma_wait3A_120 = tpu.memref_slice %arg10[%add3A_57, %dma_wait3A_119] : memref<5120x128xf32, #tpu.memory_space<vmem_shared>> -> memref<128x128xf32, #tpu.memory_space<vmem_shared>>
        tpu.wait_dma2 semaphore(%run_scoped3A_84 : memref<!tpu.dma_semaphore, #tpu.memory_space<semaphore_mem>>) src(%dma_wait3A_120 : memref<128x128xf32, #tpu.memory_space<vmem_shared>>) dst(%dma_wait3A_118 : memref<128x128xf32, #tpu.memory_space<vmem>>)
        tpu.yield
      }) : () -> ()
      %mul3A_59 = arith.constant 312 : i32
      %mul3A_60 = arith.muli %arg1, %mul3A_59 : i32
      %add3A_61 = arith.constant 0 : i32
      %add3A_62 = arith.addi %mul3A_60, %add3A_61 : i32
      %run_scoped3A_63 = arith.constant 0 : i32
      "tpu.region"() ({
        %run_scoped3A_84 = tpu.sem_alloc : memref<!tpu.dma_semaphore, #tpu.memory_space<semaphore_mem>>
        %dma_start3A_85 = arith.constant 0 : i32
        %dma_start3A_86 = arith.constant 0 : i32
        %dma_start3A_87 = tpu.memref_slice %arg9[%run_scoped3A_63, %dma_start3A_85, %dma_start3A_86] : memref<3x128x128xf32, #tpu.memory_space<vmem>> -> memref<1x128x128xf32, #tpu.memory_space<vmem>>
        %dma_start3A_88 = tpu.memref_squeeze %dma_start3A_87 : memref<1x128x128xf32, #tpu.memory_space<vmem>> -> memref<128x128xf32, #tpu.memory_space<vmem>>
        %dma_start3A_89 = arith.constant 0 : i32
        %dma_start3A_90 = arith.constant 0 : i32
        %dma_start3A_91 = tpu.memref_slice %dma_start3A_88[%dma_start3A_89, %dma_start3A_90] : memref<128x128xf32, #tpu.memory_space<vmem>> -> memref<128x128xf32, #tpu.memory_space<vmem>>
        %dma_start3A_92 = arith.constant 0 : i32
        %dma_start3A_93 = tpu.memref_slice %arg6[%add3A_62, %dma_start3A_92] : memref<10112x128xf32, #tpu.memory_space<hbm>> -> memref<128x128xf32, #tpu.memory_space<hbm>>
        %dma_start3A_94 = arith.constant 0 : i32
        %dma_start3A_95 = tpu.memref_slice %arg6[%add3A_62, %dma_start3A_94] : memref<10112x128xf32, #tpu.memory_space<hbm>> -> memref<128x128xf32, #tpu.memory_space<hbm>>
        %dma_start3A_96 = arith.constant 0 : i32
        %dma_start3A_97 = arith.constant 0 : i32
        %dma_start3A_98 = tpu.memref_slice %arg9[%run_scoped3A_63, %dma_start3A_96, %dma_start3A_97] : memref<3x128x128xf32, #tpu.memory_space<vmem>> -> memref<1x128x128xf32, #tpu.memory_space<vmem>>
        %dma_start3A_99 = tpu.memref_squeeze %dma_start3A_98 : memref<1x128x128xf32, #tpu.memory_space<vmem>> -> memref<128x128xf32, #tpu.memory_space<vmem>>
        %dma_start3A_100 = arith.constant 0 : i32
        %dma_start3A_101 = arith.constant 0 : i32
        %dma_start3A_102 = tpu.memref_slice %dma_start3A_99[%dma_start3A_100, %dma_start3A_101] : memref<128x128xf32, #tpu.memory_space<vmem>> -> memref<128x128xf32, #tpu.memory_space<vmem>>
        tpu.enqueue_dma source(%dma_start3A_102 : memref<128x128xf32, #tpu.memory_space<vmem>>) target(%dma_start3A_95 : memref<128x128xf32, #tpu.memory_space<hbm>>) target_semaphore(%run_scoped3A_84 : memref<!tpu.dma_semaphore, #tpu.memory_space<semaphore_mem>>)
        %dma_wait3A_103 = arith.constant 0 : i32
        %dma_wait3A_104 = arith.constant 0 : i32
        %dma_wait3A_105 = tpu.memref_slice %arg9[%run_scoped3A_63, %dma_wait3A_103, %dma_wait3A_104] : memref<3x128x128xf32, #tpu.memory_space<vmem>> -> memref<1x128x128xf32, #tpu.memory_space<vmem>>
        %dma_wait3A_106 = tpu.memref_squeeze %dma_wait3A_105 : memref<1x128x128xf32, #tpu.memory_space<vmem>> -> memref<128x128xf32, #tpu.memory_space<vmem>>
        %dma_wait3A_107 = arith.constant 0 : i32
        %dma_wait3A_108 = arith.constant 0 : i32
        %dma_wait3A_109 = tpu.memref_slice %dma_wait3A_106[%dma_wait3A_107, %dma_wait3A_108] : memref<128x128xf32, #tpu.memory_space<vmem>> -> memref<128x128xf32, #tpu.memory_space<vmem>>
        %dma_wait3A_110 = arith.constant 0 : i32
        %dma_wait3A_111 = tpu.memref_slice %arg6[%add3A_62, %dma_wait3A_110] : memref<10112x128xf32, #tpu.memory_space<hbm>> -> memref<128x128xf32, #tpu.memory_space<hbm>>
        %dma_wait3A_112 = arith.constant 0 : i32
        %dma_wait3A_113 = tpu.memref_slice %arg6[%add3A_62, %dma_wait3A_112] : memref<10112x128xf32, #tpu.memory_space<hbm>> -> memref<128x128xf32, #tpu.memory_space<hbm>>
        %dma_wait3A_114 = arith.constant 0 : i32
        %dma_wait3A_115 = arith.constant 0 : i32
        %dma_wait3A_116 = tpu.memref_slice %arg9[%run_scoped3A_63, %dma_wait3A_114, %dma_wait3A_115] : memref<3x128x128xf32, #tpu.memory_space<vmem>> -> memref<1x128x128xf32, #tpu.memory_space<vmem>>
        %dma_wait3A_117 = tpu.memref_squeeze %dma_wait3A_116 : memref<1x128x128xf32, #tpu.memory_space<vmem>> -> memref<128x128xf32, #tpu.memory_space<vmem>>
        %dma_wait3A_118 = arith.constant 0 : i32
        %dma_wait3A_119 = arith.constant 0 : i32
        %dma_wait3A_120 = tpu.memref_slice %dma_wait3A_117[%dma_wait3A_118, %dma_wait3A_119] : memref<128x128xf32, #tpu.memory_space<vmem>> -> memref<128x128xf32, #tpu.memory_space<vmem>>
        tpu.wait_dma2 semaphore(%run_scoped3A_84 : memref<!tpu.dma_semaphore, #tpu.memory_space<semaphore_mem>>) src(%dma_wait3A_120 : memref<128x128xf32, #tpu.memory_space<vmem>>) dst(%dma_wait3A_113 : memref<128x128xf32, #tpu.memory_space<hbm>>)
        tpu.yield
      }) : () -> ()
      %mul3A_64 = arith.constant 312 : i32
      %mul3A_65 = arith.muli %arg1, %mul3A_64 : i32
      %add3A_66 = arith.constant 128 : i32
      %add3A_67 = arith.addi %mul3A_65, %add3A_66 : i32
      %run_scoped3A_68 = arith.constant 1 : i32
      "tpu.region"() ({
        %run_scoped3A_84 = tpu.sem_alloc : memref<!tpu.dma_semaphore, #tpu.memory_space<semaphore_mem>>
        %dma_start3A_85 = arith.constant 0 : i32
        %dma_start3A_86 = arith.constant 0 : i32
        %dma_start3A_87 = tpu.memref_slice %arg9[%run_scoped3A_68, %dma_start3A_85, %dma_start3A_86] : memref<3x128x128xf32, #tpu.memory_space<vmem>> -> memref<1x128x128xf32, #tpu.memory_space<vmem>>
        %dma_start3A_88 = tpu.memref_squeeze %dma_start3A_87 : memref<1x128x128xf32, #tpu.memory_space<vmem>> -> memref<128x128xf32, #tpu.memory_space<vmem>>
        %dma_start3A_89 = arith.constant 0 : i32
        %dma_start3A_90 = arith.constant 0 : i32
        %dma_start3A_91 = tpu.memref_slice %dma_start3A_88[%dma_start3A_89, %dma_start3A_90] : memref<128x128xf32, #tpu.memory_space<vmem>> -> memref<128x128xf32, #tpu.memory_space<vmem>>
        %dma_start3A_92 = arith.constant 0 : i32
        %dma_start3A_93 = tpu.memref_slice %arg10[%add3A_67, %dma_start3A_92] : memref<5120x128xf32, #tpu.memory_space<vmem_shared>> -> memref<128x128xf32, #tpu.memory_space<vmem_shared>>
        %dma_start3A_94 = arith.constant 0 : i32
        %dma_start3A_95 = arith.constant 0 : i32
        %dma_start3A_96 = tpu.memref_slice %arg9[%run_scoped3A_68, %dma_start3A_94, %dma_start3A_95] : memref<3x128x128xf32, #tpu.memory_space<vmem>> -> memref<1x128x128xf32, #tpu.memory_space<vmem>>
        %dma_start3A_97 = tpu.memref_squeeze %dma_start3A_96 : memref<1x128x128xf32, #tpu.memory_space<vmem>> -> memref<128x128xf32, #tpu.memory_space<vmem>>
        %dma_start3A_98 = arith.constant 0 : i32
        %dma_start3A_99 = arith.constant 0 : i32
        %dma_start3A_100 = tpu.memref_slice %dma_start3A_97[%dma_start3A_98, %dma_start3A_99] : memref<128x128xf32, #tpu.memory_space<vmem>> -> memref<128x128xf32, #tpu.memory_space<vmem>>
        %dma_start3A_101 = arith.constant 0 : i32
        %dma_start3A_102 = tpu.memref_slice %arg10[%add3A_67, %dma_start3A_101] : memref<5120x128xf32, #tpu.memory_space<vmem_shared>> -> memref<128x128xf32, #tpu.memory_space<vmem_shared>>
        tpu.enqueue_dma source(%dma_start3A_102 : memref<128x128xf32, #tpu.memory_space<vmem_shared>>) target(%dma_start3A_100 : memref<128x128xf32, #tpu.memory_space<vmem>>) target_semaphore(%run_scoped3A_84 : memref<!tpu.dma_semaphore, #tpu.memory_space<semaphore_mem>>)
        %dma_wait3A_103 = arith.constant 0 : i32
        %dma_wait3A_104 = arith.constant 0 : i32
        %dma_wait3A_105 = tpu.memref_slice %arg9[%run_scoped3A_68, %dma_wait3A_103, %dma_wait3A_104] : memref<3x128x128xf32, #tpu.memory_space<vmem>> -> memref<1x128x128xf32, #tpu.memory_space<vmem>>
        %dma_wait3A_106 = tpu.memref_squeeze %dma_wait3A_105 : memref<1x128x128xf32, #tpu.memory_space<vmem>> -> memref<128x128xf32, #tpu.memory_space<vmem>>
        %dma_wait3A_107 = arith.constant 0 : i32
        %dma_wait3A_108 = arith.constant 0 : i32
        %dma_wait3A_109 = tpu.memref_slice %dma_wait3A_106[%dma_wait3A_107, %dma_wait3A_108] : memref<128x128xf32, #tpu.memory_space<vmem>> -> memref<128x128xf32, #tpu.memory_space<vmem>>
        %dma_wait3A_110 = arith.constant 0 : i32
        %dma_wait3A_111 = tpu.memref_slice %arg10[%add3A_67, %dma_wait3A_110] : memref<5120x128xf32, #tpu.memory_space<vmem_shared>> -> memref<128x128xf32, #tpu.memory_space<vmem_shared>>
        %dma_wait3A_112 = arith.constant 0 : i32
        %dma_wait3A_113 = arith.constant 0 : i32
        %dma_wait3A_114 = tpu.memref_slice %arg9[%run_scoped3A_68, %dma_wait3A_112, %dma_wait3A_113] : memref<3x128x128xf32, #tpu.memory_space<vmem>> -> memref<1x128x128xf32, #tpu.memory_space<vmem>>
        %dma_wait3A_115 = tpu.memref_squeeze %dma_wait3A_114 : memref<1x128x128xf32, #tpu.memory_space<vmem>> -> memref<128x128xf32, #tpu.memory_space<vmem>>
        %dma_wait3A_116 = arith.constant 0 : i32
        %dma_wait3A_117 = arith.constant 0 : i32
        %dma_wait3A_118 = tpu.memref_slice %dma_wait3A_115[%dma_wait3A_116, %dma_wait3A_117] : memref<128x128xf32, #tpu.memory_space<vmem>> -> memref<128x128xf32, #tpu.memory_space<vmem>>
        %dma_wait3A_119 = arith.constant 0 : i32
        %dma_wait3A_120 = tpu.memref_slice %arg10[%add3A_67, %dma_wait3A_119] : memref<5120x128xf32, #tpu.memory_space<vmem_shared>> -> memref<128x128xf32, #tpu.memory_space<vmem_shared>>
        tpu.wait_dma2 semaphore(%run_scoped3A_84 : memref<!tpu.dma_semaphore, #tpu.memory_space<semaphore_mem>>) src(%dma_wait3A_120 : memref<128x128xf32, #tpu.memory_space<vmem_shared>>) dst(%dma_wait3A_118 : memref<128x128xf32, #tpu.memory_space<vmem>>)
        tpu.yield
      }) : () -> ()
      %mul3A_69 = arith.constant 312 : i32
      %mul3A_70 = arith.muli %arg1, %mul3A_69 : i32
      %add3A_71 = arith.constant 128 : i32
      %add3A_72 = arith.addi %mul3A_70, %add3A_71 : i32
      %run_scoped3A_73 = arith.constant 1 : i32
      "tpu.region"() ({
        %run_scoped3A_84 = tpu.sem_alloc : memref<!tpu.dma_semaphore, #tpu.memory_space<semaphore_mem>>
        %dma_start3A_85 = arith.constant 0 : i32
        %dma_start3A_86 = arith.constant 0 : i32
        %dma_start3A_87 = tpu.memref_slice %arg9[%run_scoped3A_73, %dma_start3A_85, %dma_start3A_86] : memref<3x128x128xf32, #tpu.memory_space<vmem>> -> memref<1x128x128xf32, #tpu.memory_space<vmem>>
        %dma_start3A_88 = tpu.memref_squeeze %dma_start3A_87 : memref<1x128x128xf32, #tpu.memory_space<vmem>> -> memref<128x128xf32, #tpu.memory_space<vmem>>
        %dma_start3A_89 = arith.constant 0 : i32
        %dma_start3A_90 = arith.constant 0 : i32
        %dma_start3A_91 = tpu.memref_slice %dma_start3A_88[%dma_start3A_89, %dma_start3A_90] : memref<128x128xf32, #tpu.memory_space<vmem>> -> memref<128x128xf32, #tpu.memory_space<vmem>>
        %dma_start3A_92 = arith.constant 0 : i32
        %dma_start3A_93 = tpu.memref_slice %arg6[%add3A_72, %dma_start3A_92] : memref<10112x128xf32, #tpu.memory_space<hbm>> -> memref<128x128xf32, #tpu.memory_space<hbm>>
        %dma_start3A_94 = arith.constant 0 : i32
        %dma_start3A_95 = tpu.memref_slice %arg6[%add3A_72, %dma_start3A_94] : memref<10112x128xf32, #tpu.memory_space<hbm>> -> memref<128x128xf32, #tpu.memory_space<hbm>>
        %dma_start3A_96 = arith.constant 0 : i32
        %dma_start3A_97 = arith.constant 0 : i32
        %dma_start3A_98 = tpu.memref_slice %arg9[%run_scoped3A_73, %dma_start3A_96, %dma_start3A_97] : memref<3x128x128xf32, #tpu.memory_space<vmem>> -> memref<1x128x128xf32, #tpu.memory_space<vmem>>
        %dma_start3A_99 = tpu.memref_squeeze %dma_start3A_98 : memref<1x128x128xf32, #tpu.memory_space<vmem>> -> memref<128x128xf32, #tpu.memory_space<vmem>>
        %dma_start3A_100 = arith.constant 0 : i32
        %dma_start3A_101 = arith.constant 0 : i32
        %dma_start3A_102 = tpu.memref_slice %dma_start3A_99[%dma_start3A_100, %dma_start3A_101] : memref<128x128xf32, #tpu.memory_space<vmem>> -> memref<128x128xf32, #tpu.memory_space<vmem>>
        tpu.enqueue_dma source(%dma_start3A_102 : memref<128x128xf32, #tpu.memory_space<vmem>>) target(%dma_start3A_95 : memref<128x128xf32, #tpu.memory_space<hbm>>) target_semaphore(%run_scoped3A_84 : memref<!tpu.dma_semaphore, #tpu.memory_space<semaphore_mem>>)
        %dma_wait3A_103 = arith.constant 0 : i32
        %dma_wait3A_104 = arith.constant 0 : i32
        %dma_wait3A_105 = tpu.memref_slice %arg9[%run_scoped3A_73, %dma_wait3A_103, %dma_wait3A_104] : memref<3x128x128xf32, #tpu.memory_space<vmem>> -> memref<1x128x128xf32, #tpu.memory_space<vmem>>
        %dma_wait3A_106 = tpu.memref_squeeze %dma_wait3A_105 : memref<1x128x128xf32, #tpu.memory_space<vmem>> -> memref<128x128xf32, #tpu.memory_space<vmem>>
        %dma_wait3A_107 = arith.constant 0 : i32
        %dma_wait3A_108 = arith.constant 0 : i32
        %dma_wait3A_109 = tpu.memref_slice %dma_wait3A_106[%dma_wait3A_107, %dma_wait3A_108] : memref<128x128xf32, #tpu.memory_space<vmem>> -> memref<128x128xf32, #tpu.memory_space<vmem>>
        %dma_wait3A_110 = arith.constant 0 : i32
        %dma_wait3A_111 = tpu.memref_slice %arg6[%add3A_72, %dma_wait3A_110] : memref<10112x128xf32, #tpu.memory_space<hbm>> -> memref<128x128xf32, #tpu.memory_space<hbm>>
        %dma_wait3A_112 = arith.constant 0 : i32
        %dma_wait3A_113 = tpu.memref_slice %arg6[%add3A_72, %dma_wait3A_112] : memref<10112x128xf32, #tpu.memory_space<hbm>> -> memref<128x128xf32, #tpu.memory_space<hbm>>
        %dma_wait3A_114 = arith.constant 0 : i32
        %dma_wait3A_115 = arith.constant 0 : i32
        %dma_wait3A_116 = tpu.memref_slice %arg9[%run_scoped3A_73, %dma_wait3A_114, %dma_wait3A_115] : memref<3x128x128xf32, #tpu.memory_space<vmem>> -> memref<1x128x128xf32, #tpu.memory_space<vmem>>
        %dma_wait3A_117 = tpu.memref_squeeze %dma_wait3A_116 : memref<1x128x128xf32, #tpu.memory_space<vmem>> -> memref<128x128xf32, #tpu.memory_space<vmem>>
        %dma_wait3A_118 = arith.constant 0 : i32
        %dma_wait3A_119 = arith.constant 0 : i32
        %dma_wait3A_120 = tpu.memref_slice %dma_wait3A_117[%dma_wait3A_118, %dma_wait3A_119] : memref<128x128xf32, #tpu.memory_space<vmem>> -> memref<128x128xf32, #tpu.memory_space<vmem>>
        tpu.wait_dma2 semaphore(%run_scoped3A_84 : memref<!tpu.dma_semaphore, #tpu.memory_space<semaphore_mem>>) src(%dma_wait3A_120 : memref<128x128xf32, #tpu.memory_space<vmem>>) dst(%dma_wait3A_113 : memref<128x128xf32, #tpu.memory_space<hbm>>)
        tpu.yield
      }) : () -> ()
      %mul3A_74 = arith.constant 312 : i32
      %mul3A_75 = arith.muli %arg1, %mul3A_74 : i32
      %add3A_76 = arith.constant 256 : i32
      %add3A_77 = arith.addi %mul3A_75, %add3A_76 : i32
      %run_scoped3A_78 = arith.constant 2 : i32
      "tpu.region"() ({
        %run_scoped3A_84 = tpu.sem_alloc : memref<!tpu.dma_semaphore, #tpu.memory_space<semaphore_mem>>
        %dma_start3A_85 = arith.constant 0 : i32
        %dma_start3A_86 = arith.constant 0 : i32
        %dma_start3A_87 = tpu.memref_slice %arg9[%run_scoped3A_78, %dma_start3A_85, %dma_start3A_86] : memref<3x128x128xf32, #tpu.memory_space<vmem>> -> memref<1x128x128xf32, #tpu.memory_space<vmem>>
        %dma_start3A_88 = tpu.memref_squeeze %dma_start3A_87 : memref<1x128x128xf32, #tpu.memory_space<vmem>> -> memref<128x128xf32, #tpu.memory_space<vmem>>
        %dma_start3A_89 = arith.constant 0 : i32
        %dma_start3A_90 = arith.constant 0 : i32
        %dma_start3A_91 = tpu.memref_slice %dma_start3A_88[%dma_start3A_89, %dma_start3A_90] : memref<128x128xf32, #tpu.memory_space<vmem>> -> memref<56x128xf32, #tpu.memory_space<vmem>>
        %dma_start3A_92 = arith.constant 0 : i32
        %dma_start3A_93 = tpu.memref_slice %arg10[%add3A_77, %dma_start3A_92] : memref<5120x128xf32, #tpu.memory_space<vmem_shared>> -> memref<56x128xf32, #tpu.memory_space<vmem_shared>>
        %dma_start3A_94 = arith.constant 0 : i32
        %dma_start3A_95 = arith.constant 0 : i32
        %dma_start3A_96 = tpu.memref_slice %arg9[%run_scoped3A_78, %dma_start3A_94, %dma_start3A_95] : memref<3x128x128xf32, #tpu.memory_space<vmem>> -> memref<1x128x128xf32, #tpu.memory_space<vmem>>
        %dma_start3A_97 = tpu.memref_squeeze %dma_start3A_96 : memref<1x128x128xf32, #tpu.memory_space<vmem>> -> memref<128x128xf32, #tpu.memory_space<vmem>>
        %dma_start3A_98 = arith.constant 0 : i32
        %dma_start3A_99 = arith.constant 0 : i32
        %dma_start3A_100 = tpu.memref_slice %dma_start3A_97[%dma_start3A_98, %dma_start3A_99] : memref<128x128xf32, #tpu.memory_space<vmem>> -> memref<56x128xf32, #tpu.memory_space<vmem>>
        %dma_start3A_101 = arith.constant 0 : i32
        %dma_start3A_102 = tpu.memref_slice %arg10[%add3A_77, %dma_start3A_101] : memref<5120x128xf32, #tpu.memory_space<vmem_shared>> -> memref<56x128xf32, #tpu.memory_space<vmem_shared>>
        tpu.enqueue_dma source(%dma_start3A_102 : memref<56x128xf32, #tpu.memory_space<vmem_shared>>) target(%dma_start3A_100 : memref<56x128xf32, #tpu.memory_space<vmem>>) target_semaphore(%run_scoped3A_84 : memref<!tpu.dma_semaphore, #tpu.memory_space<semaphore_mem>>)
        %dma_wait3A_103 = arith.constant 0 : i32
        %dma_wait3A_104 = arith.constant 0 : i32
        %dma_wait3A_105 = tpu.memref_slice %arg9[%run_scoped3A_78, %dma_wait3A_103, %dma_wait3A_104] : memref<3x128x128xf32, #tpu.memory_space<vmem>> -> memref<1x128x128xf32, #tpu.memory_space<vmem>>
        %dma_wait3A_106 = tpu.memref_squeeze %dma_wait3A_105 : memref<1x128x128xf32, #tpu.memory_space<vmem>> -> memref<128x128xf32, #tpu.memory_space<vmem>>
        %dma_wait3A_107 = arith.constant 0 : i32
        %dma_wait3A_108 = arith.constant 0 : i32
        %dma_wait3A_109 = tpu.memref_slice %dma_wait3A_106[%dma_wait3A_107, %dma_wait3A_108] : memref<128x128xf32, #tpu.memory_space<vmem>> -> memref<56x128xf32, #tpu.memory_space<vmem>>
        %dma_wait3A_110 = arith.constant 0 : i32
        %dma_wait3A_111 = tpu.memref_slice %arg10[%add3A_77, %dma_wait3A_110] : memref<5120x128xf32, #tpu.memory_space<vmem_shared>> -> memref<56x128xf32, #tpu.memory_space<vmem_shared>>
        %dma_wait3A_112 = arith.constant 0 : i32
        %dma_wait3A_113 = arith.constant 0 : i32
        %dma_wait3A_114 = tpu.memref_slice %arg9[%run_scoped3A_78, %dma_wait3A_112, %dma_wait3A_113] : memref<3x128x128xf32, #tpu.memory_space<vmem>> -> memref<1x128x128xf32, #tpu.memory_space<vmem>>
        %dma_wait3A_115 = tpu.memref_squeeze %dma_wait3A_114 : memref<1x128x128xf32, #tpu.memory_space<vmem>> -> memref<128x128xf32, #tpu.memory_space<vmem>>
        %dma_wait3A_116 = arith.constant 0 : i32
        %dma_wait3A_117 = arith.constant 0 : i32
        %dma_wait3A_118 = tpu.memref_slice %dma_wait3A_115[%dma_wait3A_116, %dma_wait3A_117] : memref<128x128xf32, #tpu.memory_space<vmem>> -> memref<56x128xf32, #tpu.memory_space<vmem>>
        %dma_wait3A_119 = arith.constant 0 : i32
        %dma_wait3A_120 = tpu.memref_slice %arg10[%add3A_77, %dma_wait3A_119] : memref<5120x128xf32, #tpu.memory_space<vmem_shared>> -> memref<56x128xf32, #tpu.memory_space<vmem_shared>>
        tpu.wait_dma2 semaphore(%run_scoped3A_84 : memref<!tpu.dma_semaphore, #tpu.memory_space<semaphore_mem>>) src(%dma_wait3A_120 : memref<56x128xf32, #tpu.memory_space<vmem_shared>>) dst(%dma_wait3A_118 : memref<56x128xf32, #tpu.memory_space<vmem>>)
        tpu.yield
      }) : () -> ()
      %mul3A_79 = arith.constant 312 : i32
      %mul3A_80 = arith.muli %arg1, %mul3A_79 : i32
      %add3A_81 = arith.constant 256 : i32
      %add3A_82 = arith.addi %mul3A_80, %add3A_81 : i32
      %run_scoped3A_83 = arith.constant 2 : i32
      "tpu.region"() ({
        %run_scoped3A_84 = tpu.sem_alloc : memref<!tpu.dma_semaphore, #tpu.memory_space<semaphore_mem>>
        %dma_start3A_85 = arith.constant 0 : i32
        %dma_start3A_86 = arith.constant 0 : i32
        %dma_start3A_87 = tpu.memref_slice %arg9[%run_scoped3A_83, %dma_start3A_85, %dma_start3A_86] : memref<3x128x128xf32, #tpu.memory_space<vmem>> -> memref<1x128x128xf32, #tpu.memory_space<vmem>>
        %dma_start3A_88 = tpu.memref_squeeze %dma_start3A_87 : memref<1x128x128xf32, #tpu.memory_space<vmem>> -> memref<128x128xf32, #tpu.memory_space<vmem>>
        %dma_start3A_89 = arith.constant 0 : i32
        %dma_start3A_90 = arith.constant 0 : i32
        %dma_start3A_91 = tpu.memref_slice %dma_start3A_88[%dma_start3A_89, %dma_start3A_90] : memref<128x128xf32, #tpu.memory_space<vmem>> -> memref<56x128xf32, #tpu.memory_space<vmem>>
        %dma_start3A_92 = arith.constant 0 : i32
        %dma_start3A_93 = tpu.memref_slice %arg6[%add3A_82, %dma_start3A_92] : memref<10112x128xf32, #tpu.memory_space<hbm>> -> memref<56x128xf32, #tpu.memory_space<hbm>>
        %dma_start3A_94 = arith.constant 0 : i32
        %dma_start3A_95 = tpu.memref_slice %arg6[%add3A_82, %dma_start3A_94] : memref<10112x128xf32, #tpu.memory_space<hbm>> -> memref<56x128xf32, #tpu.memory_space<hbm>>
        %dma_start3A_96 = arith.constant 0 : i32
        %dma_start3A_97 = arith.constant 0 : i32
        %dma_start3A_98 = tpu.memref_slice %arg9[%run_scoped3A_83, %dma_start3A_96, %dma_start3A_97] : memref<3x128x128xf32, #tpu.memory_space<vmem>> -> memref<1x128x128xf32, #tpu.memory_space<vmem>>
        %dma_start3A_99 = tpu.memref_squeeze %dma_start3A_98 : memref<1x128x128xf32, #tpu.memory_space<vmem>> -> memref<128x128xf32, #tpu.memory_space<vmem>>
        %dma_start3A_100 = arith.constant 0 : i32
        %dma_start3A_101 = arith.constant 0 : i32
        %dma_start3A_102 = tpu.memref_slice %dma_start3A_99[%dma_start3A_100, %dma_start3A_101] : memref<128x128xf32, #tpu.memory_space<vmem>> -> memref<56x128xf32, #tpu.memory_space<vmem>>
        tpu.enqueue_dma source(%dma_start3A_102 : memref<56x128xf32, #tpu.memory_space<vmem>>) target(%dma_start3A_95 : memref<56x128xf32, #tpu.memory_space<hbm>>) target_semaphore(%run_scoped3A_84 : memref<!tpu.dma_semaphore, #tpu.memory_space<semaphore_mem>>)
        %dma_wait3A_103 = arith.constant 0 : i32
        %dma_wait3A_104 = arith.constant 0 : i32
        %dma_wait3A_105 = tpu.memref_slice %arg9[%run_scoped3A_83, %dma_wait3A_103, %dma_wait3A_104] : memref<3x128x128xf32, #tpu.memory_space<vmem>> -> memref<1x128x128xf32, #tpu.memory_space<vmem>>
        %dma_wait3A_106 = tpu.memref_squeeze %dma_wait3A_105 : memref<1x128x128xf32, #tpu.memory_space<vmem>> -> memref<128x128xf32, #tpu.memory_space<vmem>>
        %dma_wait3A_107 = arith.constant 0 : i32
        %dma_wait3A_108 = arith.constant 0 : i32
        %dma_wait3A_109 = tpu.memref_slice %dma_wait3A_106[%dma_wait3A_107, %dma_wait3A_108] : memref<128x128xf32, #tpu.memory_space<vmem>> -> memref<56x128xf32, #tpu.memory_space<vmem>>
        %dma_wait3A_110 = arith.constant 0 : i32
        %dma_wait3A_111 = tpu.memref_slice %arg6[%add3A_82, %dma_wait3A_110] : memref<10112x128xf32, #tpu.memory_space<hbm>> -> memref<56x128xf32, #tpu.memory_space<hbm>>
        %dma_wait3A_112 = arith.constant 0 : i32
        %dma_wait3A_113 = tpu.memref_slice %arg6[%add3A_82, %dma_wait3A_112] : memref<10112x128xf32, #tpu.memory_space<hbm>> -> memref<56x128xf32, #tpu.memory_space<hbm>>
        %dma_wait3A_114 = arith.constant 0 : i32
        %dma_wait3A_115 = arith.constant 0 : i32
        %dma_wait3A_116 = tpu.memref_slice %arg9[%run_scoped3A_83, %dma_wait3A_114, %dma_wait3A_115] : memref<3x128x128xf32, #tpu.memory_space<vmem>> -> memref<1x128x128xf32, #tpu.memory_space<vmem>>
        %dma_wait3A_117 = tpu.memref_squeeze %dma_wait3A_116 : memref<1x128x128xf32, #tpu.memory_space<vmem>> -> memref<128x128xf32, #tpu.memory_space<vmem>>
        %dma_wait3A_118 = arith.constant 0 : i32
        %dma_wait3A_119 = arith.constant 0 : i32
        %dma_wait3A_120 = tpu.memref_slice %dma_wait3A_117[%dma_wait3A_118, %dma_wait3A_119] : memref<128x128xf32, #tpu.memory_space<vmem>> -> memref<56x128xf32, #tpu.memory_space<vmem>>
        tpu.wait_dma2 semaphore(%run_scoped3A_84 : memref<!tpu.dma_semaphore, #tpu.memory_space<semaphore_mem>>) src(%dma_wait3A_120 : memref<56x128xf32, #tpu.memory_space<vmem>>) dst(%dma_wait3A_113 : memref<56x128xf32, #tpu.memory_space<hbm>>)
        tpu.yield
      }) : () -> ()
    } else {
    }
    %eq3A_49 = arith.constant 1 : i32
    %eq3A_50 = arith.cmpi eq, %arg0, %eq3A_49 : i32
    %convert_element_type3A_51 = arith.extui %eq3A_50 : i1 to i32
    %cond3A_52 = arith.constant 0 : i32
    %cond3A_53 = arith.cmpi ne, %convert_element_type3A_51, %cond3A_52 : i32
    scf.if %cond3A_53 {
      %mul3A_54 = arith.constant 320 : i32
      %mul3A_55 = arith.muli %arg1, %mul3A_54 : i32
      %add3A_56 = arith.constant 0 : i32
      %add3A_57 = arith.addi %mul3A_55, %add3A_56 : i32
      %run_scoped3A_58 = arith.constant 0 : i32
      "tpu.region"() ({
        %run_scoped3A_90 = tpu.sem_alloc : memref<!tpu.dma_semaphore, #tpu.memory_space<semaphore_mem>>
        %dma_start3A_91 = arith.constant 0 : i32
        %dma_start3A_92 = arith.constant 0 : i32
        %dma_start3A_93 = tpu.memref_slice %arg9[%run_scoped3A_58, %dma_start3A_91, %dma_start3A_92] : memref<3x128x128xf32, #tpu.memory_space<vmem>> -> memref<1x128x128xf32, #tpu.memory_space<vmem>>
        %dma_start3A_94 = tpu.memref_squeeze %dma_start3A_93 : memref<1x128x128xf32, #tpu.memory_space<vmem>> -> memref<128x128xf32, #tpu.memory_space<vmem>>
        %dma_start3A_95 = arith.constant 0 : i32
        %dma_start3A_96 = arith.constant 0 : i32
        %dma_start3A_97 = tpu.memref_slice %dma_start3A_94[%dma_start3A_95, %dma_start3A_96] : memref<128x128xf32, #tpu.memory_space<vmem>> -> memref<128x128xf32, #tpu.memory_space<vmem>>
        %dma_start3A_98 = arith.constant 0 : i32
        %dma_start3A_99 = tpu.memref_slice %arg10[%add3A_57, %dma_start3A_98] : memref<5120x128xf32, #tpu.memory_space<vmem_shared>> -> memref<128x128xf32, #tpu.memory_space<vmem_shared>>
        %dma_start3A_100 = arith.constant 0 : i32
        %dma_start3A_101 = arith.constant 0 : i32
        %dma_start3A_102 = tpu.memref_slice %arg9[%run_scoped3A_58, %dma_start3A_100, %dma_start3A_101] : memref<3x128x128xf32, #tpu.memory_space<vmem>> -> memref<1x128x128xf32, #tpu.memory_space<vmem>>
        %dma_start3A_103 = tpu.memref_squeeze %dma_start3A_102 : memref<1x128x128xf32, #tpu.memory_space<vmem>> -> memref<128x128xf32, #tpu.memory_space<vmem>>
        %dma_start3A_104 = arith.constant 0 : i32
        %dma_start3A_105 = arith.constant 0 : i32
        %dma_start3A_106 = tpu.memref_slice %dma_start3A_103[%dma_start3A_104, %dma_start3A_105] : memref<128x128xf32, #tpu.memory_space<vmem>> -> memref<128x128xf32, #tpu.memory_space<vmem>>
        %dma_start3A_107 = arith.constant 0 : i32
        %dma_start3A_108 = tpu.memref_slice %arg10[%add3A_57, %dma_start3A_107] : memref<5120x128xf32, #tpu.memory_space<vmem_shared>> -> memref<128x128xf32, #tpu.memory_space<vmem_shared>>
        tpu.enqueue_dma source(%dma_start3A_108 : memref<128x128xf32, #tpu.memory_space<vmem_shared>>) target(%dma_start3A_106 : memref<128x128xf32, #tpu.memory_space<vmem>>) target_semaphore(%run_scoped3A_90 : memref<!tpu.dma_semaphore, #tpu.memory_space<semaphore_mem>>)
        %dma_wait3A_109 = arith.constant 0 : i32
        %dma_wait3A_110 = arith.constant 0 : i32
        %dma_wait3A_111 = tpu.memref_slice %arg9[%run_scoped3A_58, %dma_wait3A_109, %dma_wait3A_110] : memref<3x128x128xf32, #tpu.memory_space<vmem>> -> memref<1x128x128xf32, #tpu.memory_space<vmem>>
        %dma_wait3A_112 = tpu.memref_squeeze %dma_wait3A_111 : memref<1x128x128xf32, #tpu.memory_space<vmem>> -> memref<128x128xf32, #tpu.memory_space<vmem>>
        %dma_wait3A_113 = arith.constant 0 : i32
        %dma_wait3A_114 = arith.constant 0 : i32
        %dma_wait3A_115 = tpu.memref_slice %dma_wait3A_112[%dma_wait3A_113, %dma_wait3A_114] : memref<128x128xf32, #tpu.memory_space<vmem>> -> memref<128x128xf32, #tpu.memory_space<vmem>>
        %dma_wait3A_116 = arith.constant 0 : i32
        %dma_wait3A_117 = tpu.memref_slice %arg10[%add3A_57, %dma_wait3A_116] : memref<5120x128xf32, #tpu.memory_space<vmem_shared>> -> memref<128x128xf32, #tpu.memory_space<vmem_shared>>
        %dma_wait3A_118 = arith.constant 0 : i32
        %dma_wait3A_119 = arith.constant 0 : i32
        %dma_wait3A_120 = tpu.memref_slice %arg9[%run_scoped3A_58, %dma_wait3A_118, %dma_wait3A_119] : memref<3x128x128xf32, #tpu.memory_space<vmem>> -> memref<1x128x128xf32, #tpu.memory_space<vmem>>
        %dma_wait3A_121 = tpu.memref_squeeze %dma_wait3A_120 : memref<1x128x128xf32, #tpu.memory_space<vmem>> -> memref<128x128xf32, #tpu.memory_space<vmem>>
        %dma_wait3A_122 = arith.constant 0 : i32
        %dma_wait3A_123 = arith.constant 0 : i32
        %dma_wait3A_124 = tpu.memref_slice %dma_wait3A_121[%dma_wait3A_122, %dma_wait3A_123] : memref<128x128xf32, #tpu.memory_space<vmem>> -> memref<128x128xf32, #tpu.memory_space<vmem>>
        %dma_wait3A_125 = arith.constant 0 : i32
        %dma_wait3A_126 = tpu.memref_slice %arg10[%add3A_57, %dma_wait3A_125] : memref<5120x128xf32, #tpu.memory_space<vmem_shared>> -> memref<128x128xf32, #tpu.memory_space<vmem_shared>>
        tpu.wait_dma2 semaphore(%run_scoped3A_90 : memref<!tpu.dma_semaphore, #tpu.memory_space<semaphore_mem>>) src(%dma_wait3A_126 : memref<128x128xf32, #tpu.memory_space<vmem_shared>>) dst(%dma_wait3A_124 : memref<128x128xf32, #tpu.memory_space<vmem>>)
        tpu.yield
      }) : () -> ()
      %mul3A_59 = arith.constant 320 : i32
      %mul3A_60 = arith.muli %arg1, %mul3A_59 : i32
      %add3A_61 = arith.constant 4992 : i32
      %add3A_62 = arith.addi %add3A_61, %mul3A_60 : i32
      %add3A_63 = arith.constant 0 : i32
      %add3A_64 = arith.addi %add3A_62, %add3A_63 : i32
      %run_scoped3A_65 = arith.constant 0 : i32
      "tpu.region"() ({
        %run_scoped3A_90 = tpu.sem_alloc : memref<!tpu.dma_semaphore, #tpu.memory_space<semaphore_mem>>
        %dma_start3A_91 = arith.constant 0 : i32
        %dma_start3A_92 = arith.constant 0 : i32
        %dma_start3A_93 = tpu.memref_slice %arg9[%run_scoped3A_65, %dma_start3A_91, %dma_start3A_92] : memref<3x128x128xf32, #tpu.memory_space<vmem>> -> memref<1x128x128xf32, #tpu.memory_space<vmem>>
        %dma_start3A_94 = tpu.memref_squeeze %dma_start3A_93 : memref<1x128x128xf32, #tpu.memory_space<vmem>> -> memref<128x128xf32, #tpu.memory_space<vmem>>
        %dma_start3A_95 = arith.constant 0 : i32
        %dma_start3A_96 = arith.constant 0 : i32
        %dma_start3A_97 = tpu.memref_slice %dma_start3A_94[%dma_start3A_95, %dma_start3A_96] : memref<128x128xf32, #tpu.memory_space<vmem>> -> memref<128x128xf32, #tpu.memory_space<vmem>>
        %dma_start3A_98 = arith.constant 0 : i32
        %dma_start3A_99 = tpu.memref_slice %arg6[%add3A_64, %dma_start3A_98] : memref<10112x128xf32, #tpu.memory_space<hbm>> -> memref<128x128xf32, #tpu.memory_space<hbm>>
        %dma_start3A_100 = arith.constant 0 : i32
        %dma_start3A_101 = tpu.memref_slice %arg6[%add3A_64, %dma_start3A_100] : memref<10112x128xf32, #tpu.memory_space<hbm>> -> memref<128x128xf32, #tpu.memory_space<hbm>>
        %dma_start3A_102 = arith.constant 0 : i32
        %dma_start3A_103 = arith.constant 0 : i32
        %dma_start3A_104 = tpu.memref_slice %arg9[%run_scoped3A_65, %dma_start3A_102, %dma_start3A_103] : memref<3x128x128xf32, #tpu.memory_space<vmem>> -> memref<1x128x128xf32, #tpu.memory_space<vmem>>
        %dma_start3A_105 = tpu.memref_squeeze %dma_start3A_104 : memref<1x128x128xf32, #tpu.memory_space<vmem>> -> memref<128x128xf32, #tpu.memory_space<vmem>>
        %dma_start3A_106 = arith.constant 0 : i32
        %dma_start3A_107 = arith.constant 0 : i32
        %dma_start3A_108 = tpu.memref_slice %dma_start3A_105[%dma_start3A_106, %dma_start3A_107] : memref<128x128xf32, #tpu.memory_space<vmem>> -> memref<128x128xf32, #tpu.memory_space<vmem>>
        tpu.enqueue_dma source(%dma_start3A_108 : memref<128x128xf32, #tpu.memory_space<vmem>>) target(%dma_start3A_101 : memref<128x128xf32, #tpu.memory_space<hbm>>) target_semaphore(%run_scoped3A_90 : memref<!tpu.dma_semaphore, #tpu.memory_space<semaphore_mem>>)
        %dma_wait3A_109 = arith.constant 0 : i32
        %dma_wait3A_110 = arith.constant 0 : i32
        %dma_wait3A_111 = tpu.memref_slice %arg9[%run_scoped3A_65, %dma_wait3A_109, %dma_wait3A_110] : memref<3x128x128xf32, #tpu.memory_space<vmem>> -> memref<1x128x128xf32, #tpu.memory_space<vmem>>
        %dma_wait3A_112 = tpu.memref_squeeze %dma_wait3A_111 : memref<1x128x128xf32, #tpu.memory_space<vmem>> -> memref<128x128xf32, #tpu.memory_space<vmem>>
        %dma_wait3A_113 = arith.constant 0 : i32
        %dma_wait3A_114 = arith.constant 0 : i32
        %dma_wait3A_115 = tpu.memref_slice %dma_wait3A_112[%dma_wait3A_113, %dma_wait3A_114] : memref<128x128xf32, #tpu.memory_space<vmem>> -> memref<128x128xf32, #tpu.memory_space<vmem>>
        %dma_wait3A_116 = arith.constant 0 : i32
        %dma_wait3A_117 = tpu.memref_slice %arg6[%add3A_64, %dma_wait3A_116] : memref<10112x128xf32, #tpu.memory_space<hbm>> -> memref<128x128xf32, #tpu.memory_space<hbm>>
        %dma_wait3A_118 = arith.constant 0 : i32
        %dma_wait3A_119 = tpu.memref_slice %arg6[%add3A_64, %dma_wait3A_118] : memref<10112x128xf32, #tpu.memory_space<hbm>> -> memref<128x128xf32, #tpu.memory_space<hbm>>
        %dma_wait3A_120 = arith.constant 0 : i32
        %dma_wait3A_121 = arith.constant 0 : i32
        %dma_wait3A_122 = tpu.memref_slice %arg9[%run_scoped3A_65, %dma_wait3A_120, %dma_wait3A_121] : memref<3x128x128xf32, #tpu.memory_space<vmem>> -> memref<1x128x128xf32, #tpu.memory_space<vmem>>
        %dma_wait3A_123 = tpu.memref_squeeze %dma_wait3A_122 : memref<1x128x128xf32, #tpu.memory_space<vmem>> -> memref<128x128xf32, #tpu.memory_space<vmem>>
        %dma_wait3A_124 = arith.constant 0 : i32
        %dma_wait3A_125 = arith.constant 0 : i32
        %dma_wait3A_126 = tpu.memref_slice %dma_wait3A_123[%dma_wait3A_124, %dma_wait3A_125] : memref<128x128xf32, #tpu.memory_space<vmem>> -> memref<128x128xf32, #tpu.memory_space<vmem>>
        tpu.wait_dma2 semaphore(%run_scoped3A_90 : memref<!tpu.dma_semaphore, #tpu.memory_space<semaphore_mem>>) src(%dma_wait3A_126 : memref<128x128xf32, #tpu.memory_space<vmem>>) dst(%dma_wait3A_119 : memref<128x128xf32, #tpu.memory_space<hbm>>)
        tpu.yield
      }) : () -> ()
      %mul3A_66 = arith.constant 320 : i32
      %mul3A_67 = arith.muli %arg1, %mul3A_66 : i32
      %add3A_68 = arith.constant 128 : i32
      %add3A_69 = arith.addi %mul3A_67, %add3A_68 : i32
      %run_scoped3A_70 = arith.constant 1 : i32
      "tpu.region"() ({
        %run_scoped3A_90 = tpu.sem_alloc : memref<!tpu.dma_semaphore, #tpu.memory_space<semaphore_mem>>
        %dma_start3A_91 = arith.constant 0 : i32
        %dma_start3A_92 = arith.constant 0 : i32
        %dma_start3A_93 = tpu.memref_slice %arg9[%run_scoped3A_70, %dma_start3A_91, %dma_start3A_92] : memref<3x128x128xf32, #tpu.memory_space<vmem>> -> memref<1x128x128xf32, #tpu.memory_space<vmem>>
        %dma_start3A_94 = tpu.memref_squeeze %dma_start3A_93 : memref<1x128x128xf32, #tpu.memory_space<vmem>> -> memref<128x128xf32, #tpu.memory_space<vmem>>
        %dma_start3A_95 = arith.constant 0 : i32
        %dma_start3A_96 = arith.constant 0 : i32
        %dma_start3A_97 = tpu.memref_slice %dma_start3A_94[%dma_start3A_95, %dma_start3A_96] : memref<128x128xf32, #tpu.memory_space<vmem>> -> memref<128x128xf32, #tpu.memory_space<vmem>>
        %dma_start3A_98 = arith.constant 0 : i32
        %dma_start3A_99 = tpu.memref_slice %arg10[%add3A_69, %dma_start3A_98] : memref<5120x128xf32, #tpu.memory_space<vmem_shared>> -> memref<128x128xf32, #tpu.memory_space<vmem_shared>>
        %dma_start3A_100 = arith.constant 0 : i32
        %dma_start3A_101 = arith.constant 0 : i32
        %dma_start3A_102 = tpu.memref_slice %arg9[%run_scoped3A_70, %dma_start3A_100, %dma_start3A_101] : memref<3x128x128xf32, #tpu.memory_space<vmem>> -> memref<1x128x128xf32, #tpu.memory_space<vmem>>
        %dma_start3A_103 = tpu.memref_squeeze %dma_start3A_102 : memref<1x128x128xf32, #tpu.memory_space<vmem>> -> memref<128x128xf32, #tpu.memory_space<vmem>>
        %dma_start3A_104 = arith.constant 0 : i32
        %dma_start3A_105 = arith.constant 0 : i32
        %dma_start3A_106 = tpu.memref_slice %dma_start3A_103[%dma_start3A_104, %dma_start3A_105] : memref<128x128xf32, #tpu.memory_space<vmem>> -> memref<128x128xf32, #tpu.memory_space<vmem>>
        %dma_start3A_107 = arith.constant 0 : i32
        %dma_start3A_108 = tpu.memref_slice %arg10[%add3A_69, %dma_start3A_107] : memref<5120x128xf32, #tpu.memory_space<vmem_shared>> -> memref<128x128xf32, #tpu.memory_space<vmem_shared>>
        tpu.enqueue_dma source(%dma_start3A_108 : memref<128x128xf32, #tpu.memory_space<vmem_shared>>) target(%dma_start3A_106 : memref<128x128xf32, #tpu.memory_space<vmem>>) target_semaphore(%run_scoped3A_90 : memref<!tpu.dma_semaphore, #tpu.memory_space<semaphore_mem>>)
        %dma_wait3A_109 = arith.constant 0 : i32
        %dma_wait3A_110 = arith.constant 0 : i32
        %dma_wait3A_111 = tpu.memref_slice %arg9[%run_scoped3A_70, %dma_wait3A_109, %dma_wait3A_110] : memref<3x128x128xf32, #tpu.memory_space<vmem>> -> memref<1x128x128xf32, #tpu.memory_space<vmem>>
        %dma_wait3A_112 = tpu.memref_squeeze %dma_wait3A_111 : memref<1x128x128xf32, #tpu.memory_space<vmem>> -> memref<128x128xf32, #tpu.memory_space<vmem>>
        %dma_wait3A_113 = arith.constant 0 : i32
        %dma_wait3A_114 = arith.constant 0 : i32
        %dma_wait3A_115 = tpu.memref_slice %dma_wait3A_112[%dma_wait3A_113, %dma_wait3A_114] : memref<128x128xf32, #tpu.memory_space<vmem>> -> memref<128x128xf32, #tpu.memory_space<vmem>>
        %dma_wait3A_116 = arith.constant 0 : i32
        %dma_wait3A_117 = tpu.memref_slice %arg10[%add3A_69, %dma_wait3A_116] : memref<5120x128xf32, #tpu.memory_space<vmem_shared>> -> memref<128x128xf32, #tpu.memory_space<vmem_shared>>
        %dma_wait3A_118 = arith.constant 0 : i32
        %dma_wait3A_119 = arith.constant 0 : i32
        %dma_wait3A_120 = tpu.memref_slice %arg9[%run_scoped3A_70, %dma_wait3A_118, %dma_wait3A_119] : memref<3x128x128xf32, #tpu.memory_space<vmem>> -> memref<1x128x128xf32, #tpu.memory_space<vmem>>
        %dma_wait3A_121 = tpu.memref_squeeze %dma_wait3A_120 : memref<1x128x128xf32, #tpu.memory_space<vmem>> -> memref<128x128xf32, #tpu.memory_space<vmem>>
        %dma_wait3A_122 = arith.constant 0 : i32
        %dma_wait3A_123 = arith.constant 0 : i32
        %dma_wait3A_124 = tpu.memref_slice %dma_wait3A_121[%dma_wait3A_122, %dma_wait3A_123] : memref<128x128xf32, #tpu.memory_space<vmem>> -> memref<128x128xf32, #tpu.memory_space<vmem>>
        %dma_wait3A_125 = arith.constant 0 : i32
        %dma_wait3A_126 = tpu.memref_slice %arg10[%add3A_69, %dma_wait3A_125] : memref<5120x128xf32, #tpu.memory_space<vmem_shared>> -> memref<128x128xf32, #tpu.memory_space<vmem_shared>>
        tpu.wait_dma2 semaphore(%run_scoped3A_90 : memref<!tpu.dma_semaphore, #tpu.memory_space<semaphore_mem>>) src(%dma_wait3A_126 : memref<128x128xf32, #tpu.memory_space<vmem_shared>>) dst(%dma_wait3A_124 : memref<128x128xf32, #tpu.memory_space<vmem>>)
        tpu.yield
      }) : () -> ()
      %mul3A_71 = arith.constant 320 : i32
      %mul3A_72 = arith.muli %arg1, %mul3A_71 : i32
      %add3A_73 = arith.constant 4992 : i32
      %add3A_74 = arith.addi %add3A_73, %mul3A_72 : i32
      %add3A_75 = arith.constant 128 : i32
      %add3A_76 = arith.addi %add3A_74, %add3A_75 : i32
      %run_scoped3A_77 = arith.constant 1 : i32
      "tpu.region"() ({
        %run_scoped3A_90 = tpu.sem_alloc : memref<!tpu.dma_semaphore, #tpu.memory_space<semaphore_mem>>
        %dma_start3A_91 = arith.constant 0 : i32
        %dma_start3A_92 = arith.constant 0 : i32
        %dma_start3A_93 = tpu.memref_slice %arg9[%run_scoped3A_77, %dma_start3A_91, %dma_start3A_92] : memref<3x128x128xf32, #tpu.memory_space<vmem>> -> memref<1x128x128xf32, #tpu.memory_space<vmem>>
        %dma_start3A_94 = tpu.memref_squeeze %dma_start3A_93 : memref<1x128x128xf32, #tpu.memory_space<vmem>> -> memref<128x128xf32, #tpu.memory_space<vmem>>
        %dma_start3A_95 = arith.constant 0 : i32
        %dma_start3A_96 = arith.constant 0 : i32
        %dma_start3A_97 = tpu.memref_slice %dma_start3A_94[%dma_start3A_95, %dma_start3A_96] : memref<128x128xf32, #tpu.memory_space<vmem>> -> memref<128x128xf32, #tpu.memory_space<vmem>>
        %dma_start3A_98 = arith.constant 0 : i32
        %dma_start3A_99 = tpu.memref_slice %arg6[%add3A_76, %dma_start3A_98] : memref<10112x128xf32, #tpu.memory_space<hbm>> -> memref<128x128xf32, #tpu.memory_space<hbm>>
        %dma_start3A_100 = arith.constant 0 : i32
        %dma_start3A_101 = tpu.memref_slice %arg6[%add3A_76, %dma_start3A_100] : memref<10112x128xf32, #tpu.memory_space<hbm>> -> memref<128x128xf32, #tpu.memory_space<hbm>>
        %dma_start3A_102 = arith.constant 0 : i32
        %dma_start3A_103 = arith.constant 0 : i32
        %dma_start3A_104 = tpu.memref_slice %arg9[%run_scoped3A_77, %dma_start3A_102, %dma_start3A_103] : memref<3x128x128xf32, #tpu.memory_space<vmem>> -> memref<1x128x128xf32, #tpu.memory_space<vmem>>
        %dma_start3A_105 = tpu.memref_squeeze %dma_start3A_104 : memref<1x128x128xf32, #tpu.memory_space<vmem>> -> memref<128x128xf32, #tpu.memory_space<vmem>>
        %dma_start3A_106 = arith.constant 0 : i32
        %dma_start3A_107 = arith.constant 0 : i32
        %dma_start3A_108 = tpu.memref_slice %dma_start3A_105[%dma_start3A_106, %dma_start3A_107] : memref<128x128xf32, #tpu.memory_space<vmem>> -> memref<128x128xf32, #tpu.memory_space<vmem>>
        tpu.enqueue_dma source(%dma_start3A_108 : memref<128x128xf32, #tpu.memory_space<vmem>>) target(%dma_start3A_101 : memref<128x128xf32, #tpu.memory_space<hbm>>) target_semaphore(%run_scoped3A_90 : memref<!tpu.dma_semaphore, #tpu.memory_space<semaphore_mem>>)
        %dma_wait3A_109 = arith.constant 0 : i32
        %dma_wait3A_110 = arith.constant 0 : i32
        %dma_wait3A_111 = tpu.memref_slice %arg9[%run_scoped3A_77, %dma_wait3A_109, %dma_wait3A_110] : memref<3x128x128xf32, #tpu.memory_space<vmem>> -> memref<1x128x128xf32, #tpu.memory_space<vmem>>
        %dma_wait3A_112 = tpu.memref_squeeze %dma_wait3A_111 : memref<1x128x128xf32, #tpu.memory_space<vmem>> -> memref<128x128xf32, #tpu.memory_space<vmem>>
        %dma_wait3A_113 = arith.constant 0 : i32
        %dma_wait3A_114 = arith.constant 0 : i32
        %dma_wait3A_115 = tpu.memref_slice %dma_wait3A_112[%dma_wait3A_113, %dma_wait3A_114] : memref<128x128xf32, #tpu.memory_space<vmem>> -> memref<128x128xf32, #tpu.memory_space<vmem>>
        %dma_wait3A_116 = arith.constant 0 : i32
        %dma_wait3A_117 = tpu.memref_slice %arg6[%add3A_76, %dma_wait3A_116] : memref<10112x128xf32, #tpu.memory_space<hbm>> -> memref<128x128xf32, #tpu.memory_space<hbm>>
        %dma_wait3A_118 = arith.constant 0 : i32
        %dma_wait3A_119 = tpu.memref_slice %arg6[%add3A_76, %dma_wait3A_118] : memref<10112x128xf32, #tpu.memory_space<hbm>> -> memref<128x128xf32, #tpu.memory_space<hbm>>
        %dma_wait3A_120 = arith.constant 0 : i32
        %dma_wait3A_121 = arith.constant 0 : i32
        %dma_wait3A_122 = tpu.memref_slice %arg9[%run_scoped3A_77, %dma_wait3A_120, %dma_wait3A_121] : memref<3x128x128xf32, #tpu.memory_space<vmem>> -> memref<1x128x128xf32, #tpu.memory_space<vmem>>
        %dma_wait3A_123 = tpu.memref_squeeze %dma_wait3A_122 : memref<1x128x128xf32, #tpu.memory_space<vmem>> -> memref<128x128xf32, #tpu.memory_space<vmem>>
        %dma_wait3A_124 = arith.constant 0 : i32
        %dma_wait3A_125 = arith.constant 0 : i32
        %dma_wait3A_126 = tpu.memref_slice %dma_wait3A_123[%dma_wait3A_124, %dma_wait3A_125] : memref<128x128xf32, #tpu.memory_space<vmem>> -> memref<128x128xf32, #tpu.memory_space<vmem>>
        tpu.wait_dma2 semaphore(%run_scoped3A_90 : memref<!tpu.dma_semaphore, #tpu.memory_space<semaphore_mem>>) src(%dma_wait3A_126 : memref<128x128xf32, #tpu.memory_space<vmem>>) dst(%dma_wait3A_119 : memref<128x128xf32, #tpu.memory_space<hbm>>)
        tpu.yield
      }) : () -> ()
      %mul3A_78 = arith.constant 320 : i32
      %mul3A_79 = arith.muli %arg1, %mul3A_78 : i32
      %add3A_80 = arith.constant 256 : i32
      %add3A_81 = arith.addi %mul3A_79, %add3A_80 : i32
      %run_scoped3A_82 = arith.constant 2 : i32
      "tpu.region"() ({
        %run_scoped3A_90 = tpu.sem_alloc : memref<!tpu.dma_semaphore, #tpu.memory_space<semaphore_mem>>
        %dma_start3A_91 = arith.constant 0 : i32
        %dma_start3A_92 = arith.constant 0 : i32
        %dma_start3A_93 = tpu.memref_slice %arg9[%run_scoped3A_82, %dma_start3A_91, %dma_start3A_92] : memref<3x128x128xf32, #tpu.memory_space<vmem>> -> memref<1x128x128xf32, #tpu.memory_space<vmem>>
        %dma_start3A_94 = tpu.memref_squeeze %dma_start3A_93 : memref<1x128x128xf32, #tpu.memory_space<vmem>> -> memref<128x128xf32, #tpu.memory_space<vmem>>
        %dma_start3A_95 = arith.constant 0 : i32
        %dma_start3A_96 = arith.constant 0 : i32
        %dma_start3A_97 = tpu.memref_slice %dma_start3A_94[%dma_start3A_95, %dma_start3A_96] : memref<128x128xf32, #tpu.memory_space<vmem>> -> memref<64x128xf32, #tpu.memory_space<vmem>>
        %dma_start3A_98 = arith.constant 0 : i32
        %dma_start3A_99 = tpu.memref_slice %arg10[%add3A_81, %dma_start3A_98] : memref<5120x128xf32, #tpu.memory_space<vmem_shared>> -> memref<64x128xf32, #tpu.memory_space<vmem_shared>>
        %dma_start3A_100 = arith.constant 0 : i32
        %dma_start3A_101 = arith.constant 0 : i32
        %dma_start3A_102 = tpu.memref_slice %arg9[%run_scoped3A_82, %dma_start3A_100, %dma_start3A_101] : memref<3x128x128xf32, #tpu.memory_space<vmem>> -> memref<1x128x128xf32, #tpu.memory_space<vmem>>
        %dma_start3A_103 = tpu.memref_squeeze %dma_start3A_102 : memref<1x128x128xf32, #tpu.memory_space<vmem>> -> memref<128x128xf32, #tpu.memory_space<vmem>>
        %dma_start3A_104 = arith.constant 0 : i32
        %dma_start3A_105 = arith.constant 0 : i32
        %dma_start3A_106 = tpu.memref_slice %dma_start3A_103[%dma_start3A_104, %dma_start3A_105] : memref<128x128xf32, #tpu.memory_space<vmem>> -> memref<64x128xf32, #tpu.memory_space<vmem>>
        %dma_start3A_107 = arith.constant 0 : i32
        %dma_start3A_108 = tpu.memref_slice %arg10[%add3A_81, %dma_start3A_107] : memref<5120x128xf32, #tpu.memory_space<vmem_shared>> -> memref<64x128xf32, #tpu.memory_space<vmem_shared>>
        tpu.enqueue_dma source(%dma_start3A_108 : memref<64x128xf32, #tpu.memory_space<vmem_shared>>) target(%dma_start3A_106 : memref<64x128xf32, #tpu.memory_space<vmem>>) target_semaphore(%run_scoped3A_90 : memref<!tpu.dma_semaphore, #tpu.memory_space<semaphore_mem>>)
        %dma_wait3A_109 = arith.constant 0 : i32
        %dma_wait3A_110 = arith.constant 0 : i32
        %dma_wait3A_111 = tpu.memref_slice %arg9[%run_scoped3A_82, %dma_wait3A_109, %dma_wait3A_110] : memref<3x128x128xf32, #tpu.memory_space<vmem>> -> memref<1x128x128xf32, #tpu.memory_space<vmem>>
        %dma_wait3A_112 = tpu.memref_squeeze %dma_wait3A_111 : memref<1x128x128xf32, #tpu.memory_space<vmem>> -> memref<128x128xf32, #tpu.memory_space<vmem>>
        %dma_wait3A_113 = arith.constant 0 : i32
        %dma_wait3A_114 = arith.constant 0 : i32
        %dma_wait3A_115 = tpu.memref_slice %dma_wait3A_112[%dma_wait3A_113, %dma_wait3A_114] : memref<128x128xf32, #tpu.memory_space<vmem>> -> memref<64x128xf32, #tpu.memory_space<vmem>>
        %dma_wait3A_116 = arith.constant 0 : i32
        %dma_wait3A_117 = tpu.memref_slice %arg10[%add3A_81, %dma_wait3A_116] : memref<5120x128xf32, #tpu.memory_space<vmem_shared>> -> memref<64x128xf32, #tpu.memory_space<vmem_shared>>
        %dma_wait3A_118 = arith.constant 0 : i32
        %dma_wait3A_119 = arith.constant 0 : i32
        %dma_wait3A_120 = tpu.memref_slice %arg9[%run_scoped3A_82, %dma_wait3A_118, %dma_wait3A_119] : memref<3x128x128xf32, #tpu.memory_space<vmem>> -> memref<1x128x128xf32, #tpu.memory_space<vmem>>
        %dma_wait3A_121 = tpu.memref_squeeze %dma_wait3A_120 : memref<1x128x128xf32, #tpu.memory_space<vmem>> -> memref<128x128xf32, #tpu.memory_space<vmem>>
        %dma_wait3A_122 = arith.constant 0 : i32
        %dma_wait3A_123 = arith.constant 0 : i32
        %dma_wait3A_124 = tpu.memref_slice %dma_wait3A_121[%dma_wait3A_122, %dma_wait3A_123] : memref<128x128xf32, #tpu.memory_space<vmem>> -> memref<64x128xf32, #tpu.memory_space<vmem>>
        %dma_wait3A_125 = arith.constant 0 : i32
        %dma_wait3A_126 = tpu.memref_slice %arg10[%add3A_81, %dma_wait3A_125] : memref<5120x128xf32, #tpu.memory_space<vmem_shared>> -> memref<64x128xf32, #tpu.memory_space<vmem_shared>>
        tpu.wait_dma2 semaphore(%run_scoped3A_90 : memref<!tpu.dma_semaphore, #tpu.memory_space<semaphore_mem>>) src(%dma_wait3A_126 : memref<64x128xf32, #tpu.memory_space<vmem_shared>>) dst(%dma_wait3A_124 : memref<64x128xf32, #tpu.memory_space<vmem>>)
        tpu.yield
      }) : () -> ()
      %mul3A_83 = arith.constant 320 : i32
      %mul3A_84 = arith.muli %arg1, %mul3A_83 : i32
      %add3A_85 = arith.constant 4992 : i32
      %add3A_86 = arith.addi %add3A_85, %mul3A_84 : i32
      %add3A_87 = arith.constant 256 : i32
      %add3A_88 = arith.addi %add3A_86, %add3A_87 : i32
      %run_scoped3A_89 = arith.constant 2 : i32
      "tpu.region"() ({
        %run_scoped3A_90 = tpu.sem_alloc : memref<!tpu.dma_semaphore, #tpu.memory_space<semaphore_mem>>
        %dma_start3A_91 = arith.constant 0 : i32
        %dma_start3A_92 = arith.constant 0 : i32
        %dma_start3A_93 = tpu.memref_slice %arg9[%run_scoped3A_89, %dma_start3A_91, %dma_start3A_92] : memref<3x128x128xf32, #tpu.memory_space<vmem>> -> memref<1x128x128xf32, #tpu.memory_space<vmem>>
        %dma_start3A_94 = tpu.memref_squeeze %dma_start3A_93 : memref<1x128x128xf32, #tpu.memory_space<vmem>> -> memref<128x128xf32, #tpu.memory_space<vmem>>
        %dma_start3A_95 = arith.constant 0 : i32
        %dma_start3A_96 = arith.constant 0 : i32
        %dma_start3A_97 = tpu.memref_slice %dma_start3A_94[%dma_start3A_95, %dma_start3A_96] : memref<128x128xf32, #tpu.memory_space<vmem>> -> memref<64x128xf32, #tpu.memory_space<vmem>>
        %dma_start3A_98 = arith.constant 0 : i32
        %dma_start3A_99 = tpu.memref_slice %arg6[%add3A_88, %dma_start3A_98] : memref<10112x128xf32, #tpu.memory_space<hbm>> -> memref<64x128xf32, #tpu.memory_space<hbm>>
        %dma_start3A_100 = arith.constant 0 : i32
        %dma_start3A_101 = tpu.memref_slice %arg6[%add3A_88, %dma_start3A_100] : memref<10112x128xf32, #tpu.memory_space<hbm>> -> memref<64x128xf32, #tpu.memory_space<hbm>>
        %dma_start3A_102 = arith.constant 0 : i32
        %dma_start3A_103 = arith.constant 0 : i32
        %dma_start3A_104 = tpu.memref_slice %arg9[%run_scoped3A_89, %dma_start3A_102, %dma_start3A_103] : memref<3x128x128xf32, #tpu.memory_space<vmem>> -> memref<1x128x128xf32, #tpu.memory_space<vmem>>
        %dma_start3A_105 = tpu.memref_squeeze %dma_start3A_104 : memref<1x128x128xf32, #tpu.memory_space<vmem>> -> memref<128x128xf32, #tpu.memory_space<vmem>>
        %dma_start3A_106 = arith.constant 0 : i32
        %dma_start3A_107 = arith.constant 0 : i32
        %dma_start3A_108 = tpu.memref_slice %dma_start3A_105[%dma_start3A_106, %dma_start3A_107] : memref<128x128xf32, #tpu.memory_space<vmem>> -> memref<64x128xf32, #tpu.memory_space<vmem>>
        tpu.enqueue_dma source(%dma_start3A_108 : memref<64x128xf32, #tpu.memory_space<vmem>>) target(%dma_start3A_101 : memref<64x128xf32, #tpu.memory_space<hbm>>) target_semaphore(%run_scoped3A_90 : memref<!tpu.dma_semaphore, #tpu.memory_space<semaphore_mem>>)
        %dma_wait3A_109 = arith.constant 0 : i32
        %dma_wait3A_110 = arith.constant 0 : i32
        %dma_wait3A_111 = tpu.memref_slice %arg9[%run_scoped3A_89, %dma_wait3A_109, %dma_wait3A_110] : memref<3x128x128xf32, #tpu.memory_space<vmem>> -> memref<1x128x128xf32, #tpu.memory_space<vmem>>
        %dma_wait3A_112 = tpu.memref_squeeze %dma_wait3A_111 : memref<1x128x128xf32, #tpu.memory_space<vmem>> -> memref<128x128xf32, #tpu.memory_space<vmem>>
        %dma_wait3A_113 = arith.constant 0 : i32
        %dma_wait3A_114 = arith.constant 0 : i32
        %dma_wait3A_115 = tpu.memref_slice %dma_wait3A_112[%dma_wait3A_113, %dma_wait3A_114] : memref<128x128xf32, #tpu.memory_space<vmem>> -> memref<64x128xf32, #tpu.memory_space<vmem>>
        %dma_wait3A_116 = arith.constant 0 : i32
        %dma_wait3A_117 = tpu.memref_slice %arg6[%add3A_88, %dma_wait3A_116] : memref<10112x128xf32, #tpu.memory_space<hbm>> -> memref<64x128xf32, #tpu.memory_space<hbm>>
        %dma_wait3A_118 = arith.constant 0 : i32
        %dma_wait3A_119 = tpu.memref_slice %arg6[%add3A_88, %dma_wait3A_118] : memref<10112x128xf32, #tpu.memory_space<hbm>> -> memref<64x128xf32, #tpu.memory_space<hbm>>
        %dma_wait3A_120 = arith.constant 0 : i32
        %dma_wait3A_121 = arith.constant 0 : i32
        %dma_wait3A_122 = tpu.memref_slice %arg9[%run_scoped3A_89, %dma_wait3A_120, %dma_wait3A_121] : memref<3x128x128xf32, #tpu.memory_space<vmem>> -> memref<1x128x128xf32, #tpu.memory_space<vmem>>
        %dma_wait3A_123 = tpu.memref_squeeze %dma_wait3A_122 : memref<1x128x128xf32, #tpu.memory_space<vmem>> -> memref<128x128xf32, #tpu.memory_space<vmem>>
        %dma_wait3A_124 = arith.constant 0 : i32
        %dma_wait3A_125 = arith.constant 0 : i32
        %dma_wait3A_126 = tpu.memref_slice %dma_wait3A_123[%dma_wait3A_124, %dma_wait3A_125] : memref<128x128xf32, #tpu.memory_space<vmem>> -> memref<64x128xf32, #tpu.memory_space<vmem>>
        tpu.wait_dma2 semaphore(%run_scoped3A_90 : memref<!tpu.dma_semaphore, #tpu.memory_space<semaphore_mem>>) src(%dma_wait3A_126 : memref<64x128xf32, #tpu.memory_space<vmem>>) dst(%dma_wait3A_119 : memref<64x128xf32, #tpu.memory_space<hbm>>)
        tpu.yield
      }) : () -> ()
    } else {
    }
    return
  }
}

module attributes {stable_mosaic.version = 14 : i64} {
  func.func @body(%arg0: i32, %arg1: memref<1000x2048xf32, #tpu.memory_space<vmem>>, %arg2: memref<2048x512xf32, #tpu.memory_space<vmem>>, %arg3: memref<1x256xf32, #tpu.memory_space<vmem>>, %arg4: memref<1000x128xf32, #tpu.memory_space<vmem>>, %arg5: memref<1000x128xf32, #tpu.memory_space<vmem>>, %arg6: memref<1000x256xf32, #tpu.memory_space<vmem>>) attributes {dimension_semantics = [#tpu.dimension_semantics<arbitrary>], iteration_bounds = array<i64: 10>, scalar_prefetch = 0 : i64, scratch_operands = 0 : i64, tpu.core_type = #tpu.core_type<tc>, window_params = [{transform_indices = @transform_0, window_bounds = array<i64: 1000, 2048>}, {pipeline_mode = #tpu.pipeline_mode<synchronous>, transform_indices = @transform_1, window_bounds = array<i64: 2048, 512>}, {pipeline_mode = #tpu.pipeline_mode<synchronous>, transform_indices = @transform_2, window_bounds = array<i64: 1, 256>}, {transform_indices = @transform_3, window_bounds = array<i64: 1000, 128>}, {transform_indices = @transform_4, window_bounds = array<i64: 1000, 128>}, {transform_indices = @transform_5, window_bounds = array<i64: 1000, 256>}]} {
    %get3A = arith.constant 0 : index
    %get3A_0 = arith.constant 0 : index
    %get3A_1 = vector.load %arg1[%get3A, %get3A_0] : memref<1000x2048xf32, #tpu.memory_space<vmem>>, vector<1000x2048xf32>
    %get3A_2 = arith.constant 0 : index
    %get3A_3 = arith.constant 0 : index
    %get3A_4 = vector.load %arg2[%get3A_2, %get3A_3] : memref<2048x512xf32, #tpu.memory_space<vmem>>, vector<2048x512xf32>
    %dot_general3A = arith.constant dense<0.000000e+00> : vector<1000x512xf32>
    %dot_general3A_5 = tpu.matmul %get3A_1, %get3A_4, %dot_general3A {dimension_numbers = #tpu.dot_dimension_numbers<[1], [0], [0], [1], [0, 0, 1, 1], [], []>, transpose_lhs_hint = false} : vector<1000x2048xf32>, vector<2048x512xf32>, vector<1000x512xf32> -> vector<1000x512xf32>
    %slice3A = vector.extract_strided_slice %dot_general3A_5 {offsets = [0, 0], sizes = [1000, 128], strides = [1, 1]} : vector<1000x512xf32> to vector<1000x128xf32>
    %swap3A = arith.constant 0 : index
    %swap3A_6 = arith.constant 0 : index
    %swap3A_7 = vector.load %arg4[%swap3A, %swap3A_6] : memref<1000x128xf32, #tpu.memory_space<vmem>>, vector<1000x128xf32>
    tpu.vector_store %arg4[%swap3A, %swap3A_6], %slice3A {strides = array<i32>} : memref<1000x128xf32, #tpu.memory_space<vmem>>, vector<1000x128xf32>,
    %slice3A_8 = vector.extract_strided_slice %dot_general3A_5 {offsets = [0, 128], sizes = [1000, 128], strides = [1, 1]} : vector<1000x512xf32> to vector<1000x128xf32>
    %swap3A_9 = arith.constant 0 : index
    %swap3A_10 = arith.constant 0 : index
    %swap3A_11 = vector.load %arg5[%swap3A_9, %swap3A_10] : memref<1000x128xf32, #tpu.memory_space<vmem>>, vector<1000x128xf32>
    tpu.vector_store %arg5[%swap3A_9, %swap3A_10], %slice3A_8 {strides = array<i32>} : memref<1000x128xf32, #tpu.memory_space<vmem>>, vector<1000x128xf32>,
    %slice3A_12 = vector.extract_strided_slice %dot_general3A_5 {offsets = [0, 256], sizes = [1000, 256], strides = [1, 1]} : vector<1000x512xf32> to vector<1000x256xf32>
    %get3A_13 = arith.constant 0 : index
    %get3A_14 = arith.constant 0 : index
    %get3A_15 = vector.load %arg3[%get3A_13, %get3A_14] : memref<1x256xf32, #tpu.memory_space<vmem>>, vector<1x256xf32>
    %add3A = vector.broadcast %get3A_15 : vector<1x256xf32> to vector<1000x256xf32>
    %add3A_16 = arith.addf %slice3A_12, %add3A : vector<1000x256xf32>
    %swap3A_17 = arith.constant 0 : index
    %swap3A_18 = arith.constant 0 : index
    %swap3A_19 = vector.load %arg6[%swap3A_17, %swap3A_18] : memref<1000x256xf32, #tpu.memory_space<vmem>>, vector<1000x256xf32>
    tpu.vector_store %arg6[%swap3A_17, %swap3A_18], %add3A_16 {strides = array<i32>} : memref<1000x256xf32, #tpu.memory_space<vmem>>, vector<1000x256xf32>,
    return
  }
  func.func @transform_0(%arg0: i32) -> (i32, i32) {
    %c0_i32 = arith.constant 0 : i32
    %c0_i32_0 = arith.constant 0 : i32
    return %arg0, %c0_i32 : i32, i32
  }
  func.func @transform_1(%arg0: i32) -> (i32, i32) {
    %c0_i32 = arith.constant 0 : i32
    %c0_i32_0 = arith.constant 0 : i32
    %c0_i32_1 = arith.constant 0 : i32
    return %c0_i32, %c0_i32_0 : i32, i32
  }
  func.func @transform_2(%arg0: i32) -> (i32, i32) {
    %c0_i32 = arith.constant 0 : i32
    %c0_i32_0 = arith.constant 0 : i32
    %c0_i32_1 = arith.constant 0 : i32
    return %c0_i32, %c0_i32_0 : i32, i32
  }
  func.func @transform_3(%arg0: i32) -> (i32, i32) {
    %c0_i32 = arith.constant 0 : i32
    %c0_i32_0 = arith.constant 0 : i32
    return %arg0, %c0_i32 : i32, i32
  }
  func.func @transform_4(%arg0: i32) -> (i32, i32) {
    %c0_i32 = arith.constant 0 : i32
    %c0_i32_0 = arith.constant 0 : i32
    return %arg0, %c0_i32 : i32, i32
  }
  func.func @transform_5(%arg0: i32) -> (i32, i32) {
    %c0_i32 = arith.constant 0 : i32
    %c0_i32_0 = arith.constant 0 : i32
    return %arg0, %c0_i32 : i32, i32
  }
}

module attributes {stable_mosaic.version = 14 : i64} {
  func.func @body(%arg0: i32, %arg1: memref<1000x128xf32, #tpu.memory_space<vmem>>, %arg2: memref<1000x128xf32, #tpu.memory_space<vmem>>, %arg3: memref<1000x256xf32, #tpu.memory_space<vmem>>, %arg4: memref<256x256xf32, #tpu.memory_space<vmem>>, %arg5: memref<1x128xf32, #tpu.memory_space<vmem>>, %arg6: memref<1000x128xf32, #tpu.memory_space<vmem>>, %arg7: memref<1000x128xf32, #tpu.memory_space<vmem>>) attributes {dimension_semantics = [#tpu.dimension_semantics<arbitrary>], iteration_bounds = array<i64: 10>, scalar_prefetch = 0 : i64, scratch_operands = 0 : i64, tpu.core_type = #tpu.core_type<tc>, window_params = [{transform_indices = @transform_0, window_bounds = array<i64: 1000, 128>}, {transform_indices = @transform_1, window_bounds = array<i64: 1000, 128>}, {transform_indices = @transform_2, window_bounds = array<i64: 1000, 256>}, {pipeline_mode = #tpu.pipeline_mode<synchronous>, transform_indices = @transform_3, window_bounds = array<i64: 256, 256>}, {pipeline_mode = #tpu.pipeline_mode<synchronous>, transform_indices = @transform_4, window_bounds = array<i64: 1, 128>}, {transform_indices = @transform_5, window_bounds = array<i64: 1000, 128>}, {transform_indices = @transform_6, window_bounds = array<i64: 1000, 128>}]} {
    %get3A = arith.constant 0 : index
    %get3A_0 = arith.constant 0 : index
    %get3A_1 = vector.load %arg1[%get3A, %get3A_0] : memref<1000x128xf32, #tpu.memory_space<vmem>>, vector<1000x128xf32>
    %get3A_2 = arith.constant 0 : index
    %get3A_3 = arith.constant 0 : index
    %get3A_4 = vector.load %arg3[%get3A_2, %get3A_3] : memref<1000x256xf32, #tpu.memory_space<vmem>>, vector<1000x128xf32>
    %add3A = arith.addf %get3A_1, %get3A_4 : vector<1000x128xf32>
    %max3A = arith.constant 0.000000e+00 : f32
    %max3A_5 = vector.broadcast %max3A : f32 to vector<1000x128xf32>
    %max3A_6 = arith.maximumf %add3A, %max3A_5 : vector<1000x128xf32>
    %get3A_7 = arith.constant 0 : index
    %get3A_8 = arith.constant 0 : index
    %get3A_9 = vector.load %arg2[%get3A_7, %get3A_8] : memref<1000x128xf32, #tpu.memory_space<vmem>>, vector<1000x128xf32>
    %get3A_10 = arith.constant 0 : index
    %get3A_11 = arith.constant 128 : index
    %get3A_12 = vector.load %arg3[%get3A_10, %get3A_11] : memref<1000x256xf32, #tpu.memory_space<vmem>>, vector<1000x128xf32>
    %add3A_13 = arith.addf %get3A_9, %get3A_12 : vector<1000x128xf32>
    %max3A_14 = arith.constant 0.000000e+00 : f32
    %max3A_15 = vector.broadcast %max3A_14 : f32 to vector<1000x128xf32>
    %max3A_16 = arith.maximumf %add3A_13, %max3A_15 : vector<1000x128xf32>
    %get3A_17 = arith.constant 0 : index
    %get3A_18 = arith.constant 0 : index
    %get3A_19 = vector.load %arg4[%get3A_17, %get3A_18] : memref<256x256xf32, #tpu.memory_space<vmem>>, vector<128x256xf32>
    %dot_general3A = arith.constant dense<0.000000e+00> : vector<1000x256xf32>
    %dot_general3A_20 = tpu.matmul %max3A_6, %get3A_19, %dot_general3A {dimension_numbers = #tpu.dot_dimension_numbers<[1], [0], [0], [1], [0, 0, 1, 1], [], []>, transpose_lhs_hint = false} : vector<1000x128xf32>, vector<128x256xf32>, vector<1000x256xf32> -> vector<1000x256xf32>
    %get3A_21 = arith.constant 128 : index
    %get3A_22 = arith.constant 0 : index
    %get3A_23 = vector.load %arg4[%get3A_21, %get3A_22] : memref<256x256xf32, #tpu.memory_space<vmem>>, vector<128x256xf32>
    %dot_general3A_24 = arith.constant dense<0.000000e+00> : vector<1000x256xf32>
    %dot_general3A_25 = tpu.matmul %max3A_16, %get3A_23, %dot_general3A_24 {dimension_numbers = #tpu.dot_dimension_numbers<[1], [0], [0], [1], [0, 0, 1, 1], [], []>, transpose_lhs_hint = false} : vector<1000x128xf32>, vector<128x256xf32>, vector<1000x256xf32> -> vector<1000x256xf32>
    %add3A_26 = arith.addf %dot_general3A_20, %dot_general3A_25 : vector<1000x256xf32>
    %slice3A = vector.extract_strided_slice %add3A_26 {offsets = [0, 0], sizes = [1000, 128], strides = [1, 1]} : vector<1000x256xf32> to vector<1000x128xf32>
    %swap3A = arith.constant 0 : index
    %swap3A_27 = arith.constant 0 : index
    %swap3A_28 = vector.load %arg6[%swap3A, %swap3A_27] : memref<1000x128xf32, #tpu.memory_space<vmem>>, vector<1000x128xf32>
    tpu.vector_store %arg6[%swap3A, %swap3A_27], %slice3A {strides = array<i32>} : memref<1000x128xf32, #tpu.memory_space<vmem>>, vector<1000x128xf32>,
    %slice3A_29 = vector.extract_strided_slice %add3A_26 {offsets = [0, 128], sizes = [1000, 128], strides = [1, 1]} : vector<1000x256xf32> to vector<1000x128xf32>
    %get3A_30 = arith.constant 0 : index
    %get3A_31 = arith.constant 0 : index
    %get3A_32 = vector.load %arg5[%get3A_30, %get3A_31] : memref<1x128xf32, #tpu.memory_space<vmem>>, vector<1x128xf32>
    %add3A_33 = vector.broadcast %get3A_32 : vector<1x128xf32> to vector<1000x128xf32>
    %add3A_34 = arith.addf %slice3A_29, %add3A_33 : vector<1000x128xf32>
    %swap3A_35 = arith.constant 0 : index
    %swap3A_36 = arith.constant 0 : index
    %swap3A_37 = vector.load %arg7[%swap3A_35, %swap3A_36] : memref<1000x128xf32, #tpu.memory_space<vmem>>, vector<1000x128xf32>
    tpu.vector_store %arg7[%swap3A_35, %swap3A_36], %add3A_34 {strides = array<i32>} : memref<1000x128xf32, #tpu.memory_space<vmem>>, vector<1000x128xf32>,
    return
  }
  func.func @transform_0(%arg0: i32) -> (i32, i32) {
    %c0_i32 = arith.constant 0 : i32
    %c0_i32_0 = arith.constant 0 : i32
    return %arg0, %c0_i32 : i32, i32
  }
  func.func @transform_1(%arg0: i32) -> (i32, i32) {
    %c0_i32 = arith.constant 0 : i32
    %c0_i32_0 = arith.constant 0 : i32
    return %arg0, %c0_i32 : i32, i32
  }
  func.func @transform_2(%arg0: i32) -> (i32, i32) {
    %c0_i32 = arith.constant 0 : i32
    %c0_i32_0 = arith.constant 0 : i32
    return %arg0, %c0_i32 : i32, i32
  }
  func.func @transform_3(%arg0: i32) -> (i32, i32) {
    %c0_i32 = arith.constant 0 : i32
    %c0_i32_0 = arith.constant 0 : i32
    %c0_i32_1 = arith.constant 0 : i32
    return %c0_i32, %c0_i32_0 : i32, i32
  }
  func.func @transform_4(%arg0: i32) -> (i32, i32) {
    %c0_i32 = arith.constant 0 : i32
    %c0_i32_0 = arith.constant 0 : i32
    %c0_i32_1 = arith.constant 0 : i32
    return %c0_i32, %c0_i32_0 : i32, i32
  }
  func.func @transform_5(%arg0: i32) -> (i32, i32) {
    %c0_i32 = arith.constant 0 : i32
    %c0_i32_0 = arith.constant 0 : i32
    return %arg0, %c0_i32 : i32, i32
  }
  func.func @transform_6(%arg0: i32) -> (i32, i32) {
    %c0_i32 = arith.constant 0 : i32
    %c0_i32_0 = arith.constant 0 : i32
    return %arg0, %c0_i32 : i32, i32
  }
}

module attributes {stable_mosaic.version = 14 : i64} {
  func.func @body(%arg0: i32, %arg1: memref<1000x128xf32, #tpu.memory_space<vmem>>, %arg2: memref<1000x128xf32, #tpu.memory_space<vmem>>, %arg3: memref<128x128xf32, #tpu.memory_space<vmem>>, %arg4: memref<1x64xf32, #tpu.memory_space<vmem>>, %arg5: memref<1000x128xf32, #tpu.memory_space<vmem>>, %arg6: memref<1000x64xf32, #tpu.memory_space<vmem>>) attributes {dimension_semantics = [#tpu.dimension_semantics<arbitrary>], iteration_bounds = array<i64: 10>, scalar_prefetch = 0 : i64, scratch_operands = 0 : i64, tpu.core_type = #tpu.core_type<tc>, window_params = [{transform_indices = @transform_0, window_bounds = array<i64: 1000, 128>}, {transform_indices = @transform_1, window_bounds = array<i64: 1000, 128>}, {pipeline_mode = #tpu.pipeline_mode<synchronous>, transform_indices = @transform_2, window_bounds = array<i64: 128, 128>}, {pipeline_mode = #tpu.pipeline_mode<synchronous>, transform_indices = @transform_3, window_bounds = array<i64: 1, 64>}, {transform_indices = @transform_4, window_bounds = array<i64: 1000, 128>}, {transform_indices = @transform_5, window_bounds = array<i64: 1000, 64>}]} {
    %get3A = arith.constant 0 : index
    %get3A_0 = arith.constant 0 : index
    %get3A_1 = vector.load %arg1[%get3A, %get3A_0] : memref<1000x128xf32, #tpu.memory_space<vmem>>, vector<1000x128xf32>
    %get3A_2 = arith.constant 0 : index
    %get3A_3 = arith.constant 0 : index
    %get3A_4 = vector.load %arg2[%get3A_2, %get3A_3] : memref<1000x128xf32, #tpu.memory_space<vmem>>, vector<1000x128xf32>
    %add3A = arith.addf %get3A_1, %get3A_4 : vector<1000x128xf32>
    %max3A = arith.constant 0.000000e+00 : f32
    %max3A_5 = vector.broadcast %max3A : f32 to vector<1000x128xf32>
    %max3A_6 = arith.maximumf %add3A, %max3A_5 : vector<1000x128xf32>
    %get3A_7 = arith.constant 0 : index
    %get3A_8 = arith.constant 0 : index
    %get3A_9 = vector.load %arg3[%get3A_7, %get3A_8] : memref<128x128xf32, #tpu.memory_space<vmem>>, vector<128x128xf32>
    %dot_general3A = arith.constant dense<0.000000e+00> : vector<1000x128xf32>
    %dot_general3A_10 = tpu.matmul %max3A_6, %get3A_9, %dot_general3A {dimension_numbers = #tpu.dot_dimension_numbers<[1], [0], [0], [1], [0, 0, 1, 1], [], []>, transpose_lhs_hint = false} : vector<1000x128xf32>, vector<128x128xf32>, vector<1000x128xf32> -> vector<1000x128xf32>
    %slice3A = vector.extract_strided_slice %dot_general3A_10 {offsets = [0, 0], sizes = [1000, 64], strides = [1, 1]} : vector<1000x128xf32> to vector<1000x64xf32>
    %broadcast_in_dim3A = arith.constant 0.000000e+00 : f32
    %broadcast_in_dim3A_11 = vector.broadcast %broadcast_in_dim3A : f32 to vector<1000x64xf32>
    %concatenate3A = tpu.concatenate %slice3A, %broadcast_in_dim3A_11 in 1 : vector<1000x64xf32>, vector<1000x64xf32> -> vector<1000x128xf32>
    %swap3A = arith.constant 0 : index
    %swap3A_12 = arith.constant 0 : index
    %swap3A_13 = vector.load %arg5[%swap3A, %swap3A_12] : memref<1000x128xf32, #tpu.memory_space<vmem>>, vector<1000x128xf32>
    tpu.vector_store %arg5[%swap3A, %swap3A_12], %concatenate3A {strides = array<i32>} : memref<1000x128xf32, #tpu.memory_space<vmem>>, vector<1000x128xf32>,
    %slice3A_14 = vector.extract_strided_slice %dot_general3A_10 {offsets = [0, 64], sizes = [1000, 64], strides = [1, 1]} : vector<1000x128xf32> to vector<1000x64xf32>
    %get3A_15 = arith.constant 0 : index
    %get3A_16 = arith.constant 0 : index
    %get3A_17 = vector.load %arg4[%get3A_15, %get3A_16] : memref<1x64xf32, #tpu.memory_space<vmem>>, vector<1x64xf32>
    %add3A_18 = vector.broadcast %get3A_17 : vector<1x64xf32> to vector<1000x64xf32>
    %add3A_19 = arith.addf %slice3A_14, %add3A_18 : vector<1000x64xf32>
    %swap3A_20 = arith.constant 0 : index
    %swap3A_21 = arith.constant 0 : index
    %swap3A_22 = vector.load %arg6[%swap3A_20, %swap3A_21] : memref<1000x64xf32, #tpu.memory_space<vmem>>, vector<1000x64xf32>
    tpu.vector_store %arg6[%swap3A_20, %swap3A_21], %add3A_19 {strides = array<i32>} : memref<1000x64xf32, #tpu.memory_space<vmem>>, vector<1000x64xf32>,
    return
  }
  func.func @transform_0(%arg0: i32) -> (i32, i32) {
    %c0_i32 = arith.constant 0 : i32
    %c0_i32_0 = arith.constant 0 : i32
    return %arg0, %c0_i32 : i32, i32
  }
  func.func @transform_1(%arg0: i32) -> (i32, i32) {
    %c0_i32 = arith.constant 0 : i32
    %c0_i32_0 = arith.constant 0 : i32
    return %arg0, %c0_i32 : i32, i32
  }
  func.func @transform_2(%arg0: i32) -> (i32, i32) {
    %c0_i32 = arith.constant 0 : i32
    %c0_i32_0 = arith.constant 0 : i32
    %c0_i32_1 = arith.constant 0 : i32
    return %c0_i32, %c0_i32_0 : i32, i32
  }
  func.func @transform_3(%arg0: i32) -> (i32, i32) {
    %c0_i32 = arith.constant 0 : i32
    %c0_i32_0 = arith.constant 0 : i32
    %c0_i32_1 = arith.constant 0 : i32
    return %c0_i32, %c0_i32_0 : i32, i32
  }
  func.func @transform_4(%arg0: i32) -> (i32, i32) {
    %c0_i32 = arith.constant 0 : i32
    %c0_i32_0 = arith.constant 0 : i32
    return %arg0, %c0_i32 : i32, i32
  }
  func.func @transform_5(%arg0: i32) -> (i32, i32) {
    %c0_i32 = arith.constant 0 : i32
    %c0_i32_0 = arith.constant 0 : i32
    return %arg0, %c0_i32 : i32, i32
  }
}

module attributes {stable_mosaic.version = 14 : i64} {
  func.func @body(%arg0: i32, %arg1: memref<1000x128xf32, #tpu.memory_space<vmem>>, %arg2: memref<1000x64xf32, #tpu.memory_space<vmem>>, %arg3: memref<64x8xf32, #tpu.memory_space<vmem>>, %arg4: memref<1x8xf32, #tpu.memory_space<vmem>>, %arg5: memref<1000x8xf32, #tpu.memory_space<vmem>>) attributes {dimension_semantics = [#tpu.dimension_semantics<arbitrary>], iteration_bounds = array<i64: 10>, scalar_prefetch = 0 : i64, scratch_operands = 0 : i64, tpu.core_type = #tpu.core_type<tc>, window_params = [{transform_indices = @transform_0, window_bounds = array<i64: 1000, 128>}, {transform_indices = @transform_1, window_bounds = array<i64: 1000, 64>}, {pipeline_mode = #tpu.pipeline_mode<synchronous>, transform_indices = @transform_2, window_bounds = array<i64: 64, 8>}, {pipeline_mode = #tpu.pipeline_mode<synchronous>, transform_indices = @transform_3, window_bounds = array<i64: 1, 8>}, {transform_indices = @transform_4, window_bounds = array<i64: 1000, 8>}]} {
    %get3A = arith.constant 0 : index
    %get3A_0 = arith.constant 0 : index
    %get3A_1 = vector.load %arg1[%get3A, %get3A_0] : memref<1000x128xf32, #tpu.memory_space<vmem>>, vector<1000x64xf32>
    %get3A_2 = arith.constant 0 : index
    %get3A_3 = arith.constant 0 : index
    %get3A_4 = vector.load %arg2[%get3A_2, %get3A_3] : memref<1000x64xf32, #tpu.memory_space<vmem>>, vector<1000x64xf32>
    %add3A = arith.addf %get3A_1, %get3A_4 : vector<1000x64xf32>
    %max3A = arith.constant 0.000000e+00 : f32
    %max3A_5 = vector.broadcast %max3A : f32 to vector<1000x64xf32>
    %max3A_6 = arith.maximumf %add3A, %max3A_5 : vector<1000x64xf32>
    %get3A_7 = arith.constant 0 : index
    %get3A_8 = arith.constant 0 : index
    %get3A_9 = vector.load %arg3[%get3A_7, %get3A_8] : memref<64x8xf32, #tpu.memory_space<vmem>>, vector<64x8xf32>
    %dot_general3A = arith.constant dense<0.000000e+00> : vector<1000x8xf32>
    %dot_general3A_10 = tpu.matmul %max3A_6, %get3A_9, %dot_general3A {dimension_numbers = #tpu.dot_dimension_numbers<[1], [0], [0], [1], [0, 0, 1, 1], [], []>, transpose_lhs_hint = false} : vector<1000x64xf32>, vector<64x8xf32>, vector<1000x8xf32> -> vector<1000x8xf32>
    %get3A_11 = arith.constant 0 : index
    %get3A_12 = arith.constant 0 : index
    %get3A_13 = vector.load %arg4[%get3A_11, %get3A_12] : memref<1x8xf32, #tpu.memory_space<vmem>>, vector<1x8xf32>
    %add3A_14 = vector.broadcast %get3A_13 : vector<1x8xf32> to vector<1000x8xf32>
    %add3A_15 = arith.addf %dot_general3A_10, %add3A_14 : vector<1000x8xf32>
    %iota3A = tpu.iota {dimensions = array<i32: 1>} : vector<1000x8xi32>
    %ge3A = arith.constant 3 : i32
    %ge3A_16 = vector.broadcast %ge3A : i32 to vector<1000x8xi32>
    %ge3A_17 = arith.cmpi sge, %iota3A, %ge3A_16 : vector<1000x8xi32>
    %lt3A = arith.constant 7 : i32
    %lt3A_18 = vector.broadcast %lt3A : i32 to vector<1000x8xi32>
    %lt3A_19 = arith.cmpi slt, %iota3A, %lt3A_18 : vector<1000x8xi32>
    %and3A = arith.andi %ge3A_17, %lt3A_19 : vector<1000x8xi1>
    %mul3A = arith.mulf %add3A_15, %add3A_15 : vector<1000x8xf32>
    %jit3A = arith.constant 0.000000e+00 : f32
    %broadcast_in_dim3A = vector.broadcast %jit3A : f32 to vector<1000x8xf32>
    %select_n3A = arith.select %and3A, %mul3A, %broadcast_in_dim3A : vector<1000x8xi1>, vector<1000x8xf32>
    %reduce_sum3A = arith.constant dense<0.000000e+00> : vector<1000xf32>
    %reduce_sum3A_20 = vector.multi_reduction <add>, %select_n3A, %reduce_sum3A [1] : vector<1000x8xf32> to vector<1000xf32>
    %broadcast_in_dim3A_21 = vector.shape_cast %reduce_sum3A_20 : vector<1000xf32> to vector<1000x1xf32>
    %sqrt3A = math.sqrt %broadcast_in_dim3A_21 : vector<1000x1xf32>
    %max3A_22 = arith.constant 9.99999996E-13 : f32
    %max3A_23 = vector.broadcast %max3A_22 : f32 to vector<1000x1xf32>
    %max3A_24 = arith.maximumf %sqrt3A, %max3A_23 : vector<1000x1xf32>
    %div3A = vector.broadcast %max3A_24 : vector<1000x1xf32> to vector<1000x8xf32>
    %div3A_25 = arith.divf %add3A_15, %div3A : vector<1000x8xf32>
    %select_n3A_26 = arith.select %and3A, %div3A_25, %add3A_15 : vector<1000x8xi1>, vector<1000x8xf32>
    %swap3A = arith.constant 0 : index
    %swap3A_27 = arith.constant 0 : index
    %swap3A_28 = vector.load %arg5[%swap3A, %swap3A_27] : memref<1000x8xf32, #tpu.memory_space<vmem>>, vector<1000x8xf32>
    tpu.vector_store %arg5[%swap3A, %swap3A_27], %select_n3A_26 {strides = array<i32>} : memref<1000x8xf32, #tpu.memory_space<vmem>>, vector<1000x8xf32>,
    return
  }
  func.func @transform_0(%arg0: i32) -> (i32, i32) {
    %c0_i32 = arith.constant 0 : i32
    %c0_i32_0 = arith.constant 0 : i32
    return %arg0, %c0_i32 : i32, i32
  }
  func.func @transform_1(%arg0: i32) -> (i32, i32) {
    %c0_i32 = arith.constant 0 : i32
    %c0_i32_0 = arith.constant 0 : i32
    return %arg0, %c0_i32 : i32, i32
  }
  func.func @transform_2(%arg0: i32) -> (i32, i32) {
    %c0_i32 = arith.constant 0 : i32
    %c0_i32_0 = arith.constant 0 : i32
    %c0_i32_1 = arith.constant 0 : i32
    return %c0_i32, %c0_i32_0 : i32, i32
  }
  func.func @transform_3(%arg0: i32) -> (i32, i32) {
    %c0_i32 = arith.constant 0 : i32
    %c0_i32_0 = arith.constant 0 : i32
    %c0_i32_1 = arith.constant 0 : i32
    return %c0_i32, %c0_i32_0 : i32, i32
  }
  func.func @transform_4(%arg0: i32) -> (i32, i32) {
    %c0_i32 = arith.constant 0 : i32
    %c0_i32_0 = arith.constant 0 : i32
    return %arg0, %c0_i32 : i32, i32
  }
}

</mosaic_0001>

<sc_bundles>
// kernel: kernel.12.cloned.1.call-start
scs
__scs_entry_jumppad:
0x0: {  	(pc) =	sbr.rel $0x88, $3  }
0x1: {  	(tag) =	ssettag $0x0;
	lr =	simm.s32 $0x1  }
0x2: {  	[smem:$0x3F92] =	sst lr;
	_ =	strace $0xD0000000  }
0x3: {  	_ = 	snop  }
0x4: {  	_ = 	snop  }
0x5: {  	_ = 	snop  }
0x6: {  	_ = 	snop  }
0x7: {  	_ = 	snop  }
__scs_overlays_trampoline_lowered:
0x8: {  	[smem:$0x3FA1] =	sst s0  }
0x9: {  	[smem:$0x3FA2] =	sst s1  }
0xa: {  	[smem:$0x3FA3] =	sst s2  }
0xb: {  	[smem:$0x3FA4] =	sst s3  }
0xc: {  	[smem:$0x3FA5] =	sst s4  }
0xd: {  	[smem:$0x3FA6] =	sst s5  }
0xe: {  	[smem:$0x3FA7] =	sst s6  }
0xf: {  	[smem:$0x3FA8] =	sst s7  }
0x10: {  	[smem:$0x3FA9] =	sst s8  }
0x11: {  	[smem:$0x3FAA] =	sst s9;
	s0 =	simm.s32 @!p0 $0x0  }
0x12: {  	s1 =	sld [smem:$0x3F90];
	s0 =	simm.s32 @p0 $0x1  }
0x13: {  	[smem:$0x3FAB] =	sst s0;
	s0 =	simm.s32 @!p1 $0x0  }
0x14: {  	s2 =	sld [smem:$0x3F8F];
	s0 =	simm.s32 @p1 $0x1  }
0x15: {  	[smem:$0x3FAC] =	sst s0;
	s0 =	simm.s32 @!p2 $0x0  }
0x16: {  	s3 =	sld [smem:$0x3FDB];
	s0 =	simm.s32 @p2 $0x1  }
0x17: {  	s4 =	simm.s32 $0x1BF5;
	[smem:$0x3FAE] =	sst s0  }
0x18: {  	s0 =	sld [smem:$0x3F91];
	_ =	swait.ge [sflag:s4], $0x0  }
0x19: {  	s7 =	sld [smem:$0x3F92]  }
0x1a: {  	s8 =	sadd.s32 $0xFFFFE003, lr  }
0x1b: {  	s9 =	sadd.s32 $0xFFFFFEF7, lr;
	s5 =	simm.s32 $0xFFFFFFFF;
	p2 =	slt.u32 s8, $0xFFFFF086  }
0x1c: {  	p1 =	slt.u32 s9, $0xF7A;
	s5 =	simm.s32 @!p2 $0x0  }
0x1d: {  	s5 =	simm.s32 @p1 $0x1;
	p0 =	seq.s32 s7, s2  }
0x1e: {  	s7 =	smul.u32 @!p0 $0xF7A, s2;
	p2 =	seq.s32 @!p0 s5, $0x0  }
0x1f: {  	s9 =	smul.u32 $0xF7A, s1;
	s8 =	simm.s32 @!p0 $0x1BF5;
	p2 =	por !p2, p0  }
0x20: {  	[sflag:s8] =	ssyncset.s32 @!p0 $0xFFFFF086;
	s6 =	sadd.s32 @!p0 s3, s7;
	s7 =	simm.s32 @!p0 $0x108  }
0x21: {  	s3 =	sadd.s32 s3, s9;
	s6 =	sadd.s32 @!p0 $0x88, s6;
	s7 =	simm.s32 @p2 $0x1082  }
0x22: {  	[simem:s7], [sflag:s8] =	dma.local @!p0 [hbm:s6], $0xF7A  }
0x23: {  	s9 =	sor.u32 $0xD0000000, s2;
	s6 =	simm.s32 $0x108;
	_ =	swait.ge @!p0 [sflag:s8], $0x0  }
0x24: {  	s3 =	sadd.s32 $0x88, s3;
	s6 =	simm.s32 @!p1 $0x1082;
	[sflag:s4] =	ssyncset.s32 $0xFFFFF086  }
0x25: {  	[simem:s6], [sflag:s4] =	dma.local [hbm:s3], $0xF7A  }
0x26: {  	[smem:$0x3F92] =	sst s1;
	(tag) =	ssettag s2;
	_ =	strace s9  }
0x27: {  	s1 =	sld [smem:$0x3FA2]  }
0x28: {  	s2 =	sld [smem:$0x3FA3]  }
0x29: {  	s4 =	sld [smem:$0x3FA5]  }
0x2a: {  	p0 =	seq.s32 s5, $0x0;
	s5 =	sld [smem:$0x3FA6]  }
0x2b: {  	s6 =	sld [smem:$0x3FA7]  }
0x2c: {  	s7 =	sld [smem:$0x3FA8]  }
0x2d: {  	s3 =	simm.s32 $0x108;
	s8 =	sld [smem:$0x3FA9]  }
0x2e: {  	s3 =	simm.s32 @!p0 $0x1082;
	s9 =	sld [smem:$0x3FAA]  }
0x2f: {  	lr =	sadd.s32 s0, s3;
	s0 =	sld [smem:$0x3FA1]  }
0x30: {  	s3 =	sld [smem:$0x3FA4]  }
0x31: {  	[smem:$0x3FAD] =	sst s10  }
0x32: {  	s10 =	sld [smem:$0x3FAB];
	_ =	sdelay $0x3  }
0x33: {  	p0 =	seq.s32 s10, $0x1;
	s10 =	sld [smem:$0x3FAD];
	_ =	sdelay $0x3  }
0x34: {  	[smem:$0x3FAD] =	sst s10  }
0x35: {  	s10 =	sld [smem:$0x3FAC];
	_ =	sdelay $0x3  }
0x36: {  	p1 =	seq.s32 s10, $0x1;
	s10 =	sld [smem:$0x3FAD];
	_ =	sdelay $0x3  }
0x37: {  	[smem:$0x3FAD] =	sst s10  }
0x38: {  	s10 =	sld [smem:$0x3FAE]  }
0x39: {  	_ = 	snop;
	(pc) =	sbr.ind lr, $3  }
0x3a: {  	_ = 	snop  }
0x3b: {  	_ = 	snop  }
0x3c: {  	p2 =	seq.s32 s10, $0x1;
	s10 =	sld [smem:$0x3FAD]  }
0x3d: {  	_ =	shalt  }
0x3e: {  	_ =	shalt  }
0x3f: {  	_ =	shalt  }
0x40: {  	_ =	shalt  }
0x41: {  	_ =	shalt  }
0x42: {  	_ =	shalt  }
0x43: {  	_ =	shalt  }
0x44: {  	_ =	shalt  }
0x45: {  	_ =	shalt  }
0x46: {  	_ =	shalt  }
0x47: {  	_ =	shalt  }
0x48: {  	_ =	shalt  }
0x49: {  	_ =	shalt  }
0x4a: {  	_ =	shalt  }
0x4b: {  	_ =	shalt  }
0x4c: {  	_ =	shalt  }
0x4d: {  	_ =	shalt  }
0x4e: {  	_ =	shalt  }
0x4f: {  	_ =	shalt  }
0x50: {  	_ =	shalt  }
0x51: {  	_ =	shalt  }
0x52: {  	_ =	shalt  }
0x53: {  	_ =	shalt  }
0x54: {  	_ =	shalt  }
0x55: {  	_ =	shalt  }
0x56: {  	_ =	shalt  }
0x57: {  	_ =	shalt  }
0x58: {  	_ =	shalt  }
0x59: {  	_ =	shalt  }
0x5a: {  	_ =	shalt  }
0x5b: {  	_ =	shalt  }
0x5c: {  	_ =	shalt  }
0x5d: {  	_ =	shalt  }
0x5e: {  	_ =	shalt  }
0x5f: {  	_ =	shalt  }
0x60: {  	_ =	shalt  }
0x61: {  	_ =	shalt  }
0x62: {  	_ =	shalt  }
0x63: {  	_ =	shalt  }
0x64: {  	_ =	shalt  }
0x65: {  	_ =	shalt  }
0x66: {  	_ =	shalt  }
0x67: {  	_ =	shalt  }
0x68: {  	_ =	shalt  }
0x69: {  	_ =	shalt  }
0x6a: {  	_ =	shalt  }
0x6b: {  	_ =	shalt  }
0x6c: {  	_ =	shalt  }
0x6d: {  	_ =	shalt  }
0x6e: {  	_ =	shalt  }
0x6f: {  	_ =	shalt  }
0x70: {  	_ =	shalt  }
0x71: {  	_ =	shalt  }
0x72: {  	_ =	shalt  }
0x73: {  	_ =	shalt  }
0x74: {  	_ =	shalt  }
0x75: {  	_ =	shalt  }
0x76: {  	_ =	shalt  }
0x77: {  	_ =	shalt  }
0x78: {  	_ =	shalt  }
0x79: {  	_ =	shalt  }
0x7a: {  	_ =	shalt  }
0x7b: {  	_ =	shalt  }
0x7c: {  	_ =	shalt  }
0x7d: {  	_ =	shalt  }
0x7e: {  	_ =	shalt  }
0x7f: {  	_ =	shalt  }
0x80: {  	_ =	shalt  }
0x81: {  	_ =	shalt  }
0x82: {  	_ =	shalt  }
0x83: {  	_ =	shalt  }
0x84: {  	_ =	shalt  }
0x85: {  	_ =	shalt  }
0x86: {  	_ =	shalt  }
0x87: {  	_ =	shalt  }
.Lfunc_end0:
.L_simem_size_0:
called_computation.1_lowered:
.L_overlay_start_0:
0x88: {  	s2 =	sld [smem:$0x3FD9]  }
0x89: {  	s3 =	sld [smem:$0x3FFE];
	_ =	sdelay $0x1  }
0x8a: {  	s1 =	srdreg.scid  }
0x8b: {  	s0 =	sand.u32 $0x1, s1  }
0x8c: {  	s14 =	sshll.u32 s0, $0xA;
	s2 =	sadd.s32 s3, s2  }
0x8d: {  	s2 =	sadd.s32 s2, s14  }
0x8e: {  	[smem:$0x3FB9] =	sst s2  }
0x8f: {  	_ = 	snop  }
0x90: {  	s2 =	sld [smem:$0x3FD0];
	_ =	sdelay $0x2  }
0x91: {  	s15 =	simm.s32 $0xA;
	s4 =	simm.s32 $0x10  }
0x92: {  	[smem:s4], [sflag:s15] =	dma.local [hbm:s2], $0x1  }
0x93: {  	_ =	swait.eq [sflag:s15], $0x1  }
0x94: {  	[sflag:s15] =	ssyncset.done $0x0  }
0x95: {  	[sflag:s15] =	ssyncadd.s32 $0xFFFFFFFF  }
0x96: {  	s16 =	sld [smem:$0x11];
	(tm) =	ssettm $0x1  }
0x97: {  	s17 =	sld [smem:$0x3FFB];
	_ =	sdelay $0x3  }
0x98: {  	_ =	strace s17  }
0x99: {  	s3 =	sld [smem:$0x3FFC];
	_ =	sdelay $0x3  }
0x9a: {  	_ =	strace s3  }
0x9b: {  	s3 =	sld [smem:$0x3FFD];
	_ =	sdelay $0x3  }
0x9c: {  	_ =	strace s3  }
0x9d: {  	_ =	strace $0x8FFFFFFF  }
0x9e: {  	s18 =	sld [smem:$0x3FDB];
	_ =	sdelay $0x1  }
0x9f: {  	s19 =	simm.s32 $_scs_section_size  }
0xa0: {  	s5 =	simm.s32 $_size__tile_overlayer_lowered;
	s6 =	simm.s32 $_tile_overlayer_lowered  }
0xa1: {  	s22 =	simm.s32 $0x1BFF;
	s21 =	sshll.u32 s6, $0x1;
	s3 =	sadd.s32 s19, s18  }
0xa2: {  	s7 =	simm.s32 $0x0;
	s20 =	sshll.u32 s5, $0x1;
	s5 =	sadd.s32 s21, s3  }
0xa3: {  	[timem:s7], [sflag:s22] =	dma.local [hbm:s5], s20  }
0xa4: {  	_ =	swait.ge [sflag:s22], s20  }
0xa5: {  	s4 =	ssub.s32 $0x0, s20;
	[sflag:s22] =	ssyncset.done $0x0  }
0xa6: {  	[sflag:s22] =	ssyncadd.s32 s4;
	_ =	sdelay $0x1  }
0xa7: {  	s23 =	simm.s32 $0x1B8B  }
0xa8: {  	_ =	swait.ge [sflag:s23], $0x1  }
0xa9: {  	[sflag:s23] =	ssyncset.done $0x0  }
0xaa: {  	s25 =	simm.s32 $0x1B8E;
	s24 =	sld [smem:$0x3FFE];
	[sflag:s23] =	ssyncadd.s32 $0xFFFFFFFF  }
0xab: {  	s26 =	simm.s32 $execute0_lowered;
	[smem:$0x3FD2] =	sst s25  }
0xac: {  	s5 =	sshll.u32 s26, $0x1;
	_ =	strace $0x80000049;
	[dreg:$0x1] =	wrdreg $0xFFFFFFFF  }
0xad: {  	s28 =	simm.s32 $_size_execute0_lowered;
	s3 =	sadd.s32 s3, s5;
	[dreg:$0x0] =	wrdreg $0x0  }
0xae: {  	s5 =	sshll.u32 s28, $0x1;
	[dreg:$0x2] =	wrdreg s3  }
0xaf: {  	[dreg:$0x3] =	wrdreg s5  }
0xb0: {  	[dreg:$0x4] =	wrdreg $0xC0  }
0xb1: {  	_ =	task [dreg:s7], $0x5FFFF  }
0xb2: {  	[dreg:$0x1] =	wrdreg $0xFFFFFFFF  }
0xb3: {  	[dreg:$0x0] =	wrdreg $0x60  }
0xb4: {  	[dreg:$0x2] =	wrdreg s24  }
0xb5: {  	[dreg:$0x3] =	wrdreg s16  }
0xb6: {  	[dreg:$0x4] =	wrdreg $0xD8000  }
0xb7: {  	[dreg:$0x5] =	wrdreg $0x9  }
0xb8: {  	_ =	task.clear_ibuf [dreg:s7], $0x6FFFF;
	_ =	strace $0x90000049  }
0xb9: {  	s29 =	simm.s32 $0x9;
	_ =	strace $0x8000004B  }
0xba: {  	_ =	swait.ge [sflag:s29], $0x1  }
0xbb: {  	[sflag:s29] =	ssyncadd.s32 $0xFFFFFFFF  }
0xbc: {  	_ =	strace $0x9000004B  }
0xbd: {  	_ =	sfence  }
0xbe: {  	s30 =	sld [smem:$0x0];
	_ =	sdelay $0x2  }
0xbf: {  	s31 =	sshll.u32 s1, $0xD;
	s1 =	sshrl.u32 s1, $0x2  }
0xc0: {  	s3 =	sand.u32 $0x4000, s31;
	s1 =	sadd.s32 s1, s30  }
0xc1: {  	s0 =	sor.u32 s3, s0;
	s1 =	sshll.u32 s1, $0x11  }
0xc2: {  	s0 =	sor.u32 s1, s0  }
0xc3: {  	s0 =	sadd.s32 $0x8F2B, s0  }
0xc4: {  	[sflag:s0] =	ssyncadd.remote.s32 $0x1  }
0xc5: {  	_ =	sfence.sel $0xFFFF  }
0xc6: {  	[dreg:$0x0] =	wrdreg $0xFFFFFFFF;
	(pc) =	sbr.abs _section_cstart, $3  }
0xc7: {  	[dreg:$0x1] =	wrdreg $0xFFFFFFFF  }
0xc8: {  	_ =	task.clear_ibuf [dreg:s7], $0x2FFFF;
	_ =	strace $0x9FFFFFFF  }
0xc9: {  	(tm) =	ssettm $0x7FFFFFFF  }
tec
execute0_lowered:
.L_overlay_start_1:
0x0: {  	(tag) =	ssettag $0x1  }
0x1: {  	s6 =	rddreg [dreg:$0x0];
	s0 =	stileid.u32  }
0x2: {  	s2 =	rddreg [dreg:$0x1];
	s7 =	smul.u32 $0xC00, s0  }
0x3: {  	s3 =	rddreg [dreg:$0x2];
	s10 =	smul.u32 $0x28000, s0  }
0x4: {  	s5 =	srdreg.scid;
	s13 =	smul.u32 $0x27000, s0  }
0x5: {  	s4 =	simm.s32 $0x0;
	s21 =	simm.s32 $0x3;
	s14 =	smul.u32 $0x138, s0  }
0x6: {  	s22 =	simm.s32 $0x1800;
	s28 =	simm.s32 $0x0;
	s29 =	smul.u32 $0x1380, s0  }
0x7: {  	s11 =	sand.u32 $0x1, s5;
	[smem:$0x7FF] =	sst s4;
	s17 =	smul.u32 $0xA000, s0  }
0x8: {  	s5 =	sadd.s32 $0x8200, s6;
	s16 =	sadd.s32 $0x2F400, s6;
	s8 =	smul.u32 $0xC000, s11  }
0x9: {  	_ =	strace $0x8000004A;
	s23 =	ssub.s32 $0x2, s11;
	p0 =	seq.s32 s11, $0x1  }
0xa: {  	s9 =	sshrl.u32 s7, $0x3;
	s24 =	sshrl.u32 s23, $0x1;
	s25 =	sshrl.u32 s10, $0x2  }
0xb: {  	s26 =	sshrl.u32 s13, $0x2;
	s15 =	sadd.s32 $0x80, s14;
	s18 =	sadd.s32 $0x100, s14  }
0xc: {  	s17 =	sshrl.u32 s17, $0x3;
	s7 =	sadd.s32 s7, s8;
	s9 =	sadd.s32 s9, s6  }
0xd: {  	s20 =	ssub.s32 s23, s24;
	s11 =	sadd.s32 s26, s3;
	s30 =	sshll.u32 s15, $0x7  }
0xe: {  	s15 =	sshll.u32 s15, $0x4;
	s31 =	sshll.u32 s18, $0x7;
	s18 =	sshll.u32 s18, $0x4  }
0xf: {  	s19 =	sadd.s32 s16, s17;
	s23 =	simm.s32 $0x80;
	s24 =	simm.s32 $0x5800  }
0x10: {  	s26 =	simm.s32 $0x2;
	s7 =	sshrl.u32 s7, $0x3;
	s13 =	sadd.s32 s30, s3  }
0x11: {  	s14 =	sadd.s32 s16, s15;
	s15 =	sadd.s32 s31, s3;
	s17 =	sadd.s32 $0x13800, s19  }
0x12: {  	s20 =	smax.u32 s20, $0x1;
	s12 =	sadd.s32 s7, s6;
	s6 =	sadd.s32 $0x3A00, s9  }
0x13: {  	s7 =	sadd.s32 s25, s3;
	s25 =	simm.s32 $0x1;
	s8 =	sadd.s32 $0x5200, s12  }
0x14: {  	s9 =	sadd.s32 $0x4000, s7;
	s10 =	sadd.s32 $0x8000, s7;
	s12 =	sadd.s32 s16, s29  }
0x15: {  	s16 =	sadd.s32 s16, s18;
	s18 =	sadd.s32 $0x14000, s19;
	s19 =	sadd.s32 $0x14800, s19  }
.LBB2_1:
0x16: {  	[tilespmem:s4], [sflag:$0x3] =	stream.linear.gather [hbm4b:s6+s4], $0xA00, $0x38;
	[tilespmem:$0x17800] =	vst v63  }
0x17: {  	_ =	swait.ge [sflag:s21], $0xA00  }
0x18: {  	[sflag:s21] =	ssyncset.done $0x0  }
0x19: {  	s29 =	simm.s32 $0xC00;
	[sflag:s21] =	ssyncadd.s32 $0xFFFFF600  }
0x1a: {  	[tilespmem:s29], [sflag:$0x3] =	stream.linear.gather [hbm4b:s8+s4], $0xA00, $0x38;
	[tilespmem:$0x17800] =	vst v63  }
0x1b: {  	_ =	swait.ge [sflag:s21], $0xA00  }
0x1c: {  	[sflag:s21] =	ssyncset.done $0x0  }
0x1d: {  	[sflag:s21] =	ssyncadd.s32 $0xFFFFF600  }
0x1e: {  	[tilespmem:s22], [sflag:$0x3] =	stream.linear.gather [hbm4b:s2+s4], $0x4000, $0x38;
	[tilespmem:$0x17800] =	vst v63  }
0x1f: {  	_ =	swait.ge [sflag:s21], $0x4000  }
0x20: {  	[sflag:s21] =	ssyncset.done $0x0  }
0x21: {  	[sflag:s21] =	ssyncadd.s32 $0xFFFFC000  }
0x22: {  	[spmem:s7] =	stream.linear.scatter [tilespmem:s22], [sflag:$0x3], $0x4000, $0x38;
	[tilespmem:$0x17800] =	vst v63  }
0x23: {  	_ =	swait.ge [sflag:s21], $0x4000  }
0x24: {  	[sflag:s21] =	ssyncset.done $0x0  }
0x25: {  	[sflag:s21] =	ssyncadd.s32 $0xFFFFC000  }
0x26: {  	[spmem:s9] =	stream.linear.scatter [tilespmem:s22], [sflag:$0x3], $0x4000, $0x38;
	[tilespmem:$0x17800] =	vst v63  }
0x27: {  	_ =	swait.ge [sflag:s21], $0x4000  }
0x28: {  	[sflag:s21] =	ssyncset.done $0x0  }
0x29: {  	[sflag:s21] =	ssyncadd.s32 $0xFFFFC000  }
0x2a: {  	[spmem:s10] =	stream.linear.scatter [tilespmem:s22], [sflag:$0x3], $0x2000, $0x38;
	[tilespmem:$0x17800] =	vst v63  }
0x2b: {  	_ =	swait.ge [sflag:s21], $0x2000  }
0x2c: {  	[sflag:s21] =	ssyncset.done $0x0  }
0x2d: {  	[sflag:s21] =	ssyncadd.s32 $0xFFFFE000  }
0x2e: {  	[bflag:$0x0] =	sbarrier.arrive $0xFFFF  }
0x2f: {  	[tilespmem:s22], [sflag:$0x1] =	stream.indirect.gather [hbm4b:s5+s23], $0x80, s4, s23, $0xb8;
	[tilespmem:$0x17800] =	vst v63  }
0x30: {  	s30 =	simm.s32 $0x100;
	s31 =	simm.s32 $0x0  }
0x31: {  	[tilespmem:s24], [sflag:$0x1] =	stream.indirect.gather [hbm4b:s5+s23], $0x80, s23, s23, $0xb8;
	[tilespmem:$0x17800] =	vst v63  }
.LBB2_2:
0x32: {  	s0 =	smul.u32 $0xAB, s31;
	_ =	sdelay $0x1  }
0x33: {  	s0 =	sshrl.u32 s0, $0x9  }
0x34: {  	s0 =	sand.u32 $0x7F, s0  }
0x35: {  	s0 =	smul.u32 $0x3, s0;
	_ =	sdelay $0x1  }
0x36: {  	s0 =	ssub.s32 s31, s0  }
0x37: {  	_ =	swait.ge [sflag:s25], $0x4000;
	s0 =	sand.u32 $0xFF, s0  }
0x38: {  	[sflag:s25] =	ssyncset.done $0x0;
	s0 =	sshll.u32 s0, $0xE  }
0x39: {  	p1 =	seq.s32 s31, $0x0;
	[sflag:s25] =	ssyncadd.s32 $0xFFFFC000;
	s0 =	sor.u32 $0x1800, s0  }
0x3a: {  	[spmem:s3] =	stream.indirect.scatter.add.f32 [tilespmem:s0], [sflag:$0x2], $0x80, s29, s23, $0xb8;
	[tilespmem:$0x17800] =	vst v63  }
0x3b: {  	s0 =	simm.s32 @!p1 $0x2  }
0x3c: {  	p2 =	sgt.u32 @!p1 s31, $0x11;
	_ =	swait.ge @!p1 [sflag:s0], $0x4000  }
0x3d: {  	p2 =	por p1, !p2;
	[sflag:s0] =	ssyncset.done @!p1 $0x0  }
0x3e: {  	[sflag:s0] =	ssyncadd.s32 @!p1 $0xFFFFC000;
	s0 =	sadd.s32 @p2 $0x2, s31  }
0x3f: {  	s1 =	smul.u32 @p2 $0xAB, s0;
	_ =	sdelay $0x1  }
0x40: {  	s1 =	sshrl.u32 @p2 s1, $0x9  }
0x41: {  	s1 =	sand.u32 @p2 $0x7F, s1  }
0x42: {  	s1 =	smul.u32 @p2 $0x3, s1  }
0x43: {  	s31 =	sadd.s32 $0x1, s31  }
0x44: {  	p1 =	sne.s32 s31, $0x14;
	s0 =	ssub.s32 @p2 s0, s1  }
.Ltmp0:
0x45: {  	s0 =	sand.u32 @p2 $0xFF, s0;
	(pc) =	sbr.rel @p1 .LBB2_2-.Ltmp0, $4  }
0x46: {  	s0 =	sshll.u32 @p2 s0, $0xE  }
0x47: {  	s0 =	sor.u32 @p2 $0x1800, s0  }
0x48: {  	[tilespmem:s0], [sflag:$0x1] =	stream.indirect.gather @p2 [hbm4b:s5+s23], $0x80, s30, s23, $0xb8;
	[tilespmem:$0x17800] =	vst v63  }
0x49: {  	s29 =	sadd.s32 $0x80, s29;
	s30 =	sadd.s32 $0x80, s30  }
0x4a: {  	_ =	swait.ge [sflag:s26], $0x4000  }
0x4b: {  	[sflag:s26] =	ssyncset.done $0x0  }
0x4c: {  	[sflag:s26] =	ssyncadd.s32 $0xFFFFC000  }
0x4d: {  	s0 =	simm.s32 @p0 $0x1800;
	s1 =	simm.s32 @p0 $0x3;
	[bflag:$0x0] =	sbarrier.arrive $0xFFFF  }
0x4e: {  	[tilespmem:s0], [sflag:$0x3] =	stream.linear.gather @p0 [spmem:s7], $0x4000, $0x38;
	[tilespmem:$0x17800] =	vst v63  }
0x4f: {  	_ =	swait.ge @p0 [sflag:s1], $0x4000  }
0x50: {  	[sflag:s1] =	ssyncset.done @p0 $0x0  }
0x51: {  	s29 =	simm.s32 @p0 $0x0;
	[sflag:s1] =	ssyncadd.s32 @p0 $0xFFFFC000  }
0x52: {  	[hbm4b:s17+s29] =	stream.linear.scatter @p0 [tilespmem:s0], [sflag:$0x3], $0x4000, $0x38;
	[tilespmem:$0x17800] =	vst v63  }
0x53: {  	_ =	swait.ge @p0 [sflag:s1], $0x4000  }
0x54: {  	[sflag:s1] =	ssyncset.done @p0 $0x0  }
0x55: {  	s0 =	simm.s32 @p0 $0x5800;
	[sflag:s1] =	ssyncadd.s32 @p0 $0xFFFFC000  }
0x56: {  	[tilespmem:s0], [sflag:$0x3] =	stream.linear.gather @p0 [spmem:s9], $0x4000, $0x38;
	[tilespmem:$0x17800] =	vst v63  }
0x57: {  	_ =	swait.ge @p0 [sflag:s1], $0x4000  }
0x58: {  	[sflag:s1] =	ssyncset.done @p0 $0x0  }
0x59: {  	[sflag:s1] =	ssyncadd.s32 @p0 $0xFFFFC000  }
0x5a: {  	[hbm4b:s18+s29] =	stream.linear.scatter @p0 [tilespmem:s0], [sflag:$0x3], $0x4000, $0x38;
	[tilespmem:$0x17800] =	vst v63  }
0x5b: {  	_ =	swait.ge @p0 [sflag:s1], $0x4000  }
0x5c: {  	[sflag:s1] =	ssyncset.done @p0 $0x0  }
0x5d: {  	s0 =	simm.s32 @p0 $0x9800;
	[sflag:s1] =	ssyncadd.s32 @p0 $0xFFFFC000  }
0x5e: {  	[tilespmem:s0], [sflag:$0x3] =	stream.linear.gather @p0 [spmem:s10], $0x2000, $0x38;
	[tilespmem:$0x17800] =	vst v63  }
0x5f: {  	_ =	swait.ge @p0 [sflag:s1], $0x2000  }
0x60: {  	[sflag:s1] =	ssyncset.done @p0 $0x0  }
0x61: {  	[sflag:s1] =	ssyncadd.s32 @p0 $0xFFFFE000  }
0x62: {  	[hbm4b:s19+s29] =	stream.linear.scatter @p0 [tilespmem:s0], [sflag:$0x3], $0x2000, $0x38;
	[tilespmem:$0x17800] =	vst v63  }
0x63: {  	_ =	swait.ge @p0 [sflag:s1], $0x2000  }
0x64: {  	[sflag:s1] =	ssyncset.done @p0 $0x0  }
0x65: {  	s0 =	simm.s32 @!p0 $0x1800;
	[sflag:s1] =	ssyncadd.s32 @p0 $0xFFFFE000;
	s1 =	simm.s32 @!p0 $0x3  }
0x66: {  	[tilespmem:s0], [sflag:$0x3] =	stream.linear.gather @!p0 [spmem:s11], $0x4000, $0x38;
	[tilespmem:$0x17800] =	vst v63  }
0x67: {  	_ =	swait.ge @!p0 [sflag:s1], $0x4000  }
0x68: {  	[sflag:s1] =	ssyncset.done @!p0 $0x0  }
0x69: {  	s29 =	simm.s32 @!p0 $0x0;
	[sflag:s1] =	ssyncadd.s32 @!p0 $0xFFFFC000  }
0x6a: {  	[hbm4b:s12+s29] =	stream.linear.scatter @!p0 [tilespmem:s0], [sflag:$0x3], $0x4000, $0x38;
	[tilespmem:$0x17800] =	vst v63  }
0x6b: {  	_ =	swait.ge @!p0 [sflag:s1], $0x4000  }
0x6c: {  	[sflag:s1] =	ssyncset.done @!p0 $0x0  }
0x6d: {  	s0 =	simm.s32 @!p0 $0x5800;
	[sflag:s1] =	ssyncadd.s32 @!p0 $0xFFFFC000  }
0x6e: {  	[tilespmem:s0], [sflag:$0x3] =	stream.linear.gather @!p0 [spmem:s13], $0x4000, $0x38;
	[tilespmem:$0x17800] =	vst v63  }
0x6f: {  	_ =	swait.ge @!p0 [sflag:s1], $0x4000  }
0x70: {  	[sflag:s1] =	ssyncset.done @!p0 $0x0  }
0x71: {  	[sflag:s1] =	ssyncadd.s32 @!p0 $0xFFFFC000  }
0x72: {  	[hbm4b:s14+s29] =	stream.linear.scatter @!p0 [tilespmem:s0], [sflag:$0x3], $0x4000, $0x38;
	[tilespmem:$0x17800] =	vst v63  }
0x73: {  	_ =	swait.ge @!p0 [sflag:s1], $0x4000  }
0x74: {  	[sflag:s1] =	ssyncset.done @!p0 $0x0  }
0x75: {  	s0 =	simm.s32 @!p0 $0x9800;
	[sflag:s1] =	ssyncadd.s32 @!p0 $0xFFFFC000  }
0x76: {  	[tilespmem:s0], [sflag:$0x3] =	stream.linear.gather @!p0 [spmem:s15], $0x1C00, $0x38;
	[tilespmem:$0x17800] =	vst v63  }
0x77: {  	s28 =	sadd.s32 $0x1, s28;
	_ =	swait.ge @!p0 [sflag:s1], $0x1C00  }
0x78: {  	p1 =	sne.s32 s28, s20;
	[sflag:s1] =	ssyncset.done @!p0 $0x0  }
.Ltmp1:
0x79: {  	[sflag:s1] =	ssyncadd.s32 @!p0 $0xFFFFE400;
	(pc) =	sbr.rel @p1 .LBB2_1-.Ltmp1, $4  }
0x7a: {  	[hbm4b:s16+s29] =	stream.linear.scatter @!p0 [tilespmem:s0], [sflag:$0x3], $0x1C00, $0x38;
	[tilespmem:$0x17800] =	vst v63  }
0x7b: {  	_ =	swait.ge @!p0 [sflag:s1], $0x1C00  }
0x7c: {  	[sflag:s1] =	ssyncset.done @!p0 $0x0  }
0x7d: {  	[sflag:s1] =	ssyncadd.s32 @!p0 $0xFFFFE400  }
0x7e: {  	_ =	sfence.sel $0x180000  }
0x7f: {  	[bflag:$0x0] =	sbarrier.arrive $0xFFFF  }
0x80: {  	_ =	strace $0x9000004A  }
0x81: {  	s0 =	stileid.u32;
	[bflag:$0x2] =	sbarrier.arrive $0xFFFF  }
0x82: {  	p0 =	sne.s32 s0, $0x0;
	s0 =	rddreg [dreg:$0x3]  }
0x83: {  	s0 =	sadd.s32 @!p0 $0x100000, s0  }
0x84: {  	[sflag:s0] =	ssyncadd.tile.s32 @!p0 $0x1;
	_ =	shalt  }
.Lfunc_end2:
_tile_overlayer_lowered:
.L_overlay_start_2:
0x85: {  	(tag) =	ssettag $0x2  }
0x86: {  	s0 =	rddreg [dreg:$0x0];
	s2 =	stileid.u32  }
0x87: {  	s1 =	rddreg [dreg:$0x1];
	p0 =	sne.s32 s2, $0x0  }
0x88: {  	s3 =	rddreg [dreg:$0x2];
	[bflag:$0x3] =	sbarrier.arrive $0xFFFF;
	s2 =	simm.s32 @!p0 $0x1C03  }
0x89: {  	[timem:s3], [sflag:s2] =	dma.local @!p0 [hbm:s0], s1  }
0x8a: {  	s0 =	simm.s32 @!p0 $0x3  }
0x8b: {  	_ =	swait.ge @!p0 [sflag:s0], s1  }
0x8c: {  	s1 =	ssub.s32 @!p0 $0x0, s1;
	[sflag:s0] =	ssyncset.done @!p0 $0x0  }
0x8d: {  	[sflag:s0] =	ssyncadd.s32 @!p0 s1  }
0x8e: {  	[bflag:$0x3] =	sbarrier.arrive $0xFFFF  }
0x8f: {  	_ =	shalt  }

// kernel: kernel.15.cloned.1.call-start
scs
__scs_entry_jumppad:
0x0: {  	(pc) =	sbr.rel $0x88, $3  }
0x1: {  	(tag) =	ssettag $0x0;
	lr =	simm.s32 $0x1  }
0x2: {  	[smem:$0x3F92] =	sst lr;
	_ =	strace $0xD0000000  }
0x3: {  	_ = 	snop  }
0x4: {  	_ = 	snop  }
0x5: {  	_ = 	snop  }
0x6: {  	_ = 	snop  }
0x7: {  	_ = 	snop  }
__scs_overlays_trampoline_lowered:
0x8: {  	[smem:$0x3FA1] =	sst s0  }
0x9: {  	[smem:$0x3FA2] =	sst s1  }
0xa: {  	[smem:$0x3FA3] =	sst s2  }
0xb: {  	[smem:$0x3FA4] =	sst s3  }
0xc: {  	[smem:$0x3FA5] =	sst s4  }
0xd: {  	[smem:$0x3FA6] =	sst s5  }
0xe: {  	[smem:$0x3FA7] =	sst s6  }
0xf: {  	[smem:$0x3FA8] =	sst s7  }
0x10: {  	[smem:$0x3FA9] =	sst s8  }
0x11: {  	[smem:$0x3FAA] =	sst s9;
	s0 =	simm.s32 @!p0 $0x0  }
0x12: {  	s1 =	sld [smem:$0x3F90];
	s0 =	simm.s32 @p0 $0x1  }
0x13: {  	[smem:$0x3FAB] =	sst s0;
	s0 =	simm.s32 @!p1 $0x0  }
0x14: {  	s2 =	sld [smem:$0x3F8F];
	s0 =	simm.s32 @p1 $0x1  }
0x15: {  	[smem:$0x3FAC] =	sst s0;
	s0 =	simm.s32 @!p2 $0x0  }
0x16: {  	s3 =	sld [smem:$0x3FDB];
	s0 =	simm.s32 @p2 $0x1  }
0x17: {  	s4 =	simm.s32 $0x1BF5;
	[smem:$0x3FAE] =	sst s0  }
0x18: {  	s0 =	sld [smem:$0x3F91];
	_ =	swait.ge [sflag:s4], $0x0  }
0x19: {  	s7 =	sld [smem:$0x3F92]  }
0x1a: {  	s8 =	sadd.s32 $0xFFFFE003, lr  }
0x1b: {  	s9 =	sadd.s32 $0xFFFFFEF7, lr;
	s5 =	simm.s32 $0xFFFFFFFF;
	p2 =	slt.u32 s8, $0xFFFFF086  }
0x1c: {  	p1 =	slt.u32 s9, $0xF7A;
	s5 =	simm.s32 @!p2 $0x0  }
0x1d: {  	s5 =	simm.s32 @p1 $0x1;
	p0 =	seq.s32 s7, s2  }
0x1e: {  	s7 =	smul.u32 @!p0 $0xF7A, s2;
	p2 =	seq.s32 @!p0 s5, $0x0  }
0x1f: {  	s9 =	smul.u32 $0xF7A, s1;
	s8 =	simm.s32 @!p0 $0x1BF5;
	p2 =	por !p2, p0  }
0x20: {  	[sflag:s8] =	ssyncset.s32 @!p0 $0xFFFFF086;
	s6 =	sadd.s32 @!p0 s3, s7;
	s7 =	simm.s32 @!p0 $0x108  }
0x21: {  	s3 =	sadd.s32 s3, s9;
	s6 =	sadd.s32 @!p0 $0x88, s6;
	s7 =	simm.s32 @p2 $0x1082  }
0x22: {  	[simem:s7], [sflag:s8] =	dma.local @!p0 [hbm:s6], $0xF7A  }
0x23: {  	s9 =	sor.u32 $0xD0000000, s2;
	s6 =	simm.s32 $0x108;
	_ =	swait.ge @!p0 [sflag:s8], $0x0  }
0x24: {  	s3 =	sadd.s32 $0x88, s3;
	s6 =	simm.s32 @!p1 $0x1082;
	[sflag:s4] =	ssyncset.s32 $0xFFFFF086  }
0x25: {  	[simem:s6], [sflag:s4] =	dma.local [hbm:s3], $0xF7A  }
0x26: {  	[smem:$0x3F92] =	sst s1;
	(tag) =	ssettag s2;
	_ =	strace s9  }
0x27: {  	s1 =	sld [smem:$0x3FA2]  }
0x28: {  	s2 =	sld [smem:$0x3FA3]  }
0x29: {  	s4 =	sld [smem:$0x3FA5]  }
0x2a: {  	p0 =	seq.s32 s5, $0x0;
	s5 =	sld [smem:$0x3FA6]  }
0x2b: {  	s6 =	sld [smem:$0x3FA7]  }
0x2c: {  	s7 =	sld [smem:$0x3FA8]  }
0x2d: {  	s3 =	simm.s32 $0x108;
	s8 =	sld [smem:$0x3FA9]  }
0x2e: {  	s3 =	simm.s32 @!p0 $0x1082;
	s9 =	sld [smem:$0x3FAA]  }
0x2f: {  	lr =	sadd.s32 s0, s3;
	s0 =	sld [smem:$0x3FA1]  }
0x30: {  	s3 =	sld [smem:$0x3FA4]  }
0x31: {  	[smem:$0x3FAD] =	sst s10  }
0x32: {  	s10 =	sld [smem:$0x3FAB];
	_ =	sdelay $0x3  }
0x33: {  	p0 =	seq.s32 s10, $0x1;
	s10 =	sld [smem:$0x3FAD];
	_ =	sdelay $0x3  }
0x34: {  	[smem:$0x3FAD] =	sst s10  }
0x35: {  	s10 =	sld [smem:$0x3FAC];
	_ =	sdelay $0x3  }
0x36: {  	p1 =	seq.s32 s10, $0x1;
	s10 =	sld [smem:$0x3FAD];
	_ =	sdelay $0x3  }
0x37: {  	[smem:$0x3FAD] =	sst s10  }
0x38: {  	s10 =	sld [smem:$0x3FAE]  }
0x39: {  	_ = 	snop;
	(pc) =	sbr.ind lr, $3  }
0x3a: {  	_ = 	snop  }
0x3b: {  	_ = 	snop  }
0x3c: {  	p2 =	seq.s32 s10, $0x1;
	s10 =	sld [smem:$0x3FAD]  }
0x3d: {  	_ =	shalt  }
0x3e: {  	_ =	shalt  }
0x3f: {  	_ =	shalt  }
0x40: {  	_ =	shalt  }
0x41: {  	_ =	shalt  }
0x42: {  	_ =	shalt  }
0x43: {  	_ =	shalt  }
0x44: {  	_ =	shalt  }
0x45: {  	_ =	shalt  }
0x46: {  	_ =	shalt  }
0x47: {  	_ =	shalt  }
0x48: {  	_ =	shalt  }
0x49: {  	_ =	shalt  }
0x4a: {  	_ =	shalt  }
0x4b: {  	_ =	shalt  }
0x4c: {  	_ =	shalt  }
0x4d: {  	_ =	shalt  }
0x4e: {  	_ =	shalt  }
0x4f: {  	_ =	shalt  }
0x50: {  	_ =	shalt  }
0x51: {  	_ =	shalt  }
0x52: {  	_ =	shalt  }
0x53: {  	_ =	shalt  }
0x54: {  	_ =	shalt  }
0x55: {  	_ =	shalt  }
0x56: {  	_ =	shalt  }
0x57: {  	_ =	shalt  }
0x58: {  	_ =	shalt  }
0x59: {  	_ =	shalt  }
0x5a: {  	_ =	shalt  }
0x5b: {  	_ =	shalt  }
0x5c: {  	_ =	shalt  }
0x5d: {  	_ =	shalt  }
0x5e: {  	_ =	shalt  }
0x5f: {  	_ =	shalt  }
0x60: {  	_ =	shalt  }
0x61: {  	_ =	shalt  }
0x62: {  	_ =	shalt  }
0x63: {  	_ =	shalt  }
0x64: {  	_ =	shalt  }
0x65: {  	_ =	shalt  }
0x66: {  	_ =	shalt  }
0x67: {  	_ =	shalt  }
0x68: {  	_ =	shalt  }
0x69: {  	_ =	shalt  }
0x6a: {  	_ =	shalt  }
0x6b: {  	_ =	shalt  }
0x6c: {  	_ =	shalt  }
0x6d: {  	_ =	shalt  }
0x6e: {  	_ =	shalt  }
0x6f: {  	_ =	shalt  }
0x70: {  	_ =	shalt  }
0x71: {  	_ =	shalt  }
0x72: {  	_ =	shalt  }
0x73: {  	_ =	shalt  }
0x74: {  	_ =	shalt  }
0x75: {  	_ =	shalt  }
0x76: {  	_ =	shalt  }
0x77: {  	_ =	shalt  }
0x78: {  	_ =	shalt  }
0x79: {  	_ =	shalt  }
0x7a: {  	_ =	shalt  }
0x7b: {  	_ =	shalt  }
0x7c: {  	_ =	shalt  }
0x7d: {  	_ =	shalt  }
0x7e: {  	_ =	shalt  }
0x7f: {  	_ =	shalt  }
0x80: {  	_ =	shalt  }
0x81: {  	_ =	shalt  }
0x82: {  	_ =	shalt  }
0x83: {  	_ =	shalt  }
0x84: {  	_ =	shalt  }
0x85: {  	_ =	shalt  }
0x86: {  	_ =	shalt  }
0x87: {  	_ =	shalt  }
.Lfunc_end0:
.L_simem_size_0:
called_computation.2_lowered:
.L_overlay_start_0:
0x88: {  	s2 =	sld [smem:$0x3FD9]  }
0x89: {  	s3 =	sld [smem:$0x3FFE];
	_ =	sdelay $0x1  }
0x8a: {  	s1 =	srdreg.scid  }
0x8b: {  	s0 =	sand.u32 $0x1, s1  }
0x8c: {  	s14 =	sshll.u32 s0, $0xA;
	s2 =	sadd.s32 s3, s2  }
0x8d: {  	s2 =	sadd.s32 s2, s14  }
0x8e: {  	[smem:$0x3FB9] =	sst s2  }
0x8f: {  	_ = 	snop  }
0x90: {  	s2 =	sld [smem:$0x3FD0];
	_ =	sdelay $0x2  }
0x91: {  	s15 =	simm.s32 $0xA;
	s4 =	simm.s32 $0x10  }
0x92: {  	[smem:s4], [sflag:s15] =	dma.local [hbm:s2], $0x1  }
0x93: {  	_ =	swait.eq [sflag:s15], $0x1  }
0x94: {  	[sflag:s15] =	ssyncset.done $0x0  }
0x95: {  	[sflag:s15] =	ssyncadd.s32 $0xFFFFFFFF  }
0x96: {  	s16 =	sld [smem:$0x11];
	(tm) =	ssettm $0x1  }
0x97: {  	s17 =	sld [smem:$0x3FFB];
	_ =	sdelay $0x3  }
0x98: {  	_ =	strace s17  }
0x99: {  	s3 =	sld [smem:$0x3FFC];
	_ =	sdelay $0x3  }
0x9a: {  	_ =	strace s3  }
0x9b: {  	s3 =	sld [smem:$0x3FFD];
	_ =	sdelay $0x3  }
0x9c: {  	_ =	strace s3  }
0x9d: {  	_ =	strace $0x8FFFFFFF  }
0x9e: {  	s18 =	sld [smem:$0x3FDB];
	_ =	sdelay $0x1  }
0x9f: {  	s19 =	simm.s32 $_scs_section_size  }
0xa0: {  	s5 =	simm.s32 $_size__tile_overlayer_lowered;
	s6 =	simm.s32 $_tile_overlayer_lowered  }
0xa1: {  	s22 =	simm.s32 $0x1BFF;
	s21 =	sshll.u32 s6, $0x1;
	s3 =	sadd.s32 s19, s18  }
0xa2: {  	s7 =	simm.s32 $0x0;
	s20 =	sshll.u32 s5, $0x1;
	s5 =	sadd.s32 s21, s3  }
0xa3: {  	[timem:s7], [sflag:s22] =	dma.local [hbm:s5], s20  }
0xa4: {  	_ =	swait.ge [sflag:s22], s20  }
0xa5: {  	s4 =	ssub.s32 $0x0, s20;
	[sflag:s22] =	ssyncset.done $0x0  }
0xa6: {  	[sflag:s22] =	ssyncadd.s32 s4;
	_ =	sdelay $0x1  }
0xa7: {  	s23 =	simm.s32 $0x1B8B  }
0xa8: {  	_ =	swait.ge [sflag:s23], $0x1  }
0xa9: {  	[sflag:s23] =	ssyncset.done $0x0  }
0xaa: {  	s25 =	simm.s32 $0x1B8E;
	s24 =	sld [smem:$0x3FFE];
	[sflag:s23] =	ssyncadd.s32 $0xFFFFFFFF  }
0xab: {  	s26 =	simm.s32 $execute0_lowered;
	[smem:$0x3FD2] =	sst s25  }
0xac: {  	s5 =	sshll.u32 s26, $0x1;
	_ =	strace $0x8000004C;
	[dreg:$0x1] =	wrdreg $0xFFFFFFFF  }
0xad: {  	s28 =	simm.s32 $_size_execute0_lowered;
	s3 =	sadd.s32 s3, s5;
	[dreg:$0x0] =	wrdreg $0x0  }
0xae: {  	s5 =	sshll.u32 s28, $0x1;
	[dreg:$0x2] =	wrdreg s3  }
0xaf: {  	[dreg:$0x3] =	wrdreg s5  }
0xb0: {  	[dreg:$0x4] =	wrdreg $0xC0  }
0xb1: {  	_ =	task [dreg:s7], $0x5FFFF  }
0xb2: {  	[dreg:$0x1] =	wrdreg $0xFFFFFFFF  }
0xb3: {  	[dreg:$0x0] =	wrdreg $0x60  }
0xb4: {  	[dreg:$0x2] =	wrdreg s24  }
0xb5: {  	[dreg:$0x3] =	wrdreg s16  }
0xb6: {  	[dreg:$0x4] =	wrdreg $0xD8000  }
0xb7: {  	[dreg:$0x5] =	wrdreg $0x9  }
0xb8: {  	_ =	task.clear_ibuf [dreg:s7], $0x6FFFF;
	_ =	strace $0x9000004C  }
0xb9: {  	s29 =	simm.s32 $0x9;
	_ =	strace $0x8000004E  }
0xba: {  	_ =	swait.ge [sflag:s29], $0x1  }
0xbb: {  	[sflag:s29] =	ssyncadd.s32 $0xFFFFFFFF  }
0xbc: {  	_ =	strace $0x9000004E  }
0xbd: {  	_ =	sfence  }
0xbe: {  	s30 =	sld [smem:$0x0];
	_ =	sdelay $0x2  }
0xbf: {  	s31 =	sshll.u32 s1, $0xD;
	s1 =	sshrl.u32 s1, $0x2  }
0xc0: {  	s3 =	sand.u32 $0x4000, s31;
	s1 =	sadd.s32 s1, s30  }
0xc1: {  	s0 =	sor.u32 s3, s0;
	s1 =	sshll.u32 s1, $0x11  }
0xc2: {  	s0 =	sor.u32 s1, s0  }
0xc3: {  	s0 =	sadd.s32 $0x8F2B, s0  }
0xc4: {  	[sflag:s0] =	ssyncadd.remote.s32 $0x1  }
0xc5: {  	_ =	sfence.sel $0xFFFF  }
0xc6: {  	[dreg:$0x0] =	wrdreg $0xFFFFFFFF;
	(pc) =	sbr.abs _section_cstart, $3  }
0xc7: {  	[dreg:$0x1] =	wrdreg $0xFFFFFFFF  }
0xc8: {  	_ =	task.clear_ibuf [dreg:s7], $0x2FFFF;
	_ =	strace $0x9FFFFFFF  }
0xc9: {  	(tm) =	ssettm $0x7FFFFFFF  }
tec
execute0_lowered:
.L_overlay_start_1:
0x0: {  	(tag) =	ssettag $0x1  }
0x1: {  	s6 =	rddreg [dreg:$0x0];
	s0 =	stileid.u32  }
0x2: {  	s2 =	rddreg [dreg:$0x1];
	s7 =	smul.u32 $0xC00, s0  }
0x3: {  	s3 =	rddreg [dreg:$0x2];
	s10 =	smul.u32 $0x28000, s0  }
0x4: {  	s5 =	srdreg.scid;
	s13 =	smul.u32 $0x27000, s0  }
0x5: {  	s4 =	simm.s32 $0x0;
	s21 =	simm.s32 $0x3;
	s14 =	smul.u32 $0x138, s0  }
0x6: {  	s22 =	simm.s32 $0x1800;
	s28 =	simm.s32 $0x0;
	s29 =	smul.u32 $0x1380, s0  }
0x7: {  	s11 =	sand.u32 $0x1, s5;
	[smem:$0x7FF] =	sst s4;
	s17 =	smul.u32 $0xA000, s0  }
0x8: {  	s5 =	sadd.s32 $0x8200, s6;
	s16 =	sadd.s32 $0x2F400, s6;
	s8 =	smul.u32 $0xC000, s11  }
0x9: {  	_ =	strace $0x8000004D;
	s23 =	ssub.s32 $0x2, s11;
	p0 =	seq.s32 s11, $0x1  }
0xa: {  	s9 =	sshrl.u32 s7, $0x3;
	s24 =	sshrl.u32 s23, $0x1;
	s25 =	sshrl.u32 s10, $0x2  }
0xb: {  	s26 =	sshrl.u32 s13, $0x2;
	s15 =	sadd.s32 $0x80, s14;
	s18 =	sadd.s32 $0x100, s14  }
0xc: {  	s17 =	sshrl.u32 s17, $0x3;
	s7 =	sadd.s32 s7, s8;
	s9 =	sadd.s32 s9, s6  }
0xd: {  	s20 =	ssub.s32 s23, s24;
	s11 =	sadd.s32 s26, s3;
	s30 =	sshll.u32 s15, $0x7  }
0xe: {  	s15 =	sshll.u32 s15, $0x4;
	s31 =	sshll.u32 s18, $0x7;
	s18 =	sshll.u32 s18, $0x4  }
0xf: {  	s19 =	sadd.s32 s16, s17;
	s23 =	simm.s32 $0x80;
	s24 =	simm.s32 $0x5800  }
0x10: {  	s26 =	simm.s32 $0x2;
	s7 =	sshrl.u32 s7, $0x3;
	s13 =	sadd.s32 s30, s3  }
0x11: {  	s14 =	sadd.s32 s16, s15;
	s15 =	sadd.s32 s31, s3;
	s17 =	sadd.s32 $0x13800, s19  }
0x12: {  	s20 =	smax.u32 s20, $0x1;
	s12 =	sadd.s32 s7, s6;
	s6 =	sadd.s32 $0x3A00, s9  }
0x13: {  	s7 =	sadd.s32 s25, s3;
	s25 =	simm.s32 $0x1;
	s8 =	sadd.s32 $0x5200, s12  }
0x14: {  	s9 =	sadd.s32 $0x4000, s7;
	s10 =	sadd.s32 $0x8000, s7;
	s12 =	sadd.s32 s16, s29  }
0x15: {  	s16 =	sadd.s32 s16, s18;
	s18 =	sadd.s32 $0x14000, s19;
	s19 =	sadd.s32 $0x14800, s19  }
.LBB2_1:
0x16: {  	[tilespmem:s4], [sflag:$0x3] =	stream.linear.gather [hbm4b:s6+s4], $0xA00, $0x38;
	[tilespmem:$0x17800] =	vst v63  }
0x17: {  	_ =	swait.ge [sflag:s21], $0xA00  }
0x18: {  	[sflag:s21] =	ssyncset.done $0x0  }
0x19: {  	s29 =	simm.s32 $0xC00;
	[sflag:s21] =	ssyncadd.s32 $0xFFFFF600  }
0x1a: {  	[tilespmem:s29], [sflag:$0x3] =	stream.linear.gather [hbm4b:s8+s4], $0xA00, $0x38;
	[tilespmem:$0x17800] =	vst v63  }
0x1b: {  	_ =	swait.ge [sflag:s21], $0xA00  }
0x1c: {  	[sflag:s21] =	ssyncset.done $0x0  }
0x1d: {  	[sflag:s21] =	ssyncadd.s32 $0xFFFFF600  }
0x1e: {  	[tilespmem:s22], [sflag:$0x3] =	stream.linear.gather [hbm4b:s2+s4], $0x4000, $0x38;
	[tilespmem:$0x17800] =	vst v63  }
0x1f: {  	_ =	swait.ge [sflag:s21], $0x4000  }
0x20: {  	[sflag:s21] =	ssyncset.done $0x0  }
0x21: {  	[sflag:s21] =	ssyncadd.s32 $0xFFFFC000  }
0x22: {  	[spmem:s7] =	stream.linear.scatter [tilespmem:s22], [sflag:$0x3], $0x4000, $0x38;
	[tilespmem:$0x17800] =	vst v63  }
0x23: {  	_ =	swait.ge [sflag:s21], $0x4000  }
0x24: {  	[sflag:s21] =	ssyncset.done $0x0  }
0x25: {  	[sflag:s21] =	ssyncadd.s32 $0xFFFFC000  }
0x26: {  	[spmem:s9] =	stream.linear.scatter [tilespmem:s22], [sflag:$0x3], $0x4000, $0x38;
	[tilespmem:$0x17800] =	vst v63  }
0x27: {  	_ =	swait.ge [sflag:s21], $0x4000  }
0x28: {  	[sflag:s21] =	ssyncset.done $0x0  }
0x29: {  	[sflag:s21] =	ssyncadd.s32 $0xFFFFC000  }
0x2a: {  	[spmem:s10] =	stream.linear.scatter [tilespmem:s22], [sflag:$0x3], $0x2000, $0x38;
	[tilespmem:$0x17800] =	vst v63  }
0x2b: {  	_ =	swait.ge [sflag:s21], $0x2000  }
0x2c: {  	[sflag:s21] =	ssyncset.done $0x0  }
0x2d: {  	[sflag:s21] =	ssyncadd.s32 $0xFFFFE000  }
0x2e: {  	[bflag:$0x0] =	sbarrier.arrive $0xFFFF  }
0x2f: {  	[tilespmem:s22], [sflag:$0x1] =	stream.indirect.gather [hbm4b:s5+s23], $0x80, s4, s23, $0xb8;
	[tilespmem:$0x17800] =	vst v63  }
0x30: {  	s30 =	simm.s32 $0x100;
	s31 =	simm.s32 $0x0  }
0x31: {  	[tilespmem:s24], [sflag:$0x1] =	stream.indirect.gather [hbm4b:s5+s23], $0x80, s23, s23, $0xb8;
	[tilespmem:$0x17800] =	vst v63  }
.LBB2_2:
0x32: {  	s0 =	smul.u32 $0xAB, s31;
	_ =	sdelay $0x1  }
0x33: {  	s0 =	sshrl.u32 s0, $0x9  }
0x34: {  	s0 =	sand.u32 $0x7F, s0  }
0x35: {  	s0 =	smul.u32 $0x3, s0;
	_ =	sdelay $0x1  }
0x36: {  	s0 =	ssub.s32 s31, s0  }
0x37: {  	_ =	swait.ge [sflag:s25], $0x4000;
	s0 =	sand.u32 $0xFF, s0  }
0x38: {  	[sflag:s25] =	ssyncset.done $0x0;
	s0 =	sshll.u32 s0, $0xE  }
0x39: {  	p1 =	seq.s32 s31, $0x0;
	[sflag:s25] =	ssyncadd.s32 $0xFFFFC000;
	s0 =	sor.u32 $0x1800, s0  }
0x3a: {  	[spmem:s3] =	stream.indirect.scatter.add.f32 [tilespmem:s0], [sflag:$0x2], $0x80, s29, s23, $0xb8;
	[tilespmem:$0x17800] =	vst v63  }
0x3b: {  	s0 =	simm.s32 @!p1 $0x2  }
0x3c: {  	p2 =	sgt.u32 @!p1 s31, $0x11;
	_ =	swait.ge @!p1 [sflag:s0], $0x4000  }
0x3d: {  	p2 =	por p1, !p2;
	[sflag:s0] =	ssyncset.done @!p1 $0x0  }
0x3e: {  	[sflag:s0] =	ssyncadd.s32 @!p1 $0xFFFFC000;
	s0 =	sadd.s32 @p2 $0x2, s31  }
0x3f: {  	s1 =	smul.u32 @p2 $0xAB, s0;
	_ =	sdelay $0x1  }
0x40: {  	s1 =	sshrl.u32 @p2 s1, $0x9  }
0x41: {  	s1 =	sand.u32 @p2 $0x7F, s1  }
0x42: {  	s1 =	smul.u32 @p2 $0x3, s1  }
0x43: {  	s31 =	sadd.s32 $0x1, s31  }
0x44: {  	p1 =	sne.s32 s31, $0x14;
	s0 =	ssub.s32 @p2 s0, s1  }
.Ltmp0:
0x45: {  	s0 =	sand.u32 @p2 $0xFF, s0;
	(pc) =	sbr.rel @p1 .LBB2_2-.Ltmp0, $4  }
0x46: {  	s0 =	sshll.u32 @p2 s0, $0xE  }
0x47: {  	s0 =	sor.u32 @p2 $0x1800, s0  }
0x48: {  	[tilespmem:s0], [sflag:$0x1] =	stream.indirect.gather @p2 [hbm4b:s5+s23], $0x80, s30, s23, $0xb8;
	[tilespmem:$0x17800] =	vst v63  }
0x49: {  	s29 =	sadd.s32 $0x80, s29;
	s30 =	sadd.s32 $0x80, s30  }
0x4a: {  	_ =	swait.ge [sflag:s26], $0x4000  }
0x4b: {  	[sflag:s26] =	ssyncset.done $0x0  }
0x4c: {  	[sflag:s26] =	ssyncadd.s32 $0xFFFFC000  }
0x4d: {  	s0 =	simm.s32 @p0 $0x1800;
	s1 =	simm.s32 @p0 $0x3;
	[bflag:$0x0] =	sbarrier.arrive $0xFFFF  }
0x4e: {  	[tilespmem:s0], [sflag:$0x3] =	stream.linear.gather @p0 [spmem:s7], $0x4000, $0x38;
	[tilespmem:$0x17800] =	vst v63  }
0x4f: {  	_ =	swait.ge @p0 [sflag:s1], $0x4000  }
0x50: {  	[sflag:s1] =	ssyncset.done @p0 $0x0  }
0x51: {  	s29 =	simm.s32 @p0 $0x0;
	[sflag:s1] =	ssyncadd.s32 @p0 $0xFFFFC000  }
0x52: {  	[hbm4b:s17+s29] =	stream.linear.scatter @p0 [tilespmem:s0], [sflag:$0x3], $0x4000, $0x38;
	[tilespmem:$0x17800] =	vst v63  }
0x53: {  	_ =	swait.ge @p0 [sflag:s1], $0x4000  }
0x54: {  	[sflag:s1] =	ssyncset.done @p0 $0x0  }
0x55: {  	s0 =	simm.s32 @p0 $0x5800;
	[sflag:s1] =	ssyncadd.s32 @p0 $0xFFFFC000  }
0x56: {  	[tilespmem:s0], [sflag:$0x3] =	stream.linear.gather @p0 [spmem:s9], $0x4000, $0x38;
	[tilespmem:$0x17800] =	vst v63  }
0x57: {  	_ =	swait.ge @p0 [sflag:s1], $0x4000  }
0x58: {  	[sflag:s1] =	ssyncset.done @p0 $0x0  }
0x59: {  	[sflag:s1] =	ssyncadd.s32 @p0 $0xFFFFC000  }
0x5a: {  	[hbm4b:s18+s29] =	stream.linear.scatter @p0 [tilespmem:s0], [sflag:$0x3], $0x4000, $0x38;
	[tilespmem:$0x17800] =	vst v63  }
0x5b: {  	_ =	swait.ge @p0 [sflag:s1], $0x4000  }
0x5c: {  	[sflag:s1] =	ssyncset.done @p0 $0x0  }
0x5d: {  	s0 =	simm.s32 @p0 $0x9800;
	[sflag:s1] =	ssyncadd.s32 @p0 $0xFFFFC000  }
0x5e: {  	[tilespmem:s0], [sflag:$0x3] =	stream.linear.gather @p0 [spmem:s10], $0x2000, $0x38;
	[tilespmem:$0x17800] =	vst v63  }
0x5f: {  	_ =	swait.ge @p0 [sflag:s1], $0x2000  }
0x60: {  	[sflag:s1] =	ssyncset.done @p0 $0x0  }
0x61: {  	[sflag:s1] =	ssyncadd.s32 @p0 $0xFFFFE000  }
0x62: {  	[hbm4b:s19+s29] =	stream.linear.scatter @p0 [tilespmem:s0], [sflag:$0x3], $0x2000, $0x38;
	[tilespmem:$0x17800] =	vst v63  }
0x63: {  	_ =	swait.ge @p0 [sflag:s1], $0x2000  }
0x64: {  	[sflag:s1] =	ssyncset.done @p0 $0x0  }
0x65: {  	s0 =	simm.s32 @!p0 $0x1800;
	[sflag:s1] =	ssyncadd.s32 @p0 $0xFFFFE000;
	s1 =	simm.s32 @!p0 $0x3  }
0x66: {  	[tilespmem:s0], [sflag:$0x3] =	stream.linear.gather @!p0 [spmem:s11], $0x4000, $0x38;
	[tilespmem:$0x17800] =	vst v63  }
0x67: {  	_ =	swait.ge @!p0 [sflag:s1], $0x4000  }
0x68: {  	[sflag:s1] =	ssyncset.done @!p0 $0x0  }
0x69: {  	s29 =	simm.s32 @!p0 $0x0;
	[sflag:s1] =	ssyncadd.s32 @!p0 $0xFFFFC000  }
0x6a: {  	[hbm4b:s12+s29] =	stream.linear.scatter @!p0 [tilespmem:s0], [sflag:$0x3], $0x4000, $0x38;
	[tilespmem:$0x17800] =	vst v63  }
0x6b: {  	_ =	swait.ge @!p0 [sflag:s1], $0x4000  }
0x6c: {  	[sflag:s1] =	ssyncset.done @!p0 $0x0  }
0x6d: {  	s0 =	simm.s32 @!p0 $0x5800;
	[sflag:s1] =	ssyncadd.s32 @!p0 $0xFFFFC000  }
0x6e: {  	[tilespmem:s0], [sflag:$0x3] =	stream.linear.gather @!p0 [spmem:s13], $0x4000, $0x38;
	[tilespmem:$0x17800] =	vst v63  }
0x6f: {  	_ =	swait.ge @!p0 [sflag:s1], $0x4000  }
0x70: {  	[sflag:s1] =	ssyncset.done @!p0 $0x0  }
0x71: {  	[sflag:s1] =	ssyncadd.s32 @!p0 $0xFFFFC000  }
0x72: {  	[hbm4b:s14+s29] =	stream.linear.scatter @!p0 [tilespmem:s0], [sflag:$0x3], $0x4000, $0x38;
	[tilespmem:$0x17800] =	vst v63  }
0x73: {  	_ =	swait.ge @!p0 [sflag:s1], $0x4000  }
0x74: {  	[sflag:s1] =	ssyncset.done @!p0 $0x0  }
0x75: {  	s0 =	simm.s32 @!p0 $0x9800;
	[sflag:s1] =	ssyncadd.s32 @!p0 $0xFFFFC000  }
0x76: {  	[tilespmem:s0], [sflag:$0x3] =	stream.linear.gather @!p0 [spmem:s15], $0x1C00, $0x38;
	[tilespmem:$0x17800] =	vst v63  }
0x77: {  	s28 =	sadd.s32 $0x1, s28;
	_ =	swait.ge @!p0 [sflag:s1], $0x1C00  }
0x78: {  	p1 =	sne.s32 s28, s20;
	[sflag:s1] =	ssyncset.done @!p0 $0x0  }
.Ltmp1:
0x79: {  	[sflag:s1] =	ssyncadd.s32 @!p0 $0xFFFFE400;
	(pc) =	sbr.rel @p1 .LBB2_1-.Ltmp1, $4  }
0x7a: {  	[hbm4b:s16+s29] =	stream.linear.scatter @!p0 [tilespmem:s0], [sflag:$0x3], $0x1C00, $0x38;
	[tilespmem:$0x17800] =	vst v63  }
0x7b: {  	_ =	swait.ge @!p0 [sflag:s1], $0x1C00  }
0x7c: {  	[sflag:s1] =	ssyncset.done @!p0 $0x0  }
0x7d: {  	[sflag:s1] =	ssyncadd.s32 @!p0 $0xFFFFE400  }
0x7e: {  	_ =	sfence.sel $0x180000  }
0x7f: {  	[bflag:$0x0] =	sbarrier.arrive $0xFFFF  }
0x80: {  	_ =	strace $0x9000004D  }
0x81: {  	s0 =	stileid.u32;
	[bflag:$0x2] =	sbarrier.arrive $0xFFFF  }
0x82: {  	p0 =	sne.s32 s0, $0x0;
	s0 =	rddreg [dreg:$0x3]  }
0x83: {  	s0 =	sadd.s32 @!p0 $0x100000, s0  }
0x84: {  	[sflag:s0] =	ssyncadd.tile.s32 @!p0 $0x1;
	_ =	shalt  }
.Lfunc_end2:
_tile_overlayer_lowered:
.L_overlay_start_2:
0x85: {  	(tag) =	ssettag $0x2  }
0x86: {  	s0 =	rddreg [dreg:$0x0];
	s2 =	stileid.u32  }
0x87: {  	s1 =	rddreg [dreg:$0x1];
	p0 =	sne.s32 s2, $0x0  }
0x88: {  	s3 =	rddreg [dreg:$0x2];
	[bflag:$0x3] =	sbarrier.arrive $0xFFFF;
	s2 =	simm.s32 @!p0 $0x1C03  }
0x89: {  	[timem:s3], [sflag:s2] =	dma.local @!p0 [hbm:s0], s1  }
0x8a: {  	s0 =	simm.s32 @!p0 $0x3  }
0x8b: {  	_ =	swait.ge @!p0 [sflag:s0], s1  }
0x8c: {  	s1 =	ssub.s32 @!p0 $0x0, s1;
	[sflag:s0] =	ssyncset.done @!p0 $0x0  }
0x8d: {  	[sflag:s0] =	ssyncadd.s32 @!p0 s1  }
0x8e: {  	[bflag:$0x3] =	sbarrier.arrive $0xFFFF  }
0x8f: {  	_ =	shalt  }

// kernel: kernel.9.cloned.1.call-start
scs
__scs_entry_jumppad:
0x0: {  	(pc) =	sbr.rel $0x88, $3  }
0x1: {  	(tag) =	ssettag $0x0;
	lr =	simm.s32 $0x1  }
0x2: {  	[smem:$0x3F92] =	sst lr;
	_ =	strace $0xD0000000  }
0x3: {  	_ = 	snop  }
0x4: {  	_ = 	snop  }
0x5: {  	_ = 	snop  }
0x6: {  	_ = 	snop  }
0x7: {  	_ = 	snop  }
__scs_overlays_trampoline_lowered:
0x8: {  	[smem:$0x3FA1] =	sst s0  }
0x9: {  	[smem:$0x3FA2] =	sst s1  }
0xa: {  	[smem:$0x3FA3] =	sst s2  }
0xb: {  	[smem:$0x3FA4] =	sst s3  }
0xc: {  	[smem:$0x3FA5] =	sst s4  }
0xd: {  	[smem:$0x3FA6] =	sst s5  }
0xe: {  	[smem:$0x3FA7] =	sst s6  }
0xf: {  	[smem:$0x3FA8] =	sst s7  }
0x10: {  	[smem:$0x3FA9] =	sst s8  }
0x11: {  	[smem:$0x3FAA] =	sst s9;
	s0 =	simm.s32 @!p0 $0x0  }
0x12: {  	s1 =	sld [smem:$0x3F90];
	s0 =	simm.s32 @p0 $0x1  }
0x13: {  	[smem:$0x3FAB] =	sst s0;
	s0 =	simm.s32 @!p1 $0x0  }
0x14: {  	s2 =	sld [smem:$0x3F8F];
	s0 =	simm.s32 @p1 $0x1  }
0x15: {  	[smem:$0x3FAC] =	sst s0;
	s0 =	simm.s32 @!p2 $0x0  }
0x16: {  	s3 =	sld [smem:$0x3FDB];
	s0 =	simm.s32 @p2 $0x1  }
0x17: {  	s4 =	simm.s32 $0x1BF5;
	[smem:$0x3FAE] =	sst s0  }
0x18: {  	s0 =	sld [smem:$0x3F91];
	_ =	swait.ge [sflag:s4], $0x0  }
0x19: {  	s7 =	sld [smem:$0x3F92]  }
0x1a: {  	s8 =	sadd.s32 $0xFFFFE003, lr  }
0x1b: {  	s9 =	sadd.s32 $0xFFFFFEF7, lr;
	s5 =	simm.s32 $0xFFFFFFFF;
	p2 =	slt.u32 s8, $0xFFFFF086  }
0x1c: {  	p1 =	slt.u32 s9, $0xF7A;
	s5 =	simm.s32 @!p2 $0x0  }
0x1d: {  	s5 =	simm.s32 @p1 $0x1;
	p0 =	seq.s32 s7, s2  }
0x1e: {  	s7 =	smul.u32 @!p0 $0xF7A, s2;
	p2 =	seq.s32 @!p0 s5, $0x0  }
0x1f: {  	s9 =	smul.u32 $0xF7A, s1;
	s8 =	simm.s32 @!p0 $0x1BF5;
	p2 =	por !p2, p0  }
0x20: {  	[sflag:s8] =	ssyncset.s32 @!p0 $0xFFFFF086;
	s6 =	sadd.s32 @!p0 s3, s7;
	s7 =	simm.s32 @!p0 $0x108  }
0x21: {  	s3 =	sadd.s32 s3, s9;
	s6 =	sadd.s32 @!p0 $0x88, s6;
	s7 =	simm.s32 @p2 $0x1082  }
0x22: {  	[simem:s7], [sflag:s8] =	dma.local @!p0 [hbm:s6], $0xF7A  }
0x23: {  	s9 =	sor.u32 $0xD0000000, s2;
	s6 =	simm.s32 $0x108;
	_ =	swait.ge @!p0 [sflag:s8], $0x0  }
0x24: {  	s3 =	sadd.s32 $0x88, s3;
	s6 =	simm.s32 @!p1 $0x1082;
	[sflag:s4] =	ssyncset.s32 $0xFFFFF086  }
0x25: {  	[simem:s6], [sflag:s4] =	dma.local [hbm:s3], $0xF7A  }
0x26: {  	[smem:$0x3F92] =	sst s1;
	(tag) =	ssettag s2;
	_ =	strace s9  }
0x27: {  	s1 =	sld [smem:$0x3FA2]  }
0x28: {  	s2 =	sld [smem:$0x3FA3]  }
0x29: {  	s4 =	sld [smem:$0x3FA5]  }
0x2a: {  	p0 =	seq.s32 s5, $0x0;
	s5 =	sld [smem:$0x3FA6]  }
0x2b: {  	s6 =	sld [smem:$0x3FA7]  }
0x2c: {  	s7 =	sld [smem:$0x3FA8]  }
0x2d: {  	s3 =	simm.s32 $0x108;
	s8 =	sld [smem:$0x3FA9]  }
0x2e: {  	s3 =	simm.s32 @!p0 $0x1082;
	s9 =	sld [smem:$0x3FAA]  }
0x2f: {  	lr =	sadd.s32 s0, s3;
	s0 =	sld [smem:$0x3FA1]  }
0x30: {  	s3 =	sld [smem:$0x3FA4]  }
0x31: {  	[smem:$0x3FAD] =	sst s10  }
0x32: {  	s10 =	sld [smem:$0x3FAB];
	_ =	sdelay $0x3  }
0x33: {  	p0 =	seq.s32 s10, $0x1;
	s10 =	sld [smem:$0x3FAD];
	_ =	sdelay $0x3  }
0x34: {  	[smem:$0x3FAD] =	sst s10  }
0x35: {  	s10 =	sld [smem:$0x3FAC];
	_ =	sdelay $0x3  }
0x36: {  	p1 =	seq.s32 s10, $0x1;
	s10 =	sld [smem:$0x3FAD];
	_ =	sdelay $0x3  }
0x37: {  	[smem:$0x3FAD] =	sst s10  }
0x38: {  	s10 =	sld [smem:$0x3FAE]  }
0x39: {  	_ = 	snop;
	(pc) =	sbr.ind lr, $3  }
0x3a: {  	_ = 	snop  }
0x3b: {  	_ = 	snop  }
0x3c: {  	p2 =	seq.s32 s10, $0x1;
	s10 =	sld [smem:$0x3FAD]  }
0x3d: {  	_ =	shalt  }
0x3e: {  	_ =	shalt  }
0x3f: {  	_ =	shalt  }
0x40: {  	_ =	shalt  }
0x41: {  	_ =	shalt  }
0x42: {  	_ =	shalt  }
0x43: {  	_ =	shalt  }
0x44: {  	_ =	shalt  }
0x45: {  	_ =	shalt  }
0x46: {  	_ =	shalt  }
0x47: {  	_ =	shalt  }
0x48: {  	_ =	shalt  }
0x49: {  	_ =	shalt  }
0x4a: {  	_ =	shalt  }
0x4b: {  	_ =	shalt  }
0x4c: {  	_ =	shalt  }
0x4d: {  	_ =	shalt  }
0x4e: {  	_ =	shalt  }
0x4f: {  	_ =	shalt  }
0x50: {  	_ =	shalt  }
0x51: {  	_ =	shalt  }
0x52: {  	_ =	shalt  }
0x53: {  	_ =	shalt  }
0x54: {  	_ =	shalt  }
0x55: {  	_ =	shalt  }
0x56: {  	_ =	shalt  }
0x57: {  	_ =	shalt  }
0x58: {  	_ =	shalt  }
0x59: {  	_ =	shalt  }
0x5a: {  	_ =	shalt  }
0x5b: {  	_ =	shalt  }
0x5c: {  	_ =	shalt  }
0x5d: {  	_ =	shalt  }
0x5e: {  	_ =	shalt  }
0x5f: {  	_ =	shalt  }
0x60: {  	_ =	shalt  }
0x61: {  	_ =	shalt  }
0x62: {  	_ =	shalt  }
0x63: {  	_ =	shalt  }
0x64: {  	_ =	shalt  }
0x65: {  	_ =	shalt  }
0x66: {  	_ =	shalt  }
0x67: {  	_ =	shalt  }
0x68: {  	_ =	shalt  }
0x69: {  	_ =	shalt  }
0x6a: {  	_ =	shalt  }
0x6b: {  	_ =	shalt  }
0x6c: {  	_ =	shalt  }
0x6d: {  	_ =	shalt  }
0x6e: {  	_ =	shalt  }
0x6f: {  	_ =	shalt  }
0x70: {  	_ =	shalt  }
0x71: {  	_ =	shalt  }
0x72: {  	_ =	shalt  }
0x73: {  	_ =	shalt  }
0x74: {  	_ =	shalt  }
0x75: {  	_ =	shalt  }
0x76: {  	_ =	shalt  }
0x77: {  	_ =	shalt  }
0x78: {  	_ =	shalt  }
0x79: {  	_ =	shalt  }
0x7a: {  	_ =	shalt  }
0x7b: {  	_ =	shalt  }
0x7c: {  	_ =	shalt  }
0x7d: {  	_ =	shalt  }
0x7e: {  	_ =	shalt  }
0x7f: {  	_ =	shalt  }
0x80: {  	_ =	shalt  }
0x81: {  	_ =	shalt  }
0x82: {  	_ =	shalt  }
0x83: {  	_ =	shalt  }
0x84: {  	_ =	shalt  }
0x85: {  	_ =	shalt  }
0x86: {  	_ =	shalt  }
0x87: {  	_ =	shalt  }
.Lfunc_end0:
.L_simem_size_0:
called_computation_lowered:
.L_overlay_start_0:
0x88: {  	s2 =	sld [smem:$0x3FD9]  }
0x89: {  	s3 =	sld [smem:$0x3FFE];
	_ =	sdelay $0x1  }
0x8a: {  	s1 =	srdreg.scid  }
0x8b: {  	s0 =	sand.u32 $0x1, s1  }
0x8c: {  	s14 =	sshll.u32 s0, $0xA;
	s2 =	sadd.s32 s3, s2  }
0x8d: {  	s2 =	sadd.s32 s2, s14  }
0x8e: {  	[smem:$0x3FB9] =	sst s2  }
0x8f: {  	_ = 	snop  }
0x90: {  	s2 =	sld [smem:$0x3FD0];
	_ =	sdelay $0x2  }
0x91: {  	s15 =	simm.s32 $0xA;
	s4 =	simm.s32 $0x10  }
0x92: {  	[smem:s4], [sflag:s15] =	dma.local [hbm:s2], $0x1  }
0x93: {  	_ =	swait.eq [sflag:s15], $0x1  }
0x94: {  	[sflag:s15] =	ssyncset.done $0x0  }
0x95: {  	[sflag:s15] =	ssyncadd.s32 $0xFFFFFFFF  }
0x96: {  	s16 =	sld [smem:$0x11];
	(tm) =	ssettm $0x1  }
0x97: {  	s17 =	sld [smem:$0x3FFB];
	_ =	sdelay $0x3  }
0x98: {  	_ =	strace s17  }
0x99: {  	s3 =	sld [smem:$0x3FFC];
	_ =	sdelay $0x3  }
0x9a: {  	_ =	strace s3  }
0x9b: {  	s3 =	sld [smem:$0x3FFD];
	_ =	sdelay $0x3  }
0x9c: {  	_ =	strace s3  }
0x9d: {  	_ =	strace $0x8FFFFFFF  }
0x9e: {  	s18 =	sld [smem:$0x3FDB];
	_ =	sdelay $0x1  }
0x9f: {  	s19 =	simm.s32 $_scs_section_size  }
0xa0: {  	s5 =	simm.s32 $_size__tile_overlayer_lowered;
	s6 =	simm.s32 $_tile_overlayer_lowered  }
0xa1: {  	s22 =	simm.s32 $0x1BFF;
	s21 =	sshll.u32 s6, $0x1;
	s3 =	sadd.s32 s19, s18  }
0xa2: {  	s7 =	simm.s32 $0x0;
	s20 =	sshll.u32 s5, $0x1;
	s5 =	sadd.s32 s21, s3  }
0xa3: {  	[timem:s7], [sflag:s22] =	dma.local [hbm:s5], s20  }
0xa4: {  	_ =	swait.ge [sflag:s22], s20  }
0xa5: {  	s4 =	ssub.s32 $0x0, s20;
	[sflag:s22] =	ssyncset.done $0x0  }
0xa6: {  	[sflag:s22] =	ssyncadd.s32 s4;
	_ =	sdelay $0x1  }
0xa7: {  	s23 =	simm.s32 $0x1B8B  }
0xa8: {  	_ =	swait.ge [sflag:s23], $0x1  }
0xa9: {  	[sflag:s23] =	ssyncset.done $0x0  }
0xaa: {  	s25 =	simm.s32 $0x1B8E;
	s24 =	sld [smem:$0x3FFE];
	[sflag:s23] =	ssyncadd.s32 $0xFFFFFFFF  }
0xab: {  	s26 =	simm.s32 $execute0_lowered;
	[smem:$0x3FD2] =	sst s25  }
0xac: {  	s5 =	sshll.u32 s26, $0x1;
	_ =	strace $0x80000046;
	[dreg:$0x1] =	wrdreg $0xFFFFFFFF  }
0xad: {  	s28 =	simm.s32 $_size_execute0_lowered;
	s3 =	sadd.s32 s3, s5;
	[dreg:$0x0] =	wrdreg $0x0  }
0xae: {  	s5 =	sshll.u32 s28, $0x1;
	[dreg:$0x2] =	wrdreg s3  }
0xaf: {  	[dreg:$0x3] =	wrdreg s5  }
0xb0: {  	[dreg:$0x4] =	wrdreg $0xC0  }
0xb1: {  	_ =	task [dreg:s7], $0x5FFFF  }
0xb2: {  	[dreg:$0x1] =	wrdreg $0xFFFFFFFF  }
0xb3: {  	[dreg:$0x0] =	wrdreg $0x60  }
0xb4: {  	[dreg:$0x2] =	wrdreg s24  }
0xb5: {  	[dreg:$0x3] =	wrdreg s16  }
0xb6: {  	[dreg:$0x4] =	wrdreg $0xD8000  }
0xb7: {  	[dreg:$0x5] =	wrdreg $0x9  }
0xb8: {  	_ =	task.clear_ibuf [dreg:s7], $0x6FFFF;
	_ =	strace $0x90000046  }
0xb9: {  	s29 =	simm.s32 $0x9;
	_ =	strace $0x80000048  }
0xba: {  	_ =	swait.ge [sflag:s29], $0x1  }
0xbb: {  	[sflag:s29] =	ssyncadd.s32 $0xFFFFFFFF  }
0xbc: {  	_ =	strace $0x90000048  }
0xbd: {  	_ =	sfence  }
0xbe: {  	s30 =	sld [smem:$0x0];
	_ =	sdelay $0x2  }
0xbf: {  	s31 =	sshll.u32 s1, $0xD;
	s1 =	sshrl.u32 s1, $0x2  }
0xc0: {  	s3 =	sand.u32 $0x4000, s31;
	s1 =	sadd.s32 s1, s30  }
0xc1: {  	s0 =	sor.u32 s3, s0;
	s1 =	sshll.u32 s1, $0x11  }
0xc2: {  	s0 =	sor.u32 s1, s0  }
0xc3: {  	s0 =	sadd.s32 $0x8F2B, s0  }
0xc4: {  	[sflag:s0] =	ssyncadd.remote.s32 $0x1  }
0xc5: {  	_ =	sfence.sel $0xFFFF  }
0xc6: {  	[dreg:$0x0] =	wrdreg $0xFFFFFFFF;
	(pc) =	sbr.abs _section_cstart, $3  }
0xc7: {  	[dreg:$0x1] =	wrdreg $0xFFFFFFFF  }
0xc8: {  	_ =	task.clear_ibuf [dreg:s7], $0x2FFFF;
	_ =	strace $0x9FFFFFFF  }
0xc9: {  	(tm) =	ssettm $0x7FFFFFFF  }
tec
execute0_lowered:
.L_overlay_start_1:
0x0: {  	(tag) =	ssettag $0x1  }
0x1: {  	s0 =	rddreg [dreg:$0x0]  }
0x2: {  	s3 =	rddreg [dreg:$0x2]  }
0x3: {  	s11 =	stileid.u32;
	s1 =	srdreg.scid;
	s4 =	simm.s32 $0x0  }
0x4: {  	s29 =	simm.s32 $0x3;
	s30 =	simm.s32 $0x1800;
	s2 =	smul.u32 $0xC00, s11  }
0x5: {  	s31 =	simm.s32 $0x80;
	s1 =	sand.u32 $0x1, s1;
	s20 =	smul.u32 $0xA000, s11  }
0x6: {  	[smem:$0x7FF] =	sst s4;
	s5 =	sadd.s32 $0x56400, s0;
	s22 =	smul.u32 $0x138, s11  }
0x7: {  	s9 =	sadd.s32 $0xA4800, s0;
	s17 =	sadd.s32 $0xCC000, s0;
	s15 =	smul.u32 $0x1380, s11  }
0x8: {  	s6 =	smul.u32 $0xC000, s1;
	_ =	strace $0x80000047;
	s8 =	ssub.s32 $0x2, s1  }
0x9: {  	p0 =	sne.s32 s1, $0x0;
	s1 =	simm.s32 $0x1;
	s7 =	sshrl.u32 s2, $0x3  }
0xa: {  	s10 =	sshrl.u32 s8, $0x1;
	s23 =	sadd.s32 $0x80, s22;
	s25 =	sadd.s32 s9, s15  }
0xb: {  	s15 =	sadd.s32 s17, s15;
	s2 =	sadd.s32 s2, s6;
	s7 =	sadd.s32 s7, s0  }
0xc: {  	s6 =	sshrl.u32 s20, $0x3;
	s8 =	ssub.s32 s8, s10;
	s10 =	smul.u32 $0x28000, s11  }
0xd: {  	[dreg:$0x7] =	wrdreg s25;
	s16 =	sshll.u32 s23, $0x4;
	s11 =	smul.u32 $0x27000, s11  }
0xe: {  	s25 =	sshll.u32 s23, $0x7;
	s2 =	sshrl.u32 s2, $0x3;
	s12 =	sadd.s32 $0x13800, s6  }
0xf: {  	s13 =	sadd.s32 $0x14000, s6;
	s6 =	sadd.s32 $0x14800, s6;
	s26 =	sadd.s32 s9, s16  }
0x10: {  	s16 =	sadd.s32 s17, s16;
	s19 =	sadd.s32 $0x3A00, s7;
	s23 =	sadd.s32 s25, s3  }
0x11: {  	s25 =	smax.u32 s8, $0x1;
	s21 =	sadd.s32 s9, s12;
	[dreg:$0x8] =	wrdreg s26  }
0x12: {  	s14 =	sadd.s32 s9, s13;
	s24 =	sadd.s32 s9, s6;
	[dreg:$0x4] =	wrdreg s21  }
0x13: {  	s12 =	sadd.s32 s17, s12;
	s13 =	sadd.s32 s17, s13;
	[dreg:$0x5] =	wrdreg s14  }
0x14: {  	s2 =	sadd.s32 s2, s0;
	[dreg:$0x6] =	wrdreg s24;
	s24 =	sadd.s32 $0x100, s22  }
0x15: {  	s14 =	sadd.s32 s17, s6;
	s21 =	sshrl.u32 s10, $0x2;
	s20 =	sadd.s32 $0x5200, s2  }
0x16: {  	s22 =	sshrl.u32 s11, $0x2;
	s2 =	simm.s32 $0x2;
	s6 =	simm.s32 $0x0  }
0x17: {  	s18 =	sshll.u32 s24, $0x4;
	s21 =	sadd.s32 s21, s3;
	s22 =	sadd.s32 s22, s3  }
0x18: {  	s26 =	sshll.u32 s24, $0x7;
	s9 =	sadd.s32 s9, s18;
	s17 =	sadd.s32 s17, s18  }
0x19: {  	s18 =	sadd.s32 $0x7D600, s0;
	s24 =	sadd.s32 s26, s3;
	s26 =	sadd.s32 $0x4000, s21  }
0x1a: {  	s28 =	sadd.s32 $0x8000, s21;
	s0 =	simm.s32 $0x5800;
	[dreg:$0x9] =	wrdreg s9  }
.LBB2_1:
0x1b: {  	[tilespmem:s4], [sflag:$0x3] =	stream.linear.gather [hbm4b:s19+s4], $0xA00, $0x38;
	[tilespmem:$0x17800] =	vst v63  }
0x1c: {  	_ =	swait.ge [sflag:s29], $0xA00  }
0x1d: {  	[sflag:s29] =	ssyncset.done $0x0  }
0x1e: {  	s7 =	simm.s32 $0xC00;
	[sflag:s29] =	ssyncadd.s32 $0xFFFFF600  }
0x1f: {  	[tilespmem:s7], [sflag:$0x3] =	stream.linear.gather [hbm4b:s20+s4], $0xA00, $0x38;
	[tilespmem:$0x17800] =	vst v63  }
0x20: {  	_ =	swait.ge [sflag:s29], $0xA00  }
0x21: {  	[sflag:s29] =	ssyncset.done $0x0  }
0x22: {  	[sflag:s29] =	ssyncadd.s32 $0xFFFFF600  }
0x23: {  	s8 =	rddreg [dreg:$0x1]  }
0x24: {  	[tilespmem:s30], [sflag:$0x3] =	stream.linear.gather [hbm4b:s8+s4], $0x4000, $0x38;
	[tilespmem:$0x17800] =	vst v63  }
0x25: {  	_ =	swait.ge [sflag:s29], $0x4000  }
0x26: {  	[sflag:s29] =	ssyncset.done $0x0  }
0x27: {  	[sflag:s29] =	ssyncadd.s32 $0xFFFFC000  }
0x28: {  	[spmem:s21] =	stream.linear.scatter [tilespmem:s30], [sflag:$0x3], $0x4000, $0x38;
	[tilespmem:$0x17800] =	vst v63  }
0x29: {  	_ =	swait.ge [sflag:s29], $0x4000  }
0x2a: {  	[sflag:s29] =	ssyncset.done $0x0  }
0x2b: {  	[sflag:s29] =	ssyncadd.s32 $0xFFFFC000  }
0x2c: {  	[spmem:s26] =	stream.linear.scatter [tilespmem:s30], [sflag:$0x3], $0x4000, $0x38;
	[tilespmem:$0x17800] =	vst v63  }
0x2d: {  	_ =	swait.ge [sflag:s29], $0x4000  }
0x2e: {  	[sflag:s29] =	ssyncset.done $0x0  }
0x2f: {  	[sflag:s29] =	ssyncadd.s32 $0xFFFFC000  }
0x30: {  	[spmem:s28] =	stream.linear.scatter [tilespmem:s30], [sflag:$0x3], $0x2000, $0x38;
	[tilespmem:$0x17800] =	vst v63  }
0x31: {  	_ =	swait.ge [sflag:s29], $0x2000  }
0x32: {  	[sflag:s29] =	ssyncset.done $0x0  }
0x33: {  	[sflag:s29] =	ssyncadd.s32 $0xFFFFE000  }
0x34: {  	[bflag:$0x0] =	sbarrier.arrive $0xFFFF  }
0x35: {  	[tilespmem:s30], [sflag:$0x1] =	stream.indirect.gather [hbm4b:s5+s31], $0x80, s4, s31, $0xb8;
	[tilespmem:$0x17800] =	vst v63  }
0x36: {  	s9 =	simm.s32 $0x0;
	s8 =	simm.s32 $0x100  }
0x37: {  	[tilespmem:s0], [sflag:$0x1] =	stream.indirect.gather [hbm4b:s5+s31], $0x80, s31, s31, $0xb8;
	[tilespmem:$0x17800] =	vst v63  }
.LBB2_2:
0x38: {  	s10 =	smul.u32 $0xAB, s9;
	_ =	sdelay $0x1  }
0x39: {  	s10 =	sshrl.u32 s10, $0x9  }
0x3a: {  	s10 =	sand.u32 $0x7F, s10  }
0x3b: {  	s10 =	smul.u32 $0x3, s10;
	_ =	sdelay $0x1  }
0x3c: {  	s10 =	ssub.s32 s9, s10  }
0x3d: {  	_ =	swait.ge [sflag:s1], $0x4000;
	s10 =	sand.u32 $0xFF, s10  }
0x3e: {  	[sflag:s1] =	ssyncset.done $0x0;
	s10 =	sshll.u32 s10, $0xE  }
0x3f: {  	p1 =	seq.s32 s9, $0x0;
	[sflag:s1] =	ssyncadd.s32 $0xFFFFC000;
	s10 =	sor.u32 $0x1800, s10  }
0x40: {  	[spmem:s3] =	stream.indirect.scatter.add.f32 [tilespmem:s10], [sflag:$0x2], $0x80, s7, s31, $0xb8;
	[tilespmem:$0x17800] =	vst v63  }
0x41: {  	s10 =	simm.s32 @!p1 $0x2  }
0x42: {  	p2 =	sgt.u32 @!p1 s9, $0x11;
	_ =	swait.ge @!p1 [sflag:s10], $0x4000  }
0x43: {  	p2 =	por p1, !p2;
	[sflag:s10] =	ssyncset.done @!p1 $0x0  }
0x44: {  	[sflag:s10] =	ssyncadd.s32 @!p1 $0xFFFFC000;
	s10 =	sadd.s32 @p2 $0x2, s9  }
0x45: {  	s11 =	smul.u32 @p2 $0xAB, s10;
	_ =	sdelay $0x1  }
0x46: {  	s11 =	sshrl.u32 @p2 s11, $0x9  }
0x47: {  	s11 =	sand.u32 @p2 $0x7F, s11  }
0x48: {  	s11 =	smul.u32 @p2 $0x3, s11  }
0x49: {  	s9 =	sadd.s32 $0x1, s9  }
0x4a: {  	p1 =	sne.s32 s9, $0x14;
	s10 =	ssub.s32 @p2 s10, s11  }
.Ltmp0:
0x4b: {  	s10 =	sand.u32 @p2 $0xFF, s10;
	(pc) =	sbr.rel @p1 .LBB2_2-.Ltmp0, $4  }
0x4c: {  	s10 =	sshll.u32 @p2 s10, $0xE  }
0x4d: {  	s10 =	sor.u32 @p2 $0x1800, s10  }
0x4e: {  	[tilespmem:s10], [sflag:$0x1] =	stream.indirect.gather @p2 [hbm4b:s5+s31], $0x80, s8, s31, $0xb8;
	[tilespmem:$0x17800] =	vst v63  }
0x4f: {  	s7 =	sadd.s32 $0x80, s7;
	s8 =	sadd.s32 $0x80, s8  }
0x50: {  	_ =	swait.ge [sflag:s2], $0x4000  }
0x51: {  	[sflag:s2] =	ssyncset.done $0x0  }
0x52: {  	[sflag:s2] =	ssyncadd.s32 $0xFFFFC000  }
0x53: {  	s7 =	simm.s32 @p0 $0x1800;
	s8 =	simm.s32 @p0 $0x3;
	[bflag:$0x0] =	sbarrier.arrive $0xFFFF  }
0x54: {  	[tilespmem:s7], [sflag:$0x3] =	stream.linear.gather @p0 [spmem:s21], $0x4000, $0x38;
	[tilespmem:$0x17800] =	vst v63  }
0x55: {  	_ =	swait.ge @p0 [sflag:s8], $0x4000  }
0x56: {  	[sflag:s8] =	ssyncset.done @p0 $0x0  }
0x57: {  	s9 =	simm.s32 @p0 $0x0;
	s10 =	rddreg [dreg:$0x4];
	[sflag:s8] =	ssyncadd.s32 @p0 $0xFFFFC000  }
0x58: {  	[hbm4b:s10+s9] =	stream.linear.scatter @p0 [tilespmem:s7], [sflag:$0x3], $0x4000, $0x38;
	[tilespmem:$0x17800] =	vst v63  }
0x59: {  	_ =	swait.ge @p0 [sflag:s8], $0x4000  }
0x5a: {  	[sflag:s8] =	ssyncset.done @p0 $0x0  }
0x5b: {  	s7 =	simm.s32 @p0 $0x5800;
	[sflag:s8] =	ssyncadd.s32 @p0 $0xFFFFC000  }
0x5c: {  	[tilespmem:s7], [sflag:$0x3] =	stream.linear.gather @p0 [spmem:s26], $0x4000, $0x38;
	[tilespmem:$0x17800] =	vst v63  }
0x5d: {  	_ =	swait.ge @p0 [sflag:s8], $0x4000  }
0x5e: {  	[sflag:s8] =	ssyncset.done @p0 $0x0  }
0x5f: {  	s10 =	rddreg [dreg:$0x5];
	[sflag:s8] =	ssyncadd.s32 @p0 $0xFFFFC000  }
0x60: {  	[hbm4b:s10+s9] =	stream.linear.scatter @p0 [tilespmem:s7], [sflag:$0x3], $0x4000, $0x38;
	[tilespmem:$0x17800] =	vst v63  }
0x61: {  	_ =	swait.ge @p0 [sflag:s8], $0x4000  }
0x62: {  	[sflag:s8] =	ssyncset.done @p0 $0x0  }
0x63: {  	s7 =	simm.s32 @p0 $0x9800;
	[sflag:s8] =	ssyncadd.s32 @p0 $0xFFFFC000  }
0x64: {  	[tilespmem:s7], [sflag:$0x3] =	stream.linear.gather @p0 [spmem:s28], $0x2000, $0x38;
	[tilespmem:$0x17800] =	vst v63  }
0x65: {  	_ =	swait.ge @p0 [sflag:s8], $0x2000  }
0x66: {  	[sflag:s8] =	ssyncset.done @p0 $0x0  }
0x67: {  	s10 =	rddreg [dreg:$0x6];
	[sflag:s8] =	ssyncadd.s32 @p0 $0xFFFFE000  }
0x68: {  	[hbm4b:s10+s9] =	stream.linear.scatter @p0 [tilespmem:s7], [sflag:$0x3], $0x2000, $0x38;
	[tilespmem:$0x17800] =	vst v63  }
0x69: {  	_ =	swait.ge @p0 [sflag:s8], $0x2000  }
0x6a: {  	[sflag:s8] =	ssyncset.done @p0 $0x0  }
0x6b: {  	s7 =	simm.s32 @!p0 $0x1800;
	[sflag:s8] =	ssyncadd.s32 @p0 $0xFFFFE000;
	s8 =	simm.s32 @!p0 $0x3  }
0x6c: {  	[tilespmem:s7], [sflag:$0x3] =	stream.linear.gather @!p0 [spmem:s22], $0x4000, $0x38;
	[tilespmem:$0x17800] =	vst v63  }
0x6d: {  	_ =	swait.ge @!p0 [sflag:s8], $0x4000  }
0x6e: {  	[sflag:s8] =	ssyncset.done @!p0 $0x0  }
0x6f: {  	s9 =	simm.s32 @!p0 $0x0;
	s10 =	rddreg [dreg:$0x7];
	[sflag:s8] =	ssyncadd.s32 @!p0 $0xFFFFC000  }
0x70: {  	[hbm4b:s10+s9] =	stream.linear.scatter @!p0 [tilespmem:s7], [sflag:$0x3], $0x4000, $0x38;
	[tilespmem:$0x17800] =	vst v63  }
0x71: {  	_ =	swait.ge @!p0 [sflag:s8], $0x4000  }
0x72: {  	[sflag:s8] =	ssyncset.done @!p0 $0x0  }
0x73: {  	s7 =	simm.s32 @!p0 $0x5800;
	[sflag:s8] =	ssyncadd.s32 @!p0 $0xFFFFC000  }
0x74: {  	[tilespmem:s7], [sflag:$0x3] =	stream.linear.gather @!p0 [spmem:s23], $0x4000, $0x38;
	[tilespmem:$0x17800] =	vst v63  }
0x75: {  	_ =	swait.ge @!p0 [sflag:s8], $0x4000  }
0x76: {  	[sflag:s8] =	ssyncset.done @!p0 $0x0  }
0x77: {  	s10 =	rddreg [dreg:$0x8];
	[sflag:s8] =	ssyncadd.s32 @!p0 $0xFFFFC000  }
0x78: {  	[hbm4b:s10+s9] =	stream.linear.scatter @!p0 [tilespmem:s7], [sflag:$0x3], $0x4000, $0x38;
	[tilespmem:$0x17800] =	vst v63  }
0x79: {  	_ =	swait.ge @!p0 [sflag:s8], $0x4000  }
0x7a: {  	[sflag:s8] =	ssyncset.done @!p0 $0x0  }
0x7b: {  	s7 =	simm.s32 @!p0 $0x9800;
	[sflag:s8] =	ssyncadd.s32 @!p0 $0xFFFFC000  }
0x7c: {  	[tilespmem:s7], [sflag:$0x3] =	stream.linear.gather @!p0 [spmem:s24], $0x1C00, $0x38;
	[tilespmem:$0x17800] =	vst v63  }
0x7d: {  	_ =	swait.ge @!p0 [sflag:s8], $0x1C00  }
0x7e: {  	[sflag:s8] =	ssyncset.done @!p0 $0x0  }
0x7f: {  	s10 =	rddreg [dreg:$0x9];
	[sflag:s8] =	ssyncadd.s32 @!p0 $0xFFFFE400  }
0x80: {  	[hbm4b:s10+s9] =	stream.linear.scatter @!p0 [tilespmem:s7], [sflag:$0x3], $0x1C00, $0x38;
	[tilespmem:$0x17800] =	vst v63  }
0x81: {  	_ =	swait.ge @!p0 [sflag:s8], $0x1C00  }
0x82: {  	[sflag:s8] =	ssyncset.done @!p0 $0x0  }
0x83: {  	[sflag:s8] =	ssyncadd.s32 @!p0 $0xFFFFE400  }
0x84: {  	[bflag:$0x0] =	sbarrier.arrive $0xFFFF  }
0x85: {  	s7 =	simm.s32 $0x0;
	s11 =	rddreg [dreg:$0x1]  }
0x86: {  	[tilespmem:s30], [sflag:$0x3] =	stream.linear.gather [hbm4b:s11+s7], $0x4000, $0x38;
	[tilespmem:$0x17800] =	vst v63  }
0x87: {  	_ =	swait.ge [sflag:s29], $0x4000  }
0x88: {  	[sflag:s29] =	ssyncset.done $0x0  }
0x89: {  	[sflag:s29] =	ssyncadd.s32 $0xFFFFC000  }
0x8a: {  	[spmem:s21] =	stream.linear.scatter [tilespmem:s30], [sflag:$0x3], $0x4000, $0x38;
	[tilespmem:$0x17800] =	vst v63  }
0x8b: {  	_ =	swait.ge [sflag:s29], $0x4000  }
0x8c: {  	[sflag:s29] =	ssyncset.done $0x0  }
0x8d: {  	[sflag:s29] =	ssyncadd.s32 $0xFFFFC000  }
0x8e: {  	[spmem:s26] =	stream.linear.scatter [tilespmem:s30], [sflag:$0x3], $0x4000, $0x38;
	[tilespmem:$0x17800] =	vst v63  }
0x8f: {  	_ =	swait.ge [sflag:s29], $0x4000  }
0x90: {  	[sflag:s29] =	ssyncset.done $0x0  }
0x91: {  	[sflag:s29] =	ssyncadd.s32 $0xFFFFC000  }
0x92: {  	[spmem:s28] =	stream.linear.scatter [tilespmem:s30], [sflag:$0x3], $0x2000, $0x38;
	[tilespmem:$0x17800] =	vst v63  }
0x93: {  	_ =	swait.ge [sflag:s29], $0x2000  }
0x94: {  	[sflag:s29] =	ssyncset.done $0x0  }
0x95: {  	[sflag:s29] =	ssyncadd.s32 $0xFFFFE000  }
0x96: {  	[bflag:$0x0] =	sbarrier.arrive $0xFFFF  }
0x97: {  	[tilespmem:s30], [sflag:$0x1] =	stream.indirect.gather [hbm4b:s18+s31], $0x80, s7, s31, $0xb8;
	[tilespmem:$0x17800] =	vst v63  }
0x98: {  	s9 =	simm.s32 $0xC00;
	s8 =	simm.s32 $0x100  }
0x99: {  	[tilespmem:s0], [sflag:$0x1] =	stream.indirect.gather [hbm4b:s18+s31], $0x80, s31, s31, $0xb8;
	[tilespmem:$0x17800] =	vst v63  }
.LBB2_4:
0x9a: {  	s10 =	smul.u32 $0xAB, s7;
	_ =	sdelay $0x1  }
0x9b: {  	s10 =	sshrl.u32 s10, $0x9  }
0x9c: {  	s10 =	sand.u32 $0x7F, s10  }
0x9d: {  	s10 =	smul.u32 $0x3, s10;
	_ =	sdelay $0x1  }
0x9e: {  	s10 =	ssub.s32 s7, s10  }
0x9f: {  	_ =	swait.ge [sflag:s1], $0x4000;
	s10 =	sand.u32 $0xFF, s10  }
0xa0: {  	[sflag:s1] =	ssyncset.done $0x0;
	s10 =	sshll.u32 s10, $0xE  }
0xa1: {  	p1 =	seq.s32 s7, $0x0;
	[sflag:s1] =	ssyncadd.s32 $0xFFFFC000;
	s10 =	sor.u32 $0x1800, s10  }
0xa2: {  	[spmem:s3] =	stream.indirect.scatter.add.f32 [tilespmem:s10], [sflag:$0x2], $0x80, s9, s31, $0xb8;
	[tilespmem:$0x17800] =	vst v63  }
0xa3: {  	s10 =	simm.s32 @!p1 $0x2  }
0xa4: {  	p2 =	sgt.u32 @!p1 s7, $0x11;
	_ =	swait.ge @!p1 [sflag:s10], $0x4000  }
0xa5: {  	p2 =	por p1, !p2;
	[sflag:s10] =	ssyncset.done @!p1 $0x0  }
0xa6: {  	[sflag:s10] =	ssyncadd.s32 @!p1 $0xFFFFC000;
	s10 =	sadd.s32 @p2 $0x2, s7  }
0xa7: {  	s11 =	smul.u32 @p2 $0xAB, s10;
	_ =	sdelay $0x1  }
0xa8: {  	s11 =	sshrl.u32 @p2 s11, $0x9  }
0xa9: {  	s11 =	sand.u32 @p2 $0x7F, s11  }
0xaa: {  	s11 =	smul.u32 @p2 $0x3, s11  }
0xab: {  	s7 =	sadd.s32 $0x1, s7  }
0xac: {  	p1 =	sne.s32 s7, $0x14;
	s10 =	ssub.s32 @p2 s10, s11  }
.Ltmp1:
0xad: {  	s10 =	sand.u32 @p2 $0xFF, s10;
	(pc) =	sbr.rel @p1 .LBB2_4-.Ltmp1, $4  }
0xae: {  	s10 =	sshll.u32 @p2 s10, $0xE  }
0xaf: {  	s10 =	sor.u32 @p2 $0x1800, s10  }
0xb0: {  	[tilespmem:s10], [sflag:$0x1] =	stream.indirect.gather @p2 [hbm4b:s18+s31], $0x80, s8, s31, $0xb8;
	[tilespmem:$0x17800] =	vst v63  }
0xb1: {  	s9 =	sadd.s32 $0x80, s9;
	s8 =	sadd.s32 $0x80, s8  }
0xb2: {  	_ =	swait.ge [sflag:s2], $0x4000  }
0xb3: {  	[sflag:s2] =	ssyncset.done $0x0  }
0xb4: {  	[sflag:s2] =	ssyncadd.s32 $0xFFFFC000  }
0xb5: {  	s7 =	simm.s32 @p0 $0x1800;
	s8 =	simm.s32 @p0 $0x3;
	[bflag:$0x0] =	sbarrier.arrive $0xFFFF  }
0xb6: {  	[tilespmem:s7], [sflag:$0x3] =	stream.linear.gather @p0 [spmem:s21], $0x4000, $0x38;
	[tilespmem:$0x17800] =	vst v63  }
0xb7: {  	_ =	swait.ge @p0 [sflag:s8], $0x4000  }
0xb8: {  	[sflag:s8] =	ssyncset.done @p0 $0x0  }
0xb9: {  	s9 =	simm.s32 @p0 $0x0;
	[sflag:s8] =	ssyncadd.s32 @p0 $0xFFFFC000  }
0xba: {  	[hbm4b:s12+s9] =	stream.linear.scatter @p0 [tilespmem:s7], [sflag:$0x3], $0x4000, $0x38;
	[tilespmem:$0x17800] =	vst v63  }
0xbb: {  	_ =	swait.ge @p0 [sflag:s8], $0x4000  }
0xbc: {  	[sflag:s8] =	ssyncset.done @p0 $0x0  }
0xbd: {  	s7 =	simm.s32 @p0 $0x5800;
	[sflag:s8] =	ssyncadd.s32 @p0 $0xFFFFC000  }
0xbe: {  	[tilespmem:s7], [sflag:$0x3] =	stream.linear.gather @p0 [spmem:s26], $0x4000, $0x38;
	[tilespmem:$0x17800] =	vst v63  }
0xbf: {  	_ =	swait.ge @p0 [sflag:s8], $0x4000  }
0xc0: {  	[sflag:s8] =	ssyncset.done @p0 $0x0  }
0xc1: {  	[sflag:s8] =	ssyncadd.s32 @p0 $0xFFFFC000  }
0xc2: {  	[hbm4b:s13+s9] =	stream.linear.scatter @p0 [tilespmem:s7], [sflag:$0x3], $0x4000, $0x38;
	[tilespmem:$0x17800] =	vst v63  }
0xc3: {  	_ =	swait.ge @p0 [sflag:s8], $0x4000  }
0xc4: {  	[sflag:s8] =	ssyncset.done @p0 $0x0  }
0xc5: {  	s7 =	simm.s32 @p0 $0x9800;
	[sflag:s8] =	ssyncadd.s32 @p0 $0xFFFFC000  }
0xc6: {  	[tilespmem:s7], [sflag:$0x3] =	stream.linear.gather @p0 [spmem:s28], $0x2000, $0x38;
	[tilespmem:$0x17800] =	vst v63  }
0xc7: {  	_ =	swait.ge @p0 [sflag:s8], $0x2000  }
0xc8: {  	[sflag:s8] =	ssyncset.done @p0 $0x0  }
0xc9: {  	[sflag:s8] =	ssyncadd.s32 @p0 $0xFFFFE000  }
0xca: {  	[hbm4b:s14+s9] =	stream.linear.scatter @p0 [tilespmem:s7], [sflag:$0x3], $0x2000, $0x38;
	[tilespmem:$0x17800] =	vst v63  }
0xcb: {  	_ =	swait.ge @p0 [sflag:s8], $0x2000  }
0xcc: {  	[sflag:s8] =	ssyncset.done @p0 $0x0  }
0xcd: {  	s7 =	simm.s32 @!p0 $0x1800;
	[sflag:s8] =	ssyncadd.s32 @p0 $0xFFFFE000;
	s8 =	simm.s32 @!p0 $0x3  }
0xce: {  	[tilespmem:s7], [sflag:$0x3] =	stream.linear.gather @!p0 [spmem:s22], $0x4000, $0x38;
	[tilespmem:$0x17800] =	vst v63  }
0xcf: {  	_ =	swait.ge @!p0 [sflag:s8], $0x4000  }
0xd0: {  	[sflag:s8] =	ssyncset.done @!p0 $0x0  }
0xd1: {  	s9 =	simm.s32 @!p0 $0x0;
	[sflag:s8] =	ssyncadd.s32 @!p0 $0xFFFFC000  }
0xd2: {  	[hbm4b:s15+s9] =	stream.linear.scatter @!p0 [tilespmem:s7], [sflag:$0x3], $0x4000, $0x38;
	[tilespmem:$0x17800] =	vst v63  }
0xd3: {  	_ =	swait.ge @!p0 [sflag:s8], $0x4000  }
0xd4: {  	[sflag:s8] =	ssyncset.done @!p0 $0x0  }
0xd5: {  	s7 =	simm.s32 @!p0 $0x5800;
	[sflag:s8] =	ssyncadd.s32 @!p0 $0xFFFFC000  }
0xd6: {  	[tilespmem:s7], [sflag:$0x3] =	stream.linear.gather @!p0 [spmem:s23], $0x4000, $0x38;
	[tilespmem:$0x17800] =	vst v63  }
0xd7: {  	_ =	swait.ge @!p0 [sflag:s8], $0x4000  }
0xd8: {  	[sflag:s8] =	ssyncset.done @!p0 $0x0  }
0xd9: {  	[sflag:s8] =	ssyncadd.s32 @!p0 $0xFFFFC000  }
0xda: {  	[hbm4b:s16+s9] =	stream.linear.scatter @!p0 [tilespmem:s7], [sflag:$0x3], $0x4000, $0x38;
	[tilespmem:$0x17800] =	vst v63  }
0xdb: {  	_ =	swait.ge @!p0 [sflag:s8], $0x4000  }
0xdc: {  	[sflag:s8] =	ssyncset.done @!p0 $0x0  }
0xdd: {  	s7 =	simm.s32 @!p0 $0x9800;
	[sflag:s8] =	ssyncadd.s32 @!p0 $0xFFFFC000  }
0xde: {  	[tilespmem:s7], [sflag:$0x3] =	stream.linear.gather @!p0 [spmem:s24], $0x1C00, $0x38;
	[tilespmem:$0x17800] =	vst v63  }
0xdf: {  	s6 =	sadd.s32 $0x1, s6;
	_ =	swait.ge @!p0 [sflag:s8], $0x1C00  }
0xe0: {  	p1 =	sne.s32 s6, s25;
	[sflag:s8] =	ssyncset.done @!p0 $0x0  }
.Ltmp2:
0xe1: {  	[sflag:s8] =	ssyncadd.s32 @!p0 $0xFFFFE400;
	(pc) =	sbr.rel @p1 .LBB2_1-.Ltmp2, $4  }
0xe2: {  	[hbm4b:s17+s9] =	stream.linear.scatter @!p0 [tilespmem:s7], [sflag:$0x3], $0x1C00, $0x38;
	[tilespmem:$0x17800] =	vst v63  }
0xe3: {  	_ =	swait.ge @!p0 [sflag:s8], $0x1C00  }
0xe4: {  	[sflag:s8] =	ssyncset.done @!p0 $0x0  }
0xe5: {  	[sflag:s8] =	ssyncadd.s32 @!p0 $0xFFFFE400  }
0xe6: {  	_ =	sfence.sel $0x180000  }
0xe7: {  	[bflag:$0x0] =	sbarrier.arrive $0xFFFF  }
0xe8: {  	_ =	strace $0x90000047  }
0xe9: {  	s0 =	stileid.u32;
	[bflag:$0x2] =	sbarrier.arrive $0xFFFF  }
0xea: {  	p0 =	sne.s32 s0, $0x0;
	s0 =	rddreg [dreg:$0x3]  }
0xeb: {  	s0 =	sadd.s32 @!p0 $0x100000, s0  }
0xec: {  	[sflag:s0] =	ssyncadd.tile.s32 @!p0 $0x1;
	_ =	shalt  }
.Lfunc_end2:
_tile_overlayer_lowered:
.L_overlay_start_2:
0xed: {  	(tag) =	ssettag $0x2  }
0xee: {  	s0 =	rddreg [dreg:$0x0];
	s2 =	stileid.u32  }
0xef: {  	s1 =	rddreg [dreg:$0x1];
	p0 =	sne.s32 s2, $0x0  }
0xf0: {  	s3 =	rddreg [dreg:$0x2];
	[bflag:$0x3] =	sbarrier.arrive $0xFFFF;
	s2 =	simm.s32 @!p0 $0x1C03  }
0xf1: {  	[timem:s3], [sflag:s2] =	dma.local @!p0 [hbm:s0], s1  }
0xf2: {  	s0 =	simm.s32 @!p0 $0x3  }
0xf3: {  	_ =	swait.ge @!p0 [sflag:s0], s1  }
0xf4: {  	s1 =	ssub.s32 @!p0 $0x0, s1;
	[sflag:s0] =	ssyncset.done @!p0 $0x0  }
0xf5: {  	[sflag:s0] =	ssyncadd.s32 @!p0 s1  }
0xf6: {  	[bflag:$0x3] =	sbarrier.arrive $0xFFFF  }
0xf7: {  	_ =	shalt  }

</sc_bundles>
